<compile_context>
chip_gen: v7x
topology: tpu7x:2x2x1
jax: 0.10.2.dev20260603
libtpu: 0.0.44.dev20260713+nightly
codegen_flags: <defaults>
</compile_context>

<pallas_src>
import functools

import jax
import jax.numpy as jnp
from jax import lax
from jax.experimental import pallas as pl
from jax.experimental.pallas import tpu as pltpu
from jax.experimental.pallas import tpu_sc as plsc

N = 10000
E = 160000
H = 256
G = 64
HH = 128

NBLK = 1000
NGRID = N // NBLK

NTILES = 16
CHUNK = 80


def _init_body(x_ref, wi_ref, bi_ref, wt_ref, wb_ref, bm_ref, h_ref, t_ref):
    h = jnp.dot(x_ref[...], wi_ref[...], preferred_element_type=jnp.float32)
    h = h + bi_ref[...]
    h_ref[...] = h
    a = jnp.dot(h, wt_ref[...], preferred_element_type=jnp.float32) + bm_ref[...]
    b = jnp.dot(h, wb_ref[...], preferred_element_type=jnp.float32)
    t_ref[0] = a[:, :HH]
    t_ref[1] = a[:, HH:]
    t_ref[2] = b[:, :HH]
    t_ref[3] = b[:, HH:]


def _tc_init(x, W_init, b_init, Wt, Wb, bm):
    return pl.pallas_call(
        _init_body,
        grid=(NGRID,),
        in_specs=[
            pl.BlockSpec((NBLK, H), lambda i: (i, 0)),
            pl.BlockSpec((H, H), lambda i: (0, 0)),
            pl.BlockSpec((1, H), lambda i: (0, 0)),
            pl.BlockSpec((H, H), lambda i: (0, 0)),
            pl.BlockSpec((H, H), lambda i: (0, 0)),
            pl.BlockSpec((1, H), lambda i: (0, 0)),
        ],
        out_specs=[
            pl.BlockSpec((NBLK, H), lambda i: (i, 0)),
            pl.BlockSpec((4, NBLK, HH), lambda i: (0, i, 0)),
        ],
        out_shape=[
            jax.ShapeDtypeStruct((N, H), jnp.float32),
            jax.ShapeDtypeStruct((4, N, HH), jnp.float32),
        ],
    )(x, W_init, b_init, Wt, Wb, bm)


def _gru_body(has_next, args):
    if has_next:
        (agg_ref, h_ref, wih_ref, whh_ref, bih_ref, bhh_ref,
         wt_ref, wb_ref, bm_ref, hn_ref, t_ref) = args
    else:
        (agg_ref, h_ref, wih_ref, whh_ref, bih_ref, bhh_ref, hn_ref) = args
    h = h_ref[...]
    gi = jnp.dot(agg_ref[0], wih_ref[:HH], preferred_element_type=jnp.float32)
    gi = gi + jnp.dot(agg_ref[1], wih_ref[HH:], preferred_element_type=jnp.float32)
    gi = gi + bih_ref[...]
    gh = jnp.dot(h, whh_ref[...], preferred_element_type=jnp.float32) + bhh_ref[...]
    r = jax.nn.sigmoid(gi[:, :H] + gh[:, :H])
    z = jax.nn.sigmoid(gi[:, H:2 * H] + gh[:, H:2 * H])
    nn_ = jnp.tanh(gi[:, 2 * H:] + r * gh[:, 2 * H:])
    hn = (1.0 - z) * nn_ + z * h
    hn_ref[...] = hn
    if has_next:
        a = jnp.dot(hn, wt_ref[...], preferred_element_type=jnp.float32) + bm_ref[...]
        b = jnp.dot(hn, wb_ref[...], preferred_element_type=jnp.float32)
        t_ref[0] = a[:, :HH]
        t_ref[1] = a[:, HH:]
        t_ref[2] = b[:, :HH]
        t_ref[3] = b[:, HH:]


def _tc_gru(agg, h, W_ih, W_hh, b_ih, b_hh, nxt=None):
    has_next = nxt is not None
    in_specs = [
        pl.BlockSpec((2, NBLK, HH), lambda i: (0, i, 0)),
        pl.BlockSpec((NBLK, H), lambda i: (i, 0)),
        pl.BlockSpec((H, 3 * H), lambda i: (0, 0)),
        pl.BlockSpec((H, 3 * H), lambda i: (0, 0)),
        pl.BlockSpec((1, 3 * H), lambda i: (0, 0)),
        pl.BlockSpec((1, 3 * H), lambda i: (0, 0)),
    ]
    args = [agg, h, W_ih, W_hh, b_ih, b_hh]
    out_specs = [pl.BlockSpec((NBLK, H), lambda i: (i, 0))]
    out_shape = [jax.ShapeDtypeStruct((N, H), jnp.float32)]
    if has_next:
        in_specs += [
            pl.BlockSpec((H, H), lambda i: (0, 0)),
            pl.BlockSpec((H, H), lambda i: (0, 0)),
            pl.BlockSpec((1, H), lambda i: (0, 0)),
        ]
        args += list(nxt)
        out_specs.append(pl.BlockSpec((4, NBLK, HH), lambda i: (0, i, 0)))
        out_shape.append(jax.ShapeDtypeStruct((4, N, HH), jnp.float32))
    body = lambda *refs: _gru_body(has_next, refs)
    return pl.pallas_call(
        body, grid=(NGRID,), in_specs=in_specs,
        out_specs=out_specs, out_shape=out_shape,
    )(*args)


def _pool_body(h_ref, b_ref, wfc_ref, bfc_ref, out_ref, acc, cnt):
    i = pl.program_id(0)

    @pl.when(i == 0)
    def _():
        acc[...] = jnp.zeros_like(acc)
        cnt[...] = jnp.zeros_like(cnt)

    s = jnp.dot(h_ref[...], wfc_ref[...], preferred_element_type=jnp.float32)
    onehot = (b_ref[0] == lax.broadcasted_iota(jnp.int32, (G, NBLK), 0))
    onehot = onehot.astype(jnp.float32)
    acc[...] += jnp.dot(onehot, s, preferred_element_type=jnp.float32)
    cnt[...] += jnp.sum(onehot, axis=1, keepdims=True)

    @pl.when(i == pl.num_programs(0) - 1)
    def _():
        out_ref[...] = acc[...] / jnp.maximum(cnt[...], 1.0) + bfc_ref[...]


def _tc_pool(h, batch3, W_fc, b_fc):
    return pl.pallas_call(
        _pool_body,
        grid=(NGRID,),
        in_specs=[
            pl.BlockSpec((NBLK, H), lambda i: (i, 0)),
            pl.BlockSpec((1, 1, NBLK), lambda i: (i, 0, 0)),
            pl.BlockSpec((H, 1), lambda i: (0, 0)),
            pl.BlockSpec((1, 1), lambda i: (0, 0)),
        ],
        out_specs=pl.BlockSpec((G, 1), lambda i: (0, 0)),
        out_shape=jax.ShapeDtypeStruct((G, 1), jnp.float32),
        scratch_shapes=[
            pltpu.VMEM((G, 1), jnp.float32),
            pltpu.VMEM((G, 1), jnp.float32),
        ],
    )(h, batch3, W_fc, b_fc)


NCHT = ((E // CHUNK) // NTILES) & ~1
NPAIR = NCHT // 2
NLEFT = E // CHUNK - NCHT * NTILES
ZCH = N // CHUNK


@functools.lru_cache(maxsize=None)
def _make_sc_layer():
    mesh = plsc.VectorSubcoreMesh(core_axis_name="c", subcore_axis_name="s",
                                  num_cores=2, num_subcores=NTILES)

    idx_t = pltpu.VMEM((CHUNK,), jnp.int32)
    row_t = pltpu.VMEM((CHUNK, HH), jnp.float32)

    @functools.partial(
        pl.kernel,
        mesh=mesh,
        out_type=jax.ShapeDtypeStruct((2 * N, HH), jnp.float32),
        scratch_types=[
            idx_t, idx_t, idx_t, idx_t, row_t, row_t,
            idx_t, idx_t, idx_t, idx_t, row_t, row_t,
            pltpu.VMEM_SHARED((N, HH), jnp.float32),
            pltpu.SemaphoreType.DMA, pltpu.SemaphoreType.DMA,
            pltpu.SemaphoreType.DMA, pltpu.SemaphoreType.DMA,
            pltpu.SemaphoreType.DMA, pltpu.SemaphoreType.DMA,
        ],
    )
    def _sc_layer(t_hbm, idx_hbm, out_hbm,
                  is0, ia0, ib0, iss0, a0, b0,
                  is1, ia1, ib1, iss1, a1, b1,
                  agg, sa0, sb0, sc0, sa1, sb1, sc1):
        c = lax.axis_index("c")
        s = lax.axis_index("s")
        cn = c * N

        def issue(off, is_, ia_, ib_, abuf, bbuf, sa_, sb_):
            pltpu.sync_copy(idx_hbm.at[pl.ds(off, CHUNK)], is_)
            pltpu.sync_copy(idx_hbm.at[pl.ds((1 + c) * E + off, CHUNK)], ib_)
            for j in range(CHUNK // 16):
                sl = pl.ds(j * 16, 16)
                ia_[sl] = is_[sl] + cn
            pltpu.async_copy(t_hbm.at[ia_], abuf, sa_)
            pltpu.async_copy(t_hbm.at[ib_], bbuf, sb_)

        def wait_gathers(ia_, ib_, abuf, bbuf, sa_, sb_):
            pltpu.make_async_copy(t_hbm.at[ia_], abuf, sa_).wait()
            pltpu.make_async_copy(t_hbm.at[ib_], bbuf, sb_).wait()

        def compute(abuf, bbuf):
            def erow(r, cc):
                for j in range(HH // 16):
                    sl = pl.ds(j * 16, 16)
                    abuf[r, sl] = jnp.maximum(abuf[r, sl] + bbuf[r, sl], 0.0)
                return cc
            lax.fori_loop(0, CHUNK, erow, 0)

        def snap_idx(is_, iss_):
            for j in range(CHUNK // 16):
                sl = pl.ds(j * 16, 16)
                iss_[sl] = is_[sl]

        def zrow(r, carry):
            for j in range(HH // 16):
                a0[r, pl.ds(j * 16, 16)] = jnp.zeros((16,), jnp.float32)
            return carry

        lax.fori_loop(0, CHUNK, zrow, 0)
        nz = (ZCH - s + NTILES - 1) // NTILES

        def zch(k, carry):
            cb = s + NTILES * k
            pltpu.sync_copy(a0, agg.at[pl.ds(cb * CHUNK, CHUNK)])
            return carry

        lax.fori_loop(0, nz, zch, 0)
        plsc.subcore_barrier()

        eb = s * (NCHT * CHUNK)
        issue(eb, is0, ia0, ib0, a0, b0, sa0, sb0)

        def pair(g, carry):
            @pl.when(g > 0)
            def _():
                pltpu.make_async_copy(a1, agg.at[iss1], sc1).wait()

            issue(eb + (2 * g + 1) * CHUNK, is1, ia1, ib1, a1, b1, sa1, sb1)
            wait_gathers(ia0, ib0, a0, b0, sa0, sb0)
            compute(a0, b0)
            snap_idx(is0, iss0)
            pltpu.async_copy(a0, agg.at[iss0], sc0, add=True)
            wait_gathers(ia1, ib1, a1, b1, sa1, sb1)
            compute(a1, b1)
            snap_idx(is1, iss1)
            pltpu.async_copy(a1, agg.at[iss1], sc1, add=True)

            @pl.when(g < NPAIR - 1)
            def _():
                pltpu.make_async_copy(a0, agg.at[iss0], sc0).wait()
                issue(eb + (2 * g + 2) * CHUNK, is0, ia0, ib0, a0, b0,
                      sa0, sb0)
            return carry

        lax.fori_loop(0, NPAIR, pair, 0)
        pltpu.make_async_copy(a0, agg.at[iss0], sc0).wait()
        pltpu.make_async_copy(a1, agg.at[iss1], sc1).wait()

        @pl.when(s < NLEFT)
        def _():
            off = (NCHT * NTILES + s) * CHUNK
            issue(off, is0, ia0, ib0, a0, b0, sa0, sb0)
            wait_gathers(ia0, ib0, a0, b0, sa0, sb0)
            compute(a0, b0)
            pltpu.sync_copy(a0, agg.at[is0], add=True)

        plsc.subcore_barrier()

        def och(k, carry):
            cb = s + NTILES * k
            pltpu.sync_copy(agg.at[pl.ds(cb * CHUNK, CHUNK)], a0)
            pltpu.sync_copy(a0, out_hbm.at[pl.ds(c * N + cb * CHUNK, CHUNK)])
            return carry

        lax.fori_loop(0, nz, och, 0)

    return _sc_layer


def kernel(x, edge_index, batch, W_init, b_init, W_msg, b_msg,
           W_ih, W_hh, b_ih, b_hh, W_fc, b_fc):
    L = W_msg.shape[0]
    row = edge_index[0]
    col = edge_index[1]
    idx_all = jnp.concatenate([row, col + 2 * N, col + 3 * N])

    h, T = _tc_init(x, W_init, b_init.reshape(1, H),
                    W_msg[0, :H], W_msg[0, H:], b_msg[0].reshape(1, H))
    for l in range(L):
        agg = _make_sc_layer()(T.reshape(4 * N, HH), idx_all)
        agg = agg.reshape(2, N, HH)
        if l + 1 < L:
            nxt = (W_msg[l + 1, :H], W_msg[l + 1, H:],
                   b_msg[l + 1].reshape(1, H))
            h, T = _tc_gru(agg, h, W_ih[l], W_hh[l],
                           b_ih[l].reshape(1, 3 * H), b_hh[l].reshape(1, 3 * H),
                           nxt=nxt)
        else:
            (h,) = _tc_gru(agg, h, W_ih[l], W_hh[l],
                           b_ih[l].reshape(1, 3 * H), b_hh[l].reshape(1, 3 * H))
    out = _tc_pool(h, batch.reshape(NGRID, 1, NBLK), W_fc,
                   b_fc.reshape(1, 1))
    return out.reshape(G)

# --- scband reference (transcript-rebuilt; emitter-appended) ---
"""Pipeline reference for scband-mpnnregressor-2327872274536 (READ-ONLY COPY).

The authoritative reference and input builder live on the scoring server;
editing this copy changes nothing except your own understanding.
"""

import jax, jax.numpy as jnp
import numpy as np

N = 10000
E = 160000
D = 256
H = 256
L = 3
G = 64


def setup_inputs(seed: int = 0) -> dict:
    key = jax.random.key(seed)
    ks = jax.random.split(key, 10)
    x = jax.random.normal(ks[0], (N, D), dtype=jnp.float32)
    edge_index = jax.random.randint(ks[1], (2, E), 0, N, dtype=jnp.int32)
    batch = jnp.sort(jax.random.randint(ks[2], (N,), 0, G, dtype=jnp.int32))
    W_init = jax.random.normal(ks[3], (D, H), dtype=jnp.float32) * (1.0 / np.sqrt(D))
    b_init = jnp.zeros((H,), dtype=jnp.float32)
    W_msg = jax.random.normal(ks[4], (L, 2 * H, H), dtype=jnp.float32) * (1.0 / np.sqrt(2 * H))
    b_msg = jnp.zeros((L, H), dtype=jnp.float32)
    W_ih = jax.random.normal(ks[5], (L, H, 3 * H), dtype=jnp.float32) * (1.0 / np.sqrt(H))
    W_hh = jax.random.normal(ks[6], (L, H, 3 * H), dtype=jnp.float32) * (1.0 / np.sqrt(H))
    b_ih = jnp.zeros((L, 3 * H), dtype=jnp.float32)
    b_hh = jnp.zeros((L, 3 * H), dtype=jnp.float32)
    W_fc = jax.random.normal(ks[7], (H, 1), dtype=jnp.float32) * (1.0 / np.sqrt(H))
    b_fc = jnp.zeros((1,), dtype=jnp.float32)
    return {"x": x, "edge_index": edge_index, "batch": batch,
            "W_init": W_init, "b_init": b_init, "W_msg": W_msg, "b_msg": b_msg,
            "W_ih": W_ih, "W_hh": W_hh, "b_ih": b_ih, "b_hh": b_hh,
            "W_fc": W_fc, "b_fc": b_fc}


def reference(x, edge_index, batch, W_init, b_init, W_msg, b_msg, W_ih, W_hh, b_ih, b_hh, W_fc, b_fc):
    h = x @ W_init + b_init
    row = edge_index[0]
    col = edge_index[1]
    n = h.shape[0]
    for l in range(L):
        messages = jnp.concatenate([h[row], h[col]], axis=1)
        messages = messages @ W_msg[l] + b_msg[l]
        messages = jax.nn.relu(messages)
        aggregated = jnp.zeros((n, messages.shape[1]), dtype=h.dtype).at[row].add(messages)
        # GRUCell(aggregated, h) -- PyTorch gate math
        gi = aggregated @ W_ih[l] + b_ih[l]
        gh = h @ W_hh[l] + b_hh[l]
        i_r, i_z, i_n = jnp.split(gi, 3, axis=1)
        h_r, h_z, h_n = jnp.split(gh, 3, axis=1)
        r = jax.nn.sigmoid(i_r + h_r)
        z = jax.nn.sigmoid(i_z + h_z)
        nn_ = jnp.tanh(i_n + r * h_n)
        h = (1.0 - z) * nn_ + z * h
        # dropout is identity in eval mode
    sums = jax.ops.segment_sum(h, batch, num_segments=G)
    counts = jax.ops.segment_sum(jnp.ones((n,), dtype=h.dtype), batch, num_segments=G)
    pooled = sums / jnp.maximum(counts, 1.0)[:, None]
    out = pooled @ W_fc + b_fc
    return out.squeeze()

if __name__ == "__main__":
    import jax
    _d = setup_inputs()
    print(jax.jit(kernel)(*tuple(_d.values())))

</pallas_src>

<mosaic_0001>
#map = affine_map<(d0, d1) -> (0, 0)>
#map1 = affine_map<(d0, d1) -> (0)>
module attributes {stable_mosaic.version = 14 : i64} {
  func.func @_sc_layer(%arg0: i32, %arg1: i32, %arg2: memref<40000x128xf32, #tpu.memory_space<hbm>>, %arg3: memref<480000xi32, #tpu.memory_space<hbm>>, %arg4: memref<20000x128xf32, #tpu.memory_space<hbm>>, %arg5: memref<80xi32, #tpu.memory_space<vmem>>, %arg6: memref<80xi32, #tpu.memory_space<vmem>>, %arg7: memref<80xi32, #tpu.memory_space<vmem>>, %arg8: memref<80xi32, #tpu.memory_space<vmem>>, %arg9: memref<80x128xf32, #tpu.memory_space<vmem>>, %arg10: memref<80x128xf32, #tpu.memory_space<vmem>>, %arg11: memref<80xi32, #tpu.memory_space<vmem>>, %arg12: memref<80xi32, #tpu.memory_space<vmem>>, %arg13: memref<80xi32, #tpu.memory_space<vmem>>, %arg14: memref<80xi32, #tpu.memory_space<vmem>>, %arg15: memref<80x128xf32, #tpu.memory_space<vmem>>, %arg16: memref<80x128xf32, #tpu.memory_space<vmem>>, %arg17: memref<10000x128xf32, #tpu.memory_space<vmem_shared>>, %arg18: memref<!tpu.dma_semaphore, #tpu.memory_space<semaphore_mem>>, %arg19: memref<!tpu.dma_semaphore, #tpu.memory_space<semaphore_mem>>, %arg20: memref<!tpu.dma_semaphore, #tpu.memory_space<semaphore_mem>>, %arg21: memref<!tpu.dma_semaphore, #tpu.memory_space<semaphore_mem>>, %arg22: memref<!tpu.dma_semaphore, #tpu.memory_space<semaphore_mem>>, %arg23: memref<!tpu.dma_semaphore, #tpu.memory_space<semaphore_mem>>) attributes {dimension_semantics = [#tpu.dimension_semantics<core_parallel>, #tpu.dimension_semantics<subcore_parallel>], iteration_bounds = array<i64: 2, 16>, scalar_prefetch = 0 : i64, scratch_operands = 19 : i64, tpu.core_type = #tpu.core_type<sc_vector_subcore>, window_params = [{transform_indices = #map}, {transform_indices = #map1}, {transform_indices = #map}]} {
    %mul3A = arith.constant 10000 : i32
    %mul3A_0 = arith.muli %arg0, %mul3A : i32
    %scan3A = arith.constant 0 : i32
    %scan3A_1 = arith.constant 0 : i32
    %scan3A_2 = arith.constant 80 : i32
    %scan3A_3 = arith.addi %scan3A_1, %scan3A_2 : i32
    %scan3A_4 = arith.constant 1 : i32
    scf.for %scan3A_115 = %scan3A_1 to %scan3A_3 step %scan3A_4  : i32 {
      %broadcast_in_dim3A = arith.constant 0.000000e+00 : f32
      %broadcast_in_dim3A_116 = vector.broadcast %broadcast_in_dim3A : f32 to vector<16xf32>
      %swap3A_117 = arith.index_cast %scan3A_115 : i32 to index
      %swap3A_118 = arith.constant 0 : index
      %swap3A_119 = tpu.vector_load %arg9[%swap3A_117, %swap3A_118] {strides = array<i32>} : memref<80x128xf32, #tpu.memory_space<vmem>>, vector<1x16xf32>,
      %swap3A_120 = vector.shape_cast %swap3A_119 : vector<1x16xf32> to vector<16xf32>
      %swap3A_121 = vector.shape_cast %broadcast_in_dim3A_116 : vector<16xf32> to vector<1x16xf32>
      tpu.vector_store %arg9[%swap3A_117, %swap3A_118], %swap3A_121 {strides = array<i32>} : memref<80x128xf32, #tpu.memory_space<vmem>>, vector<1x16xf32>,
      %broadcast_in_dim3A_122 = arith.constant 0.000000e+00 : f32
      %broadcast_in_dim3A_123 = vector.broadcast %broadcast_in_dim3A_122 : f32 to vector<16xf32>
      %swap3A_124 = arith.index_cast %scan3A_115 : i32 to index
      %swap3A_125 = arith.constant 16 : index
      %swap3A_126 = tpu.vector_load %arg9[%swap3A_124, %swap3A_125] {strides = array<i32>} : memref<80x128xf32, #tpu.memory_space<vmem>>, vector<1x16xf32>,
      %swap3A_127 = vector.shape_cast %swap3A_126 : vector<1x16xf32> to vector<16xf32>
      %swap3A_128 = vector.shape_cast %broadcast_in_dim3A_123 : vector<16xf32> to vector<1x16xf32>
      tpu.vector_store %arg9[%swap3A_124, %swap3A_125], %swap3A_128 {strides = array<i32>} : memref<80x128xf32, #tpu.memory_space<vmem>>, vector<1x16xf32>,
      %broadcast_in_dim3A_129 = arith.constant 0.000000e+00 : f32
      %broadcast_in_dim3A_130 = vector.broadcast %broadcast_in_dim3A_129 : f32 to vector<16xf32>
      %swap3A_131 = arith.index_cast %scan3A_115 : i32 to index
      %swap3A_132 = arith.constant 32 : index
      %swap3A_133 = tpu.vector_load %arg9[%swap3A_131, %swap3A_132] {strides = array<i32>} : memref<80x128xf32, #tpu.memory_space<vmem>>, vector<1x16xf32>,
      %swap3A_134 = vector.shape_cast %swap3A_133 : vector<1x16xf32> to vector<16xf32>
      %swap3A_135 = vector.shape_cast %broadcast_in_dim3A_130 : vector<16xf32> to vector<1x16xf32>
      tpu.vector_store %arg9[%swap3A_131, %swap3A_132], %swap3A_135 {strides = array<i32>} : memref<80x128xf32, #tpu.memory_space<vmem>>, vector<1x16xf32>,
      %broadcast_in_dim3A_136 = arith.constant 0.000000e+00 : f32
      %broadcast_in_dim3A_137 = vector.broadcast %broadcast_in_dim3A_136 : f32 to vector<16xf32>
      %swap3A_138 = arith.index_cast %scan3A_115 : i32 to index
      %swap3A_139 = arith.constant 48 : index
      %swap3A_140 = tpu.vector_load %arg9[%swap3A_138, %swap3A_139] {strides = array<i32>} : memref<80x128xf32, #tpu.memory_space<vmem>>, vector<1x16xf32>,
      %swap3A_141 = vector.shape_cast %swap3A_140 : vector<1x16xf32> to vector<16xf32>
      %swap3A_142 = vector.shape_cast %broadcast_in_dim3A_137 : vector<16xf32> to vector<1x16xf32>
      tpu.vector_store %arg9[%swap3A_138, %swap3A_139], %swap3A_142 {strides = array<i32>} : memref<80x128xf32, #tpu.memory_space<vmem>>, vector<1x16xf32>,
      %broadcast_in_dim3A_143 = arith.constant 0.000000e+00 : f32
      %broadcast_in_dim3A_144 = vector.broadcast %broadcast_in_dim3A_143 : f32 to vector<16xf32>
      %swap3A_145 = arith.index_cast %scan3A_115 : i32 to index
      %swap3A_146 = arith.constant 64 : index
      %swap3A_147 = tpu.vector_load %arg9[%swap3A_145, %swap3A_146] {strides = array<i32>} : memref<80x128xf32, #tpu.memory_space<vmem>>, vector<1x16xf32>,
      %swap3A_148 = vector.shape_cast %swap3A_147 : vector<1x16xf32> to vector<16xf32>
      %swap3A_149 = vector.shape_cast %broadcast_in_dim3A_144 : vector<16xf32> to vector<1x16xf32>
      tpu.vector_store %arg9[%swap3A_145, %swap3A_146], %swap3A_149 {strides = array<i32>} : memref<80x128xf32, #tpu.memory_space<vmem>>, vector<1x16xf32>,
      %broadcast_in_dim3A_150 = arith.constant 0.000000e+00 : f32
      %broadcast_in_dim3A_151 = vector.broadcast %broadcast_in_dim3A_150 : f32 to vector<16xf32>
      %swap3A_152 = arith.index_cast %scan3A_115 : i32 to index
      %swap3A_153 = arith.constant 80 : index
      %swap3A_154 = tpu.vector_load %arg9[%swap3A_152, %swap3A_153] {strides = array<i32>} : memref<80x128xf32, #tpu.memory_space<vmem>>, vector<1x16xf32>,
      %swap3A_155 = vector.shape_cast %swap3A_154 : vector<1x16xf32> to vector<16xf32>
      %swap3A_156 = vector.shape_cast %broadcast_in_dim3A_151 : vector<16xf32> to vector<1x16xf32>
      tpu.vector_store %arg9[%swap3A_152, %swap3A_153], %swap3A_156 {strides = array<i32>} : memref<80x128xf32, #tpu.memory_space<vmem>>, vector<1x16xf32>,
      %broadcast_in_dim3A_157 = arith.constant 0.000000e+00 : f32
      %broadcast_in_dim3A_158 = vector.broadcast %broadcast_in_dim3A_157 : f32 to vector<16xf32>
      %swap3A_159 = arith.index_cast %scan3A_115 : i32 to index
      %swap3A_160 = arith.constant 96 : index
      %swap3A_161 = tpu.vector_load %arg9[%swap3A_159, %swap3A_160] {strides = array<i32>} : memref<80x128xf32, #tpu.memory_space<vmem>>, vector<1x16xf32>,
      %swap3A_162 = vector.shape_cast %swap3A_161 : vector<1x16xf32> to vector<16xf32>
      %swap3A_163 = vector.shape_cast %broadcast_in_dim3A_158 : vector<16xf32> to vector<1x16xf32>
      tpu.vector_store %arg9[%swap3A_159, %swap3A_160], %swap3A_163 {strides = array<i32>} : memref<80x128xf32, #tpu.memory_space<vmem>>, vector<1x16xf32>,
      %broadcast_in_dim3A_164 = arith.constant 0.000000e+00 : f32
      %broadcast_in_dim3A_165 = vector.broadcast %broadcast_in_dim3A_164 : f32 to vector<16xf32>
      %swap3A_166 = arith.index_cast %scan3A_115 : i32 to index
      %swap3A_167 = arith.constant 112 : index
      %swap3A_168 = tpu.vector_load %arg9[%swap3A_166, %swap3A_167] {strides = array<i32>} : memref<80x128xf32, #tpu.memory_space<vmem>>, vector<1x16xf32>,
      %swap3A_169 = vector.shape_cast %swap3A_168 : vector<1x16xf32> to vector<16xf32>
      %swap3A_170 = vector.shape_cast %broadcast_in_dim3A_165 : vector<16xf32> to vector<1x16xf32>
      tpu.vector_store %arg9[%swap3A_166, %swap3A_167], %swap3A_170 {strides = array<i32>} : memref<80x128xf32, #tpu.memory_space<vmem>>, vector<1x16xf32>,
    }
    %scan3A_5 = arith.constant 80 : i32
    %sub3A = arith.constant 125 : i32
    %sub3A_6 = arith.subi %sub3A, %arg1 : i32
    %add3A = arith.constant 16 : i32
    %add3A_7 = arith.addi %sub3A_6, %add3A : i32
    %sub3A_8 = arith.constant 1 : i32
    %sub3A_9 = arith.subi %add3A_7, %sub3A_8 : i32
    %jit3A = arith.constant 16 : i32
    %div3A = arith.divsi %sub3A_9, %jit3A : i32
    %sign3A = arith.constant 0 : i32
    %sign3A_10 = arith.cmpi sgt, %sub3A_9, %sign3A : i32
    %sign3A_11 = arith.extui %sign3A_10 : i1 to i32
    %sign3A_12 = arith.constant 0 : i32
    %sign3A_13 = arith.cmpi slt, %sub3A_9, %sign3A_12 : i32
    %sign3A_14 = arith.extui %sign3A_13 : i1 to i32
    %sign3A_15 = arith.subi %sign3A_11, %sign3A_14 : i32
    %sign3A_16 = arith.constant 0 : i32
    %sign3A_17 = arith.cmpi sgt, %jit3A, %sign3A_16 : i32
    %sign3A_18 = arith.extui %sign3A_17 : i1 to i32
    %sign3A_19 = arith.constant 0 : i32
    %sign3A_20 = arith.cmpi slt, %jit3A, %sign3A_19 : i32
    %sign3A_21 = arith.extui %sign3A_20 : i1 to i32
    %sign3A_22 = arith.subi %sign3A_18, %sign3A_21 : i32
    %ne3A = arith.cmpi ne, %sign3A_15, %sign3A_22 : i32
    %rem3A = arith.remsi %sub3A_9, %jit3A : i32
    %ne3A_23 = arith.constant 0 : i32
    %ne3A_24 = arith.cmpi ne, %rem3A, %ne3A_23 : i32
    %and3A = arith.andi %ne3A, %ne3A_24 : i1
    %sub3A_25 = arith.constant 1 : i32
    %sub3A_26 = arith.subi %div3A, %sub3A_25 : i32
    %select_n3A = arith.select %and3A, %sub3A_26, %div3A : i32
    %while3A = arith.constant 0 : i32
    %while3A_27 = arith.constant 0 : i32
    %while3A_28 = arith.subi %select_n3A, %while3A_27 : i32
    %while3A_29 = arith.addi %while3A_27, %while3A_28 : i32
    %while3A_30 = arith.constant 1 : i32
    %while3A_31 = arith.divsi %while3A_28, %while3A_30 : i32
    %while3A_32 = arith.muli %while3A_31, %while3A_30 : i32
    %while3A_33 = arith.addi %while3A_27, %while3A_32 : i32
    %while3A_34 = arith.constant 1 : i32
    scf.for %while3A_115 = %while3A_27 to %while3A_33 step %while3A_34  : i32 {
      %mul3A_116 = arith.constant 16 : i32
      %mul3A_117 = arith.muli %mul3A_116, %while3A_115 : i32
      %add3A_118 = arith.addi %arg1, %mul3A_117 : i32
      %mul3A_119 = arith.constant 80 : i32
      %mul3A_120 = arith.muli %add3A_118, %mul3A_119 : i32
      "tpu.region"() ({
        %run_scoped3A = tpu.sem_alloc : memref<!tpu.dma_semaphore, #tpu.memory_space<semaphore_mem>>
        %dma_start3A_121 = arith.constant 0 : i32
        %dma_start3A_122 = tpu.memref_slice %arg17[%mul3A_120, %dma_start3A_121] : memref<10000x128xf32, #tpu.memory_space<vmem_shared>> -> memref<80x128xf32, #tpu.memory_space<vmem_shared>>
        %dma_start3A_123 = arith.constant 0 : i32
        %dma_start3A_124 = tpu.memref_slice %arg17[%mul3A_120, %dma_start3A_123] : memref<10000x128xf32, #tpu.memory_space<vmem_shared>> -> memref<80x128xf32, #tpu.memory_space<vmem_shared>>
        tpu.enqueue_dma source(%arg9 : memref<80x128xf32, #tpu.memory_space<vmem>>) target(%dma_start3A_124 : memref<80x128xf32, #tpu.memory_space<vmem_shared>>) target_semaphore(%run_scoped3A : memref<!tpu.dma_semaphore, #tpu.memory_space<semaphore_mem>>)
        %dma_wait3A_125 = arith.constant 0 : i32
        %dma_wait3A_126 = tpu.memref_slice %arg17[%mul3A_120, %dma_wait3A_125] : memref<10000x128xf32, #tpu.memory_space<vmem_shared>> -> memref<80x128xf32, #tpu.memory_space<vmem_shared>>
        %dma_wait3A_127 = arith.constant 0 : i32
        %dma_wait3A_128 = tpu.memref_slice %arg17[%mul3A_120, %dma_wait3A_127] : memref<10000x128xf32, #tpu.memory_space<vmem_shared>> -> memref<80x128xf32, #tpu.memory_space<vmem_shared>>
        tpu.wait_dma2 semaphore(%run_scoped3A : memref<!tpu.dma_semaphore, #tpu.memory_space<semaphore_mem>>) src(%arg9 : memref<80x128xf32, #tpu.memory_space<vmem>>) dst(%dma_wait3A_128 : memref<80x128xf32, #tpu.memory_space<vmem_shared>>)
        tpu.yield
      }) : () -> ()
    }
    %while3A_35 = arith.constant 1 : i32
    scf.for %while3A_115 = %while3A_33 to %while3A_29 step %while3A_35  : i32 {
      %mul3A_116 = arith.constant 16 : i32
      %mul3A_117 = arith.muli %mul3A_116, %while3A_115 : i32
      %add3A_118 = arith.addi %arg1, %mul3A_117 : i32
      %mul3A_119 = arith.constant 80 : i32
      %mul3A_120 = arith.muli %add3A_118, %mul3A_119 : i32
      "tpu.region"() ({
        %run_scoped3A = tpu.sem_alloc : memref<!tpu.dma_semaphore, #tpu.memory_space<semaphore_mem>>
        %dma_start3A_121 = arith.constant 0 : i32
        %dma_start3A_122 = tpu.memref_slice %arg17[%mul3A_120, %dma_start3A_121] : memref<10000x128xf32, #tpu.memory_space<vmem_shared>> -> memref<80x128xf32, #tpu.memory_space<vmem_shared>>
        %dma_start3A_123 = arith.constant 0 : i32
        %dma_start3A_124 = tpu.memref_slice %arg17[%mul3A_120, %dma_start3A_123] : memref<10000x128xf32, #tpu.memory_space<vmem_shared>> -> memref<80x128xf32, #tpu.memory_space<vmem_shared>>
        tpu.enqueue_dma source(%arg9 : memref<80x128xf32, #tpu.memory_space<vmem>>) target(%dma_start3A_124 : memref<80x128xf32, #tpu.memory_space<vmem_shared>>) target_semaphore(%run_scoped3A : memref<!tpu.dma_semaphore, #tpu.memory_space<semaphore_mem>>)
        %dma_wait3A_125 = arith.constant 0 : i32
        %dma_wait3A_126 = tpu.memref_slice %arg17[%mul3A_120, %dma_wait3A_125] : memref<10000x128xf32, #tpu.memory_space<vmem_shared>> -> memref<80x128xf32, #tpu.memory_space<vmem_shared>>
        %dma_wait3A_127 = arith.constant 0 : i32
        %dma_wait3A_128 = tpu.memref_slice %arg17[%mul3A_120, %dma_wait3A_127] : memref<10000x128xf32, #tpu.memory_space<vmem_shared>> -> memref<80x128xf32, #tpu.memory_space<vmem_shared>>
        tpu.wait_dma2 semaphore(%run_scoped3A : memref<!tpu.dma_semaphore, #tpu.memory_space<semaphore_mem>>) src(%arg9 : memref<80x128xf32, #tpu.memory_space<vmem>>) dst(%dma_wait3A_128 : memref<80x128xf32, #tpu.memory_space<vmem_shared>>)
        tpu.yield
      }) : () -> ()
    }
    %barrier3A = arith.constant 0 : index
    tpu.barrier barrier_id(%barrier3A)
    %mul3A_36 = arith.constant 9920 : i32
    %mul3A_37 = arith.muli %arg1, %mul3A_36 : i32
    "tpu.region"() ({
      %run_scoped3A = tpu.sem_alloc : memref<!tpu.dma_semaphore, #tpu.memory_space<semaphore_mem>>
      %dma_start3A_115 = tpu.memref_slice %arg3[%mul3A_37] : memref<480000xi32, #tpu.memory_space<hbm>> -> memref<80xi32, #tpu.memory_space<hbm>>
      %dma_start3A_116 = tpu.memref_slice %arg3[%mul3A_37] : memref<480000xi32, #tpu.memory_space<hbm>> -> memref<80xi32, #tpu.memory_space<hbm>>
      tpu.enqueue_dma source(%dma_start3A_116 : memref<80xi32, #tpu.memory_space<hbm>>) target(%arg5 : memref<80xi32, #tpu.memory_space<vmem>>) target_semaphore(%run_scoped3A : memref<!tpu.dma_semaphore, #tpu.memory_space<semaphore_mem>>)
      %dma_wait3A_117 = tpu.memref_slice %arg3[%mul3A_37] : memref<480000xi32, #tpu.memory_space<hbm>> -> memref<80xi32, #tpu.memory_space<hbm>>
      %dma_wait3A_118 = tpu.memref_slice %arg3[%mul3A_37] : memref<480000xi32, #tpu.memory_space<hbm>> -> memref<80xi32, #tpu.memory_space<hbm>>
      tpu.wait_dma2 semaphore(%run_scoped3A : memref<!tpu.dma_semaphore, #tpu.memory_space<semaphore_mem>>) src(%dma_wait3A_118 : memref<80xi32, #tpu.memory_space<hbm>>) dst(%arg5 : memref<80xi32, #tpu.memory_space<vmem>>)
      tpu.yield
    }) : () -> ()
    %add3A_38 = arith.constant 1 : i32
    %add3A_39 = arith.addi %add3A_38, %arg0 : i32
    %mul3A_40 = arith.constant 160000 : i32
    %mul3A_41 = arith.muli %add3A_39, %mul3A_40 : i32
    %add3A_42 = arith.addi %mul3A_41, %mul3A_37 : i32
    "tpu.region"() ({
      %run_scoped3A = tpu.sem_alloc : memref<!tpu.dma_semaphore, #tpu.memory_space<semaphore_mem>>
      %dma_start3A_115 = tpu.memref_slice %arg3[%add3A_42] : memref<480000xi32, #tpu.memory_space<hbm>> -> memref<80xi32, #tpu.memory_space<hbm>>
      %dma_start3A_116 = tpu.memref_slice %arg3[%add3A_42] : memref<480000xi32, #tpu.memory_space<hbm>> -> memref<80xi32, #tpu.memory_space<hbm>>
      tpu.enqueue_dma source(%dma_start3A_116 : memref<80xi32, #tpu.memory_space<hbm>>) target(%arg7 : memref<80xi32, #tpu.memory_space<vmem>>) target_semaphore(%run_scoped3A : memref<!tpu.dma_semaphore, #tpu.memory_space<semaphore_mem>>)
      %dma_wait3A_117 = tpu.memref_slice %arg3[%add3A_42] : memref<480000xi32, #tpu.memory_space<hbm>> -> memref<80xi32, #tpu.memory_space<hbm>>
      %dma_wait3A_118 = tpu.memref_slice %arg3[%add3A_42] : memref<480000xi32, #tpu.memory_space<hbm>> -> memref<80xi32, #tpu.memory_space<hbm>>
      tpu.wait_dma2 semaphore(%run_scoped3A : memref<!tpu.dma_semaphore, #tpu.memory_space<semaphore_mem>>) src(%dma_wait3A_118 : memref<80xi32, #tpu.memory_space<hbm>>) dst(%arg7 : memref<80xi32, #tpu.memory_space<vmem>>)
      tpu.yield
    }) : () -> ()
    %get3A = arith.constant 0 : index
    %get3A_43 = tpu.vector_load %arg5[%get3A] {strides = array<i32>} : memref<80xi32, #tpu.memory_space<vmem>>, vector<16xi32>,
    %get3A_44 = vector.shape_cast %get3A_43 : vector<16xi32> to vector<16xi32>
    %add3A_45 = vector.broadcast %mul3A_0 : i32 to vector<16xi32>
    %add3A_46 = arith.addi %get3A_44, %add3A_45 : vector<16xi32>
    %swap3A = arith.constant 0 : index
    %swap3A_47 = tpu.vector_load %arg6[%swap3A] {strides = array<i32>} : memref<80xi32, #tpu.memory_space<vmem>>, vector<16xi32>,
    %swap3A_48 = vector.shape_cast %swap3A_47 : vector<16xi32> to vector<16xi32>
    %swap3A_49 = vector.shape_cast %add3A_46 : vector<16xi32> to vector<16xi32>
    tpu.vector_store %arg6[%swap3A], %swap3A_49 {strides = array<i32>} : memref<80xi32, #tpu.memory_space<vmem>>, vector<16xi32>,
    %get3A_50 = arith.constant 16 : index
    %get3A_51 = tpu.vector_load %arg5[%get3A_50] {strides = array<i32>} : memref<80xi32, #tpu.memory_space<vmem>>, vector<16xi32>,
    %get3A_52 = vector.shape_cast %get3A_51 : vector<16xi32> to vector<16xi32>
    %add3A_53 = vector.broadcast %mul3A_0 : i32 to vector<16xi32>
    %add3A_54 = arith.addi %get3A_52, %add3A_53 : vector<16xi32>
    %swap3A_55 = arith.constant 16 : index
    %swap3A_56 = tpu.vector_load %arg6[%swap3A_55] {strides = array<i32>} : memref<80xi32, #tpu.memory_space<vmem>>, vector<16xi32>,
    %swap3A_57 = vector.shape_cast %swap3A_56 : vector<16xi32> to vector<16xi32>
    %swap3A_58 = vector.shape_cast %add3A_54 : vector<16xi32> to vector<16xi32>
    tpu.vector_store %arg6[%swap3A_55], %swap3A_58 {strides = array<i32>} : memref<80xi32, #tpu.memory_space<vmem>>, vector<16xi32>,
    %get3A_59 = arith.constant 32 : index
    %get3A_60 = tpu.vector_load %arg5[%get3A_59] {strides = array<i32>} : memref<80xi32, #tpu.memory_space<vmem>>, vector<16xi32>,
    %get3A_61 = vector.shape_cast %get3A_60 : vector<16xi32> to vector<16xi32>
    %add3A_62 = vector.broadcast %mul3A_0 : i32 to vector<16xi32>
    %add3A_63 = arith.addi %get3A_61, %add3A_62 : vector<16xi32>
    %swap3A_64 = arith.constant 32 : index
    %swap3A_65 = tpu.vector_load %arg6[%swap3A_64] {strides = array<i32>} : memref<80xi32, #tpu.memory_space<vmem>>, vector<16xi32>,
    %swap3A_66 = vector.shape_cast %swap3A_65 : vector<16xi32> to vector<16xi32>
    %swap3A_67 = vector.shape_cast %add3A_63 : vector<16xi32> to vector<16xi32>
    tpu.vector_store %arg6[%swap3A_64], %swap3A_67 {strides = array<i32>} : memref<80xi32, #tpu.memory_space<vmem>>, vector<16xi32>,
    %get3A_68 = arith.constant 48 : index
    %get3A_69 = tpu.vector_load %arg5[%get3A_68] {strides = array<i32>} : memref<80xi32, #tpu.memory_space<vmem>>, vector<16xi32>,
    %get3A_70 = vector.shape_cast %get3A_69 : vector<16xi32> to vector<16xi32>
    %add3A_71 = vector.broadcast %mul3A_0 : i32 to vector<16xi32>
    %add3A_72 = arith.addi %get3A_70, %add3A_71 : vector<16xi32>
    %swap3A_73 = arith.constant 48 : index
    %swap3A_74 = tpu.vector_load %arg6[%swap3A_73] {strides = array<i32>} : memref<80xi32, #tpu.memory_space<vmem>>, vector<16xi32>,
    %swap3A_75 = vector.shape_cast %swap3A_74 : vector<16xi32> to vector<16xi32>
    %swap3A_76 = vector.shape_cast %add3A_72 : vector<16xi32> to vector<16xi32>
    tpu.vector_store %arg6[%swap3A_73], %swap3A_76 {strides = array<i32>} : memref<80xi32, #tpu.memory_space<vmem>>, vector<16xi32>,
    %get3A_77 = arith.constant 64 : index
    %get3A_78 = tpu.vector_load %arg5[%get3A_77] {strides = array<i32>} : memref<80xi32, #tpu.memory_space<vmem>>, vector<16xi32>,
    %get3A_79 = vector.shape_cast %get3A_78 : vector<16xi32> to vector<16xi32>
    %add3A_80 = vector.broadcast %mul3A_0 : i32 to vector<16xi32>
    %add3A_81 = arith.addi %get3A_79, %add3A_80 : vector<16xi32>
    %swap3A_82 = arith.constant 64 : index
    %swap3A_83 = tpu.vector_load %arg6[%swap3A_82] {strides = array<i32>} : memref<80xi32, #tpu.memory_space<vmem>>, vector<16xi32>,
    %swap3A_84 = vector.shape_cast %swap3A_83 : vector<16xi32> to vector<16xi32>
    %swap3A_85 = vector.shape_cast %add3A_81 : vector<16xi32> to vector<16xi32>
    tpu.vector_store %arg6[%swap3A_82], %swap3A_85 {strides = array<i32>} : memref<80xi32, #tpu.memory_space<vmem>>, vector<16xi32>,
    %dma_start3A = arith.constant 0 : i32
    %dma_start3A_86 = arith.constant 0 : i32
    %dma_start3A_87 = tpu.memref_slice %arg2[%dma_start3A, %dma_start3A_86] : memref<40000x128xf32, #tpu.memory_space<hbm>> -> memref<40000x128xf32, #tpu.memory_space<hbm>>
    tpu.enqueue_indirect_dma source(%dma_start3A_87 : memref<40000x128xf32, #tpu.memory_space<hbm>>) target(%arg9 : memref<80x128xf32, #tpu.memory_space<vmem>>) offsets(%arg6 : memref<80xi32, #tpu.memory_space<vmem>>) semaphore(%arg18 : memref<!tpu.dma_semaphore, #tpu.memory_space<semaphore_mem>>)
    %dma_start3A_88 = arith.constant 0 : i32
    %dma_start3A_89 = arith.constant 0 : i32
    %dma_start3A_90 = tpu.memref_slice %arg2[%dma_start3A_88, %dma_start3A_89] : memref<40000x128xf32, #tpu.memory_space<hbm>> -> memref<40000x128xf32, #tpu.memory_space<hbm>>
    tpu.enqueue_indirect_dma source(%dma_start3A_90 : memref<40000x128xf32, #tpu.memory_space<hbm>>) target(%arg10 : memref<80x128xf32, #tpu.memory_space<vmem>>) offsets(%arg7 : memref<80xi32, #tpu.memory_space<vmem>>) semaphore(%arg19 : memref<!tpu.dma_semaphore, #tpu.memory_space<semaphore_mem>>)
    %scan3A_91 = arith.constant 0 : i32
    %scan3A_92 = arith.constant 0 : i32
    %scan3A_93 = arith.constant 62 : i32
    %scan3A_94 = arith.addi %scan3A_92, %scan3A_93 : i32
    %scan3A_95 = arith.constant 1 : i32
    scf.for %scan3A_115 = %scan3A_92 to %scan3A_94 step %scan3A_95  : i32 {
      %gt3A = arith.constant 0 : i32
      %gt3A_116 = arith.cmpi sgt, %scan3A_115, %gt3A : i32
      %convert_element_type3A_117 = arith.extui %gt3A_116 : i1 to i32
      %cond3A_118 = arith.constant 0 : i32
      %cond3A_119 = arith.cmpi ne, %convert_element_type3A_117, %cond3A_118 : i32
      scf.if %cond3A_119 {
        %dma_wait3A_288 = arith.constant 0 : i32
        %dma_wait3A_289 = arith.constant 0 : i32
        %dma_wait3A_290 = tpu.memref_slice %arg17[%dma_wait3A_288, %dma_wait3A_289] : memref<10000x128xf32, #tpu.memory_space<vmem_shared>> -> memref<10000x128xf32, #tpu.memory_space<vmem_shared>>
        tpu.wait_indirect_dma semaphore(%arg23 : memref<!tpu.dma_semaphore, #tpu.memory_space<semaphore_mem>>) src(%arg15 : memref<80x128xf32, #tpu.memory_space<vmem>>) dst(%dma_wait3A_290 : memref<10000x128xf32, #tpu.memory_space<vmem_shared>>)
      } else {
      }
      %mul3A_120 = arith.constant 2 : i32
      %mul3A_121 = arith.muli %mul3A_120, %scan3A_115 : i32
      %add3A_122 = arith.constant 1 : i32
      %add3A_123 = arith.addi %mul3A_121, %add3A_122 : i32
      %mul3A_124 = arith.constant 80 : i32
      %mul3A_125 = arith.muli %add3A_123, %mul3A_124 : i32
      %add3A_126 = arith.addi %mul3A_37, %mul3A_125 : i32
      "tpu.region"() ({
        %run_scoped3A = tpu.sem_alloc : memref<!tpu.dma_semaphore, #tpu.memory_space<semaphore_mem>>
        %dma_start3A_288 = tpu.memref_slice %arg3[%add3A_126] : memref<480000xi32, #tpu.memory_space<hbm>> -> memref<80xi32, #tpu.memory_space<hbm>>
        %dma_start3A_289 = tpu.memref_slice %arg3[%add3A_126] : memref<480000xi32, #tpu.memory_space<hbm>> -> memref<80xi32, #tpu.memory_space<hbm>>
        tpu.enqueue_dma source(%dma_start3A_289 : memref<80xi32, #tpu.memory_space<hbm>>) target(%arg11 : memref<80xi32, #tpu.memory_space<vmem>>) target_semaphore(%run_scoped3A : memref<!tpu.dma_semaphore, #tpu.memory_space<semaphore_mem>>)
        %dma_wait3A_290 = tpu.memref_slice %arg3[%add3A_126] : memref<480000xi32, #tpu.memory_space<hbm>> -> memref<80xi32, #tpu.memory_space<hbm>>
        %dma_wait3A_291 = tpu.memref_slice %arg3[%add3A_126] : memref<480000xi32, #tpu.memory_space<hbm>> -> memref<80xi32, #tpu.memory_space<hbm>>
        tpu.wait_dma2 semaphore(%run_scoped3A : memref<!tpu.dma_semaphore, #tpu.memory_space<semaphore_mem>>) src(%dma_wait3A_291 : memref<80xi32, #tpu.memory_space<hbm>>) dst(%arg11 : memref<80xi32, #tpu.memory_space<vmem>>)
        tpu.yield
      }) : () -> ()
      %add3A_127 = arith.constant 1 : i32
      %add3A_128 = arith.addi %add3A_127, %arg0 : i32
      %mul3A_129 = arith.constant 160000 : i32
      %mul3A_130 = arith.muli %add3A_128, %mul3A_129 : i32
      %add3A_131 = arith.addi %mul3A_130, %add3A_126 : i32
      "tpu.region"() ({
        %run_scoped3A = tpu.sem_alloc : memref<!tpu.dma_semaphore, #tpu.memory_space<semaphore_mem>>
        %dma_start3A_288 = tpu.memref_slice %arg3[%add3A_131] : memref<480000xi32, #tpu.memory_space<hbm>> -> memref<80xi32, #tpu.memory_space<hbm>>
        %dma_start3A_289 = tpu.memref_slice %arg3[%add3A_131] : memref<480000xi32, #tpu.memory_space<hbm>> -> memref<80xi32, #tpu.memory_space<hbm>>
        tpu.enqueue_dma source(%dma_start3A_289 : memref<80xi32, #tpu.memory_space<hbm>>) target(%arg13 : memref<80xi32, #tpu.memory_space<vmem>>) target_semaphore(%run_scoped3A : memref<!tpu.dma_semaphore, #tpu.memory_space<semaphore_mem>>)
        %dma_wait3A_290 = tpu.memref_slice %arg3[%add3A_131] : memref<480000xi32, #tpu.memory_space<hbm>> -> memref<80xi32, #tpu.memory_space<hbm>>
        %dma_wait3A_291 = tpu.memref_slice %arg3[%add3A_131] : memref<480000xi32, #tpu.memory_space<hbm>> -> memref<80xi32, #tpu.memory_space<hbm>>
        tpu.wait_dma2 semaphore(%run_scoped3A : memref<!tpu.dma_semaphore, #tpu.memory_space<semaphore_mem>>) src(%dma_wait3A_291 : memref<80xi32, #tpu.memory_space<hbm>>) dst(%arg13 : memref<80xi32, #tpu.memory_space<vmem>>)
        tpu.yield
      }) : () -> ()
      %get3A_132 = arith.constant 0 : index
      %get3A_133 = tpu.vector_load %arg11[%get3A_132] {strides = array<i32>} : memref<80xi32, #tpu.memory_space<vmem>>, vector<16xi32>,
      %get3A_134 = vector.shape_cast %get3A_133 : vector<16xi32> to vector<16xi32>
      %add3A_135 = vector.broadcast %mul3A_0 : i32 to vector<16xi32>
      %add3A_136 = arith.addi %get3A_134, %add3A_135 : vector<16xi32>
      %swap3A_137 = arith.constant 0 : index
      %swap3A_138 = tpu.vector_load %arg12[%swap3A_137] {strides = array<i32>} : memref<80xi32, #tpu.memory_space<vmem>>, vector<16xi32>,
      %swap3A_139 = vector.shape_cast %swap3A_138 : vector<16xi32> to vector<16xi32>
      %swap3A_140 = vector.shape_cast %add3A_136 : vector<16xi32> to vector<16xi32>
      tpu.vector_store %arg12[%swap3A_137], %swap3A_140 {strides = array<i32>} : memref<80xi32, #tpu.memory_space<vmem>>, vector<16xi32>,
      %get3A_141 = arith.constant 16 : index
      %get3A_142 = tpu.vector_load %arg11[%get3A_141] {strides = array<i32>} : memref<80xi32, #tpu.memory_space<vmem>>, vector<16xi32>,
      %get3A_143 = vector.shape_cast %get3A_142 : vector<16xi32> to vector<16xi32>
      %add3A_144 = vector.broadcast %mul3A_0 : i32 to vector<16xi32>
      %add3A_145 = arith.addi %get3A_143, %add3A_144 : vector<16xi32>
      %swap3A_146 = arith.constant 16 : index
      %swap3A_147 = tpu.vector_load %arg12[%swap3A_146] {strides = array<i32>} : memref<80xi32, #tpu.memory_space<vmem>>, vector<16xi32>,
      %swap3A_148 = vector.shape_cast %swap3A_147 : vector<16xi32> to vector<16xi32>
      %swap3A_149 = vector.shape_cast %add3A_145 : vector<16xi32> to vector<16xi32>
      tpu.vector_store %arg12[%swap3A_146], %swap3A_149 {strides = array<i32>} : memref<80xi32, #tpu.memory_space<vmem>>, vector<16xi32>,
      %get3A_150 = arith.constant 32 : index
      %get3A_151 = tpu.vector_load %arg11[%get3A_150] {strides = array<i32>} : memref<80xi32, #tpu.memory_space<vmem>>, vector<16xi32>,
      %get3A_152 = vector.shape_cast %get3A_151 : vector<16xi32> to vector<16xi32>
      %add3A_153 = vector.broadcast %mul3A_0 : i32 to vector<16xi32>
      %add3A_154 = arith.addi %get3A_152, %add3A_153 : vector<16xi32>
      %swap3A_155 = arith.constant 32 : index
      %swap3A_156 = tpu.vector_load %arg12[%swap3A_155] {strides = array<i32>} : memref<80xi32, #tpu.memory_space<vmem>>, vector<16xi32>,
      %swap3A_157 = vector.shape_cast %swap3A_156 : vector<16xi32> to vector<16xi32>
      %swap3A_158 = vector.shape_cast %add3A_154 : vector<16xi32> to vector<16xi32>
      tpu.vector_store %arg12[%swap3A_155], %swap3A_158 {strides = array<i32>} : memref<80xi32, #tpu.memory_space<vmem>>, vector<16xi32>,
      %get3A_159 = arith.constant 48 : index
      %get3A_160 = tpu.vector_load %arg11[%get3A_159] {strides = array<i32>} : memref<80xi32, #tpu.memory_space<vmem>>, vector<16xi32>,
      %get3A_161 = vector.shape_cast %get3A_160 : vector<16xi32> to vector<16xi32>
      %add3A_162 = vector.broadcast %mul3A_0 : i32 to vector<16xi32>
      %add3A_163 = arith.addi %get3A_161, %add3A_162 : vector<16xi32>
      %swap3A_164 = arith.constant 48 : index
      %swap3A_165 = tpu.vector_load %arg12[%swap3A_164] {strides = array<i32>} : memref<80xi32, #tpu.memory_space<vmem>>, vector<16xi32>,
      %swap3A_166 = vector.shape_cast %swap3A_165 : vector<16xi32> to vector<16xi32>
      %swap3A_167 = vector.shape_cast %add3A_163 : vector<16xi32> to vector<16xi32>
      tpu.vector_store %arg12[%swap3A_164], %swap3A_167 {strides = array<i32>} : memref<80xi32, #tpu.memory_space<vmem>>, vector<16xi32>,
      %get3A_168 = arith.constant 64 : index
      %get3A_169 = tpu.vector_load %arg11[%get3A_168] {strides = array<i32>} : memref<80xi32, #tpu.memory_space<vmem>>, vector<16xi32>,
      %get3A_170 = vector.shape_cast %get3A_169 : vector<16xi32> to vector<16xi32>
      %add3A_171 = vector.broadcast %mul3A_0 : i32 to vector<16xi32>
      %add3A_172 = arith.addi %get3A_170, %add3A_171 : vector<16xi32>
      %swap3A_173 = arith.constant 64 : index
      %swap3A_174 = tpu.vector_load %arg12[%swap3A_173] {strides = array<i32>} : memref<80xi32, #tpu.memory_space<vmem>>, vector<16xi32>,
      %swap3A_175 = vector.shape_cast %swap3A_174 : vector<16xi32> to vector<16xi32>
      %swap3A_176 = vector.shape_cast %add3A_172 : vector<16xi32> to vector<16xi32>
      tpu.vector_store %arg12[%swap3A_173], %swap3A_176 {strides = array<i32>} : memref<80xi32, #tpu.memory_space<vmem>>, vector<16xi32>,
      %dma_start3A_177 = arith.constant 0 : i32
      %dma_start3A_178 = arith.constant 0 : i32
      %dma_start3A_179 = tpu.memref_slice %arg2[%dma_start3A_177, %dma_start3A_178] : memref<40000x128xf32, #tpu.memory_space<hbm>> -> memref<40000x128xf32, #tpu.memory_space<hbm>>
      tpu.enqueue_indirect_dma source(%dma_start3A_179 : memref<40000x128xf32, #tpu.memory_space<hbm>>) target(%arg15 : memref<80x128xf32, #tpu.memory_space<vmem>>) offsets(%arg12 : memref<80xi32, #tpu.memory_space<vmem>>) semaphore(%arg21 : memref<!tpu.dma_semaphore, #tpu.memory_space<semaphore_mem>>)
      %dma_start3A_180 = arith.constant 0 : i32
      %dma_start3A_181 = arith.constant 0 : i32
      %dma_start3A_182 = tpu.memref_slice %arg2[%dma_start3A_180, %dma_start3A_181] : memref<40000x128xf32, #tpu.memory_space<hbm>> -> memref<40000x128xf32, #tpu.memory_space<hbm>>
      tpu.enqueue_indirect_dma source(%dma_start3A_182 : memref<40000x128xf32, #tpu.memory_space<hbm>>) target(%arg16 : memref<80x128xf32, #tpu.memory_space<vmem>>) offsets(%arg13 : memref<80xi32, #tpu.memory_space<vmem>>) semaphore(%arg22 : memref<!tpu.dma_semaphore, #tpu.memory_space<semaphore_mem>>)
      %dma_wait3A_183 = arith.constant 0 : i32
      %dma_wait3A_184 = arith.constant 0 : i32
      %dma_wait3A_185 = tpu.memref_slice %arg2[%dma_wait3A_183, %dma_wait3A_184] : memref<40000x128xf32, #tpu.memory_space<hbm>> -> memref<40000x128xf32, #tpu.memory_space<hbm>>
      tpu.wait_indirect_dma semaphore(%arg18 : memref<!tpu.dma_semaphore, #tpu.memory_space<semaphore_mem>>) src(%dma_wait3A_185 : memref<40000x128xf32, #tpu.memory_space<hbm>>) dst(%arg9 : memref<80x128xf32, #tpu.memory_space<vmem>>)
      %dma_wait3A_186 = arith.constant 0 : i32
      %dma_wait3A_187 = arith.constant 0 : i32
      %dma_wait3A_188 = tpu.memref_slice %arg2[%dma_wait3A_186, %dma_wait3A_187] : memref<40000x128xf32, #tpu.memory_space<hbm>> -> memref<40000x128xf32, #tpu.memory_space<hbm>>
      tpu.wait_indirect_dma semaphore(%arg19 : memref<!tpu.dma_semaphore, #tpu.memory_space<semaphore_mem>>) src(%dma_wait3A_188 : memref<40000x128xf32, #tpu.memory_space<hbm>>) dst(%arg10 : memref<80x128xf32, #tpu.memory_space<vmem>>)
      %scan3A_189 = arith.constant 0 : i32
      %scan3A_190 = arith.constant 0 : i32
      %scan3A_191 = arith.constant 80 : i32
      %scan3A_192 = arith.addi %scan3A_190, %scan3A_191 : i32
      %scan3A_193 = arith.constant 1 : i32
      scf.for %scan3A_288 = %scan3A_190 to %scan3A_192 step %scan3A_193  : i32 {
        %get3A_289 = arith.index_cast %scan3A_288 : i32 to index
        %get3A_290 = arith.constant 0 : index
        %get3A_291 = tpu.vector_load %arg9[%get3A_289, %get3A_290] {strides = array<i32>} : memref<80x128xf32, #tpu.memory_space<vmem>>, vector<1x16xf32>,
        %get3A_292 = vector.shape_cast %get3A_291 : vector<1x16xf32> to vector<16xf32>
        %get3A_293 = arith.index_cast %scan3A_288 : i32 to index
        %get3A_294 = arith.constant 0 : index
        %get3A_295 = tpu.vector_load %arg10[%get3A_293, %get3A_294] {strides = array<i32>} : memref<80x128xf32, #tpu.memory_space<vmem>>, vector<1x16xf32>,
        %get3A_296 = vector.shape_cast %get3A_295 : vector<1x16xf32> to vector<16xf32>
        %add3A_297 = arith.addf %get3A_292, %get3A_296 : vector<16xf32>
        %max3A = arith.constant 0.000000e+00 : f32
        %max3A_298 = vector.broadcast %max3A : f32 to vector<16xf32>
        %max3A_299 = arith.maximumf %add3A_297, %max3A_298 : vector<16xf32>
        %swap3A_300 = arith.index_cast %scan3A_288 : i32 to index
        %swap3A_301 = arith.constant 0 : index
        %swap3A_302 = tpu.vector_load %arg9[%swap3A_300, %swap3A_301] {strides = array<i32>} : memref<80x128xf32, #tpu.memory_space<vmem>>, vector<1x16xf32>,
        %swap3A_303 = vector.shape_cast %swap3A_302 : vector<1x16xf32> to vector<16xf32>
        %swap3A_304 = vector.shape_cast %max3A_299 : vector<16xf32> to vector<1x16xf32>
        tpu.vector_store %arg9[%swap3A_300, %swap3A_301], %swap3A_304 {strides = array<i32>} : memref<80x128xf32, #tpu.memory_space<vmem>>, vector<1x16xf32>,
        %get3A_305 = arith.index_cast %scan3A_288 : i32 to index
        %get3A_306 = arith.constant 16 : index
        %get3A_307 = tpu.vector_load %arg9[%get3A_305, %get3A_306] {strides = array<i32>} : memref<80x128xf32, #tpu.memory_space<vmem>>, vector<1x16xf32>,
        %get3A_308 = vector.shape_cast %get3A_307 : vector<1x16xf32> to vector<16xf32>
        %get3A_309 = arith.index_cast %scan3A_288 : i32 to index
        %get3A_310 = arith.constant 16 : index
        %get3A_311 = tpu.vector_load %arg10[%get3A_309, %get3A_310] {strides = array<i32>} : memref<80x128xf32, #tpu.memory_space<vmem>>, vector<1x16xf32>,
        %get3A_312 = vector.shape_cast %get3A_311 : vector<1x16xf32> to vector<16xf32>
        %add3A_313 = arith.addf %get3A_308, %get3A_312 : vector<16xf32>
        %max3A_314 = arith.constant 0.000000e+00 : f32
        %max3A_315 = vector.broadcast %max3A_314 : f32 to vector<16xf32>
        %max3A_316 = arith.maximumf %add3A_313, %max3A_315 : vector<16xf32>
        %swap3A_317 = arith.index_cast %scan3A_288 : i32 to index
        %swap3A_318 = arith.constant 16 : index
        %swap3A_319 = tpu.vector_load %arg9[%swap3A_317, %swap3A_318] {strides = array<i32>} : memref<80x128xf32, #tpu.memory_space<vmem>>, vector<1x16xf32>,
        %swap3A_320 = vector.shape_cast %swap3A_319 : vector<1x16xf32> to vector<16xf32>
        %swap3A_321 = vector.shape_cast %max3A_316 : vector<16xf32> to vector<1x16xf32>
        tpu.vector_store %arg9[%swap3A_317, %swap3A_318], %swap3A_321 {strides = array<i32>} : memref<80x128xf32, #tpu.memory_space<vmem>>, vector<1x16xf32>,
        %get3A_322 = arith.index_cast %scan3A_288 : i32 to index
        %get3A_323 = arith.constant 32 : index
        %get3A_324 = tpu.vector_load %arg9[%get3A_322, %get3A_323] {strides = array<i32>} : memref<80x128xf32, #tpu.memory_space<vmem>>, vector<1x16xf32>,
        %get3A_325 = vector.shape_cast %get3A_324 : vector<1x16xf32> to vector<16xf32>
        %get3A_326 = arith.index_cast %scan3A_288 : i32 to index
        %get3A_327 = arith.constant 32 : index
        %get3A_328 = tpu.vector_load %arg10[%get3A_326, %get3A_327] {strides = array<i32>} : memref<80x128xf32, #tpu.memory_space<vmem>>, vector<1x16xf32>,
        %get3A_329 = vector.shape_cast %get3A_328 : vector<1x16xf32> to vector<16xf32>
        %add3A_330 = arith.addf %get3A_325, %get3A_329 : vector<16xf32>
        %max3A_331 = arith.constant 0.000000e+00 : f32
        %max3A_332 = vector.broadcast %max3A_331 : f32 to vector<16xf32>
        %max3A_333 = arith.maximumf %add3A_330, %max3A_332 : vector<16xf32>
        %swap3A_334 = arith.index_cast %scan3A_288 : i32 to index
        %swap3A_335 = arith.constant 32 : index
        %swap3A_336 = tpu.vector_load %arg9[%swap3A_334, %swap3A_335] {strides = array<i32>} : memref<80x128xf32, #tpu.memory_space<vmem>>, vector<1x16xf32>,
        %swap3A_337 = vector.shape_cast %swap3A_336 : vector<1x16xf32> to vector<16xf32>
        %swap3A_338 = vector.shape_cast %max3A_333 : vector<16xf32> to vector<1x16xf32>
        tpu.vector_store %arg9[%swap3A_334, %swap3A_335], %swap3A_338 {strides = array<i32>} : memref<80x128xf32, #tpu.memory_space<vmem>>, vector<1x16xf32>,
        %get3A_339 = arith.index_cast %scan3A_288 : i32 to index
        %get3A_340 = arith.constant 48 : index
        %get3A_341 = tpu.vector_load %arg9[%get3A_339, %get3A_340] {strides = array<i32>} : memref<80x128xf32, #tpu.memory_space<vmem>>, vector<1x16xf32>,
        %get3A_342 = vector.shape_cast %get3A_341 : vector<1x16xf32> to vector<16xf32>
        %get3A_343 = arith.index_cast %scan3A_288 : i32 to index
        %get3A_344 = arith.constant 48 : index
        %get3A_345 = tpu.vector_load %arg10[%get3A_343, %get3A_344] {strides = array<i32>} : memref<80x128xf32, #tpu.memory_space<vmem>>, vector<1x16xf32>,
        %get3A_346 = vector.shape_cast %get3A_345 : vector<1x16xf32> to vector<16xf32>
        %add3A_347 = arith.addf %get3A_342, %get3A_346 : vector<16xf32>
        %max3A_348 = arith.constant 0.000000e+00 : f32
        %max3A_349 = vector.broadcast %max3A_348 : f32 to vector<16xf32>
        %max3A_350 = arith.maximumf %add3A_347, %max3A_349 : vector<16xf32>
        %swap3A_351 = arith.index_cast %scan3A_288 : i32 to index
        %swap3A_352 = arith.constant 48 : index
        %swap3A_353 = tpu.vector_load %arg9[%swap3A_351, %swap3A_352] {strides = array<i32>} : memref<80x128xf32, #tpu.memory_space<vmem>>, vector<1x16xf32>,
        %swap3A_354 = vector.shape_cast %swap3A_353 : vector<1x16xf32> to vector<16xf32>
        %swap3A_355 = vector.shape_cast %max3A_350 : vector<16xf32> to vector<1x16xf32>
        tpu.vector_store %arg9[%swap3A_351, %swap3A_352], %swap3A_355 {strides = array<i32>} : memref<80x128xf32, #tpu.memory_space<vmem>>, vector<1x16xf32>,
        %get3A_356 = arith.index_cast %scan3A_288 : i32 to index
        %get3A_357 = arith.constant 64 : index
        %get3A_358 = tpu.vector_load %arg9[%get3A_356, %get3A_357] {strides = array<i32>} : memref<80x128xf32, #tpu.memory_space<vmem>>, vector<1x16xf32>,
        %get3A_359 = vector.shape_cast %get3A_358 : vector<1x16xf32> to vector<16xf32>
        %get3A_360 = arith.index_cast %scan3A_288 : i32 to index
        %get3A_361 = arith.constant 64 : index
        %get3A_362 = tpu.vector_load %arg10[%get3A_360, %get3A_361] {strides = array<i32>} : memref<80x128xf32, #tpu.memory_space<vmem>>, vector<1x16xf32>,
        %get3A_363 = vector.shape_cast %get3A_362 : vector<1x16xf32> to vector<16xf32>
        %add3A_364 = arith.addf %get3A_359, %get3A_363 : vector<16xf32>
        %max3A_365 = arith.constant 0.000000e+00 : f32
        %max3A_366 = vector.broadcast %max3A_365 : f32 to vector<16xf32>
        %max3A_367 = arith.maximumf %add3A_364, %max3A_366 : vector<16xf32>
        %swap3A_368 = arith.index_cast %scan3A_288 : i32 to index
        %swap3A_369 = arith.constant 64 : index
        %swap3A_370 = tpu.vector_load %arg9[%swap3A_368, %swap3A_369] {strides = array<i32>} : memref<80x128xf32, #tpu.memory_space<vmem>>, vector<1x16xf32>,
        %swap3A_371 = vector.shape_cast %swap3A_370 : vector<1x16xf32> to vector<16xf32>
        %swap3A_372 = vector.shape_cast %max3A_367 : vector<16xf32> to vector<1x16xf32>
        tpu.vector_store %arg9[%swap3A_368, %swap3A_369], %swap3A_372 {strides = array<i32>} : memref<80x128xf32, #tpu.memory_space<vmem>>, vector<1x16xf32>,
        %get3A_373 = arith.index_cast %scan3A_288 : i32 to index
        %get3A_374 = arith.constant 80 : index
        %get3A_375 = tpu.vector_load %arg9[%get3A_373, %get3A_374] {strides = array<i32>} : memref<80x128xf32, #tpu.memory_space<vmem>>, vector<1x16xf32>,
        %get3A_376 = vector.shape_cast %get3A_375 : vector<1x16xf32> to vector<16xf32>
        %get3A_377 = arith.index_cast %scan3A_288 : i32 to index
        %get3A_378 = arith.constant 80 : index
        %get3A_379 = tpu.vector_load %arg10[%get3A_377, %get3A_378] {strides = array<i32>} : memref<80x128xf32, #tpu.memory_space<vmem>>, vector<1x16xf32>,
        %get3A_380 = vector.shape_cast %get3A_379 : vector<1x16xf32> to vector<16xf32>
        %add3A_381 = arith.addf %get3A_376, %get3A_380 : vector<16xf32>
        %max3A_382 = arith.constant 0.000000e+00 : f32
        %max3A_383 = vector.broadcast %max3A_382 : f32 to vector<16xf32>
        %max3A_384 = arith.maximumf %add3A_381, %max3A_383 : vector<16xf32>
        %swap3A_385 = arith.index_cast %scan3A_288 : i32 to index
        %swap3A_386 = arith.constant 80 : index
        %swap3A_387 = tpu.vector_load %arg9[%swap3A_385, %swap3A_386] {strides = array<i32>} : memref<80x128xf32, #tpu.memory_space<vmem>>, vector<1x16xf32>,
        %swap3A_388 = vector.shape_cast %swap3A_387 : vector<1x16xf32> to vector<16xf32>
        %swap3A_389 = vector.shape_cast %max3A_384 : vector<16xf32> to vector<1x16xf32>
        tpu.vector_store %arg9[%swap3A_385, %swap3A_386], %swap3A_389 {strides = array<i32>} : memref<80x128xf32, #tpu.memory_space<vmem>>, vector<1x16xf32>,
        %get3A_390 = arith.index_cast %scan3A_288 : i32 to index
        %get3A_391 = arith.constant 96 : index
        %get3A_392 = tpu.vector_load %arg9[%get3A_390, %get3A_391] {strides = array<i32>} : memref<80x128xf32, #tpu.memory_space<vmem>>, vector<1x16xf32>,
        %get3A_393 = vector.shape_cast %get3A_392 : vector<1x16xf32> to vector<16xf32>
        %get3A_394 = arith.index_cast %scan3A_288 : i32 to index
        %get3A_395 = arith.constant 96 : index
        %get3A_396 = tpu.vector_load %arg10[%get3A_394, %get3A_395] {strides = array<i32>} : memref<80x128xf32, #tpu.memory_space<vmem>>, vector<1x16xf32>,
        %get3A_397 = vector.shape_cast %get3A_396 : vector<1x16xf32> to vector<16xf32>
        %add3A_398 = arith.addf %get3A_393, %get3A_397 : vector<16xf32>
        %max3A_399 = arith.constant 0.000000e+00 : f32
        %max3A_400 = vector.broadcast %max3A_399 : f32 to vector<16xf32>
        %max3A_401 = arith.maximumf %add3A_398, %max3A_400 : vector<16xf32>
        %swap3A_402 = arith.index_cast %scan3A_288 : i32 to index
        %swap3A_403 = arith.constant 96 : index
        %swap3A_404 = tpu.vector_load %arg9[%swap3A_402, %swap3A_403] {strides = array<i32>} : memref<80x128xf32, #tpu.memory_space<vmem>>, vector<1x16xf32>,
        %swap3A_405 = vector.shape_cast %swap3A_404 : vector<1x16xf32> to vector<16xf32>
        %swap3A_406 = vector.shape_cast %max3A_401 : vector<16xf32> to vector<1x16xf32>
        tpu.vector_store %arg9[%swap3A_402, %swap3A_403], %swap3A_406 {strides = array<i32>} : memref<80x128xf32, #tpu.memory_space<vmem>>, vector<1x16xf32>,
        %get3A_407 = arith.index_cast %scan3A_288 : i32 to index
        %get3A_408 = arith.constant 112 : index
        %get3A_409 = tpu.vector_load %arg9[%get3A_407, %get3A_408] {strides = array<i32>} : memref<80x128xf32, #tpu.memory_space<vmem>>, vector<1x16xf32>,
        %get3A_410 = vector.shape_cast %get3A_409 : vector<1x16xf32> to vector<16xf32>
        %get3A_411 = arith.index_cast %scan3A_288 : i32 to index
        %get3A_412 = arith.constant 112 : index
        %get3A_413 = tpu.vector_load %arg10[%get3A_411, %get3A_412] {strides = array<i32>} : memref<80x128xf32, #tpu.memory_space<vmem>>, vector<1x16xf32>,
        %get3A_414 = vector.shape_cast %get3A_413 : vector<1x16xf32> to vector<16xf32>
        %add3A_415 = arith.addf %get3A_410, %get3A_414 : vector<16xf32>
        %max3A_416 = arith.constant 0.000000e+00 : f32
        %max3A_417 = vector.broadcast %max3A_416 : f32 to vector<16xf32>
        %max3A_418 = arith.maximumf %add3A_415, %max3A_417 : vector<16xf32>
        %swap3A_419 = arith.index_cast %scan3A_288 : i32 to index
        %swap3A_420 = arith.constant 112 : index
        %swap3A_421 = tpu.vector_load %arg9[%swap3A_419, %swap3A_420] {strides = array<i32>} : memref<80x128xf32, #tpu.memory_space<vmem>>, vector<1x16xf32>,
        %swap3A_422 = vector.shape_cast %swap3A_421 : vector<1x16xf32> to vector<16xf32>
        %swap3A_423 = vector.shape_cast %max3A_418 : vector<16xf32> to vector<1x16xf32>
        tpu.vector_store %arg9[%swap3A_419, %swap3A_420], %swap3A_423 {strides = array<i32>} : memref<80x128xf32, #tpu.memory_space<vmem>>, vector<1x16xf32>,
      }
      %scan3A_194 = arith.constant 80 : i32
      %get3A_195 = arith.constant 0 : index
      %get3A_196 = tpu.vector_load %arg5[%get3A_195] {strides = array<i32>} : memref<80xi32, #tpu.memory_space<vmem>>, vector<16xi32>,
      %get3A_197 = vector.shape_cast %get3A_196 : vector<16xi32> to vector<16xi32>
      %swap3A_198 = arith.constant 0 : index
      %swap3A_199 = tpu.vector_load %arg8[%swap3A_198] {strides = array<i32>} : memref<80xi32, #tpu.memory_space<vmem>>, vector<16xi32>,
      %swap3A_200 = vector.shape_cast %swap3A_199 : vector<16xi32> to vector<16xi32>
      %swap3A_201 = vector.shape_cast %get3A_197 : vector<16xi32> to vector<16xi32>
      tpu.vector_store %arg8[%swap3A_198], %swap3A_201 {strides = array<i32>} : memref<80xi32, #tpu.memory_space<vmem>>, vector<16xi32>,
      %get3A_202 = arith.constant 16 : index
      %get3A_203 = tpu.vector_load %arg5[%get3A_202] {strides = array<i32>} : memref<80xi32, #tpu.memory_space<vmem>>, vector<16xi32>,
      %get3A_204 = vector.shape_cast %get3A_203 : vector<16xi32> to vector<16xi32>
      %swap3A_205 = arith.constant 16 : index
      %swap3A_206 = tpu.vector_load %arg8[%swap3A_205] {strides = array<i32>} : memref<80xi32, #tpu.memory_space<vmem>>, vector<16xi32>,
      %swap3A_207 = vector.shape_cast %swap3A_206 : vector<16xi32> to vector<16xi32>
      %swap3A_208 = vector.shape_cast %get3A_204 : vector<16xi32> to vector<16xi32>
      tpu.vector_store %arg8[%swap3A_205], %swap3A_208 {strides = array<i32>} : memref<80xi32, #tpu.memory_space<vmem>>, vector<16xi32>,
      %get3A_209 = arith.constant 32 : index
      %get3A_210 = tpu.vector_load %arg5[%get3A_209] {strides = array<i32>} : memref<80xi32, #tpu.memory_space<vmem>>, vector<16xi32>,
      %get3A_211 = vector.shape_cast %get3A_210 : vector<16xi32> to vector<16xi32>
      %swap3A_212 = arith.constant 32 : index
      %swap3A_213 = tpu.vector_load %arg8[%swap3A_212] {strides = array<i32>} : memref<80xi32, #tpu.memory_space<vmem>>, vector<16xi32>,
      %swap3A_214 = vector.shape_cast %swap3A_213 : vector<16xi32> to vector<16xi32>
      %swap3A_215 = vector.shape_cast %get3A_211 : vector<16xi32> to vector<16xi32>
      tpu.vector_store %arg8[%swap3A_212], %swap3A_215 {strides = array<i32>} : memref<80xi32, #tpu.memory_space<vmem>>, vector<16xi32>,
      %get3A_216 = arith.constant 48 : index
      %get3A_217 = tpu.vector_load %arg5[%get3A_216] {strides = array<i32>} : memref<80xi32, #tpu.memory_space<vmem>>, vector<16xi32>,
      %get3A_218 = vector.shape_cast %get3A_217 : vector<16xi32> to vector<16xi32>
      %swap3A_219 = arith.constant 48 : index
      %swap3A_220 = tpu.vector_load %arg8[%swap3A_219] {strides = array<i32>} : memref<80xi32, #tpu.memory_space<vmem>>, vector<16xi32>,
      %swap3A_221 = vector.shape_cast %swap3A_220 : vector<16xi32> to vector<16xi32>
      %swap3A_222 = vector.shape_cast %get3A_218 : vector<16xi32> to vector<16xi32>
      tpu.vector_store %arg8[%swap3A_219], %swap3A_222 {strides = array<i32>} : memref<80xi32, #tpu.memory_space<vmem>>, vector<16xi32>,
      %get3A_223 = arith.constant 64 : index
      %get3A_224 = tpu.vector_load %arg5[%get3A_223] {strides = array<i32>} : memref<80xi32, #tpu.memory_space<vmem>>, vector<16xi32>,
      %get3A_225 = vector.shape_cast %get3A_224 : vector<16xi32> to vector<16xi32>
      %swap3A_226 = arith.constant 64 : index
      %swap3A_227 = tpu.vector_load %arg8[%swap3A_226] {strides = array<i32>} : memref<80xi32, #tpu.memory_space<vmem>>, vector<16xi32>,
      %swap3A_228 = vector.shape_cast %swap3A_227 : vector<16xi32> to vector<16xi32>
      %swap3A_229 = vector.shape_cast %get3A_225 : vector<16xi32> to vector<16xi32>
      tpu.vector_store %arg8[%swap3A_226], %swap3A_229 {strides = array<i32>} : memref<80xi32, #tpu.memory_space<vmem>>, vector<16xi32>,
      %dma_start3A_230 = arith.constant 0 : i32
      %dma_start3A_231 = arith.constant 0 : i32
      %dma_start3A_232 = tpu.memref_slice %arg17[%dma_start3A_230, %dma_start3A_231] : memref<10000x128xf32, #tpu.memory_space<vmem_shared>> -> memref<10000x128xf32, #tpu.memory_space<vmem_shared>>
      tpu.enqueue_indirect_dma source(%arg9 : memref<80x128xf32, #tpu.memory_space<vmem>>) target(%dma_start3A_232 : memref<10000x128xf32, #tpu.memory_space<vmem_shared>>) offsets(%arg8 : memref<80xi32, #tpu.memory_space<vmem>>) semaphore(%arg20 : memref<!tpu.dma_semaphore, #tpu.memory_space<semaphore_mem>>) {add = true}
      %dma_wait3A_233 = arith.constant 0 : i32
      %dma_wait3A_234 = arith.constant 0 : i32
      %dma_wait3A_235 = tpu.memref_slice %arg2[%dma_wait3A_233, %dma_wait3A_234] : memref<40000x128xf32, #tpu.memory_space<hbm>> -> memref<40000x128xf32, #tpu.memory_space<hbm>>
      tpu.wait_indirect_dma semaphore(%arg21 : memref<!tpu.dma_semaphore, #tpu.memory_space<semaphore_mem>>) src(%dma_wait3A_235 : memref<40000x128xf32, #tpu.memory_space<hbm>>) dst(%arg15 : memref<80x128xf32, #tpu.memory_space<vmem>>)
      %dma_wait3A_236 = arith.constant 0 : i32
      %dma_wait3A_237 = arith.constant 0 : i32
      %dma_wait3A_238 = tpu.memref_slice %arg2[%dma_wait3A_236, %dma_wait3A_237] : memref<40000x128xf32, #tpu.memory_space<hbm>> -> memref<40000x128xf32, #tpu.memory_space<hbm>>
      tpu.wait_indirect_dma semaphore(%arg22 : memref<!tpu.dma_semaphore, #tpu.memory_space<semaphore_mem>>) src(%dma_wait3A_238 : memref<40000x128xf32, #tpu.memory_space<hbm>>) dst(%arg16 : memref<80x128xf32, #tpu.memory_space<vmem>>)
      %scan3A_239 = arith.constant 0 : i32
      %scan3A_240 = arith.constant 0 : i32
      %scan3A_241 = arith.constant 80 : i32
      %scan3A_242 = arith.addi %scan3A_240, %scan3A_241 : i32
      %scan3A_243 = arith.constant 1 : i32
      scf.for %scan3A_288 = %scan3A_240 to %scan3A_242 step %scan3A_243  : i32 {
        %get3A_289 = arith.index_cast %scan3A_288 : i32 to index
        %get3A_290 = arith.constant 0 : index
        %get3A_291 = tpu.vector_load %arg15[%get3A_289, %get3A_290] {strides = array<i32>} : memref<80x128xf32, #tpu.memory_space<vmem>>, vector<1x16xf32>,
        %get3A_292 = vector.shape_cast %get3A_291 : vector<1x16xf32> to vector<16xf32>
        %get3A_293 = arith.index_cast %scan3A_288 : i32 to index
        %get3A_294 = arith.constant 0 : index
        %get3A_295 = tpu.vector_load %arg16[%get3A_293, %get3A_294] {strides = array<i32>} : memref<80x128xf32, #tpu.memory_space<vmem>>, vector<1x16xf32>,
        %get3A_296 = vector.shape_cast %get3A_295 : vector<1x16xf32> to vector<16xf32>
        %add3A_297 = arith.addf %get3A_292, %get3A_296 : vector<16xf32>
        %max3A = arith.constant 0.000000e+00 : f32
        %max3A_298 = vector.broadcast %max3A : f32 to vector<16xf32>
        %max3A_299 = arith.maximumf %add3A_297, %max3A_298 : vector<16xf32>
        %swap3A_300 = arith.index_cast %scan3A_288 : i32 to index
        %swap3A_301 = arith.constant 0 : index
        %swap3A_302 = tpu.vector_load %arg15[%swap3A_300, %swap3A_301] {strides = array<i32>} : memref<80x128xf32, #tpu.memory_space<vmem>>, vector<1x16xf32>,
        %swap3A_303 = vector.shape_cast %swap3A_302 : vector<1x16xf32> to vector<16xf32>
        %swap3A_304 = vector.shape_cast %max3A_299 : vector<16xf32> to vector<1x16xf32>
        tpu.vector_store %arg15[%swap3A_300, %swap3A_301], %swap3A_304 {strides = array<i32>} : memref<80x128xf32, #tpu.memory_space<vmem>>, vector<1x16xf32>,
        %get3A_305 = arith.index_cast %scan3A_288 : i32 to index
        %get3A_306 = arith.constant 16 : index
        %get3A_307 = tpu.vector_load %arg15[%get3A_305, %get3A_306] {strides = array<i32>} : memref<80x128xf32, #tpu.memory_space<vmem>>, vector<1x16xf32>,
        %get3A_308 = vector.shape_cast %get3A_307 : vector<1x16xf32> to vector<16xf32>
        %get3A_309 = arith.index_cast %scan3A_288 : i32 to index
        %get3A_310 = arith.constant 16 : index
        %get3A_311 = tpu.vector_load %arg16[%get3A_309, %get3A_310] {strides = array<i32>} : memref<80x128xf32, #tpu.memory_space<vmem>>, vector<1x16xf32>,
        %get3A_312 = vector.shape_cast %get3A_311 : vector<1x16xf32> to vector<16xf32>
        %add3A_313 = arith.addf %get3A_308, %get3A_312 : vector<16xf32>
        %max3A_314 = arith.constant 0.000000e+00 : f32
        %max3A_315 = vector.broadcast %max3A_314 : f32 to vector<16xf32>
        %max3A_316 = arith.maximumf %add3A_313, %max3A_315 : vector<16xf32>
        %swap3A_317 = arith.index_cast %scan3A_288 : i32 to index
        %swap3A_318 = arith.constant 16 : index
        %swap3A_319 = tpu.vector_load %arg15[%swap3A_317, %swap3A_318] {strides = array<i32>} : memref<80x128xf32, #tpu.memory_space<vmem>>, vector<1x16xf32>,
        %swap3A_320 = vector.shape_cast %swap3A_319 : vector<1x16xf32> to vector<16xf32>
        %swap3A_321 = vector.shape_cast %max3A_316 : vector<16xf32> to vector<1x16xf32>
        tpu.vector_store %arg15[%swap3A_317, %swap3A_318], %swap3A_321 {strides = array<i32>} : memref<80x128xf32, #tpu.memory_space<vmem>>, vector<1x16xf32>,
        %get3A_322 = arith.index_cast %scan3A_288 : i32 to index
        %get3A_323 = arith.constant 32 : index
        %get3A_324 = tpu.vector_load %arg15[%get3A_322, %get3A_323] {strides = array<i32>} : memref<80x128xf32, #tpu.memory_space<vmem>>, vector<1x16xf32>,
        %get3A_325 = vector.shape_cast %get3A_324 : vector<1x16xf32> to vector<16xf32>
        %get3A_326 = arith.index_cast %scan3A_288 : i32 to index
        %get3A_327 = arith.constant 32 : index
        %get3A_328 = tpu.vector_load %arg16[%get3A_326, %get3A_327] {strides = array<i32>} : memref<80x128xf32, #tpu.memory_space<vmem>>, vector<1x16xf32>,
        %get3A_329 = vector.shape_cast %get3A_328 : vector<1x16xf32> to vector<16xf32>
        %add3A_330 = arith.addf %get3A_325, %get3A_329 : vector<16xf32>
        %max3A_331 = arith.constant 0.000000e+00 : f32
        %max3A_332 = vector.broadcast %max3A_331 : f32 to vector<16xf32>
        %max3A_333 = arith.maximumf %add3A_330, %max3A_332 : vector<16xf32>
        %swap3A_334 = arith.index_cast %scan3A_288 : i32 to index
        %swap3A_335 = arith.constant 32 : index
        %swap3A_336 = tpu.vector_load %arg15[%swap3A_334, %swap3A_335] {strides = array<i32>} : memref<80x128xf32, #tpu.memory_space<vmem>>, vector<1x16xf32>,
        %swap3A_337 = vector.shape_cast %swap3A_336 : vector<1x16xf32> to vector<16xf32>
        %swap3A_338 = vector.shape_cast %max3A_333 : vector<16xf32> to vector<1x16xf32>
        tpu.vector_store %arg15[%swap3A_334, %swap3A_335], %swap3A_338 {strides = array<i32>} : memref<80x128xf32, #tpu.memory_space<vmem>>, vector<1x16xf32>,
        %get3A_339 = arith.index_cast %scan3A_288 : i32 to index
        %get3A_340 = arith.constant 48 : index
        %get3A_341 = tpu.vector_load %arg15[%get3A_339, %get3A_340] {strides = array<i32>} : memref<80x128xf32, #tpu.memory_space<vmem>>, vector<1x16xf32>,
        %get3A_342 = vector.shape_cast %get3A_341 : vector<1x16xf32> to vector<16xf32>
        %get3A_343 = arith.index_cast %scan3A_288 : i32 to index
        %get3A_344 = arith.constant 48 : index
        %get3A_345 = tpu.vector_load %arg16[%get3A_343, %get3A_344] {strides = array<i32>} : memref<80x128xf32, #tpu.memory_space<vmem>>, vector<1x16xf32>,
        %get3A_346 = vector.shape_cast %get3A_345 : vector<1x16xf32> to vector<16xf32>
        %add3A_347 = arith.addf %get3A_342, %get3A_346 : vector<16xf32>
        %max3A_348 = arith.constant 0.000000e+00 : f32
        %max3A_349 = vector.broadcast %max3A_348 : f32 to vector<16xf32>
        %max3A_350 = arith.maximumf %add3A_347, %max3A_349 : vector<16xf32>
        %swap3A_351 = arith.index_cast %scan3A_288 : i32 to index
        %swap3A_352 = arith.constant 48 : index
        %swap3A_353 = tpu.vector_load %arg15[%swap3A_351, %swap3A_352] {strides = array<i32>} : memref<80x128xf32, #tpu.memory_space<vmem>>, vector<1x16xf32>,
        %swap3A_354 = vector.shape_cast %swap3A_353 : vector<1x16xf32> to vector<16xf32>
        %swap3A_355 = vector.shape_cast %max3A_350 : vector<16xf32> to vector<1x16xf32>
        tpu.vector_store %arg15[%swap3A_351, %swap3A_352], %swap3A_355 {strides = array<i32>} : memref<80x128xf32, #tpu.memory_space<vmem>>, vector<1x16xf32>,
        %get3A_356 = arith.index_cast %scan3A_288 : i32 to index
        %get3A_357 = arith.constant 64 : index
        %get3A_358 = tpu.vector_load %arg15[%get3A_356, %get3A_357] {strides = array<i32>} : memref<80x128xf32, #tpu.memory_space<vmem>>, vector<1x16xf32>,
        %get3A_359 = vector.shape_cast %get3A_358 : vector<1x16xf32> to vector<16xf32>
        %get3A_360 = arith.index_cast %scan3A_288 : i32 to index
        %get3A_361 = arith.constant 64 : index
        %get3A_362 = tpu.vector_load %arg16[%get3A_360, %get3A_361] {strides = array<i32>} : memref<80x128xf32, #tpu.memory_space<vmem>>, vector<1x16xf32>,
        %get3A_363 = vector.shape_cast %get3A_362 : vector<1x16xf32> to vector<16xf32>
        %add3A_364 = arith.addf %get3A_359, %get3A_363 : vector<16xf32>
        %max3A_365 = arith.constant 0.000000e+00 : f32
        %max3A_366 = vector.broadcast %max3A_365 : f32 to vector<16xf32>
        %max3A_367 = arith.maximumf %add3A_364, %max3A_366 : vector<16xf32>
        %swap3A_368 = arith.index_cast %scan3A_288 : i32 to index
        %swap3A_369 = arith.constant 64 : index
        %swap3A_370 = tpu.vector_load %arg15[%swap3A_368, %swap3A_369] {strides = array<i32>} : memref<80x128xf32, #tpu.memory_space<vmem>>, vector<1x16xf32>,
        %swap3A_371 = vector.shape_cast %swap3A_370 : vector<1x16xf32> to vector<16xf32>
        %swap3A_372 = vector.shape_cast %max3A_367 : vector<16xf32> to vector<1x16xf32>
        tpu.vector_store %arg15[%swap3A_368, %swap3A_369], %swap3A_372 {strides = array<i32>} : memref<80x128xf32, #tpu.memory_space<vmem>>, vector<1x16xf32>,
        %get3A_373 = arith.index_cast %scan3A_288 : i32 to index
        %get3A_374 = arith.constant 80 : index
        %get3A_375 = tpu.vector_load %arg15[%get3A_373, %get3A_374] {strides = array<i32>} : memref<80x128xf32, #tpu.memory_space<vmem>>, vector<1x16xf32>,
        %get3A_376 = vector.shape_cast %get3A_375 : vector<1x16xf32> to vector<16xf32>
        %get3A_377 = arith.index_cast %scan3A_288 : i32 to index
        %get3A_378 = arith.constant 80 : index
        %get3A_379 = tpu.vector_load %arg16[%get3A_377, %get3A_378] {strides = array<i32>} : memref<80x128xf32, #tpu.memory_space<vmem>>, vector<1x16xf32>,
        %get3A_380 = vector.shape_cast %get3A_379 : vector<1x16xf32> to vector<16xf32>
        %add3A_381 = arith.addf %get3A_376, %get3A_380 : vector<16xf32>
        %max3A_382 = arith.constant 0.000000e+00 : f32
        %max3A_383 = vector.broadcast %max3A_382 : f32 to vector<16xf32>
        %max3A_384 = arith.maximumf %add3A_381, %max3A_383 : vector<16xf32>
        %swap3A_385 = arith.index_cast %scan3A_288 : i32 to index
        %swap3A_386 = arith.constant 80 : index
        %swap3A_387 = tpu.vector_load %arg15[%swap3A_385, %swap3A_386] {strides = array<i32>} : memref<80x128xf32, #tpu.memory_space<vmem>>, vector<1x16xf32>,
        %swap3A_388 = vector.shape_cast %swap3A_387 : vector<1x16xf32> to vector<16xf32>
        %swap3A_389 = vector.shape_cast %max3A_384 : vector<16xf32> to vector<1x16xf32>
        tpu.vector_store %arg15[%swap3A_385, %swap3A_386], %swap3A_389 {strides = array<i32>} : memref<80x128xf32, #tpu.memory_space<vmem>>, vector<1x16xf32>,
        %get3A_390 = arith.index_cast %scan3A_288 : i32 to index
        %get3A_391 = arith.constant 96 : index
        %get3A_392 = tpu.vector_load %arg15[%get3A_390, %get3A_391] {strides = array<i32>} : memref<80x128xf32, #tpu.memory_space<vmem>>, vector<1x16xf32>,
        %get3A_393 = vector.shape_cast %get3A_392 : vector<1x16xf32> to vector<16xf32>
        %get3A_394 = arith.index_cast %scan3A_288 : i32 to index
        %get3A_395 = arith.constant 96 : index
        %get3A_396 = tpu.vector_load %arg16[%get3A_394, %get3A_395] {strides = array<i32>} : memref<80x128xf32, #tpu.memory_space<vmem>>, vector<1x16xf32>,
        %get3A_397 = vector.shape_cast %get3A_396 : vector<1x16xf32> to vector<16xf32>
        %add3A_398 = arith.addf %get3A_393, %get3A_397 : vector<16xf32>
        %max3A_399 = arith.constant 0.000000e+00 : f32
        %max3A_400 = vector.broadcast %max3A_399 : f32 to vector<16xf32>
        %max3A_401 = arith.maximumf %add3A_398, %max3A_400 : vector<16xf32>
        %swap3A_402 = arith.index_cast %scan3A_288 : i32 to index
        %swap3A_403 = arith.constant 96 : index
        %swap3A_404 = tpu.vector_load %arg15[%swap3A_402, %swap3A_403] {strides = array<i32>} : memref<80x128xf32, #tpu.memory_space<vmem>>, vector<1x16xf32>,
        %swap3A_405 = vector.shape_cast %swap3A_404 : vector<1x16xf32> to vector<16xf32>
        %swap3A_406 = vector.shape_cast %max3A_401 : vector<16xf32> to vector<1x16xf32>
        tpu.vector_store %arg15[%swap3A_402, %swap3A_403], %swap3A_406 {strides = array<i32>} : memref<80x128xf32, #tpu.memory_space<vmem>>, vector<1x16xf32>,
        %get3A_407 = arith.index_cast %scan3A_288 : i32 to index
        %get3A_408 = arith.constant 112 : index
        %get3A_409 = tpu.vector_load %arg15[%get3A_407, %get3A_408] {strides = array<i32>} : memref<80x128xf32, #tpu.memory_space<vmem>>, vector<1x16xf32>,
        %get3A_410 = vector.shape_cast %get3A_409 : vector<1x16xf32> to vector<16xf32>
        %get3A_411 = arith.index_cast %scan3A_288 : i32 to index
        %get3A_412 = arith.constant 112 : index
        %get3A_413 = tpu.vector_load %arg16[%get3A_411, %get3A_412] {strides = array<i32>} : memref<80x128xf32, #tpu.memory_space<vmem>>, vector<1x16xf32>,
        %get3A_414 = vector.shape_cast %get3A_413 : vector<1x16xf32> to vector<16xf32>
        %add3A_415 = arith.addf %get3A_410, %get3A_414 : vector<16xf32>
        %max3A_416 = arith.constant 0.000000e+00 : f32
        %max3A_417 = vector.broadcast %max3A_416 : f32 to vector<16xf32>
        %max3A_418 = arith.maximumf %add3A_415, %max3A_417 : vector<16xf32>
        %swap3A_419 = arith.index_cast %scan3A_288 : i32 to index
        %swap3A_420 = arith.constant 112 : index
        %swap3A_421 = tpu.vector_load %arg15[%swap3A_419, %swap3A_420] {strides = array<i32>} : memref<80x128xf32, #tpu.memory_space<vmem>>, vector<1x16xf32>,
        %swap3A_422 = vector.shape_cast %swap3A_421 : vector<1x16xf32> to vector<16xf32>
        %swap3A_423 = vector.shape_cast %max3A_418 : vector<16xf32> to vector<1x16xf32>
        tpu.vector_store %arg15[%swap3A_419, %swap3A_420], %swap3A_423 {strides = array<i32>} : memref<80x128xf32, #tpu.memory_space<vmem>>, vector<1x16xf32>,
      }
      %scan3A_244 = arith.constant 80 : i32
      %get3A_245 = arith.constant 0 : index
      %get3A_246 = tpu.vector_load %arg11[%get3A_245] {strides = array<i32>} : memref<80xi32, #tpu.memory_space<vmem>>, vector<16xi32>,
      %get3A_247 = vector.shape_cast %get3A_246 : vector<16xi32> to vector<16xi32>
      %swap3A_248 = arith.constant 0 : index
      %swap3A_249 = tpu.vector_load %arg14[%swap3A_248] {strides = array<i32>} : memref<80xi32, #tpu.memory_space<vmem>>, vector<16xi32>,
      %swap3A_250 = vector.shape_cast %swap3A_249 : vector<16xi32> to vector<16xi32>
      %swap3A_251 = vector.shape_cast %get3A_247 : vector<16xi32> to vector<16xi32>
      tpu.vector_store %arg14[%swap3A_248], %swap3A_251 {strides = array<i32>} : memref<80xi32, #tpu.memory_space<vmem>>, vector<16xi32>,
      %get3A_252 = arith.constant 16 : index
      %get3A_253 = tpu.vector_load %arg11[%get3A_252] {strides = array<i32>} : memref<80xi32, #tpu.memory_space<vmem>>, vector<16xi32>,
      %get3A_254 = vector.shape_cast %get3A_253 : vector<16xi32> to vector<16xi32>
      %swap3A_255 = arith.constant 16 : index
      %swap3A_256 = tpu.vector_load %arg14[%swap3A_255] {strides = array<i32>} : memref<80xi32, #tpu.memory_space<vmem>>, vector<16xi32>,
      %swap3A_257 = vector.shape_cast %swap3A_256 : vector<16xi32> to vector<16xi32>
      %swap3A_258 = vector.shape_cast %get3A_254 : vector<16xi32> to vector<16xi32>
      tpu.vector_store %arg14[%swap3A_255], %swap3A_258 {strides = array<i32>} : memref<80xi32, #tpu.memory_space<vmem>>, vector<16xi32>,
      %get3A_259 = arith.constant 32 : index
      %get3A_260 = tpu.vector_load %arg11[%get3A_259] {strides = array<i32>} : memref<80xi32, #tpu.memory_space<vmem>>, vector<16xi32>,
      %get3A_261 = vector.shape_cast %get3A_260 : vector<16xi32> to vector<16xi32>
      %swap3A_262 = arith.constant 32 : index
      %swap3A_263 = tpu.vector_load %arg14[%swap3A_262] {strides = array<i32>} : memref<80xi32, #tpu.memory_space<vmem>>, vector<16xi32>,
      %swap3A_264 = vector.shape_cast %swap3A_263 : vector<16xi32> to vector<16xi32>
      %swap3A_265 = vector.shape_cast %get3A_261 : vector<16xi32> to vector<16xi32>
      tpu.vector_store %arg14[%swap3A_262], %swap3A_265 {strides = array<i32>} : memref<80xi32, #tpu.memory_space<vmem>>, vector<16xi32>,
      %get3A_266 = arith.constant 48 : index
      %get3A_267 = tpu.vector_load %arg11[%get3A_266] {strides = array<i32>} : memref<80xi32, #tpu.memory_space<vmem>>, vector<16xi32>,
      %get3A_268 = vector.shape_cast %get3A_267 : vector<16xi32> to vector<16xi32>
      %swap3A_269 = arith.constant 48 : index
      %swap3A_270 = tpu.vector_load %arg14[%swap3A_269] {strides = array<i32>} : memref<80xi32, #tpu.memory_space<vmem>>, vector<16xi32>,
      %swap3A_271 = vector.shape_cast %swap3A_270 : vector<16xi32> to vector<16xi32>
      %swap3A_272 = vector.shape_cast %get3A_268 : vector<16xi32> to vector<16xi32>
      tpu.vector_store %arg14[%swap3A_269], %swap3A_272 {strides = array<i32>} : memref<80xi32, #tpu.memory_space<vmem>>, vector<16xi32>,
      %get3A_273 = arith.constant 64 : index
      %get3A_274 = tpu.vector_load %arg11[%get3A_273] {strides = array<i32>} : memref<80xi32, #tpu.memory_space<vmem>>, vector<16xi32>,
      %get3A_275 = vector.shape_cast %get3A_274 : vector<16xi32> to vector<16xi32>
      %swap3A_276 = arith.constant 64 : index
      %swap3A_277 = tpu.vector_load %arg14[%swap3A_276] {strides = array<i32>} : memref<80xi32, #tpu.memory_space<vmem>>, vector<16xi32>,
      %swap3A_278 = vector.shape_cast %swap3A_277 : vector<16xi32> to vector<16xi32>
      %swap3A_279 = vector.shape_cast %get3A_275 : vector<16xi32> to vector<16xi32>
      tpu.vector_store %arg14[%swap3A_276], %swap3A_279 {strides = array<i32>} : memref<80xi32, #tpu.memory_space<vmem>>, vector<16xi32>,
      %dma_start3A_280 = arith.constant 0 : i32
      %dma_start3A_281 = arith.constant 0 : i32
      %dma_start3A_282 = tpu.memref_slice %arg17[%dma_start3A_280, %dma_start3A_281] : memref<10000x128xf32, #tpu.memory_space<vmem_shared>> -> memref<10000x128xf32, #tpu.memory_space<vmem_shared>>
      tpu.enqueue_indirect_dma source(%arg15 : memref<80x128xf32, #tpu.memory_space<vmem>>) target(%dma_start3A_282 : memref<10000x128xf32, #tpu.memory_space<vmem_shared>>) offsets(%arg14 : memref<80xi32, #tpu.memory_space<vmem>>) semaphore(%arg23 : memref<!tpu.dma_semaphore, #tpu.memory_space<semaphore_mem>>) {add = true}
      %lt3A_283 = arith.constant 61 : i32
      %lt3A_284 = arith.cmpi slt, %scan3A_115, %lt3A_283 : i32
      %convert_element_type3A_285 = arith.extui %lt3A_284 : i1 to i32
      %cond3A_286 = arith.constant 0 : i32
      %cond3A_287 = arith.cmpi ne, %convert_element_type3A_285, %cond3A_286 : i32
      scf.if %cond3A_287 {
        %dma_wait3A_288 = arith.constant 0 : i32
        %dma_wait3A_289 = arith.constant 0 : i32
        %dma_wait3A_290 = tpu.memref_slice %arg17[%dma_wait3A_288, %dma_wait3A_289] : memref<10000x128xf32, #tpu.memory_space<vmem_shared>> -> memref<10000x128xf32, #tpu.memory_space<vmem_shared>>
        tpu.wait_indirect_dma semaphore(%arg20 : memref<!tpu.dma_semaphore, #tpu.memory_space<semaphore_mem>>) src(%arg9 : memref<80x128xf32, #tpu.memory_space<vmem>>) dst(%dma_wait3A_290 : memref<10000x128xf32, #tpu.memory_space<vmem_shared>>)
        %mul3A_291 = arith.constant 2 : i32
        %mul3A_292 = arith.muli %mul3A_291, %scan3A_115 : i32
        %add3A_293 = arith.constant 2 : i32
        %add3A_294 = arith.addi %mul3A_292, %add3A_293 : i32
        %mul3A_295 = arith.constant 80 : i32
        %mul3A_296 = arith.muli %add3A_294, %mul3A_295 : i32
        %add3A_297 = arith.addi %mul3A_37, %mul3A_296 : i32
        "tpu.region"() ({
          %run_scoped3A = tpu.sem_alloc : memref<!tpu.dma_semaphore, #tpu.memory_space<semaphore_mem>>
          %dma_start3A_354 = tpu.memref_slice %arg3[%add3A_297] : memref<480000xi32, #tpu.memory_space<hbm>> -> memref<80xi32, #tpu.memory_space<hbm>>
          %dma_start3A_355 = tpu.memref_slice %arg3[%add3A_297] : memref<480000xi32, #tpu.memory_space<hbm>> -> memref<80xi32, #tpu.memory_space<hbm>>
          tpu.enqueue_dma source(%dma_start3A_355 : memref<80xi32, #tpu.memory_space<hbm>>) target(%arg5 : memref<80xi32, #tpu.memory_space<vmem>>) target_semaphore(%run_scoped3A : memref<!tpu.dma_semaphore, #tpu.memory_space<semaphore_mem>>)
          %dma_wait3A_356 = tpu.memref_slice %arg3[%add3A_297] : memref<480000xi32, #tpu.memory_space<hbm>> -> memref<80xi32, #tpu.memory_space<hbm>>
          %dma_wait3A_357 = tpu.memref_slice %arg3[%add3A_297] : memref<480000xi32, #tpu.memory_space<hbm>> -> memref<80xi32, #tpu.memory_space<hbm>>
          tpu.wait_dma2 semaphore(%run_scoped3A : memref<!tpu.dma_semaphore, #tpu.memory_space<semaphore_mem>>) src(%dma_wait3A_357 : memref<80xi32, #tpu.memory_space<hbm>>) dst(%arg5 : memref<80xi32, #tpu.memory_space<vmem>>)
          tpu.yield
        }) : () -> ()
        %add3A_298 = arith.constant 1 : i32
        %add3A_299 = arith.addi %add3A_298, %arg0 : i32
        %mul3A_300 = arith.constant 160000 : i32
        %mul3A_301 = arith.muli %add3A_299, %mul3A_300 : i32
        %add3A_302 = arith.addi %mul3A_301, %add3A_297 : i32
        "tpu.region"() ({
          %run_scoped3A = tpu.sem_alloc : memref<!tpu.dma_semaphore, #tpu.memory_space<semaphore_mem>>
          %dma_start3A_354 = tpu.memref_slice %arg3[%add3A_302] : memref<480000xi32, #tpu.memory_space<hbm>> -> memref<80xi32, #tpu.memory_space<hbm>>
          %dma_start3A_355 = tpu.memref_slice %arg3[%add3A_302] : memref<480000xi32, #tpu.memory_space<hbm>> -> memref<80xi32, #tpu.memory_space<hbm>>
          tpu.enqueue_dma source(%dma_start3A_355 : memref<80xi32, #tpu.memory_space<hbm>>) target(%arg7 : memref<80xi32, #tpu.memory_space<vmem>>) target_semaphore(%run_scoped3A : memref<!tpu.dma_semaphore, #tpu.memory_space<semaphore_mem>>)
          %dma_wait3A_356 = tpu.memref_slice %arg3[%add3A_302] : memref<480000xi32, #tpu.memory_space<hbm>> -> memref<80xi32, #tpu.memory_space<hbm>>
          %dma_wait3A_357 = tpu.memref_slice %arg3[%add3A_302] : memref<480000xi32, #tpu.memory_space<hbm>> -> memref<80xi32, #tpu.memory_space<hbm>>
          tpu.wait_dma2 semaphore(%run_scoped3A : memref<!tpu.dma_semaphore, #tpu.memory_space<semaphore_mem>>) src(%dma_wait3A_357 : memref<80xi32, #tpu.memory_space<hbm>>) dst(%arg7 : memref<80xi32, #tpu.memory_space<vmem>>)
          tpu.yield
        }) : () -> ()
        %get3A_303 = arith.constant 0 : index
        %get3A_304 = tpu.vector_load %arg5[%get3A_303] {strides = array<i32>} : memref<80xi32, #tpu.memory_space<vmem>>, vector<16xi32>,
        %get3A_305 = vector.shape_cast %get3A_304 : vector<16xi32> to vector<16xi32>
        %add3A_306 = vector.broadcast %mul3A_0 : i32 to vector<16xi32>
        %add3A_307 = arith.addi %get3A_305, %add3A_306 : vector<16xi32>
        %swap3A_308 = arith.constant 0 : index
        %swap3A_309 = tpu.vector_load %arg6[%swap3A_308] {strides = array<i32>} : memref<80xi32, #tpu.memory_space<vmem>>, vector<16xi32>,
        %swap3A_310 = vector.shape_cast %swap3A_309 : vector<16xi32> to vector<16xi32>
        %swap3A_311 = vector.shape_cast %add3A_307 : vector<16xi32> to vector<16xi32>
        tpu.vector_store %arg6[%swap3A_308], %swap3A_311 {strides = array<i32>} : memref<80xi32, #tpu.memory_space<vmem>>, vector<16xi32>,
        %get3A_312 = arith.constant 16 : index
        %get3A_313 = tpu.vector_load %arg5[%get3A_312] {strides = array<i32>} : memref<80xi32, #tpu.memory_space<vmem>>, vector<16xi32>,
        %get3A_314 = vector.shape_cast %get3A_313 : vector<16xi32> to vector<16xi32>
        %add3A_315 = vector.broadcast %mul3A_0 : i32 to vector<16xi32>
        %add3A_316 = arith.addi %get3A_314, %add3A_315 : vector<16xi32>
        %swap3A_317 = arith.constant 16 : index
        %swap3A_318 = tpu.vector_load %arg6[%swap3A_317] {strides = array<i32>} : memref<80xi32, #tpu.memory_space<vmem>>, vector<16xi32>,
        %swap3A_319 = vector.shape_cast %swap3A_318 : vector<16xi32> to vector<16xi32>
        %swap3A_320 = vector.shape_cast %add3A_316 : vector<16xi32> to vector<16xi32>
        tpu.vector_store %arg6[%swap3A_317], %swap3A_320 {strides = array<i32>} : memref<80xi32, #tpu.memory_space<vmem>>, vector<16xi32>,
        %get3A_321 = arith.constant 32 : index
        %get3A_322 = tpu.vector_load %arg5[%get3A_321] {strides = array<i32>} : memref<80xi32, #tpu.memory_space<vmem>>, vector<16xi32>,
        %get3A_323 = vector.shape_cast %get3A_322 : vector<16xi32> to vector<16xi32>
        %add3A_324 = vector.broadcast %mul3A_0 : i32 to vector<16xi32>
        %add3A_325 = arith.addi %get3A_323, %add3A_324 : vector<16xi32>
        %swap3A_326 = arith.constant 32 : index
        %swap3A_327 = tpu.vector_load %arg6[%swap3A_326] {strides = array<i32>} : memref<80xi32, #tpu.memory_space<vmem>>, vector<16xi32>,
        %swap3A_328 = vector.shape_cast %swap3A_327 : vector<16xi32> to vector<16xi32>
        %swap3A_329 = vector.shape_cast %add3A_325 : vector<16xi32> to vector<16xi32>
        tpu.vector_store %arg6[%swap3A_326], %swap3A_329 {strides = array<i32>} : memref<80xi32, #tpu.memory_space<vmem>>, vector<16xi32>,
        %get3A_330 = arith.constant 48 : index
        %get3A_331 = tpu.vector_load %arg5[%get3A_330] {strides = array<i32>} : memref<80xi32, #tpu.memory_space<vmem>>, vector<16xi32>,
        %get3A_332 = vector.shape_cast %get3A_331 : vector<16xi32> to vector<16xi32>
        %add3A_333 = vector.broadcast %mul3A_0 : i32 to vector<16xi32>
        %add3A_334 = arith.addi %get3A_332, %add3A_333 : vector<16xi32>
        %swap3A_335 = arith.constant 48 : index
        %swap3A_336 = tpu.vector_load %arg6[%swap3A_335] {strides = array<i32>} : memref<80xi32, #tpu.memory_space<vmem>>, vector<16xi32>,
        %swap3A_337 = vector.shape_cast %swap3A_336 : vector<16xi32> to vector<16xi32>
        %swap3A_338 = vector.shape_cast %add3A_334 : vector<16xi32> to vector<16xi32>
        tpu.vector_store %arg6[%swap3A_335], %swap3A_338 {strides = array<i32>} : memref<80xi32, #tpu.memory_space<vmem>>, vector<16xi32>,
        %get3A_339 = arith.constant 64 : index
        %get3A_340 = tpu.vector_load %arg5[%get3A_339] {strides = array<i32>} : memref<80xi32, #tpu.memory_space<vmem>>, vector<16xi32>,
        %get3A_341 = vector.shape_cast %get3A_340 : vector<16xi32> to vector<16xi32>
        %add3A_342 = vector.broadcast %mul3A_0 : i32 to vector<16xi32>
        %add3A_343 = arith.addi %get3A_341, %add3A_342 : vector<16xi32>
        %swap3A_344 = arith.constant 64 : index
        %swap3A_345 = tpu.vector_load %arg6[%swap3A_344] {strides = array<i32>} : memref<80xi32, #tpu.memory_space<vmem>>, vector<16xi32>,
        %swap3A_346 = vector.shape_cast %swap3A_345 : vector<16xi32> to vector<16xi32>
        %swap3A_347 = vector.shape_cast %add3A_343 : vector<16xi32> to vector<16xi32>
        tpu.vector_store %arg6[%swap3A_344], %swap3A_347 {strides = array<i32>} : memref<80xi32, #tpu.memory_space<vmem>>, vector<16xi32>,
        %dma_start3A_348 = arith.constant 0 : i32
        %dma_start3A_349 = arith.constant 0 : i32
        %dma_start3A_350 = tpu.memref_slice %arg2[%dma_start3A_348, %dma_start3A_349] : memref<40000x128xf32, #tpu.memory_space<hbm>> -> memref<40000x128xf32, #tpu.memory_space<hbm>>
        tpu.enqueue_indirect_dma source(%dma_start3A_350 : memref<40000x128xf32, #tpu.memory_space<hbm>>) target(%arg9 : memref<80x128xf32, #tpu.memory_space<vmem>>) offsets(%arg6 : memref<80xi32, #tpu.memory_space<vmem>>) semaphore(%arg18 : memref<!tpu.dma_semaphore, #tpu.memory_space<semaphore_mem>>)
        %dma_start3A_351 = arith.constant 0 : i32
        %dma_start3A_352 = arith.constant 0 : i32
        %dma_start3A_353 = tpu.memref_slice %arg2[%dma_start3A_351, %dma_start3A_352] : memref<40000x128xf32, #tpu.memory_space<hbm>> -> memref<40000x128xf32, #tpu.memory_space<hbm>>
        tpu.enqueue_indirect_dma source(%dma_start3A_353 : memref<40000x128xf32, #tpu.memory_space<hbm>>) target(%arg10 : memref<80x128xf32, #tpu.memory_space<vmem>>) offsets(%arg7 : memref<80xi32, #tpu.memory_space<vmem>>) semaphore(%arg19 : memref<!tpu.dma_semaphore, #tpu.memory_space<semaphore_mem>>)
      } else {
      }
    }
    %scan3A_96 = arith.constant 62 : i32
    %dma_wait3A = arith.constant 0 : i32
    %dma_wait3A_97 = arith.constant 0 : i32
    %dma_wait3A_98 = tpu.memref_slice %arg17[%dma_wait3A, %dma_wait3A_97] : memref<10000x128xf32, #tpu.memory_space<vmem_shared>> -> memref<10000x128xf32, #tpu.memory_space<vmem_shared>>
    tpu.wait_indirect_dma semaphore(%arg20 : memref<!tpu.dma_semaphore, #tpu.memory_space<semaphore_mem>>) src(%arg9 : memref<80x128xf32, #tpu.memory_space<vmem>>) dst(%dma_wait3A_98 : memref<10000x128xf32, #tpu.memory_space<vmem_shared>>)
    %dma_wait3A_99 = arith.constant 0 : i32
    %dma_wait3A_100 = arith.constant 0 : i32
    %dma_wait3A_101 = tpu.memref_slice %arg17[%dma_wait3A_99, %dma_wait3A_100] : memref<10000x128xf32, #tpu.memory_space<vmem_shared>> -> memref<10000x128xf32, #tpu.memory_space<vmem_shared>>
    tpu.wait_indirect_dma semaphore(%arg23 : memref<!tpu.dma_semaphore, #tpu.memory_space<semaphore_mem>>) src(%arg15 : memref<80x128xf32, #tpu.memory_space<vmem>>) dst(%dma_wait3A_101 : memref<10000x128xf32, #tpu.memory_space<vmem_shared>>)
    %lt3A = arith.constant 16 : i32
    %lt3A_102 = arith.cmpi slt, %arg1, %lt3A : i32
    %convert_element_type3A = arith.extui %lt3A_102 : i1 to i32
    %cond3A = arith.constant 0 : i32
    %cond3A_103 = arith.cmpi ne, %convert_element_type3A, %cond3A : i32
    scf.if %cond3A_103 {
      %add3A_115 = arith.constant 1984 : i32
      %add3A_116 = arith.addi %add3A_115, %arg1 : i32
      %mul3A_117 = arith.constant 80 : i32
      %mul3A_118 = arith.muli %add3A_116, %mul3A_117 : i32
      "tpu.region"() ({
        %run_scoped3A = tpu.sem_alloc : memref<!tpu.dma_semaphore, #tpu.memory_space<semaphore_mem>>
        %dma_start3A_187 = tpu.memref_slice %arg3[%mul3A_118] : memref<480000xi32, #tpu.memory_space<hbm>> -> memref<80xi32, #tpu.memory_space<hbm>>
        %dma_start3A_188 = tpu.memref_slice %arg3[%mul3A_118] : memref<480000xi32, #tpu.memory_space<hbm>> -> memref<80xi32, #tpu.memory_space<hbm>>
        tpu.enqueue_dma source(%dma_start3A_188 : memref<80xi32, #tpu.memory_space<hbm>>) target(%arg5 : memref<80xi32, #tpu.memory_space<vmem>>) target_semaphore(%run_scoped3A : memref<!tpu.dma_semaphore, #tpu.memory_space<semaphore_mem>>)
        %dma_wait3A_189 = tpu.memref_slice %arg3[%mul3A_118] : memref<480000xi32, #tpu.memory_space<hbm>> -> memref<80xi32, #tpu.memory_space<hbm>>
        %dma_wait3A_190 = tpu.memref_slice %arg3[%mul3A_118] : memref<480000xi32, #tpu.memory_space<hbm>> -> memref<80xi32, #tpu.memory_space<hbm>>
        tpu.wait_dma2 semaphore(%run_scoped3A : memref<!tpu.dma_semaphore, #tpu.memory_space<semaphore_mem>>) src(%dma_wait3A_190 : memref<80xi32, #tpu.memory_space<hbm>>) dst(%arg5 : memref<80xi32, #tpu.memory_space<vmem>>)
        tpu.yield
      }) : () -> ()
      %add3A_119 = arith.constant 1 : i32
      %add3A_120 = arith.addi %add3A_119, %arg0 : i32
      %mul3A_121 = arith.constant 160000 : i32
      %mul3A_122 = arith.muli %add3A_120, %mul3A_121 : i32
      %add3A_123 = arith.addi %mul3A_122, %mul3A_118 : i32
      "tpu.region"() ({
        %run_scoped3A = tpu.sem_alloc : memref<!tpu.dma_semaphore, #tpu.memory_space<semaphore_mem>>
        %dma_start3A_187 = tpu.memref_slice %arg3[%add3A_123] : memref<480000xi32, #tpu.memory_space<hbm>> -> memref<80xi32, #tpu.memory_space<hbm>>
        %dma_start3A_188 = tpu.memref_slice %arg3[%add3A_123] : memref<480000xi32, #tpu.memory_space<hbm>> -> memref<80xi32, #tpu.memory_space<hbm>>
        tpu.enqueue_dma source(%dma_start3A_188 : memref<80xi32, #tpu.memory_space<hbm>>) target(%arg7 : memref<80xi32, #tpu.memory_space<vmem>>) target_semaphore(%run_scoped3A : memref<!tpu.dma_semaphore, #tpu.memory_space<semaphore_mem>>)
        %dma_wait3A_189 = tpu.memref_slice %arg3[%add3A_123] : memref<480000xi32, #tpu.memory_space<hbm>> -> memref<80xi32, #tpu.memory_space<hbm>>
        %dma_wait3A_190 = tpu.memref_slice %arg3[%add3A_123] : memref<480000xi32, #tpu.memory_space<hbm>> -> memref<80xi32, #tpu.memory_space<hbm>>
        tpu.wait_dma2 semaphore(%run_scoped3A : memref<!tpu.dma_semaphore, #tpu.memory_space<semaphore_mem>>) src(%dma_wait3A_190 : memref<80xi32, #tpu.memory_space<hbm>>) dst(%arg7 : memref<80xi32, #tpu.memory_space<vmem>>)
        tpu.yield
      }) : () -> ()
      %get3A_124 = arith.constant 0 : index
      %get3A_125 = tpu.vector_load %arg5[%get3A_124] {strides = array<i32>} : memref<80xi32, #tpu.memory_space<vmem>>, vector<16xi32>,
      %get3A_126 = vector.shape_cast %get3A_125 : vector<16xi32> to vector<16xi32>
      %add3A_127 = vector.broadcast %mul3A_0 : i32 to vector<16xi32>
      %add3A_128 = arith.addi %get3A_126, %add3A_127 : vector<16xi32>
      %swap3A_129 = arith.constant 0 : index
      %swap3A_130 = tpu.vector_load %arg6[%swap3A_129] {strides = array<i32>} : memref<80xi32, #tpu.memory_space<vmem>>, vector<16xi32>,
      %swap3A_131 = vector.shape_cast %swap3A_130 : vector<16xi32> to vector<16xi32>
      %swap3A_132 = vector.shape_cast %add3A_128 : vector<16xi32> to vector<16xi32>
      tpu.vector_store %arg6[%swap3A_129], %swap3A_132 {strides = array<i32>} : memref<80xi32, #tpu.memory_space<vmem>>, vector<16xi32>,
      %get3A_133 = arith.constant 16 : index
      %get3A_134 = tpu.vector_load %arg5[%get3A_133] {strides = array<i32>} : memref<80xi32, #tpu.memory_space<vmem>>, vector<16xi32>,
      %get3A_135 = vector.shape_cast %get3A_134 : vector<16xi32> to vector<16xi32>
      %add3A_136 = vector.broadcast %mul3A_0 : i32 to vector<16xi32>
      %add3A_137 = arith.addi %get3A_135, %add3A_136 : vector<16xi32>
      %swap3A_138 = arith.constant 16 : index
      %swap3A_139 = tpu.vector_load %arg6[%swap3A_138] {strides = array<i32>} : memref<80xi32, #tpu.memory_space<vmem>>, vector<16xi32>,
      %swap3A_140 = vector.shape_cast %swap3A_139 : vector<16xi32> to vector<16xi32>
      %swap3A_141 = vector.shape_cast %add3A_137 : vector<16xi32> to vector<16xi32>
      tpu.vector_store %arg6[%swap3A_138], %swap3A_141 {strides = array<i32>} : memref<80xi32, #tpu.memory_space<vmem>>, vector<16xi32>,
      %get3A_142 = arith.constant 32 : index
      %get3A_143 = tpu.vector_load %arg5[%get3A_142] {strides = array<i32>} : memref<80xi32, #tpu.memory_space<vmem>>, vector<16xi32>,
      %get3A_144 = vector.shape_cast %get3A_143 : vector<16xi32> to vector<16xi32>
      %add3A_145 = vector.broadcast %mul3A_0 : i32 to vector<16xi32>
      %add3A_146 = arith.addi %get3A_144, %add3A_145 : vector<16xi32>
      %swap3A_147 = arith.constant 32 : index
      %swap3A_148 = tpu.vector_load %arg6[%swap3A_147] {strides = array<i32>} : memref<80xi32, #tpu.memory_space<vmem>>, vector<16xi32>,
      %swap3A_149 = vector.shape_cast %swap3A_148 : vector<16xi32> to vector<16xi32>
      %swap3A_150 = vector.shape_cast %add3A_146 : vector<16xi32> to vector<16xi32>
      tpu.vector_store %arg6[%swap3A_147], %swap3A_150 {strides = array<i32>} : memref<80xi32, #tpu.memory_space<vmem>>, vector<16xi32>,
      %get3A_151 = arith.constant 48 : index
      %get3A_152 = tpu.vector_load %arg5[%get3A_151] {strides = array<i32>} : memref<80xi32, #tpu.memory_space<vmem>>, vector<16xi32>,
      %get3A_153 = vector.shape_cast %get3A_152 : vector<16xi32> to vector<16xi32>
      %add3A_154 = vector.broadcast %mul3A_0 : i32 to vector<16xi32>
      %add3A_155 = arith.addi %get3A_153, %add3A_154 : vector<16xi32>
      %swap3A_156 = arith.constant 48 : index
      %swap3A_157 = tpu.vector_load %arg6[%swap3A_156] {strides = array<i32>} : memref<80xi32, #tpu.memory_space<vmem>>, vector<16xi32>,
      %swap3A_158 = vector.shape_cast %swap3A_157 : vector<16xi32> to vector<16xi32>
      %swap3A_159 = vector.shape_cast %add3A_155 : vector<16xi32> to vector<16xi32>
      tpu.vector_store %arg6[%swap3A_156], %swap3A_159 {strides = array<i32>} : memref<80xi32, #tpu.memory_space<vmem>>, vector<16xi32>,
      %get3A_160 = arith.constant 64 : index
      %get3A_161 = tpu.vector_load %arg5[%get3A_160] {strides = array<i32>} : memref<80xi32, #tpu.memory_space<vmem>>, vector<16xi32>,
      %get3A_162 = vector.shape_cast %get3A_161 : vector<16xi32> to vector<16xi32>
      %add3A_163 = vector.broadcast %mul3A_0 : i32 to vector<16xi32>
      %add3A_164 = arith.addi %get3A_162, %add3A_163 : vector<16xi32>
      %swap3A_165 = arith.constant 64 : index
      %swap3A_166 = tpu.vector_load %arg6[%swap3A_165] {strides = array<i32>} : memref<80xi32, #tpu.memory_space<vmem>>, vector<16xi32>,
      %swap3A_167 = vector.shape_cast %swap3A_166 : vector<16xi32> to vector<16xi32>
      %swap3A_168 = vector.shape_cast %add3A_164 : vector<16xi32> to vector<16xi32>
      tpu.vector_store %arg6[%swap3A_165], %swap3A_168 {strides = array<i32>} : memref<80xi32, #tpu.memory_space<vmem>>, vector<16xi32>,
      %dma_start3A_169 = arith.constant 0 : i32
      %dma_start3A_170 = arith.constant 0 : i32
      %dma_start3A_171 = tpu.memref_slice %arg2[%dma_start3A_169, %dma_start3A_170] : memref<40000x128xf32, #tpu.memory_space<hbm>> -> memref<40000x128xf32, #tpu.memory_space<hbm>>
      tpu.enqueue_indirect_dma source(%dma_start3A_171 : memref<40000x128xf32, #tpu.memory_space<hbm>>) target(%arg9 : memref<80x128xf32, #tpu.memory_space<vmem>>) offsets(%arg6 : memref<80xi32, #tpu.memory_space<vmem>>) semaphore(%arg18 : memref<!tpu.dma_semaphore, #tpu.memory_space<semaphore_mem>>)
      %dma_start3A_172 = arith.constant 0 : i32
      %dma_start3A_173 = arith.constant 0 : i32
      %dma_start3A_174 = tpu.memref_slice %arg2[%dma_start3A_172, %dma_start3A_173] : memref<40000x128xf32, #tpu.memory_space<hbm>> -> memref<40000x128xf32, #tpu.memory_space<hbm>>
      tpu.enqueue_indirect_dma source(%dma_start3A_174 : memref<40000x128xf32, #tpu.memory_space<hbm>>) target(%arg10 : memref<80x128xf32, #tpu.memory_space<vmem>>) offsets(%arg7 : memref<80xi32, #tpu.memory_space<vmem>>) semaphore(%arg19 : memref<!tpu.dma_semaphore, #tpu.memory_space<semaphore_mem>>)
      %dma_wait3A_175 = arith.constant 0 : i32
      %dma_wait3A_176 = arith.constant 0 : i32
      %dma_wait3A_177 = tpu.memref_slice %arg2[%dma_wait3A_175, %dma_wait3A_176] : memref<40000x128xf32, #tpu.memory_space<hbm>> -> memref<40000x128xf32, #tpu.memory_space<hbm>>
      tpu.wait_indirect_dma semaphore(%arg18 : memref<!tpu.dma_semaphore, #tpu.memory_space<semaphore_mem>>) src(%dma_wait3A_177 : memref<40000x128xf32, #tpu.memory_space<hbm>>) dst(%arg9 : memref<80x128xf32, #tpu.memory_space<vmem>>)
      %dma_wait3A_178 = arith.constant 0 : i32
      %dma_wait3A_179 = arith.constant 0 : i32
      %dma_wait3A_180 = tpu.memref_slice %arg2[%dma_wait3A_178, %dma_wait3A_179] : memref<40000x128xf32, #tpu.memory_space<hbm>> -> memref<40000x128xf32, #tpu.memory_space<hbm>>
      tpu.wait_indirect_dma semaphore(%arg19 : memref<!tpu.dma_semaphore, #tpu.memory_space<semaphore_mem>>) src(%dma_wait3A_180 : memref<40000x128xf32, #tpu.memory_space<hbm>>) dst(%arg10 : memref<80x128xf32, #tpu.memory_space<vmem>>)
      %scan3A_181 = arith.constant 0 : i32
      %scan3A_182 = arith.constant 0 : i32
      %scan3A_183 = arith.constant 80 : i32
      %scan3A_184 = arith.addi %scan3A_182, %scan3A_183 : i32
      %scan3A_185 = arith.constant 1 : i32
      scf.for %scan3A_187 = %scan3A_182 to %scan3A_184 step %scan3A_185  : i32 {
        %get3A_188 = arith.index_cast %scan3A_187 : i32 to index
        %get3A_189 = arith.constant 0 : index
        %get3A_190 = tpu.vector_load %arg9[%get3A_188, %get3A_189] {strides = array<i32>} : memref<80x128xf32, #tpu.memory_space<vmem>>, vector<1x16xf32>,
        %get3A_191 = vector.shape_cast %get3A_190 : vector<1x16xf32> to vector<16xf32>
        %get3A_192 = arith.index_cast %scan3A_187 : i32 to index
        %get3A_193 = arith.constant 0 : index
        %get3A_194 = tpu.vector_load %arg10[%get3A_192, %get3A_193] {strides = array<i32>} : memref<80x128xf32, #tpu.memory_space<vmem>>, vector<1x16xf32>,
        %get3A_195 = vector.shape_cast %get3A_194 : vector<1x16xf32> to vector<16xf32>
        %add3A_196 = arith.addf %get3A_191, %get3A_195 : vector<16xf32>
        %max3A = arith.constant 0.000000e+00 : f32
        %max3A_197 = vector.broadcast %max3A : f32 to vector<16xf32>
        %max3A_198 = arith.maximumf %add3A_196, %max3A_197 : vector<16xf32>
        %swap3A_199 = arith.index_cast %scan3A_187 : i32 to index
        %swap3A_200 = arith.constant 0 : index
        %swap3A_201 = tpu.vector_load %arg9[%swap3A_199, %swap3A_200] {strides = array<i32>} : memref<80x128xf32, #tpu.memory_space<vmem>>, vector<1x16xf32>,
        %swap3A_202 = vector.shape_cast %swap3A_201 : vector<1x16xf32> to vector<16xf32>
        %swap3A_203 = vector.shape_cast %max3A_198 : vector<16xf32> to vector<1x16xf32>
        tpu.vector_store %arg9[%swap3A_199, %swap3A_200], %swap3A_203 {strides = array<i32>} : memref<80x128xf32, #tpu.memory_space<vmem>>, vector<1x16xf32>,
        %get3A_204 = arith.index_cast %scan3A_187 : i32 to index
        %get3A_205 = arith.constant 16 : index
        %get3A_206 = tpu.vector_load %arg9[%get3A_204, %get3A_205] {strides = array<i32>} : memref<80x128xf32, #tpu.memory_space<vmem>>, vector<1x16xf32>,
        %get3A_207 = vector.shape_cast %get3A_206 : vector<1x16xf32> to vector<16xf32>
        %get3A_208 = arith.index_cast %scan3A_187 : i32 to index
        %get3A_209 = arith.constant 16 : index
        %get3A_210 = tpu.vector_load %arg10[%get3A_208, %get3A_209] {strides = array<i32>} : memref<80x128xf32, #tpu.memory_space<vmem>>, vector<1x16xf32>,
        %get3A_211 = vector.shape_cast %get3A_210 : vector<1x16xf32> to vector<16xf32>
        %add3A_212 = arith.addf %get3A_207, %get3A_211 : vector<16xf32>
        %max3A_213 = arith.constant 0.000000e+00 : f32
        %max3A_214 = vector.broadcast %max3A_213 : f32 to vector<16xf32>
        %max3A_215 = arith.maximumf %add3A_212, %max3A_214 : vector<16xf32>
        %swap3A_216 = arith.index_cast %scan3A_187 : i32 to index
        %swap3A_217 = arith.constant 16 : index
        %swap3A_218 = tpu.vector_load %arg9[%swap3A_216, %swap3A_217] {strides = array<i32>} : memref<80x128xf32, #tpu.memory_space<vmem>>, vector<1x16xf32>,
        %swap3A_219 = vector.shape_cast %swap3A_218 : vector<1x16xf32> to vector<16xf32>
        %swap3A_220 = vector.shape_cast %max3A_215 : vector<16xf32> to vector<1x16xf32>
        tpu.vector_store %arg9[%swap3A_216, %swap3A_217], %swap3A_220 {strides = array<i32>} : memref<80x128xf32, #tpu.memory_space<vmem>>, vector<1x16xf32>,
        %get3A_221 = arith.index_cast %scan3A_187 : i32 to index
        %get3A_222 = arith.constant 32 : index
        %get3A_223 = tpu.vector_load %arg9[%get3A_221, %get3A_222] {strides = array<i32>} : memref<80x128xf32, #tpu.memory_space<vmem>>, vector<1x16xf32>,
        %get3A_224 = vector.shape_cast %get3A_223 : vector<1x16xf32> to vector<16xf32>
        %get3A_225 = arith.index_cast %scan3A_187 : i32 to index
        %get3A_226 = arith.constant 32 : index
        %get3A_227 = tpu.vector_load %arg10[%get3A_225, %get3A_226] {strides = array<i32>} : memref<80x128xf32, #tpu.memory_space<vmem>>, vector<1x16xf32>,
        %get3A_228 = vector.shape_cast %get3A_227 : vector<1x16xf32> to vector<16xf32>
        %add3A_229 = arith.addf %get3A_224, %get3A_228 : vector<16xf32>
        %max3A_230 = arith.constant 0.000000e+00 : f32
        %max3A_231 = vector.broadcast %max3A_230 : f32 to vector<16xf32>
        %max3A_232 = arith.maximumf %add3A_229, %max3A_231 : vector<16xf32>
        %swap3A_233 = arith.index_cast %scan3A_187 : i32 to index
        %swap3A_234 = arith.constant 32 : index
        %swap3A_235 = tpu.vector_load %arg9[%swap3A_233, %swap3A_234] {strides = array<i32>} : memref<80x128xf32, #tpu.memory_space<vmem>>, vector<1x16xf32>,
        %swap3A_236 = vector.shape_cast %swap3A_235 : vector<1x16xf32> to vector<16xf32>
        %swap3A_237 = vector.shape_cast %max3A_232 : vector<16xf32> to vector<1x16xf32>
        tpu.vector_store %arg9[%swap3A_233, %swap3A_234], %swap3A_237 {strides = array<i32>} : memref<80x128xf32, #tpu.memory_space<vmem>>, vector<1x16xf32>,
        %get3A_238 = arith.index_cast %scan3A_187 : i32 to index
        %get3A_239 = arith.constant 48 : index
        %get3A_240 = tpu.vector_load %arg9[%get3A_238, %get3A_239] {strides = array<i32>} : memref<80x128xf32, #tpu.memory_space<vmem>>, vector<1x16xf32>,
        %get3A_241 = vector.shape_cast %get3A_240 : vector<1x16xf32> to vector<16xf32>
        %get3A_242 = arith.index_cast %scan3A_187 : i32 to index
        %get3A_243 = arith.constant 48 : index
        %get3A_244 = tpu.vector_load %arg10[%get3A_242, %get3A_243] {strides = array<i32>} : memref<80x128xf32, #tpu.memory_space<vmem>>, vector<1x16xf32>,
        %get3A_245 = vector.shape_cast %get3A_244 : vector<1x16xf32> to vector<16xf32>
        %add3A_246 = arith.addf %get3A_241, %get3A_245 : vector<16xf32>
        %max3A_247 = arith.constant 0.000000e+00 : f32
        %max3A_248 = vector.broadcast %max3A_247 : f32 to vector<16xf32>
        %max3A_249 = arith.maximumf %add3A_246, %max3A_248 : vector<16xf32>
        %swap3A_250 = arith.index_cast %scan3A_187 : i32 to index
        %swap3A_251 = arith.constant 48 : index
        %swap3A_252 = tpu.vector_load %arg9[%swap3A_250, %swap3A_251] {strides = array<i32>} : memref<80x128xf32, #tpu.memory_space<vmem>>, vector<1x16xf32>,
        %swap3A_253 = vector.shape_cast %swap3A_252 : vector<1x16xf32> to vector<16xf32>
        %swap3A_254 = vector.shape_cast %max3A_249 : vector<16xf32> to vector<1x16xf32>
        tpu.vector_store %arg9[%swap3A_250, %swap3A_251], %swap3A_254 {strides = array<i32>} : memref<80x128xf32, #tpu.memory_space<vmem>>, vector<1x16xf32>,
        %get3A_255 = arith.index_cast %scan3A_187 : i32 to index
        %get3A_256 = arith.constant 64 : index
        %get3A_257 = tpu.vector_load %arg9[%get3A_255, %get3A_256] {strides = array<i32>} : memref<80x128xf32, #tpu.memory_space<vmem>>, vector<1x16xf32>,
        %get3A_258 = vector.shape_cast %get3A_257 : vector<1x16xf32> to vector<16xf32>
        %get3A_259 = arith.index_cast %scan3A_187 : i32 to index
        %get3A_260 = arith.constant 64 : index
        %get3A_261 = tpu.vector_load %arg10[%get3A_259, %get3A_260] {strides = array<i32>} : memref<80x128xf32, #tpu.memory_space<vmem>>, vector<1x16xf32>,
        %get3A_262 = vector.shape_cast %get3A_261 : vector<1x16xf32> to vector<16xf32>
        %add3A_263 = arith.addf %get3A_258, %get3A_262 : vector<16xf32>
        %max3A_264 = arith.constant 0.000000e+00 : f32
        %max3A_265 = vector.broadcast %max3A_264 : f32 to vector<16xf32>
        %max3A_266 = arith.maximumf %add3A_263, %max3A_265 : vector<16xf32>
        %swap3A_267 = arith.index_cast %scan3A_187 : i32 to index
        %swap3A_268 = arith.constant 64 : index
        %swap3A_269 = tpu.vector_load %arg9[%swap3A_267, %swap3A_268] {strides = array<i32>} : memref<80x128xf32, #tpu.memory_space<vmem>>, vector<1x16xf32>,
        %swap3A_270 = vector.shape_cast %swap3A_269 : vector<1x16xf32> to vector<16xf32>
        %swap3A_271 = vector.shape_cast %max3A_266 : vector<16xf32> to vector<1x16xf32>
        tpu.vector_store %arg9[%swap3A_267, %swap3A_268], %swap3A_271 {strides = array<i32>} : memref<80x128xf32, #tpu.memory_space<vmem>>, vector<1x16xf32>,
        %get3A_272 = arith.index_cast %scan3A_187 : i32 to index
        %get3A_273 = arith.constant 80 : index
        %get3A_274 = tpu.vector_load %arg9[%get3A_272, %get3A_273] {strides = array<i32>} : memref<80x128xf32, #tpu.memory_space<vmem>>, vector<1x16xf32>,
        %get3A_275 = vector.shape_cast %get3A_274 : vector<1x16xf32> to vector<16xf32>
        %get3A_276 = arith.index_cast %scan3A_187 : i32 to index
        %get3A_277 = arith.constant 80 : index
        %get3A_278 = tpu.vector_load %arg10[%get3A_276, %get3A_277] {strides = array<i32>} : memref<80x128xf32, #tpu.memory_space<vmem>>, vector<1x16xf32>,
        %get3A_279 = vector.shape_cast %get3A_278 : vector<1x16xf32> to vector<16xf32>
        %add3A_280 = arith.addf %get3A_275, %get3A_279 : vector<16xf32>
        %max3A_281 = arith.constant 0.000000e+00 : f32
        %max3A_282 = vector.broadcast %max3A_281 : f32 to vector<16xf32>
        %max3A_283 = arith.maximumf %add3A_280, %max3A_282 : vector<16xf32>
        %swap3A_284 = arith.index_cast %scan3A_187 : i32 to index
        %swap3A_285 = arith.constant 80 : index
        %swap3A_286 = tpu.vector_load %arg9[%swap3A_284, %swap3A_285] {strides = array<i32>} : memref<80x128xf32, #tpu.memory_space<vmem>>, vector<1x16xf32>,
        %swap3A_287 = vector.shape_cast %swap3A_286 : vector<1x16xf32> to vector<16xf32>
        %swap3A_288 = vector.shape_cast %max3A_283 : vector<16xf32> to vector<1x16xf32>
        tpu.vector_store %arg9[%swap3A_284, %swap3A_285], %swap3A_288 {strides = array<i32>} : memref<80x128xf32, #tpu.memory_space<vmem>>, vector<1x16xf32>,
        %get3A_289 = arith.index_cast %scan3A_187 : i32 to index
        %get3A_290 = arith.constant 96 : index
        %get3A_291 = tpu.vector_load %arg9[%get3A_289, %get3A_290] {strides = array<i32>} : memref<80x128xf32, #tpu.memory_space<vmem>>, vector<1x16xf32>,
        %get3A_292 = vector.shape_cast %get3A_291 : vector<1x16xf32> to vector<16xf32>
        %get3A_293 = arith.index_cast %scan3A_187 : i32 to index
        %get3A_294 = arith.constant 96 : index
        %get3A_295 = tpu.vector_load %arg10[%get3A_293, %get3A_294] {strides = array<i32>} : memref<80x128xf32, #tpu.memory_space<vmem>>, vector<1x16xf32>,
        %get3A_296 = vector.shape_cast %get3A_295 : vector<1x16xf32> to vector<16xf32>
        %add3A_297 = arith.addf %get3A_292, %get3A_296 : vector<16xf32>
        %max3A_298 = arith.constant 0.000000e+00 : f32
        %max3A_299 = vector.broadcast %max3A_298 : f32 to vector<16xf32>
        %max3A_300 = arith.maximumf %add3A_297, %max3A_299 : vector<16xf32>
        %swap3A_301 = arith.index_cast %scan3A_187 : i32 to index
        %swap3A_302 = arith.constant 96 : index
        %swap3A_303 = tpu.vector_load %arg9[%swap3A_301, %swap3A_302] {strides = array<i32>} : memref<80x128xf32, #tpu.memory_space<vmem>>, vector<1x16xf32>,
        %swap3A_304 = vector.shape_cast %swap3A_303 : vector<1x16xf32> to vector<16xf32>
        %swap3A_305 = vector.shape_cast %max3A_300 : vector<16xf32> to vector<1x16xf32>
        tpu.vector_store %arg9[%swap3A_301, %swap3A_302], %swap3A_305 {strides = array<i32>} : memref<80x128xf32, #tpu.memory_space<vmem>>, vector<1x16xf32>,
        %get3A_306 = arith.index_cast %scan3A_187 : i32 to index
        %get3A_307 = arith.constant 112 : index
        %get3A_308 = tpu.vector_load %arg9[%get3A_306, %get3A_307] {strides = array<i32>} : memref<80x128xf32, #tpu.memory_space<vmem>>, vector<1x16xf32>,
        %get3A_309 = vector.shape_cast %get3A_308 : vector<1x16xf32> to vector<16xf32>
        %get3A_310 = arith.index_cast %scan3A_187 : i32 to index
        %get3A_311 = arith.constant 112 : index
        %get3A_312 = tpu.vector_load %arg10[%get3A_310, %get3A_311] {strides = array<i32>} : memref<80x128xf32, #tpu.memory_space<vmem>>, vector<1x16xf32>,
        %get3A_313 = vector.shape_cast %get3A_312 : vector<1x16xf32> to vector<16xf32>
        %add3A_314 = arith.addf %get3A_309, %get3A_313 : vector<16xf32>
        %max3A_315 = arith.constant 0.000000e+00 : f32
        %max3A_316 = vector.broadcast %max3A_315 : f32 to vector<16xf32>
        %max3A_317 = arith.maximumf %add3A_314, %max3A_316 : vector<16xf32>
        %swap3A_318 = arith.index_cast %scan3A_187 : i32 to index
        %swap3A_319 = arith.constant 112 : index
        %swap3A_320 = tpu.vector_load %arg9[%swap3A_318, %swap3A_319] {strides = array<i32>} : memref<80x128xf32, #tpu.memory_space<vmem>>, vector<1x16xf32>,
        %swap3A_321 = vector.shape_cast %swap3A_320 : vector<1x16xf32> to vector<16xf32>
        %swap3A_322 = vector.shape_cast %max3A_317 : vector<16xf32> to vector<1x16xf32>
        tpu.vector_store %arg9[%swap3A_318, %swap3A_319], %swap3A_322 {strides = array<i32>} : memref<80x128xf32, #tpu.memory_space<vmem>>, vector<1x16xf32>,
      }
      %scan3A_186 = arith.constant 80 : i32
      "tpu.region"() ({
        %run_scoped3A = tpu.sem_alloc : memref<!tpu.dma_semaphore, #tpu.memory_space<semaphore_mem>>
        %dma_start3A_187 = arith.constant 0 : i32
        %dma_start3A_188 = arith.constant 0 : i32
        %dma_start3A_189 = tpu.memref_slice %arg17[%dma_start3A_187, %dma_start3A_188] : memref<10000x128xf32, #tpu.memory_space<vmem_shared>> -> memref<10000x128xf32, #tpu.memory_space<vmem_shared>>
        tpu.enqueue_indirect_dma source(%arg9 : memref<80x128xf32, #tpu.memory_space<vmem>>) target(%dma_start3A_189 : memref<10000x128xf32, #tpu.memory_space<vmem_shared>>) offsets(%arg5 : memref<80xi32, #tpu.memory_space<vmem>>) semaphore(%run_scoped3A : memref<!tpu.dma_semaphore, #tpu.memory_space<semaphore_mem>>) {add = true}
        %dma_wait3A_190 = arith.constant 0 : i32
        %dma_wait3A_191 = arith.constant 0 : i32
        %dma_wait3A_192 = tpu.memref_slice %arg17[%dma_wait3A_190, %dma_wait3A_191] : memref<10000x128xf32, #tpu.memory_space<vmem_shared>> -> memref<10000x128xf32, #tpu.memory_space<vmem_shared>>
        tpu.wait_indirect_dma semaphore(%run_scoped3A : memref<!tpu.dma_semaphore, #tpu.memory_space<semaphore_mem>>) src(%arg9 : memref<80x128xf32, #tpu.memory_space<vmem>>) dst(%dma_wait3A_192 : memref<10000x128xf32, #tpu.memory_space<vmem_shared>>)
        tpu.yield
      }) : () -> ()
    } else {
    }
    %barrier3A_104 = arith.constant 0 : index
    tpu.barrier barrier_id(%barrier3A_104)
    %while3A_105 = arith.constant 0 : i32
    %while3A_106 = arith.constant 0 : i32
    %while3A_107 = arith.subi %select_n3A, %while3A_106 : i32
    %while3A_108 = arith.addi %while3A_106, %while3A_107 : i32
    %while3A_109 = arith.constant 1 : i32
    %while3A_110 = arith.divsi %while3A_107, %while3A_109 : i32
    %while3A_111 = arith.muli %while3A_110, %while3A_109 : i32
    %while3A_112 = arith.addi %while3A_106, %while3A_111 : i32
    %while3A_113 = arith.constant 1 : i32
    scf.for %while3A_115 = %while3A_106 to %while3A_112 step %while3A_113  : i32 {
      %mul3A_116 = arith.constant 16 : i32
      %mul3A_117 = arith.muli %mul3A_116, %while3A_115 : i32
      %add3A_118 = arith.addi %arg1, %mul3A_117 : i32
      %mul3A_119 = arith.constant 80 : i32
      %mul3A_120 = arith.muli %add3A_118, %mul3A_119 : i32
      "tpu.region"() ({
        %run_scoped3A = tpu.sem_alloc : memref<!tpu.dma_semaphore, #tpu.memory_space<semaphore_mem>>
        %dma_start3A_126 = arith.constant 0 : i32
        %dma_start3A_127 = tpu.memref_slice %arg17[%mul3A_120, %dma_start3A_126] : memref<10000x128xf32, #tpu.memory_space<vmem_shared>> -> memref<80x128xf32, #tpu.memory_space<vmem_shared>>
        %dma_start3A_128 = arith.constant 0 : i32
        %dma_start3A_129 = tpu.memref_slice %arg17[%mul3A_120, %dma_start3A_128] : memref<10000x128xf32, #tpu.memory_space<vmem_shared>> -> memref<80x128xf32, #tpu.memory_space<vmem_shared>>
        tpu.enqueue_dma source(%dma_start3A_129 : memref<80x128xf32, #tpu.memory_space<vmem_shared>>) target(%arg9 : memref<80x128xf32, #tpu.memory_space<vmem>>) target_semaphore(%run_scoped3A : memref<!tpu.dma_semaphore, #tpu.memory_space<semaphore_mem>>)
        %dma_wait3A_130 = arith.constant 0 : i32
        %dma_wait3A_131 = tpu.memref_slice %arg17[%mul3A_120, %dma_wait3A_130] : memref<10000x128xf32, #tpu.memory_space<vmem_shared>> -> memref<80x128xf32, #tpu.memory_space<vmem_shared>>
        %dma_wait3A_132 = arith.constant 0 : i32
        %dma_wait3A_133 = tpu.memref_slice %arg17[%mul3A_120, %dma_wait3A_132] : memref<10000x128xf32, #tpu.memory_space<vmem_shared>> -> memref<80x128xf32, #tpu.memory_space<vmem_shared>>
        tpu.wait_dma2 semaphore(%run_scoped3A : memref<!tpu.dma_semaphore, #tpu.memory_space<semaphore_mem>>) src(%dma_wait3A_133 : memref<80x128xf32, #tpu.memory_space<vmem_shared>>) dst(%arg9 : memref<80x128xf32, #tpu.memory_space<vmem>>)
        tpu.yield
      }) : () -> ()
      %mul3A_121 = arith.constant 10000 : i32
      %mul3A_122 = arith.muli %arg0, %mul3A_121 : i32
      %mul3A_123 = arith.constant 80 : i32
      %mul3A_124 = arith.muli %add3A_118, %mul3A_123 : i32
      %add3A_125 = arith.addi %mul3A_122, %mul3A_124 : i32
      "tpu.region"() ({
        %run_scoped3A = tpu.sem_alloc : memref<!tpu.dma_semaphore, #tpu.memory_space<semaphore_mem>>
        %dma_start3A_126 = arith.constant 0 : i32
        %dma_start3A_127 = tpu.memref_slice %arg4[%add3A_125, %dma_start3A_126] : memref<20000x128xf32, #tpu.memory_space<hbm>> -> memref<80x128xf32, #tpu.memory_space<hbm>>
        %dma_start3A_128 = arith.constant 0 : i32
        %dma_start3A_129 = tpu.memref_slice %arg4[%add3A_125, %dma_start3A_128] : memref<20000x128xf32, #tpu.memory_space<hbm>> -> memref<80x128xf32, #tpu.memory_space<hbm>>
        tpu.enqueue_dma source(%arg9 : memref<80x128xf32, #tpu.memory_space<vmem>>) target(%dma_start3A_129 : memref<80x128xf32, #tpu.memory_space<hbm>>) target_semaphore(%run_scoped3A : memref<!tpu.dma_semaphore, #tpu.memory_space<semaphore_mem>>)
        %dma_wait3A_130 = arith.constant 0 : i32
        %dma_wait3A_131 = tpu.memref_slice %arg4[%add3A_125, %dma_wait3A_130] : memref<20000x128xf32, #tpu.memory_space<hbm>> -> memref<80x128xf32, #tpu.memory_space<hbm>>
        %dma_wait3A_132 = arith.constant 0 : i32
        %dma_wait3A_133 = tpu.memref_slice %arg4[%add3A_125, %dma_wait3A_132] : memref<20000x128xf32, #tpu.memory_space<hbm>> -> memref<80x128xf32, #tpu.memory_space<hbm>>
        tpu.wait_dma2 semaphore(%run_scoped3A : memref<!tpu.dma_semaphore, #tpu.memory_space<semaphore_mem>>) src(%arg9 : memref<80x128xf32, #tpu.memory_space<vmem>>) dst(%dma_wait3A_133 : memref<80x128xf32, #tpu.memory_space<hbm>>)
        tpu.yield
      }) : () -> ()
    }
    %while3A_114 = arith.constant 1 : i32
    scf.for %while3A_115 = %while3A_112 to %while3A_108 step %while3A_114  : i32 {
      %mul3A_116 = arith.constant 16 : i32
      %mul3A_117 = arith.muli %mul3A_116, %while3A_115 : i32
      %add3A_118 = arith.addi %arg1, %mul3A_117 : i32
      %mul3A_119 = arith.constant 80 : i32
      %mul3A_120 = arith.muli %add3A_118, %mul3A_119 : i32
      "tpu.region"() ({
        %run_scoped3A = tpu.sem_alloc : memref<!tpu.dma_semaphore, #tpu.memory_space<semaphore_mem>>
        %dma_start3A_126 = arith.constant 0 : i32
        %dma_start3A_127 = tpu.memref_slice %arg17[%mul3A_120, %dma_start3A_126] : memref<10000x128xf32, #tpu.memory_space<vmem_shared>> -> memref<80x128xf32, #tpu.memory_space<vmem_shared>>
        %dma_start3A_128 = arith.constant 0 : i32
        %dma_start3A_129 = tpu.memref_slice %arg17[%mul3A_120, %dma_start3A_128] : memref<10000x128xf32, #tpu.memory_space<vmem_shared>> -> memref<80x128xf32, #tpu.memory_space<vmem_shared>>
        tpu.enqueue_dma source(%dma_start3A_129 : memref<80x128xf32, #tpu.memory_space<vmem_shared>>) target(%arg9 : memref<80x128xf32, #tpu.memory_space<vmem>>) target_semaphore(%run_scoped3A : memref<!tpu.dma_semaphore, #tpu.memory_space<semaphore_mem>>)
        %dma_wait3A_130 = arith.constant 0 : i32
        %dma_wait3A_131 = tpu.memref_slice %arg17[%mul3A_120, %dma_wait3A_130] : memref<10000x128xf32, #tpu.memory_space<vmem_shared>> -> memref<80x128xf32, #tpu.memory_space<vmem_shared>>
        %dma_wait3A_132 = arith.constant 0 : i32
        %dma_wait3A_133 = tpu.memref_slice %arg17[%mul3A_120, %dma_wait3A_132] : memref<10000x128xf32, #tpu.memory_space<vmem_shared>> -> memref<80x128xf32, #tpu.memory_space<vmem_shared>>
        tpu.wait_dma2 semaphore(%run_scoped3A : memref<!tpu.dma_semaphore, #tpu.memory_space<semaphore_mem>>) src(%dma_wait3A_133 : memref<80x128xf32, #tpu.memory_space<vmem_shared>>) dst(%arg9 : memref<80x128xf32, #tpu.memory_space<vmem>>)
        tpu.yield
      }) : () -> ()
      %mul3A_121 = arith.constant 10000 : i32
      %mul3A_122 = arith.muli %arg0, %mul3A_121 : i32
      %mul3A_123 = arith.constant 80 : i32
      %mul3A_124 = arith.muli %add3A_118, %mul3A_123 : i32
      %add3A_125 = arith.addi %mul3A_122, %mul3A_124 : i32
      "tpu.region"() ({
        %run_scoped3A = tpu.sem_alloc : memref<!tpu.dma_semaphore, #tpu.memory_space<semaphore_mem>>
        %dma_start3A_126 = arith.constant 0 : i32
        %dma_start3A_127 = tpu.memref_slice %arg4[%add3A_125, %dma_start3A_126] : memref<20000x128xf32, #tpu.memory_space<hbm>> -> memref<80x128xf32, #tpu.memory_space<hbm>>
        %dma_start3A_128 = arith.constant 0 : i32
        %dma_start3A_129 = tpu.memref_slice %arg4[%add3A_125, %dma_start3A_128] : memref<20000x128xf32, #tpu.memory_space<hbm>> -> memref<80x128xf32, #tpu.memory_space<hbm>>
        tpu.enqueue_dma source(%arg9 : memref<80x128xf32, #tpu.memory_space<vmem>>) target(%dma_start3A_129 : memref<80x128xf32, #tpu.memory_space<hbm>>) target_semaphore(%run_scoped3A : memref<!tpu.dma_semaphore, #tpu.memory_space<semaphore_mem>>)
        %dma_wait3A_130 = arith.constant 0 : i32
        %dma_wait3A_131 = tpu.memref_slice %arg4[%add3A_125, %dma_wait3A_130] : memref<20000x128xf32, #tpu.memory_space<hbm>> -> memref<80x128xf32, #tpu.memory_space<hbm>>
        %dma_wait3A_132 = arith.constant 0 : i32
        %dma_wait3A_133 = tpu.memref_slice %arg4[%add3A_125, %dma_wait3A_132] : memref<20000x128xf32, #tpu.memory_space<hbm>> -> memref<80x128xf32, #tpu.memory_space<hbm>>
        tpu.wait_dma2 semaphore(%run_scoped3A : memref<!tpu.dma_semaphore, #tpu.memory_space<semaphore_mem>>) src(%arg9 : memref<80x128xf32, #tpu.memory_space<vmem>>) dst(%dma_wait3A_133 : memref<80x128xf32, #tpu.memory_space<hbm>>)
        tpu.yield
      }) : () -> ()
    }
    return
  }
}

#map = affine_map<(d0, d1) -> (0, 0)>
#map1 = affine_map<(d0, d1) -> (0)>
module attributes {stable_mosaic.version = 14 : i64} {
  func.func @_sc_layer(%arg0: i32, %arg1: i32, %arg2: memref<40000x128xf32, #tpu.memory_space<hbm>>, %arg3: memref<480000xi32, #tpu.memory_space<hbm>>, %arg4: memref<20000x128xf32, #tpu.memory_space<hbm>>, %arg5: memref<80xi32, #tpu.memory_space<vmem>>, %arg6: memref<80xi32, #tpu.memory_space<vmem>>, %arg7: memref<80xi32, #tpu.memory_space<vmem>>, %arg8: memref<80xi32, #tpu.memory_space<vmem>>, %arg9: memref<80x128xf32, #tpu.memory_space<vmem>>, %arg10: memref<80x128xf32, #tpu.memory_space<vmem>>, %arg11: memref<80xi32, #tpu.memory_space<vmem>>, %arg12: memref<80xi32, #tpu.memory_space<vmem>>, %arg13: memref<80xi32, #tpu.memory_space<vmem>>, %arg14: memref<80xi32, #tpu.memory_space<vmem>>, %arg15: memref<80x128xf32, #tpu.memory_space<vmem>>, %arg16: memref<80x128xf32, #tpu.memory_space<vmem>>, %arg17: memref<10000x128xf32, #tpu.memory_space<vmem_shared>>, %arg18: memref<!tpu.dma_semaphore, #tpu.memory_space<semaphore_mem>>, %arg19: memref<!tpu.dma_semaphore, #tpu.memory_space<semaphore_mem>>, %arg20: memref<!tpu.dma_semaphore, #tpu.memory_space<semaphore_mem>>, %arg21: memref<!tpu.dma_semaphore, #tpu.memory_space<semaphore_mem>>, %arg22: memref<!tpu.dma_semaphore, #tpu.memory_space<semaphore_mem>>, %arg23: memref<!tpu.dma_semaphore, #tpu.memory_space<semaphore_mem>>) attributes {dimension_semantics = [#tpu.dimension_semantics<core_parallel>, #tpu.dimension_semantics<subcore_parallel>], iteration_bounds = array<i64: 2, 16>, scalar_prefetch = 0 : i64, scratch_operands = 19 : i64, tpu.core_type = #tpu.core_type<sc_vector_subcore>, window_params = [{transform_indices = #map}, {transform_indices = #map1}, {transform_indices = #map}]} {
    %mul3A = arith.constant 10000 : i32
    %mul3A_0 = arith.muli %arg0, %mul3A : i32
    %scan3A = arith.constant 0 : i32
    %scan3A_1 = arith.constant 0 : i32
    %scan3A_2 = arith.constant 80 : i32
    %scan3A_3 = arith.addi %scan3A_1, %scan3A_2 : i32
    %scan3A_4 = arith.constant 1 : i32
    scf.for %scan3A_115 = %scan3A_1 to %scan3A_3 step %scan3A_4  : i32 {
      %broadcast_in_dim3A = arith.constant 0.000000e+00 : f32
      %broadcast_in_dim3A_116 = vector.broadcast %broadcast_in_dim3A : f32 to vector<16xf32>
      %swap3A_117 = arith.index_cast %scan3A_115 : i32 to index
      %swap3A_118 = arith.constant 0 : index
      %swap3A_119 = tpu.vector_load %arg9[%swap3A_117, %swap3A_118] {strides = array<i32>} : memref<80x128xf32, #tpu.memory_space<vmem>>, vector<1x16xf32>,
      %swap3A_120 = vector.shape_cast %swap3A_119 : vector<1x16xf32> to vector<16xf32>
      %swap3A_121 = vector.shape_cast %broadcast_in_dim3A_116 : vector<16xf32> to vector<1x16xf32>
      tpu.vector_store %arg9[%swap3A_117, %swap3A_118], %swap3A_121 {strides = array<i32>} : memref<80x128xf32, #tpu.memory_space<vmem>>, vector<1x16xf32>,
      %broadcast_in_dim3A_122 = arith.constant 0.000000e+00 : f32
      %broadcast_in_dim3A_123 = vector.broadcast %broadcast_in_dim3A_122 : f32 to vector<16xf32>
      %swap3A_124 = arith.index_cast %scan3A_115 : i32 to index
      %swap3A_125 = arith.constant 16 : index
      %swap3A_126 = tpu.vector_load %arg9[%swap3A_124, %swap3A_125] {strides = array<i32>} : memref<80x128xf32, #tpu.memory_space<vmem>>, vector<1x16xf32>,
      %swap3A_127 = vector.shape_cast %swap3A_126 : vector<1x16xf32> to vector<16xf32>
      %swap3A_128 = vector.shape_cast %broadcast_in_dim3A_123 : vector<16xf32> to vector<1x16xf32>
      tpu.vector_store %arg9[%swap3A_124, %swap3A_125], %swap3A_128 {strides = array<i32>} : memref<80x128xf32, #tpu.memory_space<vmem>>, vector<1x16xf32>,
      %broadcast_in_dim3A_129 = arith.constant 0.000000e+00 : f32
      %broadcast_in_dim3A_130 = vector.broadcast %broadcast_in_dim3A_129 : f32 to vector<16xf32>
      %swap3A_131 = arith.index_cast %scan3A_115 : i32 to index
      %swap3A_132 = arith.constant 32 : index
      %swap3A_133 = tpu.vector_load %arg9[%swap3A_131, %swap3A_132] {strides = array<i32>} : memref<80x128xf32, #tpu.memory_space<vmem>>, vector<1x16xf32>,
      %swap3A_134 = vector.shape_cast %swap3A_133 : vector<1x16xf32> to vector<16xf32>
      %swap3A_135 = vector.shape_cast %broadcast_in_dim3A_130 : vector<16xf32> to vector<1x16xf32>
      tpu.vector_store %arg9[%swap3A_131, %swap3A_132], %swap3A_135 {strides = array<i32>} : memref<80x128xf32, #tpu.memory_space<vmem>>, vector<1x16xf32>,
      %broadcast_in_dim3A_136 = arith.constant 0.000000e+00 : f32
      %broadcast_in_dim3A_137 = vector.broadcast %broadcast_in_dim3A_136 : f32 to vector<16xf32>
      %swap3A_138 = arith.index_cast %scan3A_115 : i32 to index
      %swap3A_139 = arith.constant 48 : index
      %swap3A_140 = tpu.vector_load %arg9[%swap3A_138, %swap3A_139] {strides = array<i32>} : memref<80x128xf32, #tpu.memory_space<vmem>>, vector<1x16xf32>,
      %swap3A_141 = vector.shape_cast %swap3A_140 : vector<1x16xf32> to vector<16xf32>
      %swap3A_142 = vector.shape_cast %broadcast_in_dim3A_137 : vector<16xf32> to vector<1x16xf32>
      tpu.vector_store %arg9[%swap3A_138, %swap3A_139], %swap3A_142 {strides = array<i32>} : memref<80x128xf32, #tpu.memory_space<vmem>>, vector<1x16xf32>,
      %broadcast_in_dim3A_143 = arith.constant 0.000000e+00 : f32
      %broadcast_in_dim3A_144 = vector.broadcast %broadcast_in_dim3A_143 : f32 to vector<16xf32>
      %swap3A_145 = arith.index_cast %scan3A_115 : i32 to index
      %swap3A_146 = arith.constant 64 : index
      %swap3A_147 = tpu.vector_load %arg9[%swap3A_145, %swap3A_146] {strides = array<i32>} : memref<80x128xf32, #tpu.memory_space<vmem>>, vector<1x16xf32>,
      %swap3A_148 = vector.shape_cast %swap3A_147 : vector<1x16xf32> to vector<16xf32>
      %swap3A_149 = vector.shape_cast %broadcast_in_dim3A_144 : vector<16xf32> to vector<1x16xf32>
      tpu.vector_store %arg9[%swap3A_145, %swap3A_146], %swap3A_149 {strides = array<i32>} : memref<80x128xf32, #tpu.memory_space<vmem>>, vector<1x16xf32>,
      %broadcast_in_dim3A_150 = arith.constant 0.000000e+00 : f32
      %broadcast_in_dim3A_151 = vector.broadcast %broadcast_in_dim3A_150 : f32 to vector<16xf32>
      %swap3A_152 = arith.index_cast %scan3A_115 : i32 to index
      %swap3A_153 = arith.constant 80 : index
      %swap3A_154 = tpu.vector_load %arg9[%swap3A_152, %swap3A_153] {strides = array<i32>} : memref<80x128xf32, #tpu.memory_space<vmem>>, vector<1x16xf32>,
      %swap3A_155 = vector.shape_cast %swap3A_154 : vector<1x16xf32> to vector<16xf32>
      %swap3A_156 = vector.shape_cast %broadcast_in_dim3A_151 : vector<16xf32> to vector<1x16xf32>
      tpu.vector_store %arg9[%swap3A_152, %swap3A_153], %swap3A_156 {strides = array<i32>} : memref<80x128xf32, #tpu.memory_space<vmem>>, vector<1x16xf32>,
      %broadcast_in_dim3A_157 = arith.constant 0.000000e+00 : f32
      %broadcast_in_dim3A_158 = vector.broadcast %broadcast_in_dim3A_157 : f32 to vector<16xf32>
      %swap3A_159 = arith.index_cast %scan3A_115 : i32 to index
      %swap3A_160 = arith.constant 96 : index
      %swap3A_161 = tpu.vector_load %arg9[%swap3A_159, %swap3A_160] {strides = array<i32>} : memref<80x128xf32, #tpu.memory_space<vmem>>, vector<1x16xf32>,
      %swap3A_162 = vector.shape_cast %swap3A_161 : vector<1x16xf32> to vector<16xf32>
      %swap3A_163 = vector.shape_cast %broadcast_in_dim3A_158 : vector<16xf32> to vector<1x16xf32>
      tpu.vector_store %arg9[%swap3A_159, %swap3A_160], %swap3A_163 {strides = array<i32>} : memref<80x128xf32, #tpu.memory_space<vmem>>, vector<1x16xf32>,
      %broadcast_in_dim3A_164 = arith.constant 0.000000e+00 : f32
      %broadcast_in_dim3A_165 = vector.broadcast %broadcast_in_dim3A_164 : f32 to vector<16xf32>
      %swap3A_166 = arith.index_cast %scan3A_115 : i32 to index
      %swap3A_167 = arith.constant 112 : index
      %swap3A_168 = tpu.vector_load %arg9[%swap3A_166, %swap3A_167] {strides = array<i32>} : memref<80x128xf32, #tpu.memory_space<vmem>>, vector<1x16xf32>,
      %swap3A_169 = vector.shape_cast %swap3A_168 : vector<1x16xf32> to vector<16xf32>
      %swap3A_170 = vector.shape_cast %broadcast_in_dim3A_165 : vector<16xf32> to vector<1x16xf32>
      tpu.vector_store %arg9[%swap3A_166, %swap3A_167], %swap3A_170 {strides = array<i32>} : memref<80x128xf32, #tpu.memory_space<vmem>>, vector<1x16xf32>,
    }
    %scan3A_5 = arith.constant 80 : i32
    %sub3A = arith.constant 125 : i32
    %sub3A_6 = arith.subi %sub3A, %arg1 : i32
    %add3A = arith.constant 16 : i32
    %add3A_7 = arith.addi %sub3A_6, %add3A : i32
    %sub3A_8 = arith.constant 1 : i32
    %sub3A_9 = arith.subi %add3A_7, %sub3A_8 : i32
    %jit3A = arith.constant 16 : i32
    %div3A = arith.divsi %sub3A_9, %jit3A : i32
    %sign3A = arith.constant 0 : i32
    %sign3A_10 = arith.cmpi sgt, %sub3A_9, %sign3A : i32
    %sign3A_11 = arith.extui %sign3A_10 : i1 to i32
    %sign3A_12 = arith.constant 0 : i32
    %sign3A_13 = arith.cmpi slt, %sub3A_9, %sign3A_12 : i32
    %sign3A_14 = arith.extui %sign3A_13 : i1 to i32
    %sign3A_15 = arith.subi %sign3A_11, %sign3A_14 : i32
    %sign3A_16 = arith.constant 0 : i32
    %sign3A_17 = arith.cmpi sgt, %jit3A, %sign3A_16 : i32
    %sign3A_18 = arith.extui %sign3A_17 : i1 to i32
    %sign3A_19 = arith.constant 0 : i32
    %sign3A_20 = arith.cmpi slt, %jit3A, %sign3A_19 : i32
    %sign3A_21 = arith.extui %sign3A_20 : i1 to i32
    %sign3A_22 = arith.subi %sign3A_18, %sign3A_21 : i32
    %ne3A = arith.cmpi ne, %sign3A_15, %sign3A_22 : i32
    %rem3A = arith.remsi %sub3A_9, %jit3A : i32
    %ne3A_23 = arith.constant 0 : i32
    %ne3A_24 = arith.cmpi ne, %rem3A, %ne3A_23 : i32
    %and3A = arith.andi %ne3A, %ne3A_24 : i1
    %sub3A_25 = arith.constant 1 : i32
    %sub3A_26 = arith.subi %div3A, %sub3A_25 : i32
    %select_n3A = arith.select %and3A, %sub3A_26, %div3A : i32
    %while3A = arith.constant 0 : i32
    %while3A_27 = arith.constant 0 : i32
    %while3A_28 = arith.subi %select_n3A, %while3A_27 : i32
    %while3A_29 = arith.addi %while3A_27, %while3A_28 : i32
    %while3A_30 = arith.constant 1 : i32
    %while3A_31 = arith.divsi %while3A_28, %while3A_30 : i32
    %while3A_32 = arith.muli %while3A_31, %while3A_30 : i32
    %while3A_33 = arith.addi %while3A_27, %while3A_32 : i32
    %while3A_34 = arith.constant 1 : i32
    scf.for %while3A_115 = %while3A_27 to %while3A_33 step %while3A_34  : i32 {
      %mul3A_116 = arith.constant 16 : i32
      %mul3A_117 = arith.muli %mul3A_116, %while3A_115 : i32
      %add3A_118 = arith.addi %arg1, %mul3A_117 : i32
      %mul3A_119 = arith.constant 80 : i32
      %mul3A_120 = arith.muli %add3A_118, %mul3A_119 : i32
      "tpu.region"() ({
        %run_scoped3A = tpu.sem_alloc : memref<!tpu.dma_semaphore, #tpu.memory_space<semaphore_mem>>
        %dma_start3A_121 = arith.constant 0 : i32
        %dma_start3A_122 = tpu.memref_slice %arg17[%mul3A_120, %dma_start3A_121] : memref<10000x128xf32, #tpu.memory_space<vmem_shared>> -> memref<80x128xf32, #tpu.memory_space<vmem_shared>>
        %dma_start3A_123 = arith.constant 0 : i32
        %dma_start3A_124 = tpu.memref_slice %arg17[%mul3A_120, %dma_start3A_123] : memref<10000x128xf32, #tpu.memory_space<vmem_shared>> -> memref<80x128xf32, #tpu.memory_space<vmem_shared>>
        tpu.enqueue_dma source(%arg9 : memref<80x128xf32, #tpu.memory_space<vmem>>) target(%dma_start3A_124 : memref<80x128xf32, #tpu.memory_space<vmem_shared>>) target_semaphore(%run_scoped3A : memref<!tpu.dma_semaphore, #tpu.memory_space<semaphore_mem>>)
        %dma_wait3A_125 = arith.constant 0 : i32
        %dma_wait3A_126 = tpu.memref_slice %arg17[%mul3A_120, %dma_wait3A_125] : memref<10000x128xf32, #tpu.memory_space<vmem_shared>> -> memref<80x128xf32, #tpu.memory_space<vmem_shared>>
        %dma_wait3A_127 = arith.constant 0 : i32
        %dma_wait3A_128 = tpu.memref_slice %arg17[%mul3A_120, %dma_wait3A_127] : memref<10000x128xf32, #tpu.memory_space<vmem_shared>> -> memref<80x128xf32, #tpu.memory_space<vmem_shared>>
        tpu.wait_dma2 semaphore(%run_scoped3A : memref<!tpu.dma_semaphore, #tpu.memory_space<semaphore_mem>>) src(%arg9 : memref<80x128xf32, #tpu.memory_space<vmem>>) dst(%dma_wait3A_128 : memref<80x128xf32, #tpu.memory_space<vmem_shared>>)
        tpu.yield
      }) : () -> ()
    }
    %while3A_35 = arith.constant 1 : i32
    scf.for %while3A_115 = %while3A_33 to %while3A_29 step %while3A_35  : i32 {
      %mul3A_116 = arith.constant 16 : i32
      %mul3A_117 = arith.muli %mul3A_116, %while3A_115 : i32
      %add3A_118 = arith.addi %arg1, %mul3A_117 : i32
      %mul3A_119 = arith.constant 80 : i32
      %mul3A_120 = arith.muli %add3A_118, %mul3A_119 : i32
      "tpu.region"() ({
        %run_scoped3A = tpu.sem_alloc : memref<!tpu.dma_semaphore, #tpu.memory_space<semaphore_mem>>
        %dma_start3A_121 = arith.constant 0 : i32
        %dma_start3A_122 = tpu.memref_slice %arg17[%mul3A_120, %dma_start3A_121] : memref<10000x128xf32, #tpu.memory_space<vmem_shared>> -> memref<80x128xf32, #tpu.memory_space<vmem_shared>>
        %dma_start3A_123 = arith.constant 0 : i32
        %dma_start3A_124 = tpu.memref_slice %arg17[%mul3A_120, %dma_start3A_123] : memref<10000x128xf32, #tpu.memory_space<vmem_shared>> -> memref<80x128xf32, #tpu.memory_space<vmem_shared>>
        tpu.enqueue_dma source(%arg9 : memref<80x128xf32, #tpu.memory_space<vmem>>) target(%dma_start3A_124 : memref<80x128xf32, #tpu.memory_space<vmem_shared>>) target_semaphore(%run_scoped3A : memref<!tpu.dma_semaphore, #tpu.memory_space<semaphore_mem>>)
        %dma_wait3A_125 = arith.constant 0 : i32
        %dma_wait3A_126 = tpu.memref_slice %arg17[%mul3A_120, %dma_wait3A_125] : memref<10000x128xf32, #tpu.memory_space<vmem_shared>> -> memref<80x128xf32, #tpu.memory_space<vmem_shared>>
        %dma_wait3A_127 = arith.constant 0 : i32
        %dma_wait3A_128 = tpu.memref_slice %arg17[%mul3A_120, %dma_wait3A_127] : memref<10000x128xf32, #tpu.memory_space<vmem_shared>> -> memref<80x128xf32, #tpu.memory_space<vmem_shared>>
        tpu.wait_dma2 semaphore(%run_scoped3A : memref<!tpu.dma_semaphore, #tpu.memory_space<semaphore_mem>>) src(%arg9 : memref<80x128xf32, #tpu.memory_space<vmem>>) dst(%dma_wait3A_128 : memref<80x128xf32, #tpu.memory_space<vmem_shared>>)
        tpu.yield
      }) : () -> ()
    }
    %barrier3A = arith.constant 0 : index
    tpu.barrier barrier_id(%barrier3A)
    %mul3A_36 = arith.constant 9920 : i32
    %mul3A_37 = arith.muli %arg1, %mul3A_36 : i32
    "tpu.region"() ({
      %run_scoped3A = tpu.sem_alloc : memref<!tpu.dma_semaphore, #tpu.memory_space<semaphore_mem>>
      %dma_start3A_115 = tpu.memref_slice %arg3[%mul3A_37] : memref<480000xi32, #tpu.memory_space<hbm>> -> memref<80xi32, #tpu.memory_space<hbm>>
      %dma_start3A_116 = tpu.memref_slice %arg3[%mul3A_37] : memref<480000xi32, #tpu.memory_space<hbm>> -> memref<80xi32, #tpu.memory_space<hbm>>
      tpu.enqueue_dma source(%dma_start3A_116 : memref<80xi32, #tpu.memory_space<hbm>>) target(%arg5 : memref<80xi32, #tpu.memory_space<vmem>>) target_semaphore(%run_scoped3A : memref<!tpu.dma_semaphore, #tpu.memory_space<semaphore_mem>>)
      %dma_wait3A_117 = tpu.memref_slice %arg3[%mul3A_37] : memref<480000xi32, #tpu.memory_space<hbm>> -> memref<80xi32, #tpu.memory_space<hbm>>
      %dma_wait3A_118 = tpu.memref_slice %arg3[%mul3A_37] : memref<480000xi32, #tpu.memory_space<hbm>> -> memref<80xi32, #tpu.memory_space<hbm>>
      tpu.wait_dma2 semaphore(%run_scoped3A : memref<!tpu.dma_semaphore, #tpu.memory_space<semaphore_mem>>) src(%dma_wait3A_118 : memref<80xi32, #tpu.memory_space<hbm>>) dst(%arg5 : memref<80xi32, #tpu.memory_space<vmem>>)
      tpu.yield
    }) : () -> ()
    %add3A_38 = arith.constant 1 : i32
    %add3A_39 = arith.addi %add3A_38, %arg0 : i32
    %mul3A_40 = arith.constant 160000 : i32
    %mul3A_41 = arith.muli %add3A_39, %mul3A_40 : i32
    %add3A_42 = arith.addi %mul3A_41, %mul3A_37 : i32
    "tpu.region"() ({
      %run_scoped3A = tpu.sem_alloc : memref<!tpu.dma_semaphore, #tpu.memory_space<semaphore_mem>>
      %dma_start3A_115 = tpu.memref_slice %arg3[%add3A_42] : memref<480000xi32, #tpu.memory_space<hbm>> -> memref<80xi32, #tpu.memory_space<hbm>>
      %dma_start3A_116 = tpu.memref_slice %arg3[%add3A_42] : memref<480000xi32, #tpu.memory_space<hbm>> -> memref<80xi32, #tpu.memory_space<hbm>>
      tpu.enqueue_dma source(%dma_start3A_116 : memref<80xi32, #tpu.memory_space<hbm>>) target(%arg7 : memref<80xi32, #tpu.memory_space<vmem>>) target_semaphore(%run_scoped3A : memref<!tpu.dma_semaphore, #tpu.memory_space<semaphore_mem>>)
      %dma_wait3A_117 = tpu.memref_slice %arg3[%add3A_42] : memref<480000xi32, #tpu.memory_space<hbm>> -> memref<80xi32, #tpu.memory_space<hbm>>
      %dma_wait3A_118 = tpu.memref_slice %arg3[%add3A_42] : memref<480000xi32, #tpu.memory_space<hbm>> -> memref<80xi32, #tpu.memory_space<hbm>>
      tpu.wait_dma2 semaphore(%run_scoped3A : memref<!tpu.dma_semaphore, #tpu.memory_space<semaphore_mem>>) src(%dma_wait3A_118 : memref<80xi32, #tpu.memory_space<hbm>>) dst(%arg7 : memref<80xi32, #tpu.memory_space<vmem>>)
      tpu.yield
    }) : () -> ()
    %get3A = arith.constant 0 : index
    %get3A_43 = tpu.vector_load %arg5[%get3A] {strides = array<i32>} : memref<80xi32, #tpu.memory_space<vmem>>, vector<16xi32>,
    %get3A_44 = vector.shape_cast %get3A_43 : vector<16xi32> to vector<16xi32>
    %add3A_45 = vector.broadcast %mul3A_0 : i32 to vector<16xi32>
    %add3A_46 = arith.addi %get3A_44, %add3A_45 : vector<16xi32>
    %swap3A = arith.constant 0 : index
    %swap3A_47 = tpu.vector_load %arg6[%swap3A] {strides = array<i32>} : memref<80xi32, #tpu.memory_space<vmem>>, vector<16xi32>,
    %swap3A_48 = vector.shape_cast %swap3A_47 : vector<16xi32> to vector<16xi32>
    %swap3A_49 = vector.shape_cast %add3A_46 : vector<16xi32> to vector<16xi32>
    tpu.vector_store %arg6[%swap3A], %swap3A_49 {strides = array<i32>} : memref<80xi32, #tpu.memory_space<vmem>>, vector<16xi32>,
    %get3A_50 = arith.constant 16 : index
    %get3A_51 = tpu.vector_load %arg5[%get3A_50] {strides = array<i32>} : memref<80xi32, #tpu.memory_space<vmem>>, vector<16xi32>,
    %get3A_52 = vector.shape_cast %get3A_51 : vector<16xi32> to vector<16xi32>
    %add3A_53 = vector.broadcast %mul3A_0 : i32 to vector<16xi32>
    %add3A_54 = arith.addi %get3A_52, %add3A_53 : vector<16xi32>
    %swap3A_55 = arith.constant 16 : index
    %swap3A_56 = tpu.vector_load %arg6[%swap3A_55] {strides = array<i32>} : memref<80xi32, #tpu.memory_space<vmem>>, vector<16xi32>,
    %swap3A_57 = vector.shape_cast %swap3A_56 : vector<16xi32> to vector<16xi32>
    %swap3A_58 = vector.shape_cast %add3A_54 : vector<16xi32> to vector<16xi32>
    tpu.vector_store %arg6[%swap3A_55], %swap3A_58 {strides = array<i32>} : memref<80xi32, #tpu.memory_space<vmem>>, vector<16xi32>,
    %get3A_59 = arith.constant 32 : index
    %get3A_60 = tpu.vector_load %arg5[%get3A_59] {strides = array<i32>} : memref<80xi32, #tpu.memory_space<vmem>>, vector<16xi32>,
    %get3A_61 = vector.shape_cast %get3A_60 : vector<16xi32> to vector<16xi32>
    %add3A_62 = vector.broadcast %mul3A_0 : i32 to vector<16xi32>
    %add3A_63 = arith.addi %get3A_61, %add3A_62 : vector<16xi32>
    %swap3A_64 = arith.constant 32 : index
    %swap3A_65 = tpu.vector_load %arg6[%swap3A_64] {strides = array<i32>} : memref<80xi32, #tpu.memory_space<vmem>>, vector<16xi32>,
    %swap3A_66 = vector.shape_cast %swap3A_65 : vector<16xi32> to vector<16xi32>
    %swap3A_67 = vector.shape_cast %add3A_63 : vector<16xi32> to vector<16xi32>
    tpu.vector_store %arg6[%swap3A_64], %swap3A_67 {strides = array<i32>} : memref<80xi32, #tpu.memory_space<vmem>>, vector<16xi32>,
    %get3A_68 = arith.constant 48 : index
    %get3A_69 = tpu.vector_load %arg5[%get3A_68] {strides = array<i32>} : memref<80xi32, #tpu.memory_space<vmem>>, vector<16xi32>,
    %get3A_70 = vector.shape_cast %get3A_69 : vector<16xi32> to vector<16xi32>
    %add3A_71 = vector.broadcast %mul3A_0 : i32 to vector<16xi32>
    %add3A_72 = arith.addi %get3A_70, %add3A_71 : vector<16xi32>
    %swap3A_73 = arith.constant 48 : index
    %swap3A_74 = tpu.vector_load %arg6[%swap3A_73] {strides = array<i32>} : memref<80xi32, #tpu.memory_space<vmem>>, vector<16xi32>,
    %swap3A_75 = vector.shape_cast %swap3A_74 : vector<16xi32> to vector<16xi32>
    %swap3A_76 = vector.shape_cast %add3A_72 : vector<16xi32> to vector<16xi32>
    tpu.vector_store %arg6[%swap3A_73], %swap3A_76 {strides = array<i32>} : memref<80xi32, #tpu.memory_space<vmem>>, vector<16xi32>,
    %get3A_77 = arith.constant 64 : index
    %get3A_78 = tpu.vector_load %arg5[%get3A_77] {strides = array<i32>} : memref<80xi32, #tpu.memory_space<vmem>>, vector<16xi32>,
    %get3A_79 = vector.shape_cast %get3A_78 : vector<16xi32> to vector<16xi32>
    %add3A_80 = vector.broadcast %mul3A_0 : i32 to vector<16xi32>
    %add3A_81 = arith.addi %get3A_79, %add3A_80 : vector<16xi32>
    %swap3A_82 = arith.constant 64 : index
    %swap3A_83 = tpu.vector_load %arg6[%swap3A_82] {strides = array<i32>} : memref<80xi32, #tpu.memory_space<vmem>>, vector<16xi32>,
    %swap3A_84 = vector.shape_cast %swap3A_83 : vector<16xi32> to vector<16xi32>
    %swap3A_85 = vector.shape_cast %add3A_81 : vector<16xi32> to vector<16xi32>
    tpu.vector_store %arg6[%swap3A_82], %swap3A_85 {strides = array<i32>} : memref<80xi32, #tpu.memory_space<vmem>>, vector<16xi32>,
    %dma_start3A = arith.constant 0 : i32
    %dma_start3A_86 = arith.constant 0 : i32
    %dma_start3A_87 = tpu.memref_slice %arg2[%dma_start3A, %dma_start3A_86] : memref<40000x128xf32, #tpu.memory_space<hbm>> -> memref<40000x128xf32, #tpu.memory_space<hbm>>
    tpu.enqueue_indirect_dma source(%dma_start3A_87 : memref<40000x128xf32, #tpu.memory_space<hbm>>) target(%arg9 : memref<80x128xf32, #tpu.memory_space<vmem>>) offsets(%arg6 : memref<80xi32, #tpu.memory_space<vmem>>) semaphore(%arg18 : memref<!tpu.dma_semaphore, #tpu.memory_space<semaphore_mem>>)
    %dma_start3A_88 = arith.constant 0 : i32
    %dma_start3A_89 = arith.constant 0 : i32
    %dma_start3A_90 = tpu.memref_slice %arg2[%dma_start3A_88, %dma_start3A_89] : memref<40000x128xf32, #tpu.memory_space<hbm>> -> memref<40000x128xf32, #tpu.memory_space<hbm>>
    tpu.enqueue_indirect_dma source(%dma_start3A_90 : memref<40000x128xf32, #tpu.memory_space<hbm>>) target(%arg10 : memref<80x128xf32, #tpu.memory_space<vmem>>) offsets(%arg7 : memref<80xi32, #tpu.memory_space<vmem>>) semaphore(%arg19 : memref<!tpu.dma_semaphore, #tpu.memory_space<semaphore_mem>>)
    %scan3A_91 = arith.constant 0 : i32
    %scan3A_92 = arith.constant 0 : i32
    %scan3A_93 = arith.constant 62 : i32
    %scan3A_94 = arith.addi %scan3A_92, %scan3A_93 : i32
    %scan3A_95 = arith.constant 1 : i32
    scf.for %scan3A_115 = %scan3A_92 to %scan3A_94 step %scan3A_95  : i32 {
      %gt3A = arith.constant 0 : i32
      %gt3A_116 = arith.cmpi sgt, %scan3A_115, %gt3A : i32
      %convert_element_type3A_117 = arith.extui %gt3A_116 : i1 to i32
      %cond3A_118 = arith.constant 0 : i32
      %cond3A_119 = arith.cmpi ne, %convert_element_type3A_117, %cond3A_118 : i32
      scf.if %cond3A_119 {
        %dma_wait3A_288 = arith.constant 0 : i32
        %dma_wait3A_289 = arith.constant 0 : i32
        %dma_wait3A_290 = tpu.memref_slice %arg17[%dma_wait3A_288, %dma_wait3A_289] : memref<10000x128xf32, #tpu.memory_space<vmem_shared>> -> memref<10000x128xf32, #tpu.memory_space<vmem_shared>>
        tpu.wait_indirect_dma semaphore(%arg23 : memref<!tpu.dma_semaphore, #tpu.memory_space<semaphore_mem>>) src(%arg15 : memref<80x128xf32, #tpu.memory_space<vmem>>) dst(%dma_wait3A_290 : memref<10000x128xf32, #tpu.memory_space<vmem_shared>>)
      } else {
      }
      %mul3A_120 = arith.constant 2 : i32
      %mul3A_121 = arith.muli %mul3A_120, %scan3A_115 : i32
      %add3A_122 = arith.constant 1 : i32
      %add3A_123 = arith.addi %mul3A_121, %add3A_122 : i32
      %mul3A_124 = arith.constant 80 : i32
      %mul3A_125 = arith.muli %add3A_123, %mul3A_124 : i32
      %add3A_126 = arith.addi %mul3A_37, %mul3A_125 : i32
      "tpu.region"() ({
        %run_scoped3A = tpu.sem_alloc : memref<!tpu.dma_semaphore, #tpu.memory_space<semaphore_mem>>
        %dma_start3A_288 = tpu.memref_slice %arg3[%add3A_126] : memref<480000xi32, #tpu.memory_space<hbm>> -> memref<80xi32, #tpu.memory_space<hbm>>
        %dma_start3A_289 = tpu.memref_slice %arg3[%add3A_126] : memref<480000xi32, #tpu.memory_space<hbm>> -> memref<80xi32, #tpu.memory_space<hbm>>
        tpu.enqueue_dma source(%dma_start3A_289 : memref<80xi32, #tpu.memory_space<hbm>>) target(%arg11 : memref<80xi32, #tpu.memory_space<vmem>>) target_semaphore(%run_scoped3A : memref<!tpu.dma_semaphore, #tpu.memory_space<semaphore_mem>>)
        %dma_wait3A_290 = tpu.memref_slice %arg3[%add3A_126] : memref<480000xi32, #tpu.memory_space<hbm>> -> memref<80xi32, #tpu.memory_space<hbm>>
        %dma_wait3A_291 = tpu.memref_slice %arg3[%add3A_126] : memref<480000xi32, #tpu.memory_space<hbm>> -> memref<80xi32, #tpu.memory_space<hbm>>
        tpu.wait_dma2 semaphore(%run_scoped3A : memref<!tpu.dma_semaphore, #tpu.memory_space<semaphore_mem>>) src(%dma_wait3A_291 : memref<80xi32, #tpu.memory_space<hbm>>) dst(%arg11 : memref<80xi32, #tpu.memory_space<vmem>>)
        tpu.yield
      }) : () -> ()
      %add3A_127 = arith.constant 1 : i32
      %add3A_128 = arith.addi %add3A_127, %arg0 : i32
      %mul3A_129 = arith.constant 160000 : i32
      %mul3A_130 = arith.muli %add3A_128, %mul3A_129 : i32
      %add3A_131 = arith.addi %mul3A_130, %add3A_126 : i32
      "tpu.region"() ({
        %run_scoped3A = tpu.sem_alloc : memref<!tpu.dma_semaphore, #tpu.memory_space<semaphore_mem>>
        %dma_start3A_288 = tpu.memref_slice %arg3[%add3A_131] : memref<480000xi32, #tpu.memory_space<hbm>> -> memref<80xi32, #tpu.memory_space<hbm>>
        %dma_start3A_289 = tpu.memref_slice %arg3[%add3A_131] : memref<480000xi32, #tpu.memory_space<hbm>> -> memref<80xi32, #tpu.memory_space<hbm>>
        tpu.enqueue_dma source(%dma_start3A_289 : memref<80xi32, #tpu.memory_space<hbm>>) target(%arg13 : memref<80xi32, #tpu.memory_space<vmem>>) target_semaphore(%run_scoped3A : memref<!tpu.dma_semaphore, #tpu.memory_space<semaphore_mem>>)
        %dma_wait3A_290 = tpu.memref_slice %arg3[%add3A_131] : memref<480000xi32, #tpu.memory_space<hbm>> -> memref<80xi32, #tpu.memory_space<hbm>>
        %dma_wait3A_291 = tpu.memref_slice %arg3[%add3A_131] : memref<480000xi32, #tpu.memory_space<hbm>> -> memref<80xi32, #tpu.memory_space<hbm>>
        tpu.wait_dma2 semaphore(%run_scoped3A : memref<!tpu.dma_semaphore, #tpu.memory_space<semaphore_mem>>) src(%dma_wait3A_291 : memref<80xi32, #tpu.memory_space<hbm>>) dst(%arg13 : memref<80xi32, #tpu.memory_space<vmem>>)
        tpu.yield
      }) : () -> ()
      %get3A_132 = arith.constant 0 : index
      %get3A_133 = tpu.vector_load %arg11[%get3A_132] {strides = array<i32>} : memref<80xi32, #tpu.memory_space<vmem>>, vector<16xi32>,
      %get3A_134 = vector.shape_cast %get3A_133 : vector<16xi32> to vector<16xi32>
      %add3A_135 = vector.broadcast %mul3A_0 : i32 to vector<16xi32>
      %add3A_136 = arith.addi %get3A_134, %add3A_135 : vector<16xi32>
      %swap3A_137 = arith.constant 0 : index
      %swap3A_138 = tpu.vector_load %arg12[%swap3A_137] {strides = array<i32>} : memref<80xi32, #tpu.memory_space<vmem>>, vector<16xi32>,
      %swap3A_139 = vector.shape_cast %swap3A_138 : vector<16xi32> to vector<16xi32>
      %swap3A_140 = vector.shape_cast %add3A_136 : vector<16xi32> to vector<16xi32>
      tpu.vector_store %arg12[%swap3A_137], %swap3A_140 {strides = array<i32>} : memref<80xi32, #tpu.memory_space<vmem>>, vector<16xi32>,
      %get3A_141 = arith.constant 16 : index
      %get3A_142 = tpu.vector_load %arg11[%get3A_141] {strides = array<i32>} : memref<80xi32, #tpu.memory_space<vmem>>, vector<16xi32>,
      %get3A_143 = vector.shape_cast %get3A_142 : vector<16xi32> to vector<16xi32>
      %add3A_144 = vector.broadcast %mul3A_0 : i32 to vector<16xi32>
      %add3A_145 = arith.addi %get3A_143, %add3A_144 : vector<16xi32>
      %swap3A_146 = arith.constant 16 : index
      %swap3A_147 = tpu.vector_load %arg12[%swap3A_146] {strides = array<i32>} : memref<80xi32, #tpu.memory_space<vmem>>, vector<16xi32>,
      %swap3A_148 = vector.shape_cast %swap3A_147 : vector<16xi32> to vector<16xi32>
      %swap3A_149 = vector.shape_cast %add3A_145 : vector<16xi32> to vector<16xi32>
      tpu.vector_store %arg12[%swap3A_146], %swap3A_149 {strides = array<i32>} : memref<80xi32, #tpu.memory_space<vmem>>, vector<16xi32>,
      %get3A_150 = arith.constant 32 : index
      %get3A_151 = tpu.vector_load %arg11[%get3A_150] {strides = array<i32>} : memref<80xi32, #tpu.memory_space<vmem>>, vector<16xi32>,
      %get3A_152 = vector.shape_cast %get3A_151 : vector<16xi32> to vector<16xi32>
      %add3A_153 = vector.broadcast %mul3A_0 : i32 to vector<16xi32>
      %add3A_154 = arith.addi %get3A_152, %add3A_153 : vector<16xi32>
      %swap3A_155 = arith.constant 32 : index
      %swap3A_156 = tpu.vector_load %arg12[%swap3A_155] {strides = array<i32>} : memref<80xi32, #tpu.memory_space<vmem>>, vector<16xi32>,
      %swap3A_157 = vector.shape_cast %swap3A_156 : vector<16xi32> to vector<16xi32>
      %swap3A_158 = vector.shape_cast %add3A_154 : vector<16xi32> to vector<16xi32>
      tpu.vector_store %arg12[%swap3A_155], %swap3A_158 {strides = array<i32>} : memref<80xi32, #tpu.memory_space<vmem>>, vector<16xi32>,
      %get3A_159 = arith.constant 48 : index
      %get3A_160 = tpu.vector_load %arg11[%get3A_159] {strides = array<i32>} : memref<80xi32, #tpu.memory_space<vmem>>, vector<16xi32>,
      %get3A_161 = vector.shape_cast %get3A_160 : vector<16xi32> to vector<16xi32>
      %add3A_162 = vector.broadcast %mul3A_0 : i32 to vector<16xi32>
      %add3A_163 = arith.addi %get3A_161, %add3A_162 : vector<16xi32>
      %swap3A_164 = arith.constant 48 : index
      %swap3A_165 = tpu.vector_load %arg12[%swap3A_164] {strides = array<i32>} : memref<80xi32, #tpu.memory_space<vmem>>, vector<16xi32>,
      %swap3A_166 = vector.shape_cast %swap3A_165 : vector<16xi32> to vector<16xi32>
      %swap3A_167 = vector.shape_cast %add3A_163 : vector<16xi32> to vector<16xi32>
      tpu.vector_store %arg12[%swap3A_164], %swap3A_167 {strides = array<i32>} : memref<80xi32, #tpu.memory_space<vmem>>, vector<16xi32>,
      %get3A_168 = arith.constant 64 : index
      %get3A_169 = tpu.vector_load %arg11[%get3A_168] {strides = array<i32>} : memref<80xi32, #tpu.memory_space<vmem>>, vector<16xi32>,
      %get3A_170 = vector.shape_cast %get3A_169 : vector<16xi32> to vector<16xi32>
      %add3A_171 = vector.broadcast %mul3A_0 : i32 to vector<16xi32>
      %add3A_172 = arith.addi %get3A_170, %add3A_171 : vector<16xi32>
      %swap3A_173 = arith.constant 64 : index
      %swap3A_174 = tpu.vector_load %arg12[%swap3A_173] {strides = array<i32>} : memref<80xi32, #tpu.memory_space<vmem>>, vector<16xi32>,
      %swap3A_175 = vector.shape_cast %swap3A_174 : vector<16xi32> to vector<16xi32>
      %swap3A_176 = vector.shape_cast %add3A_172 : vector<16xi32> to vector<16xi32>
      tpu.vector_store %arg12[%swap3A_173], %swap3A_176 {strides = array<i32>} : memref<80xi32, #tpu.memory_space<vmem>>, vector<16xi32>,
      %dma_start3A_177 = arith.constant 0 : i32
      %dma_start3A_178 = arith.constant 0 : i32
      %dma_start3A_179 = tpu.memref_slice %arg2[%dma_start3A_177, %dma_start3A_178] : memref<40000x128xf32, #tpu.memory_space<hbm>> -> memref<40000x128xf32, #tpu.memory_space<hbm>>
      tpu.enqueue_indirect_dma source(%dma_start3A_179 : memref<40000x128xf32, #tpu.memory_space<hbm>>) target(%arg15 : memref<80x128xf32, #tpu.memory_space<vmem>>) offsets(%arg12 : memref<80xi32, #tpu.memory_space<vmem>>) semaphore(%arg21 : memref<!tpu.dma_semaphore, #tpu.memory_space<semaphore_mem>>)
      %dma_start3A_180 = arith.constant 0 : i32
      %dma_start3A_181 = arith.constant 0 : i32
      %dma_start3A_182 = tpu.memref_slice %arg2[%dma_start3A_180, %dma_start3A_181] : memref<40000x128xf32, #tpu.memory_space<hbm>> -> memref<40000x128xf32, #tpu.memory_space<hbm>>
      tpu.enqueue_indirect_dma source(%dma_start3A_182 : memref<40000x128xf32, #tpu.memory_space<hbm>>) target(%arg16 : memref<80x128xf32, #tpu.memory_space<vmem>>) offsets(%arg13 : memref<80xi32, #tpu.memory_space<vmem>>) semaphore(%arg22 : memref<!tpu.dma_semaphore, #tpu.memory_space<semaphore_mem>>)
      %dma_wait3A_183 = arith.constant 0 : i32
      %dma_wait3A_184 = arith.constant 0 : i32
      %dma_wait3A_185 = tpu.memref_slice %arg2[%dma_wait3A_183, %dma_wait3A_184] : memref<40000x128xf32, #tpu.memory_space<hbm>> -> memref<40000x128xf32, #tpu.memory_space<hbm>>
      tpu.wait_indirect_dma semaphore(%arg18 : memref<!tpu.dma_semaphore, #tpu.memory_space<semaphore_mem>>) src(%dma_wait3A_185 : memref<40000x128xf32, #tpu.memory_space<hbm>>) dst(%arg9 : memref<80x128xf32, #tpu.memory_space<vmem>>)
      %dma_wait3A_186 = arith.constant 0 : i32
      %dma_wait3A_187 = arith.constant 0 : i32
      %dma_wait3A_188 = tpu.memref_slice %arg2[%dma_wait3A_186, %dma_wait3A_187] : memref<40000x128xf32, #tpu.memory_space<hbm>> -> memref<40000x128xf32, #tpu.memory_space<hbm>>
      tpu.wait_indirect_dma semaphore(%arg19 : memref<!tpu.dma_semaphore, #tpu.memory_space<semaphore_mem>>) src(%dma_wait3A_188 : memref<40000x128xf32, #tpu.memory_space<hbm>>) dst(%arg10 : memref<80x128xf32, #tpu.memory_space<vmem>>)
      %scan3A_189 = arith.constant 0 : i32
      %scan3A_190 = arith.constant 0 : i32
      %scan3A_191 = arith.constant 80 : i32
      %scan3A_192 = arith.addi %scan3A_190, %scan3A_191 : i32
      %scan3A_193 = arith.constant 1 : i32
      scf.for %scan3A_288 = %scan3A_190 to %scan3A_192 step %scan3A_193  : i32 {
        %get3A_289 = arith.index_cast %scan3A_288 : i32 to index
        %get3A_290 = arith.constant 0 : index
        %get3A_291 = tpu.vector_load %arg9[%get3A_289, %get3A_290] {strides = array<i32>} : memref<80x128xf32, #tpu.memory_space<vmem>>, vector<1x16xf32>,
        %get3A_292 = vector.shape_cast %get3A_291 : vector<1x16xf32> to vector<16xf32>
        %get3A_293 = arith.index_cast %scan3A_288 : i32 to index
        %get3A_294 = arith.constant 0 : index
        %get3A_295 = tpu.vector_load %arg10[%get3A_293, %get3A_294] {strides = array<i32>} : memref<80x128xf32, #tpu.memory_space<vmem>>, vector<1x16xf32>,
        %get3A_296 = vector.shape_cast %get3A_295 : vector<1x16xf32> to vector<16xf32>
        %add3A_297 = arith.addf %get3A_292, %get3A_296 : vector<16xf32>
        %max3A = arith.constant 0.000000e+00 : f32
        %max3A_298 = vector.broadcast %max3A : f32 to vector<16xf32>
        %max3A_299 = arith.maximumf %add3A_297, %max3A_298 : vector<16xf32>
        %swap3A_300 = arith.index_cast %scan3A_288 : i32 to index
        %swap3A_301 = arith.constant 0 : index
        %swap3A_302 = tpu.vector_load %arg9[%swap3A_300, %swap3A_301] {strides = array<i32>} : memref<80x128xf32, #tpu.memory_space<vmem>>, vector<1x16xf32>,
        %swap3A_303 = vector.shape_cast %swap3A_302 : vector<1x16xf32> to vector<16xf32>
        %swap3A_304 = vector.shape_cast %max3A_299 : vector<16xf32> to vector<1x16xf32>
        tpu.vector_store %arg9[%swap3A_300, %swap3A_301], %swap3A_304 {strides = array<i32>} : memref<80x128xf32, #tpu.memory_space<vmem>>, vector<1x16xf32>,
        %get3A_305 = arith.index_cast %scan3A_288 : i32 to index
        %get3A_306 = arith.constant 16 : index
        %get3A_307 = tpu.vector_load %arg9[%get3A_305, %get3A_306] {strides = array<i32>} : memref<80x128xf32, #tpu.memory_space<vmem>>, vector<1x16xf32>,
        %get3A_308 = vector.shape_cast %get3A_307 : vector<1x16xf32> to vector<16xf32>
        %get3A_309 = arith.index_cast %scan3A_288 : i32 to index
        %get3A_310 = arith.constant 16 : index
        %get3A_311 = tpu.vector_load %arg10[%get3A_309, %get3A_310] {strides = array<i32>} : memref<80x128xf32, #tpu.memory_space<vmem>>, vector<1x16xf32>,
        %get3A_312 = vector.shape_cast %get3A_311 : vector<1x16xf32> to vector<16xf32>
        %add3A_313 = arith.addf %get3A_308, %get3A_312 : vector<16xf32>
        %max3A_314 = arith.constant 0.000000e+00 : f32
        %max3A_315 = vector.broadcast %max3A_314 : f32 to vector<16xf32>
        %max3A_316 = arith.maximumf %add3A_313, %max3A_315 : vector<16xf32>
        %swap3A_317 = arith.index_cast %scan3A_288 : i32 to index
        %swap3A_318 = arith.constant 16 : index
        %swap3A_319 = tpu.vector_load %arg9[%swap3A_317, %swap3A_318] {strides = array<i32>} : memref<80x128xf32, #tpu.memory_space<vmem>>, vector<1x16xf32>,
        %swap3A_320 = vector.shape_cast %swap3A_319 : vector<1x16xf32> to vector<16xf32>
        %swap3A_321 = vector.shape_cast %max3A_316 : vector<16xf32> to vector<1x16xf32>
        tpu.vector_store %arg9[%swap3A_317, %swap3A_318], %swap3A_321 {strides = array<i32>} : memref<80x128xf32, #tpu.memory_space<vmem>>, vector<1x16xf32>,
        %get3A_322 = arith.index_cast %scan3A_288 : i32 to index
        %get3A_323 = arith.constant 32 : index
        %get3A_324 = tpu.vector_load %arg9[%get3A_322, %get3A_323] {strides = array<i32>} : memref<80x128xf32, #tpu.memory_space<vmem>>, vector<1x16xf32>,
        %get3A_325 = vector.shape_cast %get3A_324 : vector<1x16xf32> to vector<16xf32>
        %get3A_326 = arith.index_cast %scan3A_288 : i32 to index
        %get3A_327 = arith.constant 32 : index
        %get3A_328 = tpu.vector_load %arg10[%get3A_326, %get3A_327] {strides = array<i32>} : memref<80x128xf32, #tpu.memory_space<vmem>>, vector<1x16xf32>,
        %get3A_329 = vector.shape_cast %get3A_328 : vector<1x16xf32> to vector<16xf32>
        %add3A_330 = arith.addf %get3A_325, %get3A_329 : vector<16xf32>
        %max3A_331 = arith.constant 0.000000e+00 : f32
        %max3A_332 = vector.broadcast %max3A_331 : f32 to vector<16xf32>
        %max3A_333 = arith.maximumf %add3A_330, %max3A_332 : vector<16xf32>
        %swap3A_334 = arith.index_cast %scan3A_288 : i32 to index
        %swap3A_335 = arith.constant 32 : index
        %swap3A_336 = tpu.vector_load %arg9[%swap3A_334, %swap3A_335] {strides = array<i32>} : memref<80x128xf32, #tpu.memory_space<vmem>>, vector<1x16xf32>,
        %swap3A_337 = vector.shape_cast %swap3A_336 : vector<1x16xf32> to vector<16xf32>
        %swap3A_338 = vector.shape_cast %max3A_333 : vector<16xf32> to vector<1x16xf32>
        tpu.vector_store %arg9[%swap3A_334, %swap3A_335], %swap3A_338 {strides = array<i32>} : memref<80x128xf32, #tpu.memory_space<vmem>>, vector<1x16xf32>,
        %get3A_339 = arith.index_cast %scan3A_288 : i32 to index
        %get3A_340 = arith.constant 48 : index
        %get3A_341 = tpu.vector_load %arg9[%get3A_339, %get3A_340] {strides = array<i32>} : memref<80x128xf32, #tpu.memory_space<vmem>>, vector<1x16xf32>,
        %get3A_342 = vector.shape_cast %get3A_341 : vector<1x16xf32> to vector<16xf32>
        %get3A_343 = arith.index_cast %scan3A_288 : i32 to index
        %get3A_344 = arith.constant 48 : index
        %get3A_345 = tpu.vector_load %arg10[%get3A_343, %get3A_344] {strides = array<i32>} : memref<80x128xf32, #tpu.memory_space<vmem>>, vector<1x16xf32>,
        %get3A_346 = vector.shape_cast %get3A_345 : vector<1x16xf32> to vector<16xf32>
        %add3A_347 = arith.addf %get3A_342, %get3A_346 : vector<16xf32>
        %max3A_348 = arith.constant 0.000000e+00 : f32
        %max3A_349 = vector.broadcast %max3A_348 : f32 to vector<16xf32>
        %max3A_350 = arith.maximumf %add3A_347, %max3A_349 : vector<16xf32>
        %swap3A_351 = arith.index_cast %scan3A_288 : i32 to index
        %swap3A_352 = arith.constant 48 : index
        %swap3A_353 = tpu.vector_load %arg9[%swap3A_351, %swap3A_352] {strides = array<i32>} : memref<80x128xf32, #tpu.memory_space<vmem>>, vector<1x16xf32>,
        %swap3A_354 = vector.shape_cast %swap3A_353 : vector<1x16xf32> to vector<16xf32>
        %swap3A_355 = vector.shape_cast %max3A_350 : vector<16xf32> to vector<1x16xf32>
        tpu.vector_store %arg9[%swap3A_351, %swap3A_352], %swap3A_355 {strides = array<i32>} : memref<80x128xf32, #tpu.memory_space<vmem>>, vector<1x16xf32>,
        %get3A_356 = arith.index_cast %scan3A_288 : i32 to index
        %get3A_357 = arith.constant 64 : index
        %get3A_358 = tpu.vector_load %arg9[%get3A_356, %get3A_357] {strides = array<i32>} : memref<80x128xf32, #tpu.memory_space<vmem>>, vector<1x16xf32>,
        %get3A_359 = vector.shape_cast %get3A_358 : vector<1x16xf32> to vector<16xf32>
        %get3A_360 = arith.index_cast %scan3A_288 : i32 to index
        %get3A_361 = arith.constant 64 : index
        %get3A_362 = tpu.vector_load %arg10[%get3A_360, %get3A_361] {strides = array<i32>} : memref<80x128xf32, #tpu.memory_space<vmem>>, vector<1x16xf32>,
        %get3A_363 = vector.shape_cast %get3A_362 : vector<1x16xf32> to vector<16xf32>
        %add3A_364 = arith.addf %get3A_359, %get3A_363 : vector<16xf32>
        %max3A_365 = arith.constant 0.000000e+00 : f32
        %max3A_366 = vector.broadcast %max3A_365 : f32 to vector<16xf32>
        %max3A_367 = arith.maximumf %add3A_364, %max3A_366 : vector<16xf32>
        %swap3A_368 = arith.index_cast %scan3A_288 : i32 to index
        %swap3A_369 = arith.constant 64 : index
        %swap3A_370 = tpu.vector_load %arg9[%swap3A_368, %swap3A_369] {strides = array<i32>} : memref<80x128xf32, #tpu.memory_space<vmem>>, vector<1x16xf32>,
        %swap3A_371 = vector.shape_cast %swap3A_370 : vector<1x16xf32> to vector<16xf32>
        %swap3A_372 = vector.shape_cast %max3A_367 : vector<16xf32> to vector<1x16xf32>
        tpu.vector_store %arg9[%swap3A_368, %swap3A_369], %swap3A_372 {strides = array<i32>} : memref<80x128xf32, #tpu.memory_space<vmem>>, vector<1x16xf32>,
        %get3A_373 = arith.index_cast %scan3A_288 : i32 to index
        %get3A_374 = arith.constant 80 : index
        %get3A_375 = tpu.vector_load %arg9[%get3A_373, %get3A_374] {strides = array<i32>} : memref<80x128xf32, #tpu.memory_space<vmem>>, vector<1x16xf32>,
        %get3A_376 = vector.shape_cast %get3A_375 : vector<1x16xf32> to vector<16xf32>
        %get3A_377 = arith.index_cast %scan3A_288 : i32 to index
        %get3A_378 = arith.constant 80 : index
        %get3A_379 = tpu.vector_load %arg10[%get3A_377, %get3A_378] {strides = array<i32>} : memref<80x128xf32, #tpu.memory_space<vmem>>, vector<1x16xf32>,
        %get3A_380 = vector.shape_cast %get3A_379 : vector<1x16xf32> to vector<16xf32>
        %add3A_381 = arith.addf %get3A_376, %get3A_380 : vector<16xf32>
        %max3A_382 = arith.constant 0.000000e+00 : f32
        %max3A_383 = vector.broadcast %max3A_382 : f32 to vector<16xf32>
        %max3A_384 = arith.maximumf %add3A_381, %max3A_383 : vector<16xf32>
        %swap3A_385 = arith.index_cast %scan3A_288 : i32 to index
        %swap3A_386 = arith.constant 80 : index
        %swap3A_387 = tpu.vector_load %arg9[%swap3A_385, %swap3A_386] {strides = array<i32>} : memref<80x128xf32, #tpu.memory_space<vmem>>, vector<1x16xf32>,
        %swap3A_388 = vector.shape_cast %swap3A_387 : vector<1x16xf32> to vector<16xf32>
        %swap3A_389 = vector.shape_cast %max3A_384 : vector<16xf32> to vector<1x16xf32>
        tpu.vector_store %arg9[%swap3A_385, %swap3A_386], %swap3A_389 {strides = array<i32>} : memref<80x128xf32, #tpu.memory_space<vmem>>, vector<1x16xf32>,
        %get3A_390 = arith.index_cast %scan3A_288 : i32 to index
        %get3A_391 = arith.constant 96 : index
        %get3A_392 = tpu.vector_load %arg9[%get3A_390, %get3A_391] {strides = array<i32>} : memref<80x128xf32, #tpu.memory_space<vmem>>, vector<1x16xf32>,
        %get3A_393 = vector.shape_cast %get3A_392 : vector<1x16xf32> to vector<16xf32>
        %get3A_394 = arith.index_cast %scan3A_288 : i32 to index
        %get3A_395 = arith.constant 96 : index
        %get3A_396 = tpu.vector_load %arg10[%get3A_394, %get3A_395] {strides = array<i32>} : memref<80x128xf32, #tpu.memory_space<vmem>>, vector<1x16xf32>,
        %get3A_397 = vector.shape_cast %get3A_396 : vector<1x16xf32> to vector<16xf32>
        %add3A_398 = arith.addf %get3A_393, %get3A_397 : vector<16xf32>
        %max3A_399 = arith.constant 0.000000e+00 : f32
        %max3A_400 = vector.broadcast %max3A_399 : f32 to vector<16xf32>
        %max3A_401 = arith.maximumf %add3A_398, %max3A_400 : vector<16xf32>
        %swap3A_402 = arith.index_cast %scan3A_288 : i32 to index
        %swap3A_403 = arith.constant 96 : index
        %swap3A_404 = tpu.vector_load %arg9[%swap3A_402, %swap3A_403] {strides = array<i32>} : memref<80x128xf32, #tpu.memory_space<vmem>>, vector<1x16xf32>,
        %swap3A_405 = vector.shape_cast %swap3A_404 : vector<1x16xf32> to vector<16xf32>
        %swap3A_406 = vector.shape_cast %max3A_401 : vector<16xf32> to vector<1x16xf32>
        tpu.vector_store %arg9[%swap3A_402, %swap3A_403], %swap3A_406 {strides = array<i32>} : memref<80x128xf32, #tpu.memory_space<vmem>>, vector<1x16xf32>,
        %get3A_407 = arith.index_cast %scan3A_288 : i32 to index
        %get3A_408 = arith.constant 112 : index
        %get3A_409 = tpu.vector_load %arg9[%get3A_407, %get3A_408] {strides = array<i32>} : memref<80x128xf32, #tpu.memory_space<vmem>>, vector<1x16xf32>,
        %get3A_410 = vector.shape_cast %get3A_409 : vector<1x16xf32> to vector<16xf32>
        %get3A_411 = arith.index_cast %scan3A_288 : i32 to index
        %get3A_412 = arith.constant 112 : index
        %get3A_413 = tpu.vector_load %arg10[%get3A_411, %get3A_412] {strides = array<i32>} : memref<80x128xf32, #tpu.memory_space<vmem>>, vector<1x16xf32>,
        %get3A_414 = vector.shape_cast %get3A_413 : vector<1x16xf32> to vector<16xf32>
        %add3A_415 = arith.addf %get3A_410, %get3A_414 : vector<16xf32>
        %max3A_416 = arith.constant 0.000000e+00 : f32
        %max3A_417 = vector.broadcast %max3A_416 : f32 to vector<16xf32>
        %max3A_418 = arith.maximumf %add3A_415, %max3A_417 : vector<16xf32>
        %swap3A_419 = arith.index_cast %scan3A_288 : i32 to index
        %swap3A_420 = arith.constant 112 : index
        %swap3A_421 = tpu.vector_load %arg9[%swap3A_419, %swap3A_420] {strides = array<i32>} : memref<80x128xf32, #tpu.memory_space<vmem>>, vector<1x16xf32>,
        %swap3A_422 = vector.shape_cast %swap3A_421 : vector<1x16xf32> to vector<16xf32>
        %swap3A_423 = vector.shape_cast %max3A_418 : vector<16xf32> to vector<1x16xf32>
        tpu.vector_store %arg9[%swap3A_419, %swap3A_420], %swap3A_423 {strides = array<i32>} : memref<80x128xf32, #tpu.memory_space<vmem>>, vector<1x16xf32>,
      }
      %scan3A_194 = arith.constant 80 : i32
      %get3A_195 = arith.constant 0 : index
      %get3A_196 = tpu.vector_load %arg5[%get3A_195] {strides = array<i32>} : memref<80xi32, #tpu.memory_space<vmem>>, vector<16xi32>,
      %get3A_197 = vector.shape_cast %get3A_196 : vector<16xi32> to vector<16xi32>
      %swap3A_198 = arith.constant 0 : index
      %swap3A_199 = tpu.vector_load %arg8[%swap3A_198] {strides = array<i32>} : memref<80xi32, #tpu.memory_space<vmem>>, vector<16xi32>,
      %swap3A_200 = vector.shape_cast %swap3A_199 : vector<16xi32> to vector<16xi32>
      %swap3A_201 = vector.shape_cast %get3A_197 : vector<16xi32> to vector<16xi32>
      tpu.vector_store %arg8[%swap3A_198], %swap3A_201 {strides = array<i32>} : memref<80xi32, #tpu.memory_space<vmem>>, vector<16xi32>,
      %get3A_202 = arith.constant 16 : index
      %get3A_203 = tpu.vector_load %arg5[%get3A_202] {strides = array<i32>} : memref<80xi32, #tpu.memory_space<vmem>>, vector<16xi32>,
      %get3A_204 = vector.shape_cast %get3A_203 : vector<16xi32> to vector<16xi32>
      %swap3A_205 = arith.constant 16 : index
      %swap3A_206 = tpu.vector_load %arg8[%swap3A_205] {strides = array<i32>} : memref<80xi32, #tpu.memory_space<vmem>>, vector<16xi32>,
      %swap3A_207 = vector.shape_cast %swap3A_206 : vector<16xi32> to vector<16xi32>
      %swap3A_208 = vector.shape_cast %get3A_204 : vector<16xi32> to vector<16xi32>
      tpu.vector_store %arg8[%swap3A_205], %swap3A_208 {strides = array<i32>} : memref<80xi32, #tpu.memory_space<vmem>>, vector<16xi32>,
      %get3A_209 = arith.constant 32 : index
      %get3A_210 = tpu.vector_load %arg5[%get3A_209] {strides = array<i32>} : memref<80xi32, #tpu.memory_space<vmem>>, vector<16xi32>,
      %get3A_211 = vector.shape_cast %get3A_210 : vector<16xi32> to vector<16xi32>
      %swap3A_212 = arith.constant 32 : index
      %swap3A_213 = tpu.vector_load %arg8[%swap3A_212] {strides = array<i32>} : memref<80xi32, #tpu.memory_space<vmem>>, vector<16xi32>,
      %swap3A_214 = vector.shape_cast %swap3A_213 : vector<16xi32> to vector<16xi32>
      %swap3A_215 = vector.shape_cast %get3A_211 : vector<16xi32> to vector<16xi32>
      tpu.vector_store %arg8[%swap3A_212], %swap3A_215 {strides = array<i32>} : memref<80xi32, #tpu.memory_space<vmem>>, vector<16xi32>,
      %get3A_216 = arith.constant 48 : index
      %get3A_217 = tpu.vector_load %arg5[%get3A_216] {strides = array<i32>} : memref<80xi32, #tpu.memory_space<vmem>>, vector<16xi32>,
      %get3A_218 = vector.shape_cast %get3A_217 : vector<16xi32> to vector<16xi32>
      %swap3A_219 = arith.constant 48 : index
      %swap3A_220 = tpu.vector_load %arg8[%swap3A_219] {strides = array<i32>} : memref<80xi32, #tpu.memory_space<vmem>>, vector<16xi32>,
      %swap3A_221 = vector.shape_cast %swap3A_220 : vector<16xi32> to vector<16xi32>
      %swap3A_222 = vector.shape_cast %get3A_218 : vector<16xi32> to vector<16xi32>
      tpu.vector_store %arg8[%swap3A_219], %swap3A_222 {strides = array<i32>} : memref<80xi32, #tpu.memory_space<vmem>>, vector<16xi32>,
      %get3A_223 = arith.constant 64 : index
      %get3A_224 = tpu.vector_load %arg5[%get3A_223] {strides = array<i32>} : memref<80xi32, #tpu.memory_space<vmem>>, vector<16xi32>,
      %get3A_225 = vector.shape_cast %get3A_224 : vector<16xi32> to vector<16xi32>
      %swap3A_226 = arith.constant 64 : index
      %swap3A_227 = tpu.vector_load %arg8[%swap3A_226] {strides = array<i32>} : memref<80xi32, #tpu.memory_space<vmem>>, vector<16xi32>,
      %swap3A_228 = vector.shape_cast %swap3A_227 : vector<16xi32> to vector<16xi32>
      %swap3A_229 = vector.shape_cast %get3A_225 : vector<16xi32> to vector<16xi32>
      tpu.vector_store %arg8[%swap3A_226], %swap3A_229 {strides = array<i32>} : memref<80xi32, #tpu.memory_space<vmem>>, vector<16xi32>,
      %dma_start3A_230 = arith.constant 0 : i32
      %dma_start3A_231 = arith.constant 0 : i32
      %dma_start3A_232 = tpu.memref_slice %arg17[%dma_start3A_230, %dma_start3A_231] : memref<10000x128xf32, #tpu.memory_space<vmem_shared>> -> memref<10000x128xf32, #tpu.memory_space<vmem_shared>>
      tpu.enqueue_indirect_dma source(%arg9 : memref<80x128xf32, #tpu.memory_space<vmem>>) target(%dma_start3A_232 : memref<10000x128xf32, #tpu.memory_space<vmem_shared>>) offsets(%arg8 : memref<80xi32, #tpu.memory_space<vmem>>) semaphore(%arg20 : memref<!tpu.dma_semaphore, #tpu.memory_space<semaphore_mem>>) {add = true}
      %dma_wait3A_233 = arith.constant 0 : i32
      %dma_wait3A_234 = arith.constant 0 : i32
      %dma_wait3A_235 = tpu.memref_slice %arg2[%dma_wait3A_233, %dma_wait3A_234] : memref<40000x128xf32, #tpu.memory_space<hbm>> -> memref<40000x128xf32, #tpu.memory_space<hbm>>
      tpu.wait_indirect_dma semaphore(%arg21 : memref<!tpu.dma_semaphore, #tpu.memory_space<semaphore_mem>>) src(%dma_wait3A_235 : memref<40000x128xf32, #tpu.memory_space<hbm>>) dst(%arg15 : memref<80x128xf32, #tpu.memory_space<vmem>>)
      %dma_wait3A_236 = arith.constant 0 : i32
      %dma_wait3A_237 = arith.constant 0 : i32
      %dma_wait3A_238 = tpu.memref_slice %arg2[%dma_wait3A_236, %dma_wait3A_237] : memref<40000x128xf32, #tpu.memory_space<hbm>> -> memref<40000x128xf32, #tpu.memory_space<hbm>>
      tpu.wait_indirect_dma semaphore(%arg22 : memref<!tpu.dma_semaphore, #tpu.memory_space<semaphore_mem>>) src(%dma_wait3A_238 : memref<40000x128xf32, #tpu.memory_space<hbm>>) dst(%arg16 : memref<80x128xf32, #tpu.memory_space<vmem>>)
      %scan3A_239 = arith.constant 0 : i32
      %scan3A_240 = arith.constant 0 : i32
      %scan3A_241 = arith.constant 80 : i32
      %scan3A_242 = arith.addi %scan3A_240, %scan3A_241 : i32
      %scan3A_243 = arith.constant 1 : i32
      scf.for %scan3A_288 = %scan3A_240 to %scan3A_242 step %scan3A_243  : i32 {
        %get3A_289 = arith.index_cast %scan3A_288 : i32 to index
        %get3A_290 = arith.constant 0 : index
        %get3A_291 = tpu.vector_load %arg15[%get3A_289, %get3A_290] {strides = array<i32>} : memref<80x128xf32, #tpu.memory_space<vmem>>, vector<1x16xf32>,
        %get3A_292 = vector.shape_cast %get3A_291 : vector<1x16xf32> to vector<16xf32>
        %get3A_293 = arith.index_cast %scan3A_288 : i32 to index
        %get3A_294 = arith.constant 0 : index
        %get3A_295 = tpu.vector_load %arg16[%get3A_293, %get3A_294] {strides = array<i32>} : memref<80x128xf32, #tpu.memory_space<vmem>>, vector<1x16xf32>,
        %get3A_296 = vector.shape_cast %get3A_295 : vector<1x16xf32> to vector<16xf32>
        %add3A_297 = arith.addf %get3A_292, %get3A_296 : vector<16xf32>
        %max3A = arith.constant 0.000000e+00 : f32
        %max3A_298 = vector.broadcast %max3A : f32 to vector<16xf32>
        %max3A_299 = arith.maximumf %add3A_297, %max3A_298 : vector<16xf32>
        %swap3A_300 = arith.index_cast %scan3A_288 : i32 to index
        %swap3A_301 = arith.constant 0 : index
        %swap3A_302 = tpu.vector_load %arg15[%swap3A_300, %swap3A_301] {strides = array<i32>} : memref<80x128xf32, #tpu.memory_space<vmem>>, vector<1x16xf32>,
        %swap3A_303 = vector.shape_cast %swap3A_302 : vector<1x16xf32> to vector<16xf32>
        %swap3A_304 = vector.shape_cast %max3A_299 : vector<16xf32> to vector<1x16xf32>
        tpu.vector_store %arg15[%swap3A_300, %swap3A_301], %swap3A_304 {strides = array<i32>} : memref<80x128xf32, #tpu.memory_space<vmem>>, vector<1x16xf32>,
        %get3A_305 = arith.index_cast %scan3A_288 : i32 to index
        %get3A_306 = arith.constant 16 : index
        %get3A_307 = tpu.vector_load %arg15[%get3A_305, %get3A_306] {strides = array<i32>} : memref<80x128xf32, #tpu.memory_space<vmem>>, vector<1x16xf32>,
        %get3A_308 = vector.shape_cast %get3A_307 : vector<1x16xf32> to vector<16xf32>
        %get3A_309 = arith.index_cast %scan3A_288 : i32 to index
        %get3A_310 = arith.constant 16 : index
        %get3A_311 = tpu.vector_load %arg16[%get3A_309, %get3A_310] {strides = array<i32>} : memref<80x128xf32, #tpu.memory_space<vmem>>, vector<1x16xf32>,
        %get3A_312 = vector.shape_cast %get3A_311 : vector<1x16xf32> to vector<16xf32>
        %add3A_313 = arith.addf %get3A_308, %get3A_312 : vector<16xf32>
        %max3A_314 = arith.constant 0.000000e+00 : f32
        %max3A_315 = vector.broadcast %max3A_314 : f32 to vector<16xf32>
        %max3A_316 = arith.maximumf %add3A_313, %max3A_315 : vector<16xf32>
        %swap3A_317 = arith.index_cast %scan3A_288 : i32 to index
        %swap3A_318 = arith.constant 16 : index
        %swap3A_319 = tpu.vector_load %arg15[%swap3A_317, %swap3A_318] {strides = array<i32>} : memref<80x128xf32, #tpu.memory_space<vmem>>, vector<1x16xf32>,
        %swap3A_320 = vector.shape_cast %swap3A_319 : vector<1x16xf32> to vector<16xf32>
        %swap3A_321 = vector.shape_cast %max3A_316 : vector<16xf32> to vector<1x16xf32>
        tpu.vector_store %arg15[%swap3A_317, %swap3A_318], %swap3A_321 {strides = array<i32>} : memref<80x128xf32, #tpu.memory_space<vmem>>, vector<1x16xf32>,
        %get3A_322 = arith.index_cast %scan3A_288 : i32 to index
        %get3A_323 = arith.constant 32 : index
        %get3A_324 = tpu.vector_load %arg15[%get3A_322, %get3A_323] {strides = array<i32>} : memref<80x128xf32, #tpu.memory_space<vmem>>, vector<1x16xf32>,
        %get3A_325 = vector.shape_cast %get3A_324 : vector<1x16xf32> to vector<16xf32>
        %get3A_326 = arith.index_cast %scan3A_288 : i32 to index
        %get3A_327 = arith.constant 32 : index
        %get3A_328 = tpu.vector_load %arg16[%get3A_326, %get3A_327] {strides = array<i32>} : memref<80x128xf32, #tpu.memory_space<vmem>>, vector<1x16xf32>,
        %get3A_329 = vector.shape_cast %get3A_328 : vector<1x16xf32> to vector<16xf32>
        %add3A_330 = arith.addf %get3A_325, %get3A_329 : vector<16xf32>
        %max3A_331 = arith.constant 0.000000e+00 : f32
        %max3A_332 = vector.broadcast %max3A_331 : f32 to vector<16xf32>
        %max3A_333 = arith.maximumf %add3A_330, %max3A_332 : vector<16xf32>
        %swap3A_334 = arith.index_cast %scan3A_288 : i32 to index
        %swap3A_335 = arith.constant 32 : index
        %swap3A_336 = tpu.vector_load %arg15[%swap3A_334, %swap3A_335] {strides = array<i32>} : memref<80x128xf32, #tpu.memory_space<vmem>>, vector<1x16xf32>,
        %swap3A_337 = vector.shape_cast %swap3A_336 : vector<1x16xf32> to vector<16xf32>
        %swap3A_338 = vector.shape_cast %max3A_333 : vector<16xf32> to vector<1x16xf32>
        tpu.vector_store %arg15[%swap3A_334, %swap3A_335], %swap3A_338 {strides = array<i32>} : memref<80x128xf32, #tpu.memory_space<vmem>>, vector<1x16xf32>,
        %get3A_339 = arith.index_cast %scan3A_288 : i32 to index
        %get3A_340 = arith.constant 48 : index
        %get3A_341 = tpu.vector_load %arg15[%get3A_339, %get3A_340] {strides = array<i32>} : memref<80x128xf32, #tpu.memory_space<vmem>>, vector<1x16xf32>,
        %get3A_342 = vector.shape_cast %get3A_341 : vector<1x16xf32> to vector<16xf32>
        %get3A_343 = arith.index_cast %scan3A_288 : i32 to index
        %get3A_344 = arith.constant 48 : index
        %get3A_345 = tpu.vector_load %arg16[%get3A_343, %get3A_344] {strides = array<i32>} : memref<80x128xf32, #tpu.memory_space<vmem>>, vector<1x16xf32>,
        %get3A_346 = vector.shape_cast %get3A_345 : vector<1x16xf32> to vector<16xf32>
        %add3A_347 = arith.addf %get3A_342, %get3A_346 : vector<16xf32>
        %max3A_348 = arith.constant 0.000000e+00 : f32
        %max3A_349 = vector.broadcast %max3A_348 : f32 to vector<16xf32>
        %max3A_350 = arith.maximumf %add3A_347, %max3A_349 : vector<16xf32>
        %swap3A_351 = arith.index_cast %scan3A_288 : i32 to index
        %swap3A_352 = arith.constant 48 : index
        %swap3A_353 = tpu.vector_load %arg15[%swap3A_351, %swap3A_352] {strides = array<i32>} : memref<80x128xf32, #tpu.memory_space<vmem>>, vector<1x16xf32>,
        %swap3A_354 = vector.shape_cast %swap3A_353 : vector<1x16xf32> to vector<16xf32>
        %swap3A_355 = vector.shape_cast %max3A_350 : vector<16xf32> to vector<1x16xf32>
        tpu.vector_store %arg15[%swap3A_351, %swap3A_352], %swap3A_355 {strides = array<i32>} : memref<80x128xf32, #tpu.memory_space<vmem>>, vector<1x16xf32>,
        %get3A_356 = arith.index_cast %scan3A_288 : i32 to index
        %get3A_357 = arith.constant 64 : index
        %get3A_358 = tpu.vector_load %arg15[%get3A_356, %get3A_357] {strides = array<i32>} : memref<80x128xf32, #tpu.memory_space<vmem>>, vector<1x16xf32>,
        %get3A_359 = vector.shape_cast %get3A_358 : vector<1x16xf32> to vector<16xf32>
        %get3A_360 = arith.index_cast %scan3A_288 : i32 to index
        %get3A_361 = arith.constant 64 : index
        %get3A_362 = tpu.vector_load %arg16[%get3A_360, %get3A_361] {strides = array<i32>} : memref<80x128xf32, #tpu.memory_space<vmem>>, vector<1x16xf32>,
        %get3A_363 = vector.shape_cast %get3A_362 : vector<1x16xf32> to vector<16xf32>
        %add3A_364 = arith.addf %get3A_359, %get3A_363 : vector<16xf32>
        %max3A_365 = arith.constant 0.000000e+00 : f32
        %max3A_366 = vector.broadcast %max3A_365 : f32 to vector<16xf32>
        %max3A_367 = arith.maximumf %add3A_364, %max3A_366 : vector<16xf32>
        %swap3A_368 = arith.index_cast %scan3A_288 : i32 to index
        %swap3A_369 = arith.constant 64 : index
        %swap3A_370 = tpu.vector_load %arg15[%swap3A_368, %swap3A_369] {strides = array<i32>} : memref<80x128xf32, #tpu.memory_space<vmem>>, vector<1x16xf32>,
        %swap3A_371 = vector.shape_cast %swap3A_370 : vector<1x16xf32> to vector<16xf32>
        %swap3A_372 = vector.shape_cast %max3A_367 : vector<16xf32> to vector<1x16xf32>
        tpu.vector_store %arg15[%swap3A_368, %swap3A_369], %swap3A_372 {strides = array<i32>} : memref<80x128xf32, #tpu.memory_space<vmem>>, vector<1x16xf32>,
        %get3A_373 = arith.index_cast %scan3A_288 : i32 to index
        %get3A_374 = arith.constant 80 : index
        %get3A_375 = tpu.vector_load %arg15[%get3A_373, %get3A_374] {strides = array<i32>} : memref<80x128xf32, #tpu.memory_space<vmem>>, vector<1x16xf32>,
        %get3A_376 = vector.shape_cast %get3A_375 : vector<1x16xf32> to vector<16xf32>
        %get3A_377 = arith.index_cast %scan3A_288 : i32 to index
        %get3A_378 = arith.constant 80 : index
        %get3A_379 = tpu.vector_load %arg16[%get3A_377, %get3A_378] {strides = array<i32>} : memref<80x128xf32, #tpu.memory_space<vmem>>, vector<1x16xf32>,
        %get3A_380 = vector.shape_cast %get3A_379 : vector<1x16xf32> to vector<16xf32>
        %add3A_381 = arith.addf %get3A_376, %get3A_380 : vector<16xf32>
        %max3A_382 = arith.constant 0.000000e+00 : f32
        %max3A_383 = vector.broadcast %max3A_382 : f32 to vector<16xf32>
        %max3A_384 = arith.maximumf %add3A_381, %max3A_383 : vector<16xf32>
        %swap3A_385 = arith.index_cast %scan3A_288 : i32 to index
        %swap3A_386 = arith.constant 80 : index
        %swap3A_387 = tpu.vector_load %arg15[%swap3A_385, %swap3A_386] {strides = array<i32>} : memref<80x128xf32, #tpu.memory_space<vmem>>, vector<1x16xf32>,
        %swap3A_388 = vector.shape_cast %swap3A_387 : vector<1x16xf32> to vector<16xf32>
        %swap3A_389 = vector.shape_cast %max3A_384 : vector<16xf32> to vector<1x16xf32>
        tpu.vector_store %arg15[%swap3A_385, %swap3A_386], %swap3A_389 {strides = array<i32>} : memref<80x128xf32, #tpu.memory_space<vmem>>, vector<1x16xf32>,
        %get3A_390 = arith.index_cast %scan3A_288 : i32 to index
        %get3A_391 = arith.constant 96 : index
        %get3A_392 = tpu.vector_load %arg15[%get3A_390, %get3A_391] {strides = array<i32>} : memref<80x128xf32, #tpu.memory_space<vmem>>, vector<1x16xf32>,
        %get3A_393 = vector.shape_cast %get3A_392 : vector<1x16xf32> to vector<16xf32>
        %get3A_394 = arith.index_cast %scan3A_288 : i32 to index
        %get3A_395 = arith.constant 96 : index
        %get3A_396 = tpu.vector_load %arg16[%get3A_394, %get3A_395] {strides = array<i32>} : memref<80x128xf32, #tpu.memory_space<vmem>>, vector<1x16xf32>,
        %get3A_397 = vector.shape_cast %get3A_396 : vector<1x16xf32> to vector<16xf32>
        %add3A_398 = arith.addf %get3A_393, %get3A_397 : vector<16xf32>
        %max3A_399 = arith.constant 0.000000e+00 : f32
        %max3A_400 = vector.broadcast %max3A_399 : f32 to vector<16xf32>
        %max3A_401 = arith.maximumf %add3A_398, %max3A_400 : vector<16xf32>
        %swap3A_402 = arith.index_cast %scan3A_288 : i32 to index
        %swap3A_403 = arith.constant 96 : index
        %swap3A_404 = tpu.vector_load %arg15[%swap3A_402, %swap3A_403] {strides = array<i32>} : memref<80x128xf32, #tpu.memory_space<vmem>>, vector<1x16xf32>,
        %swap3A_405 = vector.shape_cast %swap3A_404 : vector<1x16xf32> to vector<16xf32>
        %swap3A_406 = vector.shape_cast %max3A_401 : vector<16xf32> to vector<1x16xf32>
        tpu.vector_store %arg15[%swap3A_402, %swap3A_403], %swap3A_406 {strides = array<i32>} : memref<80x128xf32, #tpu.memory_space<vmem>>, vector<1x16xf32>,
        %get3A_407 = arith.index_cast %scan3A_288 : i32 to index
        %get3A_408 = arith.constant 112 : index
        %get3A_409 = tpu.vector_load %arg15[%get3A_407, %get3A_408] {strides = array<i32>} : memref<80x128xf32, #tpu.memory_space<vmem>>, vector<1x16xf32>,
        %get3A_410 = vector.shape_cast %get3A_409 : vector<1x16xf32> to vector<16xf32>
        %get3A_411 = arith.index_cast %scan3A_288 : i32 to index
        %get3A_412 = arith.constant 112 : index
        %get3A_413 = tpu.vector_load %arg16[%get3A_411, %get3A_412] {strides = array<i32>} : memref<80x128xf32, #tpu.memory_space<vmem>>, vector<1x16xf32>,
        %get3A_414 = vector.shape_cast %get3A_413 : vector<1x16xf32> to vector<16xf32>
        %add3A_415 = arith.addf %get3A_410, %get3A_414 : vector<16xf32>
        %max3A_416 = arith.constant 0.000000e+00 : f32
        %max3A_417 = vector.broadcast %max3A_416 : f32 to vector<16xf32>
        %max3A_418 = arith.maximumf %add3A_415, %max3A_417 : vector<16xf32>
        %swap3A_419 = arith.index_cast %scan3A_288 : i32 to index
        %swap3A_420 = arith.constant 112 : index
        %swap3A_421 = tpu.vector_load %arg15[%swap3A_419, %swap3A_420] {strides = array<i32>} : memref<80x128xf32, #tpu.memory_space<vmem>>, vector<1x16xf32>,
        %swap3A_422 = vector.shape_cast %swap3A_421 : vector<1x16xf32> to vector<16xf32>
        %swap3A_423 = vector.shape_cast %max3A_418 : vector<16xf32> to vector<1x16xf32>
        tpu.vector_store %arg15[%swap3A_419, %swap3A_420], %swap3A_423 {strides = array<i32>} : memref<80x128xf32, #tpu.memory_space<vmem>>, vector<1x16xf32>,
      }
      %scan3A_244 = arith.constant 80 : i32
      %get3A_245 = arith.constant 0 : index
      %get3A_246 = tpu.vector_load %arg11[%get3A_245] {strides = array<i32>} : memref<80xi32, #tpu.memory_space<vmem>>, vector<16xi32>,
      %get3A_247 = vector.shape_cast %get3A_246 : vector<16xi32> to vector<16xi32>
      %swap3A_248 = arith.constant 0 : index
      %swap3A_249 = tpu.vector_load %arg14[%swap3A_248] {strides = array<i32>} : memref<80xi32, #tpu.memory_space<vmem>>, vector<16xi32>,
      %swap3A_250 = vector.shape_cast %swap3A_249 : vector<16xi32> to vector<16xi32>
      %swap3A_251 = vector.shape_cast %get3A_247 : vector<16xi32> to vector<16xi32>
      tpu.vector_store %arg14[%swap3A_248], %swap3A_251 {strides = array<i32>} : memref<80xi32, #tpu.memory_space<vmem>>, vector<16xi32>,
      %get3A_252 = arith.constant 16 : index
      %get3A_253 = tpu.vector_load %arg11[%get3A_252] {strides = array<i32>} : memref<80xi32, #tpu.memory_space<vmem>>, vector<16xi32>,
      %get3A_254 = vector.shape_cast %get3A_253 : vector<16xi32> to vector<16xi32>
      %swap3A_255 = arith.constant 16 : index
      %swap3A_256 = tpu.vector_load %arg14[%swap3A_255] {strides = array<i32>} : memref<80xi32, #tpu.memory_space<vmem>>, vector<16xi32>,
      %swap3A_257 = vector.shape_cast %swap3A_256 : vector<16xi32> to vector<16xi32>
      %swap3A_258 = vector.shape_cast %get3A_254 : vector<16xi32> to vector<16xi32>
      tpu.vector_store %arg14[%swap3A_255], %swap3A_258 {strides = array<i32>} : memref<80xi32, #tpu.memory_space<vmem>>, vector<16xi32>,
      %get3A_259 = arith.constant 32 : index
      %get3A_260 = tpu.vector_load %arg11[%get3A_259] {strides = array<i32>} : memref<80xi32, #tpu.memory_space<vmem>>, vector<16xi32>,
      %get3A_261 = vector.shape_cast %get3A_260 : vector<16xi32> to vector<16xi32>
      %swap3A_262 = arith.constant 32 : index
      %swap3A_263 = tpu.vector_load %arg14[%swap3A_262] {strides = array<i32>} : memref<80xi32, #tpu.memory_space<vmem>>, vector<16xi32>,
      %swap3A_264 = vector.shape_cast %swap3A_263 : vector<16xi32> to vector<16xi32>
      %swap3A_265 = vector.shape_cast %get3A_261 : vector<16xi32> to vector<16xi32>
      tpu.vector_store %arg14[%swap3A_262], %swap3A_265 {strides = array<i32>} : memref<80xi32, #tpu.memory_space<vmem>>, vector<16xi32>,
      %get3A_266 = arith.constant 48 : index
      %get3A_267 = tpu.vector_load %arg11[%get3A_266] {strides = array<i32>} : memref<80xi32, #tpu.memory_space<vmem>>, vector<16xi32>,
      %get3A_268 = vector.shape_cast %get3A_267 : vector<16xi32> to vector<16xi32>
      %swap3A_269 = arith.constant 48 : index
      %swap3A_270 = tpu.vector_load %arg14[%swap3A_269] {strides = array<i32>} : memref<80xi32, #tpu.memory_space<vmem>>, vector<16xi32>,
      %swap3A_271 = vector.shape_cast %swap3A_270 : vector<16xi32> to vector<16xi32>
      %swap3A_272 = vector.shape_cast %get3A_268 : vector<16xi32> to vector<16xi32>
      tpu.vector_store %arg14[%swap3A_269], %swap3A_272 {strides = array<i32>} : memref<80xi32, #tpu.memory_space<vmem>>, vector<16xi32>,
      %get3A_273 = arith.constant 64 : index
      %get3A_274 = tpu.vector_load %arg11[%get3A_273] {strides = array<i32>} : memref<80xi32, #tpu.memory_space<vmem>>, vector<16xi32>,
      %get3A_275 = vector.shape_cast %get3A_274 : vector<16xi32> to vector<16xi32>
      %swap3A_276 = arith.constant 64 : index
      %swap3A_277 = tpu.vector_load %arg14[%swap3A_276] {strides = array<i32>} : memref<80xi32, #tpu.memory_space<vmem>>, vector<16xi32>,
      %swap3A_278 = vector.shape_cast %swap3A_277 : vector<16xi32> to vector<16xi32>
      %swap3A_279 = vector.shape_cast %get3A_275 : vector<16xi32> to vector<16xi32>
      tpu.vector_store %arg14[%swap3A_276], %swap3A_279 {strides = array<i32>} : memref<80xi32, #tpu.memory_space<vmem>>, vector<16xi32>,
      %dma_start3A_280 = arith.constant 0 : i32
      %dma_start3A_281 = arith.constant 0 : i32
      %dma_start3A_282 = tpu.memref_slice %arg17[%dma_start3A_280, %dma_start3A_281] : memref<10000x128xf32, #tpu.memory_space<vmem_shared>> -> memref<10000x128xf32, #tpu.memory_space<vmem_shared>>
      tpu.enqueue_indirect_dma source(%arg15 : memref<80x128xf32, #tpu.memory_space<vmem>>) target(%dma_start3A_282 : memref<10000x128xf32, #tpu.memory_space<vmem_shared>>) offsets(%arg14 : memref<80xi32, #tpu.memory_space<vmem>>) semaphore(%arg23 : memref<!tpu.dma_semaphore, #tpu.memory_space<semaphore_mem>>) {add = true}
      %lt3A_283 = arith.constant 61 : i32
      %lt3A_284 = arith.cmpi slt, %scan3A_115, %lt3A_283 : i32
      %convert_element_type3A_285 = arith.extui %lt3A_284 : i1 to i32
      %cond3A_286 = arith.constant 0 : i32
      %cond3A_287 = arith.cmpi ne, %convert_element_type3A_285, %cond3A_286 : i32
      scf.if %cond3A_287 {
        %dma_wait3A_288 = arith.constant 0 : i32
        %dma_wait3A_289 = arith.constant 0 : i32
        %dma_wait3A_290 = tpu.memref_slice %arg17[%dma_wait3A_288, %dma_wait3A_289] : memref<10000x128xf32, #tpu.memory_space<vmem_shared>> -> memref<10000x128xf32, #tpu.memory_space<vmem_shared>>
        tpu.wait_indirect_dma semaphore(%arg20 : memref<!tpu.dma_semaphore, #tpu.memory_space<semaphore_mem>>) src(%arg9 : memref<80x128xf32, #tpu.memory_space<vmem>>) dst(%dma_wait3A_290 : memref<10000x128xf32, #tpu.memory_space<vmem_shared>>)
        %mul3A_291 = arith.constant 2 : i32
        %mul3A_292 = arith.muli %mul3A_291, %scan3A_115 : i32
        %add3A_293 = arith.constant 2 : i32
        %add3A_294 = arith.addi %mul3A_292, %add3A_293 : i32
        %mul3A_295 = arith.constant 80 : i32
        %mul3A_296 = arith.muli %add3A_294, %mul3A_295 : i32
        %add3A_297 = arith.addi %mul3A_37, %mul3A_296 : i32
        "tpu.region"() ({
          %run_scoped3A = tpu.sem_alloc : memref<!tpu.dma_semaphore, #tpu.memory_space<semaphore_mem>>
          %dma_start3A_354 = tpu.memref_slice %arg3[%add3A_297] : memref<480000xi32, #tpu.memory_space<hbm>> -> memref<80xi32, #tpu.memory_space<hbm>>
          %dma_start3A_355 = tpu.memref_slice %arg3[%add3A_297] : memref<480000xi32, #tpu.memory_space<hbm>> -> memref<80xi32, #tpu.memory_space<hbm>>
          tpu.enqueue_dma source(%dma_start3A_355 : memref<80xi32, #tpu.memory_space<hbm>>) target(%arg5 : memref<80xi32, #tpu.memory_space<vmem>>) target_semaphore(%run_scoped3A : memref<!tpu.dma_semaphore, #tpu.memory_space<semaphore_mem>>)
          %dma_wait3A_356 = tpu.memref_slice %arg3[%add3A_297] : memref<480000xi32, #tpu.memory_space<hbm>> -> memref<80xi32, #tpu.memory_space<hbm>>
          %dma_wait3A_357 = tpu.memref_slice %arg3[%add3A_297] : memref<480000xi32, #tpu.memory_space<hbm>> -> memref<80xi32, #tpu.memory_space<hbm>>
          tpu.wait_dma2 semaphore(%run_scoped3A : memref<!tpu.dma_semaphore, #tpu.memory_space<semaphore_mem>>) src(%dma_wait3A_357 : memref<80xi32, #tpu.memory_space<hbm>>) dst(%arg5 : memref<80xi32, #tpu.memory_space<vmem>>)
          tpu.yield
        }) : () -> ()
        %add3A_298 = arith.constant 1 : i32
        %add3A_299 = arith.addi %add3A_298, %arg0 : i32
        %mul3A_300 = arith.constant 160000 : i32
        %mul3A_301 = arith.muli %add3A_299, %mul3A_300 : i32
        %add3A_302 = arith.addi %mul3A_301, %add3A_297 : i32
        "tpu.region"() ({
          %run_scoped3A = tpu.sem_alloc : memref<!tpu.dma_semaphore, #tpu.memory_space<semaphore_mem>>
          %dma_start3A_354 = tpu.memref_slice %arg3[%add3A_302] : memref<480000xi32, #tpu.memory_space<hbm>> -> memref<80xi32, #tpu.memory_space<hbm>>
          %dma_start3A_355 = tpu.memref_slice %arg3[%add3A_302] : memref<480000xi32, #tpu.memory_space<hbm>> -> memref<80xi32, #tpu.memory_space<hbm>>
          tpu.enqueue_dma source(%dma_start3A_355 : memref<80xi32, #tpu.memory_space<hbm>>) target(%arg7 : memref<80xi32, #tpu.memory_space<vmem>>) target_semaphore(%run_scoped3A : memref<!tpu.dma_semaphore, #tpu.memory_space<semaphore_mem>>)
          %dma_wait3A_356 = tpu.memref_slice %arg3[%add3A_302] : memref<480000xi32, #tpu.memory_space<hbm>> -> memref<80xi32, #tpu.memory_space<hbm>>
          %dma_wait3A_357 = tpu.memref_slice %arg3[%add3A_302] : memref<480000xi32, #tpu.memory_space<hbm>> -> memref<80xi32, #tpu.memory_space<hbm>>
          tpu.wait_dma2 semaphore(%run_scoped3A : memref<!tpu.dma_semaphore, #tpu.memory_space<semaphore_mem>>) src(%dma_wait3A_357 : memref<80xi32, #tpu.memory_space<hbm>>) dst(%arg7 : memref<80xi32, #tpu.memory_space<vmem>>)
          tpu.yield
        }) : () -> ()
        %get3A_303 = arith.constant 0 : index
        %get3A_304 = tpu.vector_load %arg5[%get3A_303] {strides = array<i32>} : memref<80xi32, #tpu.memory_space<vmem>>, vector<16xi32>,
        %get3A_305 = vector.shape_cast %get3A_304 : vector<16xi32> to vector<16xi32>
        %add3A_306 = vector.broadcast %mul3A_0 : i32 to vector<16xi32>
        %add3A_307 = arith.addi %get3A_305, %add3A_306 : vector<16xi32>
        %swap3A_308 = arith.constant 0 : index
        %swap3A_309 = tpu.vector_load %arg6[%swap3A_308] {strides = array<i32>} : memref<80xi32, #tpu.memory_space<vmem>>, vector<16xi32>,
        %swap3A_310 = vector.shape_cast %swap3A_309 : vector<16xi32> to vector<16xi32>
        %swap3A_311 = vector.shape_cast %add3A_307 : vector<16xi32> to vector<16xi32>
        tpu.vector_store %arg6[%swap3A_308], %swap3A_311 {strides = array<i32>} : memref<80xi32, #tpu.memory_space<vmem>>, vector<16xi32>,
        %get3A_312 = arith.constant 16 : index
        %get3A_313 = tpu.vector_load %arg5[%get3A_312] {strides = array<i32>} : memref<80xi32, #tpu.memory_space<vmem>>, vector<16xi32>,
        %get3A_314 = vector.shape_cast %get3A_313 : vector<16xi32> to vector<16xi32>
        %add3A_315 = vector.broadcast %mul3A_0 : i32 to vector<16xi32>
        %add3A_316 = arith.addi %get3A_314, %add3A_315 : vector<16xi32>
        %swap3A_317 = arith.constant 16 : index
        %swap3A_318 = tpu.vector_load %arg6[%swap3A_317] {strides = array<i32>} : memref<80xi32, #tpu.memory_space<vmem>>, vector<16xi32>,
        %swap3A_319 = vector.shape_cast %swap3A_318 : vector<16xi32> to vector<16xi32>
        %swap3A_320 = vector.shape_cast %add3A_316 : vector<16xi32> to vector<16xi32>
        tpu.vector_store %arg6[%swap3A_317], %swap3A_320 {strides = array<i32>} : memref<80xi32, #tpu.memory_space<vmem>>, vector<16xi32>,
        %get3A_321 = arith.constant 32 : index
        %get3A_322 = tpu.vector_load %arg5[%get3A_321] {strides = array<i32>} : memref<80xi32, #tpu.memory_space<vmem>>, vector<16xi32>,
        %get3A_323 = vector.shape_cast %get3A_322 : vector<16xi32> to vector<16xi32>
        %add3A_324 = vector.broadcast %mul3A_0 : i32 to vector<16xi32>
        %add3A_325 = arith.addi %get3A_323, %add3A_324 : vector<16xi32>
        %swap3A_326 = arith.constant 32 : index
        %swap3A_327 = tpu.vector_load %arg6[%swap3A_326] {strides = array<i32>} : memref<80xi32, #tpu.memory_space<vmem>>, vector<16xi32>,
        %swap3A_328 = vector.shape_cast %swap3A_327 : vector<16xi32> to vector<16xi32>
        %swap3A_329 = vector.shape_cast %add3A_325 : vector<16xi32> to vector<16xi32>
        tpu.vector_store %arg6[%swap3A_326], %swap3A_329 {strides = array<i32>} : memref<80xi32, #tpu.memory_space<vmem>>, vector<16xi32>,
        %get3A_330 = arith.constant 48 : index
        %get3A_331 = tpu.vector_load %arg5[%get3A_330] {strides = array<i32>} : memref<80xi32, #tpu.memory_space<vmem>>, vector<16xi32>,
        %get3A_332 = vector.shape_cast %get3A_331 : vector<16xi32> to vector<16xi32>
        %add3A_333 = vector.broadcast %mul3A_0 : i32 to vector<16xi32>
        %add3A_334 = arith.addi %get3A_332, %add3A_333 : vector<16xi32>
        %swap3A_335 = arith.constant 48 : index
        %swap3A_336 = tpu.vector_load %arg6[%swap3A_335] {strides = array<i32>} : memref<80xi32, #tpu.memory_space<vmem>>, vector<16xi32>,
        %swap3A_337 = vector.shape_cast %swap3A_336 : vector<16xi32> to vector<16xi32>
        %swap3A_338 = vector.shape_cast %add3A_334 : vector<16xi32> to vector<16xi32>
        tpu.vector_store %arg6[%swap3A_335], %swap3A_338 {strides = array<i32>} : memref<80xi32, #tpu.memory_space<vmem>>, vector<16xi32>,
        %get3A_339 = arith.constant 64 : index
        %get3A_340 = tpu.vector_load %arg5[%get3A_339] {strides = array<i32>} : memref<80xi32, #tpu.memory_space<vmem>>, vector<16xi32>,
        %get3A_341 = vector.shape_cast %get3A_340 : vector<16xi32> to vector<16xi32>
        %add3A_342 = vector.broadcast %mul3A_0 : i32 to vector<16xi32>
        %add3A_343 = arith.addi %get3A_341, %add3A_342 : vector<16xi32>
        %swap3A_344 = arith.constant 64 : index
        %swap3A_345 = tpu.vector_load %arg6[%swap3A_344] {strides = array<i32>} : memref<80xi32, #tpu.memory_space<vmem>>, vector<16xi32>,
        %swap3A_346 = vector.shape_cast %swap3A_345 : vector<16xi32> to vector<16xi32>
        %swap3A_347 = vector.shape_cast %add3A_343 : vector<16xi32> to vector<16xi32>
        tpu.vector_store %arg6[%swap3A_344], %swap3A_347 {strides = array<i32>} : memref<80xi32, #tpu.memory_space<vmem>>, vector<16xi32>,
        %dma_start3A_348 = arith.constant 0 : i32
        %dma_start3A_349 = arith.constant 0 : i32
        %dma_start3A_350 = tpu.memref_slice %arg2[%dma_start3A_348, %dma_start3A_349] : memref<40000x128xf32, #tpu.memory_space<hbm>> -> memref<40000x128xf32, #tpu.memory_space<hbm>>
        tpu.enqueue_indirect_dma source(%dma_start3A_350 : memref<40000x128xf32, #tpu.memory_space<hbm>>) target(%arg9 : memref<80x128xf32, #tpu.memory_space<vmem>>) offsets(%arg6 : memref<80xi32, #tpu.memory_space<vmem>>) semaphore(%arg18 : memref<!tpu.dma_semaphore, #tpu.memory_space<semaphore_mem>>)
        %dma_start3A_351 = arith.constant 0 : i32
        %dma_start3A_352 = arith.constant 0 : i32
        %dma_start3A_353 = tpu.memref_slice %arg2[%dma_start3A_351, %dma_start3A_352] : memref<40000x128xf32, #tpu.memory_space<hbm>> -> memref<40000x128xf32, #tpu.memory_space<hbm>>
        tpu.enqueue_indirect_dma source(%dma_start3A_353 : memref<40000x128xf32, #tpu.memory_space<hbm>>) target(%arg10 : memref<80x128xf32, #tpu.memory_space<vmem>>) offsets(%arg7 : memref<80xi32, #tpu.memory_space<vmem>>) semaphore(%arg19 : memref<!tpu.dma_semaphore, #tpu.memory_space<semaphore_mem>>)
      } else {
      }
    }
    %scan3A_96 = arith.constant 62 : i32
    %dma_wait3A = arith.constant 0 : i32
    %dma_wait3A_97 = arith.constant 0 : i32
    %dma_wait3A_98 = tpu.memref_slice %arg17[%dma_wait3A, %dma_wait3A_97] : memref<10000x128xf32, #tpu.memory_space<vmem_shared>> -> memref<10000x128xf32, #tpu.memory_space<vmem_shared>>
    tpu.wait_indirect_dma semaphore(%arg20 : memref<!tpu.dma_semaphore, #tpu.memory_space<semaphore_mem>>) src(%arg9 : memref<80x128xf32, #tpu.memory_space<vmem>>) dst(%dma_wait3A_98 : memref<10000x128xf32, #tpu.memory_space<vmem_shared>>)
    %dma_wait3A_99 = arith.constant 0 : i32
    %dma_wait3A_100 = arith.constant 0 : i32
    %dma_wait3A_101 = tpu.memref_slice %arg17[%dma_wait3A_99, %dma_wait3A_100] : memref<10000x128xf32, #tpu.memory_space<vmem_shared>> -> memref<10000x128xf32, #tpu.memory_space<vmem_shared>>
    tpu.wait_indirect_dma semaphore(%arg23 : memref<!tpu.dma_semaphore, #tpu.memory_space<semaphore_mem>>) src(%arg15 : memref<80x128xf32, #tpu.memory_space<vmem>>) dst(%dma_wait3A_101 : memref<10000x128xf32, #tpu.memory_space<vmem_shared>>)
    %lt3A = arith.constant 16 : i32
    %lt3A_102 = arith.cmpi slt, %arg1, %lt3A : i32
    %convert_element_type3A = arith.extui %lt3A_102 : i1 to i32
    %cond3A = arith.constant 0 : i32
    %cond3A_103 = arith.cmpi ne, %convert_element_type3A, %cond3A : i32
    scf.if %cond3A_103 {
      %add3A_115 = arith.constant 1984 : i32
      %add3A_116 = arith.addi %add3A_115, %arg1 : i32
      %mul3A_117 = arith.constant 80 : i32
      %mul3A_118 = arith.muli %add3A_116, %mul3A_117 : i32
      "tpu.region"() ({
        %run_scoped3A = tpu.sem_alloc : memref<!tpu.dma_semaphore, #tpu.memory_space<semaphore_mem>>
        %dma_start3A_187 = tpu.memref_slice %arg3[%mul3A_118] : memref<480000xi32, #tpu.memory_space<hbm>> -> memref<80xi32, #tpu.memory_space<hbm>>
        %dma_start3A_188 = tpu.memref_slice %arg3[%mul3A_118] : memref<480000xi32, #tpu.memory_space<hbm>> -> memref<80xi32, #tpu.memory_space<hbm>>
        tpu.enqueue_dma source(%dma_start3A_188 : memref<80xi32, #tpu.memory_space<hbm>>) target(%arg5 : memref<80xi32, #tpu.memory_space<vmem>>) target_semaphore(%run_scoped3A : memref<!tpu.dma_semaphore, #tpu.memory_space<semaphore_mem>>)
        %dma_wait3A_189 = tpu.memref_slice %arg3[%mul3A_118] : memref<480000xi32, #tpu.memory_space<hbm>> -> memref<80xi32, #tpu.memory_space<hbm>>
        %dma_wait3A_190 = tpu.memref_slice %arg3[%mul3A_118] : memref<480000xi32, #tpu.memory_space<hbm>> -> memref<80xi32, #tpu.memory_space<hbm>>
        tpu.wait_dma2 semaphore(%run_scoped3A : memref<!tpu.dma_semaphore, #tpu.memory_space<semaphore_mem>>) src(%dma_wait3A_190 : memref<80xi32, #tpu.memory_space<hbm>>) dst(%arg5 : memref<80xi32, #tpu.memory_space<vmem>>)
        tpu.yield
      }) : () -> ()
      %add3A_119 = arith.constant 1 : i32
      %add3A_120 = arith.addi %add3A_119, %arg0 : i32
      %mul3A_121 = arith.constant 160000 : i32
      %mul3A_122 = arith.muli %add3A_120, %mul3A_121 : i32
      %add3A_123 = arith.addi %mul3A_122, %mul3A_118 : i32
      "tpu.region"() ({
        %run_scoped3A = tpu.sem_alloc : memref<!tpu.dma_semaphore, #tpu.memory_space<semaphore_mem>>
        %dma_start3A_187 = tpu.memref_slice %arg3[%add3A_123] : memref<480000xi32, #tpu.memory_space<hbm>> -> memref<80xi32, #tpu.memory_space<hbm>>
        %dma_start3A_188 = tpu.memref_slice %arg3[%add3A_123] : memref<480000xi32, #tpu.memory_space<hbm>> -> memref<80xi32, #tpu.memory_space<hbm>>
        tpu.enqueue_dma source(%dma_start3A_188 : memref<80xi32, #tpu.memory_space<hbm>>) target(%arg7 : memref<80xi32, #tpu.memory_space<vmem>>) target_semaphore(%run_scoped3A : memref<!tpu.dma_semaphore, #tpu.memory_space<semaphore_mem>>)
        %dma_wait3A_189 = tpu.memref_slice %arg3[%add3A_123] : memref<480000xi32, #tpu.memory_space<hbm>> -> memref<80xi32, #tpu.memory_space<hbm>>
        %dma_wait3A_190 = tpu.memref_slice %arg3[%add3A_123] : memref<480000xi32, #tpu.memory_space<hbm>> -> memref<80xi32, #tpu.memory_space<hbm>>
        tpu.wait_dma2 semaphore(%run_scoped3A : memref<!tpu.dma_semaphore, #tpu.memory_space<semaphore_mem>>) src(%dma_wait3A_190 : memref<80xi32, #tpu.memory_space<hbm>>) dst(%arg7 : memref<80xi32, #tpu.memory_space<vmem>>)
        tpu.yield
      }) : () -> ()
      %get3A_124 = arith.constant 0 : index
      %get3A_125 = tpu.vector_load %arg5[%get3A_124] {strides = array<i32>} : memref<80xi32, #tpu.memory_space<vmem>>, vector<16xi32>,
      %get3A_126 = vector.shape_cast %get3A_125 : vector<16xi32> to vector<16xi32>
      %add3A_127 = vector.broadcast %mul3A_0 : i32 to vector<16xi32>
      %add3A_128 = arith.addi %get3A_126, %add3A_127 : vector<16xi32>
      %swap3A_129 = arith.constant 0 : index
      %swap3A_130 = tpu.vector_load %arg6[%swap3A_129] {strides = array<i32>} : memref<80xi32, #tpu.memory_space<vmem>>, vector<16xi32>,
      %swap3A_131 = vector.shape_cast %swap3A_130 : vector<16xi32> to vector<16xi32>
      %swap3A_132 = vector.shape_cast %add3A_128 : vector<16xi32> to vector<16xi32>
      tpu.vector_store %arg6[%swap3A_129], %swap3A_132 {strides = array<i32>} : memref<80xi32, #tpu.memory_space<vmem>>, vector<16xi32>,
      %get3A_133 = arith.constant 16 : index
      %get3A_134 = tpu.vector_load %arg5[%get3A_133] {strides = array<i32>} : memref<80xi32, #tpu.memory_space<vmem>>, vector<16xi32>,
      %get3A_135 = vector.shape_cast %get3A_134 : vector<16xi32> to vector<16xi32>
      %add3A_136 = vector.broadcast %mul3A_0 : i32 to vector<16xi32>
      %add3A_137 = arith.addi %get3A_135, %add3A_136 : vector<16xi32>
      %swap3A_138 = arith.constant 16 : index
      %swap3A_139 = tpu.vector_load %arg6[%swap3A_138] {strides = array<i32>} : memref<80xi32, #tpu.memory_space<vmem>>, vector<16xi32>,
      %swap3A_140 = vector.shape_cast %swap3A_139 : vector<16xi32> to vector<16xi32>
      %swap3A_141 = vector.shape_cast %add3A_137 : vector<16xi32> to vector<16xi32>
      tpu.vector_store %arg6[%swap3A_138], %swap3A_141 {strides = array<i32>} : memref<80xi32, #tpu.memory_space<vmem>>, vector<16xi32>,
      %get3A_142 = arith.constant 32 : index
      %get3A_143 = tpu.vector_load %arg5[%get3A_142] {strides = array<i32>} : memref<80xi32, #tpu.memory_space<vmem>>, vector<16xi32>,
      %get3A_144 = vector.shape_cast %get3A_143 : vector<16xi32> to vector<16xi32>
      %add3A_145 = vector.broadcast %mul3A_0 : i32 to vector<16xi32>
      %add3A_146 = arith.addi %get3A_144, %add3A_145 : vector<16xi32>
      %swap3A_147 = arith.constant 32 : index
      %swap3A_148 = tpu.vector_load %arg6[%swap3A_147] {strides = array<i32>} : memref<80xi32, #tpu.memory_space<vmem>>, vector<16xi32>,
      %swap3A_149 = vector.shape_cast %swap3A_148 : vector<16xi32> to vector<16xi32>
      %swap3A_150 = vector.shape_cast %add3A_146 : vector<16xi32> to vector<16xi32>
      tpu.vector_store %arg6[%swap3A_147], %swap3A_150 {strides = array<i32>} : memref<80xi32, #tpu.memory_space<vmem>>, vector<16xi32>,
      %get3A_151 = arith.constant 48 : index
      %get3A_152 = tpu.vector_load %arg5[%get3A_151] {strides = array<i32>} : memref<80xi32, #tpu.memory_space<vmem>>, vector<16xi32>,
      %get3A_153 = vector.shape_cast %get3A_152 : vector<16xi32> to vector<16xi32>
      %add3A_154 = vector.broadcast %mul3A_0 : i32 to vector<16xi32>
      %add3A_155 = arith.addi %get3A_153, %add3A_154 : vector<16xi32>
      %swap3A_156 = arith.constant 48 : index
      %swap3A_157 = tpu.vector_load %arg6[%swap3A_156] {strides = array<i32>} : memref<80xi32, #tpu.memory_space<vmem>>, vector<16xi32>,
      %swap3A_158 = vector.shape_cast %swap3A_157 : vector<16xi32> to vector<16xi32>
      %swap3A_159 = vector.shape_cast %add3A_155 : vector<16xi32> to vector<16xi32>
      tpu.vector_store %arg6[%swap3A_156], %swap3A_159 {strides = array<i32>} : memref<80xi32, #tpu.memory_space<vmem>>, vector<16xi32>,
      %get3A_160 = arith.constant 64 : index
      %get3A_161 = tpu.vector_load %arg5[%get3A_160] {strides = array<i32>} : memref<80xi32, #tpu.memory_space<vmem>>, vector<16xi32>,
      %get3A_162 = vector.shape_cast %get3A_161 : vector<16xi32> to vector<16xi32>
      %add3A_163 = vector.broadcast %mul3A_0 : i32 to vector<16xi32>
      %add3A_164 = arith.addi %get3A_162, %add3A_163 : vector<16xi32>
      %swap3A_165 = arith.constant 64 : index
      %swap3A_166 = tpu.vector_load %arg6[%swap3A_165] {strides = array<i32>} : memref<80xi32, #tpu.memory_space<vmem>>, vector<16xi32>,
      %swap3A_167 = vector.shape_cast %swap3A_166 : vector<16xi32> to vector<16xi32>
      %swap3A_168 = vector.shape_cast %add3A_164 : vector<16xi32> to vector<16xi32>
      tpu.vector_store %arg6[%swap3A_165], %swap3A_168 {strides = array<i32>} : memref<80xi32, #tpu.memory_space<vmem>>, vector<16xi32>,
      %dma_start3A_169 = arith.constant 0 : i32
      %dma_start3A_170 = arith.constant 0 : i32
      %dma_start3A_171 = tpu.memref_slice %arg2[%dma_start3A_169, %dma_start3A_170] : memref<40000x128xf32, #tpu.memory_space<hbm>> -> memref<40000x128xf32, #tpu.memory_space<hbm>>
      tpu.enqueue_indirect_dma source(%dma_start3A_171 : memref<40000x128xf32, #tpu.memory_space<hbm>>) target(%arg9 : memref<80x128xf32, #tpu.memory_space<vmem>>) offsets(%arg6 : memref<80xi32, #tpu.memory_space<vmem>>) semaphore(%arg18 : memref<!tpu.dma_semaphore, #tpu.memory_space<semaphore_mem>>)
      %dma_start3A_172 = arith.constant 0 : i32
      %dma_start3A_173 = arith.constant 0 : i32
      %dma_start3A_174 = tpu.memref_slice %arg2[%dma_start3A_172, %dma_start3A_173] : memref<40000x128xf32, #tpu.memory_space<hbm>> -> memref<40000x128xf32, #tpu.memory_space<hbm>>
      tpu.enqueue_indirect_dma source(%dma_start3A_174 : memref<40000x128xf32, #tpu.memory_space<hbm>>) target(%arg10 : memref<80x128xf32, #tpu.memory_space<vmem>>) offsets(%arg7 : memref<80xi32, #tpu.memory_space<vmem>>) semaphore(%arg19 : memref<!tpu.dma_semaphore, #tpu.memory_space<semaphore_mem>>)
      %dma_wait3A_175 = arith.constant 0 : i32
      %dma_wait3A_176 = arith.constant 0 : i32
      %dma_wait3A_177 = tpu.memref_slice %arg2[%dma_wait3A_175, %dma_wait3A_176] : memref<40000x128xf32, #tpu.memory_space<hbm>> -> memref<40000x128xf32, #tpu.memory_space<hbm>>
      tpu.wait_indirect_dma semaphore(%arg18 : memref<!tpu.dma_semaphore, #tpu.memory_space<semaphore_mem>>) src(%dma_wait3A_177 : memref<40000x128xf32, #tpu.memory_space<hbm>>) dst(%arg9 : memref<80x128xf32, #tpu.memory_space<vmem>>)
      %dma_wait3A_178 = arith.constant 0 : i32
      %dma_wait3A_179 = arith.constant 0 : i32
      %dma_wait3A_180 = tpu.memref_slice %arg2[%dma_wait3A_178, %dma_wait3A_179] : memref<40000x128xf32, #tpu.memory_space<hbm>> -> memref<40000x128xf32, #tpu.memory_space<hbm>>
      tpu.wait_indirect_dma semaphore(%arg19 : memref<!tpu.dma_semaphore, #tpu.memory_space<semaphore_mem>>) src(%dma_wait3A_180 : memref<40000x128xf32, #tpu.memory_space<hbm>>) dst(%arg10 : memref<80x128xf32, #tpu.memory_space<vmem>>)
      %scan3A_181 = arith.constant 0 : i32
      %scan3A_182 = arith.constant 0 : i32
      %scan3A_183 = arith.constant 80 : i32
      %scan3A_184 = arith.addi %scan3A_182, %scan3A_183 : i32
      %scan3A_185 = arith.constant 1 : i32
      scf.for %scan3A_187 = %scan3A_182 to %scan3A_184 step %scan3A_185  : i32 {
        %get3A_188 = arith.index_cast %scan3A_187 : i32 to index
        %get3A_189 = arith.constant 0 : index
        %get3A_190 = tpu.vector_load %arg9[%get3A_188, %get3A_189] {strides = array<i32>} : memref<80x128xf32, #tpu.memory_space<vmem>>, vector<1x16xf32>,
        %get3A_191 = vector.shape_cast %get3A_190 : vector<1x16xf32> to vector<16xf32>
        %get3A_192 = arith.index_cast %scan3A_187 : i32 to index
        %get3A_193 = arith.constant 0 : index
        %get3A_194 = tpu.vector_load %arg10[%get3A_192, %get3A_193] {strides = array<i32>} : memref<80x128xf32, #tpu.memory_space<vmem>>, vector<1x16xf32>,
        %get3A_195 = vector.shape_cast %get3A_194 : vector<1x16xf32> to vector<16xf32>
        %add3A_196 = arith.addf %get3A_191, %get3A_195 : vector<16xf32>
        %max3A = arith.constant 0.000000e+00 : f32
        %max3A_197 = vector.broadcast %max3A : f32 to vector<16xf32>
        %max3A_198 = arith.maximumf %add3A_196, %max3A_197 : vector<16xf32>
        %swap3A_199 = arith.index_cast %scan3A_187 : i32 to index
        %swap3A_200 = arith.constant 0 : index
        %swap3A_201 = tpu.vector_load %arg9[%swap3A_199, %swap3A_200] {strides = array<i32>} : memref<80x128xf32, #tpu.memory_space<vmem>>, vector<1x16xf32>,
        %swap3A_202 = vector.shape_cast %swap3A_201 : vector<1x16xf32> to vector<16xf32>
        %swap3A_203 = vector.shape_cast %max3A_198 : vector<16xf32> to vector<1x16xf32>
        tpu.vector_store %arg9[%swap3A_199, %swap3A_200], %swap3A_203 {strides = array<i32>} : memref<80x128xf32, #tpu.memory_space<vmem>>, vector<1x16xf32>,
        %get3A_204 = arith.index_cast %scan3A_187 : i32 to index
        %get3A_205 = arith.constant 16 : index
        %get3A_206 = tpu.vector_load %arg9[%get3A_204, %get3A_205] {strides = array<i32>} : memref<80x128xf32, #tpu.memory_space<vmem>>, vector<1x16xf32>,
        %get3A_207 = vector.shape_cast %get3A_206 : vector<1x16xf32> to vector<16xf32>
        %get3A_208 = arith.index_cast %scan3A_187 : i32 to index
        %get3A_209 = arith.constant 16 : index
        %get3A_210 = tpu.vector_load %arg10[%get3A_208, %get3A_209] {strides = array<i32>} : memref<80x128xf32, #tpu.memory_space<vmem>>, vector<1x16xf32>,
        %get3A_211 = vector.shape_cast %get3A_210 : vector<1x16xf32> to vector<16xf32>
        %add3A_212 = arith.addf %get3A_207, %get3A_211 : vector<16xf32>
        %max3A_213 = arith.constant 0.000000e+00 : f32
        %max3A_214 = vector.broadcast %max3A_213 : f32 to vector<16xf32>
        %max3A_215 = arith.maximumf %add3A_212, %max3A_214 : vector<16xf32>
        %swap3A_216 = arith.index_cast %scan3A_187 : i32 to index
        %swap3A_217 = arith.constant 16 : index
        %swap3A_218 = tpu.vector_load %arg9[%swap3A_216, %swap3A_217] {strides = array<i32>} : memref<80x128xf32, #tpu.memory_space<vmem>>, vector<1x16xf32>,
        %swap3A_219 = vector.shape_cast %swap3A_218 : vector<1x16xf32> to vector<16xf32>
        %swap3A_220 = vector.shape_cast %max3A_215 : vector<16xf32> to vector<1x16xf32>
        tpu.vector_store %arg9[%swap3A_216, %swap3A_217], %swap3A_220 {strides = array<i32>} : memref<80x128xf32, #tpu.memory_space<vmem>>, vector<1x16xf32>,
        %get3A_221 = arith.index_cast %scan3A_187 : i32 to index
        %get3A_222 = arith.constant 32 : index
        %get3A_223 = tpu.vector_load %arg9[%get3A_221, %get3A_222] {strides = array<i32>} : memref<80x128xf32, #tpu.memory_space<vmem>>, vector<1x16xf32>,
        %get3A_224 = vector.shape_cast %get3A_223 : vector<1x16xf32> to vector<16xf32>
        %get3A_225 = arith.index_cast %scan3A_187 : i32 to index
        %get3A_226 = arith.constant 32 : index
        %get3A_227 = tpu.vector_load %arg10[%get3A_225, %get3A_226] {strides = array<i32>} : memref<80x128xf32, #tpu.memory_space<vmem>>, vector<1x16xf32>,
        %get3A_228 = vector.shape_cast %get3A_227 : vector<1x16xf32> to vector<16xf32>
        %add3A_229 = arith.addf %get3A_224, %get3A_228 : vector<16xf32>
        %max3A_230 = arith.constant 0.000000e+00 : f32
        %max3A_231 = vector.broadcast %max3A_230 : f32 to vector<16xf32>
        %max3A_232 = arith.maximumf %add3A_229, %max3A_231 : vector<16xf32>
        %swap3A_233 = arith.index_cast %scan3A_187 : i32 to index
        %swap3A_234 = arith.constant 32 : index
        %swap3A_235 = tpu.vector_load %arg9[%swap3A_233, %swap3A_234] {strides = array<i32>} : memref<80x128xf32, #tpu.memory_space<vmem>>, vector<1x16xf32>,
        %swap3A_236 = vector.shape_cast %swap3A_235 : vector<1x16xf32> to vector<16xf32>
        %swap3A_237 = vector.shape_cast %max3A_232 : vector<16xf32> to vector<1x16xf32>
        tpu.vector_store %arg9[%swap3A_233, %swap3A_234], %swap3A_237 {strides = array<i32>} : memref<80x128xf32, #tpu.memory_space<vmem>>, vector<1x16xf32>,
        %get3A_238 = arith.index_cast %scan3A_187 : i32 to index
        %get3A_239 = arith.constant 48 : index
        %get3A_240 = tpu.vector_load %arg9[%get3A_238, %get3A_239] {strides = array<i32>} : memref<80x128xf32, #tpu.memory_space<vmem>>, vector<1x16xf32>,
        %get3A_241 = vector.shape_cast %get3A_240 : vector<1x16xf32> to vector<16xf32>
        %get3A_242 = arith.index_cast %scan3A_187 : i32 to index
        %get3A_243 = arith.constant 48 : index
        %get3A_244 = tpu.vector_load %arg10[%get3A_242, %get3A_243] {strides = array<i32>} : memref<80x128xf32, #tpu.memory_space<vmem>>, vector<1x16xf32>,
        %get3A_245 = vector.shape_cast %get3A_244 : vector<1x16xf32> to vector<16xf32>
        %add3A_246 = arith.addf %get3A_241, %get3A_245 : vector<16xf32>
        %max3A_247 = arith.constant 0.000000e+00 : f32
        %max3A_248 = vector.broadcast %max3A_247 : f32 to vector<16xf32>
        %max3A_249 = arith.maximumf %add3A_246, %max3A_248 : vector<16xf32>
        %swap3A_250 = arith.index_cast %scan3A_187 : i32 to index
        %swap3A_251 = arith.constant 48 : index
        %swap3A_252 = tpu.vector_load %arg9[%swap3A_250, %swap3A_251] {strides = array<i32>} : memref<80x128xf32, #tpu.memory_space<vmem>>, vector<1x16xf32>,
        %swap3A_253 = vector.shape_cast %swap3A_252 : vector<1x16xf32> to vector<16xf32>
        %swap3A_254 = vector.shape_cast %max3A_249 : vector<16xf32> to vector<1x16xf32>
        tpu.vector_store %arg9[%swap3A_250, %swap3A_251], %swap3A_254 {strides = array<i32>} : memref<80x128xf32, #tpu.memory_space<vmem>>, vector<1x16xf32>,
        %get3A_255 = arith.index_cast %scan3A_187 : i32 to index
        %get3A_256 = arith.constant 64 : index
        %get3A_257 = tpu.vector_load %arg9[%get3A_255, %get3A_256] {strides = array<i32>} : memref<80x128xf32, #tpu.memory_space<vmem>>, vector<1x16xf32>,
        %get3A_258 = vector.shape_cast %get3A_257 : vector<1x16xf32> to vector<16xf32>
        %get3A_259 = arith.index_cast %scan3A_187 : i32 to index
        %get3A_260 = arith.constant 64 : index
        %get3A_261 = tpu.vector_load %arg10[%get3A_259, %get3A_260] {strides = array<i32>} : memref<80x128xf32, #tpu.memory_space<vmem>>, vector<1x16xf32>,
        %get3A_262 = vector.shape_cast %get3A_261 : vector<1x16xf32> to vector<16xf32>
        %add3A_263 = arith.addf %get3A_258, %get3A_262 : vector<16xf32>
        %max3A_264 = arith.constant 0.000000e+00 : f32
        %max3A_265 = vector.broadcast %max3A_264 : f32 to vector<16xf32>
        %max3A_266 = arith.maximumf %add3A_263, %max3A_265 : vector<16xf32>
        %swap3A_267 = arith.index_cast %scan3A_187 : i32 to index
        %swap3A_268 = arith.constant 64 : index
        %swap3A_269 = tpu.vector_load %arg9[%swap3A_267, %swap3A_268] {strides = array<i32>} : memref<80x128xf32, #tpu.memory_space<vmem>>, vector<1x16xf32>,
        %swap3A_270 = vector.shape_cast %swap3A_269 : vector<1x16xf32> to vector<16xf32>
        %swap3A_271 = vector.shape_cast %max3A_266 : vector<16xf32> to vector<1x16xf32>
        tpu.vector_store %arg9[%swap3A_267, %swap3A_268], %swap3A_271 {strides = array<i32>} : memref<80x128xf32, #tpu.memory_space<vmem>>, vector<1x16xf32>,
        %get3A_272 = arith.index_cast %scan3A_187 : i32 to index
        %get3A_273 = arith.constant 80 : index
        %get3A_274 = tpu.vector_load %arg9[%get3A_272, %get3A_273] {strides = array<i32>} : memref<80x128xf32, #tpu.memory_space<vmem>>, vector<1x16xf32>,
        %get3A_275 = vector.shape_cast %get3A_274 : vector<1x16xf32> to vector<16xf32>
        %get3A_276 = arith.index_cast %scan3A_187 : i32 to index
        %get3A_277 = arith.constant 80 : index
        %get3A_278 = tpu.vector_load %arg10[%get3A_276, %get3A_277] {strides = array<i32>} : memref<80x128xf32, #tpu.memory_space<vmem>>, vector<1x16xf32>,
        %get3A_279 = vector.shape_cast %get3A_278 : vector<1x16xf32> to vector<16xf32>
        %add3A_280 = arith.addf %get3A_275, %get3A_279 : vector<16xf32>
        %max3A_281 = arith.constant 0.000000e+00 : f32
        %max3A_282 = vector.broadcast %max3A_281 : f32 to vector<16xf32>
        %max3A_283 = arith.maximumf %add3A_280, %max3A_282 : vector<16xf32>
        %swap3A_284 = arith.index_cast %scan3A_187 : i32 to index
        %swap3A_285 = arith.constant 80 : index
        %swap3A_286 = tpu.vector_load %arg9[%swap3A_284, %swap3A_285] {strides = array<i32>} : memref<80x128xf32, #tpu.memory_space<vmem>>, vector<1x16xf32>,
        %swap3A_287 = vector.shape_cast %swap3A_286 : vector<1x16xf32> to vector<16xf32>
        %swap3A_288 = vector.shape_cast %max3A_283 : vector<16xf32> to vector<1x16xf32>
        tpu.vector_store %arg9[%swap3A_284, %swap3A_285], %swap3A_288 {strides = array<i32>} : memref<80x128xf32, #tpu.memory_space<vmem>>, vector<1x16xf32>,
        %get3A_289 = arith.index_cast %scan3A_187 : i32 to index
        %get3A_290 = arith.constant 96 : index
        %get3A_291 = tpu.vector_load %arg9[%get3A_289, %get3A_290] {strides = array<i32>} : memref<80x128xf32, #tpu.memory_space<vmem>>, vector<1x16xf32>,
        %get3A_292 = vector.shape_cast %get3A_291 : vector<1x16xf32> to vector<16xf32>
        %get3A_293 = arith.index_cast %scan3A_187 : i32 to index
        %get3A_294 = arith.constant 96 : index
        %get3A_295 = tpu.vector_load %arg10[%get3A_293, %get3A_294] {strides = array<i32>} : memref<80x128xf32, #tpu.memory_space<vmem>>, vector<1x16xf32>,
        %get3A_296 = vector.shape_cast %get3A_295 : vector<1x16xf32> to vector<16xf32>
        %add3A_297 = arith.addf %get3A_292, %get3A_296 : vector<16xf32>
        %max3A_298 = arith.constant 0.000000e+00 : f32
        %max3A_299 = vector.broadcast %max3A_298 : f32 to vector<16xf32>
        %max3A_300 = arith.maximumf %add3A_297, %max3A_299 : vector<16xf32>
        %swap3A_301 = arith.index_cast %scan3A_187 : i32 to index
        %swap3A_302 = arith.constant 96 : index
        %swap3A_303 = tpu.vector_load %arg9[%swap3A_301, %swap3A_302] {strides = array<i32>} : memref<80x128xf32, #tpu.memory_space<vmem>>, vector<1x16xf32>,
        %swap3A_304 = vector.shape_cast %swap3A_303 : vector<1x16xf32> to vector<16xf32>
        %swap3A_305 = vector.shape_cast %max3A_300 : vector<16xf32> to vector<1x16xf32>
        tpu.vector_store %arg9[%swap3A_301, %swap3A_302], %swap3A_305 {strides = array<i32>} : memref<80x128xf32, #tpu.memory_space<vmem>>, vector<1x16xf32>,
        %get3A_306 = arith.index_cast %scan3A_187 : i32 to index
        %get3A_307 = arith.constant 112 : index
        %get3A_308 = tpu.vector_load %arg9[%get3A_306, %get3A_307] {strides = array<i32>} : memref<80x128xf32, #tpu.memory_space<vmem>>, vector<1x16xf32>,
        %get3A_309 = vector.shape_cast %get3A_308 : vector<1x16xf32> to vector<16xf32>
        %get3A_310 = arith.index_cast %scan3A_187 : i32 to index
        %get3A_311 = arith.constant 112 : index
        %get3A_312 = tpu.vector_load %arg10[%get3A_310, %get3A_311] {strides = array<i32>} : memref<80x128xf32, #tpu.memory_space<vmem>>, vector<1x16xf32>,
        %get3A_313 = vector.shape_cast %get3A_312 : vector<1x16xf32> to vector<16xf32>
        %add3A_314 = arith.addf %get3A_309, %get3A_313 : vector<16xf32>
        %max3A_315 = arith.constant 0.000000e+00 : f32
        %max3A_316 = vector.broadcast %max3A_315 : f32 to vector<16xf32>
        %max3A_317 = arith.maximumf %add3A_314, %max3A_316 : vector<16xf32>
        %swap3A_318 = arith.index_cast %scan3A_187 : i32 to index
        %swap3A_319 = arith.constant 112 : index
        %swap3A_320 = tpu.vector_load %arg9[%swap3A_318, %swap3A_319] {strides = array<i32>} : memref<80x128xf32, #tpu.memory_space<vmem>>, vector<1x16xf32>,
        %swap3A_321 = vector.shape_cast %swap3A_320 : vector<1x16xf32> to vector<16xf32>
        %swap3A_322 = vector.shape_cast %max3A_317 : vector<16xf32> to vector<1x16xf32>
        tpu.vector_store %arg9[%swap3A_318, %swap3A_319], %swap3A_322 {strides = array<i32>} : memref<80x128xf32, #tpu.memory_space<vmem>>, vector<1x16xf32>,
      }
      %scan3A_186 = arith.constant 80 : i32
      "tpu.region"() ({
        %run_scoped3A = tpu.sem_alloc : memref<!tpu.dma_semaphore, #tpu.memory_space<semaphore_mem>>
        %dma_start3A_187 = arith.constant 0 : i32
        %dma_start3A_188 = arith.constant 0 : i32
        %dma_start3A_189 = tpu.memref_slice %arg17[%dma_start3A_187, %dma_start3A_188] : memref<10000x128xf32, #tpu.memory_space<vmem_shared>> -> memref<10000x128xf32, #tpu.memory_space<vmem_shared>>
        tpu.enqueue_indirect_dma source(%arg9 : memref<80x128xf32, #tpu.memory_space<vmem>>) target(%dma_start3A_189 : memref<10000x128xf32, #tpu.memory_space<vmem_shared>>) offsets(%arg5 : memref<80xi32, #tpu.memory_space<vmem>>) semaphore(%run_scoped3A : memref<!tpu.dma_semaphore, #tpu.memory_space<semaphore_mem>>) {add = true}
        %dma_wait3A_190 = arith.constant 0 : i32
        %dma_wait3A_191 = arith.constant 0 : i32
        %dma_wait3A_192 = tpu.memref_slice %arg17[%dma_wait3A_190, %dma_wait3A_191] : memref<10000x128xf32, #tpu.memory_space<vmem_shared>> -> memref<10000x128xf32, #tpu.memory_space<vmem_shared>>
        tpu.wait_indirect_dma semaphore(%run_scoped3A : memref<!tpu.dma_semaphore, #tpu.memory_space<semaphore_mem>>) src(%arg9 : memref<80x128xf32, #tpu.memory_space<vmem>>) dst(%dma_wait3A_192 : memref<10000x128xf32, #tpu.memory_space<vmem_shared>>)
        tpu.yield
      }) : () -> ()
    } else {
    }
    %barrier3A_104 = arith.constant 0 : index
    tpu.barrier barrier_id(%barrier3A_104)
    %while3A_105 = arith.constant 0 : i32
    %while3A_106 = arith.constant 0 : i32
    %while3A_107 = arith.subi %select_n3A, %while3A_106 : i32
    %while3A_108 = arith.addi %while3A_106, %while3A_107 : i32
    %while3A_109 = arith.constant 1 : i32
    %while3A_110 = arith.divsi %while3A_107, %while3A_109 : i32
    %while3A_111 = arith.muli %while3A_110, %while3A_109 : i32
    %while3A_112 = arith.addi %while3A_106, %while3A_111 : i32
    %while3A_113 = arith.constant 1 : i32
    scf.for %while3A_115 = %while3A_106 to %while3A_112 step %while3A_113  : i32 {
      %mul3A_116 = arith.constant 16 : i32
      %mul3A_117 = arith.muli %mul3A_116, %while3A_115 : i32
      %add3A_118 = arith.addi %arg1, %mul3A_117 : i32
      %mul3A_119 = arith.constant 80 : i32
      %mul3A_120 = arith.muli %add3A_118, %mul3A_119 : i32
      "tpu.region"() ({
        %run_scoped3A = tpu.sem_alloc : memref<!tpu.dma_semaphore, #tpu.memory_space<semaphore_mem>>
        %dma_start3A_126 = arith.constant 0 : i32
        %dma_start3A_127 = tpu.memref_slice %arg17[%mul3A_120, %dma_start3A_126] : memref<10000x128xf32, #tpu.memory_space<vmem_shared>> -> memref<80x128xf32, #tpu.memory_space<vmem_shared>>
        %dma_start3A_128 = arith.constant 0 : i32
        %dma_start3A_129 = tpu.memref_slice %arg17[%mul3A_120, %dma_start3A_128] : memref<10000x128xf32, #tpu.memory_space<vmem_shared>> -> memref<80x128xf32, #tpu.memory_space<vmem_shared>>
        tpu.enqueue_dma source(%dma_start3A_129 : memref<80x128xf32, #tpu.memory_space<vmem_shared>>) target(%arg9 : memref<80x128xf32, #tpu.memory_space<vmem>>) target_semaphore(%run_scoped3A : memref<!tpu.dma_semaphore, #tpu.memory_space<semaphore_mem>>)
        %dma_wait3A_130 = arith.constant 0 : i32
        %dma_wait3A_131 = tpu.memref_slice %arg17[%mul3A_120, %dma_wait3A_130] : memref<10000x128xf32, #tpu.memory_space<vmem_shared>> -> memref<80x128xf32, #tpu.memory_space<vmem_shared>>
        %dma_wait3A_132 = arith.constant 0 : i32
        %dma_wait3A_133 = tpu.memref_slice %arg17[%mul3A_120, %dma_wait3A_132] : memref<10000x128xf32, #tpu.memory_space<vmem_shared>> -> memref<80x128xf32, #tpu.memory_space<vmem_shared>>
        tpu.wait_dma2 semaphore(%run_scoped3A : memref<!tpu.dma_semaphore, #tpu.memory_space<semaphore_mem>>) src(%dma_wait3A_133 : memref<80x128xf32, #tpu.memory_space<vmem_shared>>) dst(%arg9 : memref<80x128xf32, #tpu.memory_space<vmem>>)
        tpu.yield
      }) : () -> ()
      %mul3A_121 = arith.constant 10000 : i32
      %mul3A_122 = arith.muli %arg0, %mul3A_121 : i32
      %mul3A_123 = arith.constant 80 : i32
      %mul3A_124 = arith.muli %add3A_118, %mul3A_123 : i32
      %add3A_125 = arith.addi %mul3A_122, %mul3A_124 : i32
      "tpu.region"() ({
        %run_scoped3A = tpu.sem_alloc : memref<!tpu.dma_semaphore, #tpu.memory_space<semaphore_mem>>
        %dma_start3A_126 = arith.constant 0 : i32
        %dma_start3A_127 = tpu.memref_slice %arg4[%add3A_125, %dma_start3A_126] : memref<20000x128xf32, #tpu.memory_space<hbm>> -> memref<80x128xf32, #tpu.memory_space<hbm>>
        %dma_start3A_128 = arith.constant 0 : i32
        %dma_start3A_129 = tpu.memref_slice %arg4[%add3A_125, %dma_start3A_128] : memref<20000x128xf32, #tpu.memory_space<hbm>> -> memref<80x128xf32, #tpu.memory_space<hbm>>
        tpu.enqueue_dma source(%arg9 : memref<80x128xf32, #tpu.memory_space<vmem>>) target(%dma_start3A_129 : memref<80x128xf32, #tpu.memory_space<hbm>>) target_semaphore(%run_scoped3A : memref<!tpu.dma_semaphore, #tpu.memory_space<semaphore_mem>>)
        %dma_wait3A_130 = arith.constant 0 : i32
        %dma_wait3A_131 = tpu.memref_slice %arg4[%add3A_125, %dma_wait3A_130] : memref<20000x128xf32, #tpu.memory_space<hbm>> -> memref<80x128xf32, #tpu.memory_space<hbm>>
        %dma_wait3A_132 = arith.constant 0 : i32
        %dma_wait3A_133 = tpu.memref_slice %arg4[%add3A_125, %dma_wait3A_132] : memref<20000x128xf32, #tpu.memory_space<hbm>> -> memref<80x128xf32, #tpu.memory_space<hbm>>
        tpu.wait_dma2 semaphore(%run_scoped3A : memref<!tpu.dma_semaphore, #tpu.memory_space<semaphore_mem>>) src(%arg9 : memref<80x128xf32, #tpu.memory_space<vmem>>) dst(%dma_wait3A_133 : memref<80x128xf32, #tpu.memory_space<hbm>>)
        tpu.yield
      }) : () -> ()
    }
    %while3A_114 = arith.constant 1 : i32
    scf.for %while3A_115 = %while3A_112 to %while3A_108 step %while3A_114  : i32 {
      %mul3A_116 = arith.constant 16 : i32
      %mul3A_117 = arith.muli %mul3A_116, %while3A_115 : i32
      %add3A_118 = arith.addi %arg1, %mul3A_117 : i32
      %mul3A_119 = arith.constant 80 : i32
      %mul3A_120 = arith.muli %add3A_118, %mul3A_119 : i32
      "tpu.region"() ({
        %run_scoped3A = tpu.sem_alloc : memref<!tpu.dma_semaphore, #tpu.memory_space<semaphore_mem>>
        %dma_start3A_126 = arith.constant 0 : i32
        %dma_start3A_127 = tpu.memref_slice %arg17[%mul3A_120, %dma_start3A_126] : memref<10000x128xf32, #tpu.memory_space<vmem_shared>> -> memref<80x128xf32, #tpu.memory_space<vmem_shared>>
        %dma_start3A_128 = arith.constant 0 : i32
        %dma_start3A_129 = tpu.memref_slice %arg17[%mul3A_120, %dma_start3A_128] : memref<10000x128xf32, #tpu.memory_space<vmem_shared>> -> memref<80x128xf32, #tpu.memory_space<vmem_shared>>
        tpu.enqueue_dma source(%dma_start3A_129 : memref<80x128xf32, #tpu.memory_space<vmem_shared>>) target(%arg9 : memref<80x128xf32, #tpu.memory_space<vmem>>) target_semaphore(%run_scoped3A : memref<!tpu.dma_semaphore, #tpu.memory_space<semaphore_mem>>)
        %dma_wait3A_130 = arith.constant 0 : i32
        %dma_wait3A_131 = tpu.memref_slice %arg17[%mul3A_120, %dma_wait3A_130] : memref<10000x128xf32, #tpu.memory_space<vmem_shared>> -> memref<80x128xf32, #tpu.memory_space<vmem_shared>>
        %dma_wait3A_132 = arith.constant 0 : i32
        %dma_wait3A_133 = tpu.memref_slice %arg17[%mul3A_120, %dma_wait3A_132] : memref<10000x128xf32, #tpu.memory_space<vmem_shared>> -> memref<80x128xf32, #tpu.memory_space<vmem_shared>>
        tpu.wait_dma2 semaphore(%run_scoped3A : memref<!tpu.dma_semaphore, #tpu.memory_space<semaphore_mem>>) src(%dma_wait3A_133 : memref<80x128xf32, #tpu.memory_space<vmem_shared>>) dst(%arg9 : memref<80x128xf32, #tpu.memory_space<vmem>>)
        tpu.yield
      }) : () -> ()
      %mul3A_121 = arith.constant 10000 : i32
      %mul3A_122 = arith.muli %arg0, %mul3A_121 : i32
      %mul3A_123 = arith.constant 80 : i32
      %mul3A_124 = arith.muli %add3A_118, %mul3A_123 : i32
      %add3A_125 = arith.addi %mul3A_122, %mul3A_124 : i32
      "tpu.region"() ({
        %run_scoped3A = tpu.sem_alloc : memref<!tpu.dma_semaphore, #tpu.memory_space<semaphore_mem>>
        %dma_start3A_126 = arith.constant 0 : i32
        %dma_start3A_127 = tpu.memref_slice %arg4[%add3A_125, %dma_start3A_126] : memref<20000x128xf32, #tpu.memory_space<hbm>> -> memref<80x128xf32, #tpu.memory_space<hbm>>
        %dma_start3A_128 = arith.constant 0 : i32
        %dma_start3A_129 = tpu.memref_slice %arg4[%add3A_125, %dma_start3A_128] : memref<20000x128xf32, #tpu.memory_space<hbm>> -> memref<80x128xf32, #tpu.memory_space<hbm>>
        tpu.enqueue_dma source(%arg9 : memref<80x128xf32, #tpu.memory_space<vmem>>) target(%dma_start3A_129 : memref<80x128xf32, #tpu.memory_space<hbm>>) target_semaphore(%run_scoped3A : memref<!tpu.dma_semaphore, #tpu.memory_space<semaphore_mem>>)
        %dma_wait3A_130 = arith.constant 0 : i32
        %dma_wait3A_131 = tpu.memref_slice %arg4[%add3A_125, %dma_wait3A_130] : memref<20000x128xf32, #tpu.memory_space<hbm>> -> memref<80x128xf32, #tpu.memory_space<hbm>>
        %dma_wait3A_132 = arith.constant 0 : i32
        %dma_wait3A_133 = tpu.memref_slice %arg4[%add3A_125, %dma_wait3A_132] : memref<20000x128xf32, #tpu.memory_space<hbm>> -> memref<80x128xf32, #tpu.memory_space<hbm>>
        tpu.wait_dma2 semaphore(%run_scoped3A : memref<!tpu.dma_semaphore, #tpu.memory_space<semaphore_mem>>) src(%arg9 : memref<80x128xf32, #tpu.memory_space<vmem>>) dst(%dma_wait3A_133 : memref<80x128xf32, #tpu.memory_space<hbm>>)
        tpu.yield
      }) : () -> ()
    }
    return
  }
}

#map = affine_map<(d0, d1) -> (0, 0)>
#map1 = affine_map<(d0, d1) -> (0)>
module attributes {stable_mosaic.version = 14 : i64} {
  func.func @_sc_layer(%arg0: i32, %arg1: i32, %arg2: memref<40000x128xf32, #tpu.memory_space<hbm>>, %arg3: memref<480000xi32, #tpu.memory_space<hbm>>, %arg4: memref<20000x128xf32, #tpu.memory_space<hbm>>, %arg5: memref<80xi32, #tpu.memory_space<vmem>>, %arg6: memref<80xi32, #tpu.memory_space<vmem>>, %arg7: memref<80xi32, #tpu.memory_space<vmem>>, %arg8: memref<80xi32, #tpu.memory_space<vmem>>, %arg9: memref<80x128xf32, #tpu.memory_space<vmem>>, %arg10: memref<80x128xf32, #tpu.memory_space<vmem>>, %arg11: memref<80xi32, #tpu.memory_space<vmem>>, %arg12: memref<80xi32, #tpu.memory_space<vmem>>, %arg13: memref<80xi32, #tpu.memory_space<vmem>>, %arg14: memref<80xi32, #tpu.memory_space<vmem>>, %arg15: memref<80x128xf32, #tpu.memory_space<vmem>>, %arg16: memref<80x128xf32, #tpu.memory_space<vmem>>, %arg17: memref<10000x128xf32, #tpu.memory_space<vmem_shared>>, %arg18: memref<!tpu.dma_semaphore, #tpu.memory_space<semaphore_mem>>, %arg19: memref<!tpu.dma_semaphore, #tpu.memory_space<semaphore_mem>>, %arg20: memref<!tpu.dma_semaphore, #tpu.memory_space<semaphore_mem>>, %arg21: memref<!tpu.dma_semaphore, #tpu.memory_space<semaphore_mem>>, %arg22: memref<!tpu.dma_semaphore, #tpu.memory_space<semaphore_mem>>, %arg23: memref<!tpu.dma_semaphore, #tpu.memory_space<semaphore_mem>>) attributes {dimension_semantics = [#tpu.dimension_semantics<core_parallel>, #tpu.dimension_semantics<subcore_parallel>], iteration_bounds = array<i64: 2, 16>, scalar_prefetch = 0 : i64, scratch_operands = 19 : i64, tpu.core_type = #tpu.core_type<sc_vector_subcore>, window_params = [{transform_indices = #map}, {transform_indices = #map1}, {transform_indices = #map}]} {
    %mul3A = arith.constant 10000 : i32
    %mul3A_0 = arith.muli %arg0, %mul3A : i32
    %scan3A = arith.constant 0 : i32
    %scan3A_1 = arith.constant 0 : i32
    %scan3A_2 = arith.constant 80 : i32
    %scan3A_3 = arith.addi %scan3A_1, %scan3A_2 : i32
    %scan3A_4 = arith.constant 1 : i32
    scf.for %scan3A_115 = %scan3A_1 to %scan3A_3 step %scan3A_4  : i32 {
      %broadcast_in_dim3A = arith.constant 0.000000e+00 : f32
      %broadcast_in_dim3A_116 = vector.broadcast %broadcast_in_dim3A : f32 to vector<16xf32>
      %swap3A_117 = arith.index_cast %scan3A_115 : i32 to index
      %swap3A_118 = arith.constant 0 : index
      %swap3A_119 = tpu.vector_load %arg9[%swap3A_117, %swap3A_118] {strides = array<i32>} : memref<80x128xf32, #tpu.memory_space<vmem>>, vector<1x16xf32>,
      %swap3A_120 = vector.shape_cast %swap3A_119 : vector<1x16xf32> to vector<16xf32>
      %swap3A_121 = vector.shape_cast %broadcast_in_dim3A_116 : vector<16xf32> to vector<1x16xf32>
      tpu.vector_store %arg9[%swap3A_117, %swap3A_118], %swap3A_121 {strides = array<i32>} : memref<80x128xf32, #tpu.memory_space<vmem>>, vector<1x16xf32>,
      %broadcast_in_dim3A_122 = arith.constant 0.000000e+00 : f32
      %broadcast_in_dim3A_123 = vector.broadcast %broadcast_in_dim3A_122 : f32 to vector<16xf32>
      %swap3A_124 = arith.index_cast %scan3A_115 : i32 to index
      %swap3A_125 = arith.constant 16 : index
      %swap3A_126 = tpu.vector_load %arg9[%swap3A_124, %swap3A_125] {strides = array<i32>} : memref<80x128xf32, #tpu.memory_space<vmem>>, vector<1x16xf32>,
      %swap3A_127 = vector.shape_cast %swap3A_126 : vector<1x16xf32> to vector<16xf32>
      %swap3A_128 = vector.shape_cast %broadcast_in_dim3A_123 : vector<16xf32> to vector<1x16xf32>
      tpu.vector_store %arg9[%swap3A_124, %swap3A_125], %swap3A_128 {strides = array<i32>} : memref<80x128xf32, #tpu.memory_space<vmem>>, vector<1x16xf32>,
      %broadcast_in_dim3A_129 = arith.constant 0.000000e+00 : f32
      %broadcast_in_dim3A_130 = vector.broadcast %broadcast_in_dim3A_129 : f32 to vector<16xf32>
      %swap3A_131 = arith.index_cast %scan3A_115 : i32 to index
      %swap3A_132 = arith.constant 32 : index
      %swap3A_133 = tpu.vector_load %arg9[%swap3A_131, %swap3A_132] {strides = array<i32>} : memref<80x128xf32, #tpu.memory_space<vmem>>, vector<1x16xf32>,
      %swap3A_134 = vector.shape_cast %swap3A_133 : vector<1x16xf32> to vector<16xf32>
      %swap3A_135 = vector.shape_cast %broadcast_in_dim3A_130 : vector<16xf32> to vector<1x16xf32>
      tpu.vector_store %arg9[%swap3A_131, %swap3A_132], %swap3A_135 {strides = array<i32>} : memref<80x128xf32, #tpu.memory_space<vmem>>, vector<1x16xf32>,
      %broadcast_in_dim3A_136 = arith.constant 0.000000e+00 : f32
      %broadcast_in_dim3A_137 = vector.broadcast %broadcast_in_dim3A_136 : f32 to vector<16xf32>
      %swap3A_138 = arith.index_cast %scan3A_115 : i32 to index
      %swap3A_139 = arith.constant 48 : index
      %swap3A_140 = tpu.vector_load %arg9[%swap3A_138, %swap3A_139] {strides = array<i32>} : memref<80x128xf32, #tpu.memory_space<vmem>>, vector<1x16xf32>,
      %swap3A_141 = vector.shape_cast %swap3A_140 : vector<1x16xf32> to vector<16xf32>
      %swap3A_142 = vector.shape_cast %broadcast_in_dim3A_137 : vector<16xf32> to vector<1x16xf32>
      tpu.vector_store %arg9[%swap3A_138, %swap3A_139], %swap3A_142 {strides = array<i32>} : memref<80x128xf32, #tpu.memory_space<vmem>>, vector<1x16xf32>,
      %broadcast_in_dim3A_143 = arith.constant 0.000000e+00 : f32
      %broadcast_in_dim3A_144 = vector.broadcast %broadcast_in_dim3A_143 : f32 to vector<16xf32>
      %swap3A_145 = arith.index_cast %scan3A_115 : i32 to index
      %swap3A_146 = arith.constant 64 : index
      %swap3A_147 = tpu.vector_load %arg9[%swap3A_145, %swap3A_146] {strides = array<i32>} : memref<80x128xf32, #tpu.memory_space<vmem>>, vector<1x16xf32>,
      %swap3A_148 = vector.shape_cast %swap3A_147 : vector<1x16xf32> to vector<16xf32>
      %swap3A_149 = vector.shape_cast %broadcast_in_dim3A_144 : vector<16xf32> to vector<1x16xf32>
      tpu.vector_store %arg9[%swap3A_145, %swap3A_146], %swap3A_149 {strides = array<i32>} : memref<80x128xf32, #tpu.memory_space<vmem>>, vector<1x16xf32>,
      %broadcast_in_dim3A_150 = arith.constant 0.000000e+00 : f32
      %broadcast_in_dim3A_151 = vector.broadcast %broadcast_in_dim3A_150 : f32 to vector<16xf32>
      %swap3A_152 = arith.index_cast %scan3A_115 : i32 to index
      %swap3A_153 = arith.constant 80 : index
      %swap3A_154 = tpu.vector_load %arg9[%swap3A_152, %swap3A_153] {strides = array<i32>} : memref<80x128xf32, #tpu.memory_space<vmem>>, vector<1x16xf32>,
      %swap3A_155 = vector.shape_cast %swap3A_154 : vector<1x16xf32> to vector<16xf32>
      %swap3A_156 = vector.shape_cast %broadcast_in_dim3A_151 : vector<16xf32> to vector<1x16xf32>
      tpu.vector_store %arg9[%swap3A_152, %swap3A_153], %swap3A_156 {strides = array<i32>} : memref<80x128xf32, #tpu.memory_space<vmem>>, vector<1x16xf32>,
      %broadcast_in_dim3A_157 = arith.constant 0.000000e+00 : f32
      %broadcast_in_dim3A_158 = vector.broadcast %broadcast_in_dim3A_157 : f32 to vector<16xf32>
      %swap3A_159 = arith.index_cast %scan3A_115 : i32 to index
      %swap3A_160 = arith.constant 96 : index
      %swap3A_161 = tpu.vector_load %arg9[%swap3A_159, %swap3A_160] {strides = array<i32>} : memref<80x128xf32, #tpu.memory_space<vmem>>, vector<1x16xf32>,
      %swap3A_162 = vector.shape_cast %swap3A_161 : vector<1x16xf32> to vector<16xf32>
      %swap3A_163 = vector.shape_cast %broadcast_in_dim3A_158 : vector<16xf32> to vector<1x16xf32>
      tpu.vector_store %arg9[%swap3A_159, %swap3A_160], %swap3A_163 {strides = array<i32>} : memref<80x128xf32, #tpu.memory_space<vmem>>, vector<1x16xf32>,
      %broadcast_in_dim3A_164 = arith.constant 0.000000e+00 : f32
      %broadcast_in_dim3A_165 = vector.broadcast %broadcast_in_dim3A_164 : f32 to vector<16xf32>
      %swap3A_166 = arith.index_cast %scan3A_115 : i32 to index
      %swap3A_167 = arith.constant 112 : index
      %swap3A_168 = tpu.vector_load %arg9[%swap3A_166, %swap3A_167] {strides = array<i32>} : memref<80x128xf32, #tpu.memory_space<vmem>>, vector<1x16xf32>,
      %swap3A_169 = vector.shape_cast %swap3A_168 : vector<1x16xf32> to vector<16xf32>
      %swap3A_170 = vector.shape_cast %broadcast_in_dim3A_165 : vector<16xf32> to vector<1x16xf32>
      tpu.vector_store %arg9[%swap3A_166, %swap3A_167], %swap3A_170 {strides = array<i32>} : memref<80x128xf32, #tpu.memory_space<vmem>>, vector<1x16xf32>,
    }
    %scan3A_5 = arith.constant 80 : i32
    %sub3A = arith.constant 125 : i32
    %sub3A_6 = arith.subi %sub3A, %arg1 : i32
    %add3A = arith.constant 16 : i32
    %add3A_7 = arith.addi %sub3A_6, %add3A : i32
    %sub3A_8 = arith.constant 1 : i32
    %sub3A_9 = arith.subi %add3A_7, %sub3A_8 : i32
    %jit3A = arith.constant 16 : i32
    %div3A = arith.divsi %sub3A_9, %jit3A : i32
    %sign3A = arith.constant 0 : i32
    %sign3A_10 = arith.cmpi sgt, %sub3A_9, %sign3A : i32
    %sign3A_11 = arith.extui %sign3A_10 : i1 to i32
    %sign3A_12 = arith.constant 0 : i32
    %sign3A_13 = arith.cmpi slt, %sub3A_9, %sign3A_12 : i32
    %sign3A_14 = arith.extui %sign3A_13 : i1 to i32
    %sign3A_15 = arith.subi %sign3A_11, %sign3A_14 : i32
    %sign3A_16 = arith.constant 0 : i32
    %sign3A_17 = arith.cmpi sgt, %jit3A, %sign3A_16 : i32
    %sign3A_18 = arith.extui %sign3A_17 : i1 to i32
    %sign3A_19 = arith.constant 0 : i32
    %sign3A_20 = arith.cmpi slt, %jit3A, %sign3A_19 : i32
    %sign3A_21 = arith.extui %sign3A_20 : i1 to i32
    %sign3A_22 = arith.subi %sign3A_18, %sign3A_21 : i32
    %ne3A = arith.cmpi ne, %sign3A_15, %sign3A_22 : i32
    %rem3A = arith.remsi %sub3A_9, %jit3A : i32
    %ne3A_23 = arith.constant 0 : i32
    %ne3A_24 = arith.cmpi ne, %rem3A, %ne3A_23 : i32
    %and3A = arith.andi %ne3A, %ne3A_24 : i1
    %sub3A_25 = arith.constant 1 : i32
    %sub3A_26 = arith.subi %div3A, %sub3A_25 : i32
    %select_n3A = arith.select %and3A, %sub3A_26, %div3A : i32
    %while3A = arith.constant 0 : i32
    %while3A_27 = arith.constant 0 : i32
    %while3A_28 = arith.subi %select_n3A, %while3A_27 : i32
    %while3A_29 = arith.addi %while3A_27, %while3A_28 : i32
    %while3A_30 = arith.constant 1 : i32
    %while3A_31 = arith.divsi %while3A_28, %while3A_30 : i32
    %while3A_32 = arith.muli %while3A_31, %while3A_30 : i32
    %while3A_33 = arith.addi %while3A_27, %while3A_32 : i32
    %while3A_34 = arith.constant 1 : i32
    scf.for %while3A_115 = %while3A_27 to %while3A_33 step %while3A_34  : i32 {
      %mul3A_116 = arith.constant 16 : i32
      %mul3A_117 = arith.muli %mul3A_116, %while3A_115 : i32
      %add3A_118 = arith.addi %arg1, %mul3A_117 : i32
      %mul3A_119 = arith.constant 80 : i32
      %mul3A_120 = arith.muli %add3A_118, %mul3A_119 : i32
      "tpu.region"() ({
        %run_scoped3A = tpu.sem_alloc : memref<!tpu.dma_semaphore, #tpu.memory_space<semaphore_mem>>
        %dma_start3A_121 = arith.constant 0 : i32
        %dma_start3A_122 = tpu.memref_slice %arg17[%mul3A_120, %dma_start3A_121] : memref<10000x128xf32, #tpu.memory_space<vmem_shared>> -> memref<80x128xf32, #tpu.memory_space<vmem_shared>>
        %dma_start3A_123 = arith.constant 0 : i32
        %dma_start3A_124 = tpu.memref_slice %arg17[%mul3A_120, %dma_start3A_123] : memref<10000x128xf32, #tpu.memory_space<vmem_shared>> -> memref<80x128xf32, #tpu.memory_space<vmem_shared>>
        tpu.enqueue_dma source(%arg9 : memref<80x128xf32, #tpu.memory_space<vmem>>) target(%dma_start3A_124 : memref<80x128xf32, #tpu.memory_space<vmem_shared>>) target_semaphore(%run_scoped3A : memref<!tpu.dma_semaphore, #tpu.memory_space<semaphore_mem>>)
        %dma_wait3A_125 = arith.constant 0 : i32
        %dma_wait3A_126 = tpu.memref_slice %arg17[%mul3A_120, %dma_wait3A_125] : memref<10000x128xf32, #tpu.memory_space<vmem_shared>> -> memref<80x128xf32, #tpu.memory_space<vmem_shared>>
        %dma_wait3A_127 = arith.constant 0 : i32
        %dma_wait3A_128 = tpu.memref_slice %arg17[%mul3A_120, %dma_wait3A_127] : memref<10000x128xf32, #tpu.memory_space<vmem_shared>> -> memref<80x128xf32, #tpu.memory_space<vmem_shared>>
        tpu.wait_dma2 semaphore(%run_scoped3A : memref<!tpu.dma_semaphore, #tpu.memory_space<semaphore_mem>>) src(%arg9 : memref<80x128xf32, #tpu.memory_space<vmem>>) dst(%dma_wait3A_128 : memref<80x128xf32, #tpu.memory_space<vmem_shared>>)
        tpu.yield
      }) : () -> ()
    }
    %while3A_35 = arith.constant 1 : i32
    scf.for %while3A_115 = %while3A_33 to %while3A_29 step %while3A_35  : i32 {
      %mul3A_116 = arith.constant 16 : i32
      %mul3A_117 = arith.muli %mul3A_116, %while3A_115 : i32
      %add3A_118 = arith.addi %arg1, %mul3A_117 : i32
      %mul3A_119 = arith.constant 80 : i32
      %mul3A_120 = arith.muli %add3A_118, %mul3A_119 : i32
      "tpu.region"() ({
        %run_scoped3A = tpu.sem_alloc : memref<!tpu.dma_semaphore, #tpu.memory_space<semaphore_mem>>
        %dma_start3A_121 = arith.constant 0 : i32
        %dma_start3A_122 = tpu.memref_slice %arg17[%mul3A_120, %dma_start3A_121] : memref<10000x128xf32, #tpu.memory_space<vmem_shared>> -> memref<80x128xf32, #tpu.memory_space<vmem_shared>>
        %dma_start3A_123 = arith.constant 0 : i32
        %dma_start3A_124 = tpu.memref_slice %arg17[%mul3A_120, %dma_start3A_123] : memref<10000x128xf32, #tpu.memory_space<vmem_shared>> -> memref<80x128xf32, #tpu.memory_space<vmem_shared>>
        tpu.enqueue_dma source(%arg9 : memref<80x128xf32, #tpu.memory_space<vmem>>) target(%dma_start3A_124 : memref<80x128xf32, #tpu.memory_space<vmem_shared>>) target_semaphore(%run_scoped3A : memref<!tpu.dma_semaphore, #tpu.memory_space<semaphore_mem>>)
        %dma_wait3A_125 = arith.constant 0 : i32
        %dma_wait3A_126 = tpu.memref_slice %arg17[%mul3A_120, %dma_wait3A_125] : memref<10000x128xf32, #tpu.memory_space<vmem_shared>> -> memref<80x128xf32, #tpu.memory_space<vmem_shared>>
        %dma_wait3A_127 = arith.constant 0 : i32
        %dma_wait3A_128 = tpu.memref_slice %arg17[%mul3A_120, %dma_wait3A_127] : memref<10000x128xf32, #tpu.memory_space<vmem_shared>> -> memref<80x128xf32, #tpu.memory_space<vmem_shared>>
        tpu.wait_dma2 semaphore(%run_scoped3A : memref<!tpu.dma_semaphore, #tpu.memory_space<semaphore_mem>>) src(%arg9 : memref<80x128xf32, #tpu.memory_space<vmem>>) dst(%dma_wait3A_128 : memref<80x128xf32, #tpu.memory_space<vmem_shared>>)
        tpu.yield
      }) : () -> ()
    }
    %barrier3A = arith.constant 0 : index
    tpu.barrier barrier_id(%barrier3A)
    %mul3A_36 = arith.constant 9920 : i32
    %mul3A_37 = arith.muli %arg1, %mul3A_36 : i32
    "tpu.region"() ({
      %run_scoped3A = tpu.sem_alloc : memref<!tpu.dma_semaphore, #tpu.memory_space<semaphore_mem>>
      %dma_start3A_115 = tpu.memref_slice %arg3[%mul3A_37] : memref<480000xi32, #tpu.memory_space<hbm>> -> memref<80xi32, #tpu.memory_space<hbm>>
      %dma_start3A_116 = tpu.memref_slice %arg3[%mul3A_37] : memref<480000xi32, #tpu.memory_space<hbm>> -> memref<80xi32, #tpu.memory_space<hbm>>
      tpu.enqueue_dma source(%dma_start3A_116 : memref<80xi32, #tpu.memory_space<hbm>>) target(%arg5 : memref<80xi32, #tpu.memory_space<vmem>>) target_semaphore(%run_scoped3A : memref<!tpu.dma_semaphore, #tpu.memory_space<semaphore_mem>>)
      %dma_wait3A_117 = tpu.memref_slice %arg3[%mul3A_37] : memref<480000xi32, #tpu.memory_space<hbm>> -> memref<80xi32, #tpu.memory_space<hbm>>
      %dma_wait3A_118 = tpu.memref_slice %arg3[%mul3A_37] : memref<480000xi32, #tpu.memory_space<hbm>> -> memref<80xi32, #tpu.memory_space<hbm>>
      tpu.wait_dma2 semaphore(%run_scoped3A : memref<!tpu.dma_semaphore, #tpu.memory_space<semaphore_mem>>) src(%dma_wait3A_118 : memref<80xi32, #tpu.memory_space<hbm>>) dst(%arg5 : memref<80xi32, #tpu.memory_space<vmem>>)
      tpu.yield
    }) : () -> ()
    %add3A_38 = arith.constant 1 : i32
    %add3A_39 = arith.addi %add3A_38, %arg0 : i32
    %mul3A_40 = arith.constant 160000 : i32
    %mul3A_41 = arith.muli %add3A_39, %mul3A_40 : i32
    %add3A_42 = arith.addi %mul3A_41, %mul3A_37 : i32
    "tpu.region"() ({
      %run_scoped3A = tpu.sem_alloc : memref<!tpu.dma_semaphore, #tpu.memory_space<semaphore_mem>>
      %dma_start3A_115 = tpu.memref_slice %arg3[%add3A_42] : memref<480000xi32, #tpu.memory_space<hbm>> -> memref<80xi32, #tpu.memory_space<hbm>>
      %dma_start3A_116 = tpu.memref_slice %arg3[%add3A_42] : memref<480000xi32, #tpu.memory_space<hbm>> -> memref<80xi32, #tpu.memory_space<hbm>>
      tpu.enqueue_dma source(%dma_start3A_116 : memref<80xi32, #tpu.memory_space<hbm>>) target(%arg7 : memref<80xi32, #tpu.memory_space<vmem>>) target_semaphore(%run_scoped3A : memref<!tpu.dma_semaphore, #tpu.memory_space<semaphore_mem>>)
      %dma_wait3A_117 = tpu.memref_slice %arg3[%add3A_42] : memref<480000xi32, #tpu.memory_space<hbm>> -> memref<80xi32, #tpu.memory_space<hbm>>
      %dma_wait3A_118 = tpu.memref_slice %arg3[%add3A_42] : memref<480000xi32, #tpu.memory_space<hbm>> -> memref<80xi32, #tpu.memory_space<hbm>>
      tpu.wait_dma2 semaphore(%run_scoped3A : memref<!tpu.dma_semaphore, #tpu.memory_space<semaphore_mem>>) src(%dma_wait3A_118 : memref<80xi32, #tpu.memory_space<hbm>>) dst(%arg7 : memref<80xi32, #tpu.memory_space<vmem>>)
      tpu.yield
    }) : () -> ()
    %get3A = arith.constant 0 : index
    %get3A_43 = tpu.vector_load %arg5[%get3A] {strides = array<i32>} : memref<80xi32, #tpu.memory_space<vmem>>, vector<16xi32>,
    %get3A_44 = vector.shape_cast %get3A_43 : vector<16xi32> to vector<16xi32>
    %add3A_45 = vector.broadcast %mul3A_0 : i32 to vector<16xi32>
    %add3A_46 = arith.addi %get3A_44, %add3A_45 : vector<16xi32>
    %swap3A = arith.constant 0 : index
    %swap3A_47 = tpu.vector_load %arg6[%swap3A] {strides = array<i32>} : memref<80xi32, #tpu.memory_space<vmem>>, vector<16xi32>,
    %swap3A_48 = vector.shape_cast %swap3A_47 : vector<16xi32> to vector<16xi32>
    %swap3A_49 = vector.shape_cast %add3A_46 : vector<16xi32> to vector<16xi32>
    tpu.vector_store %arg6[%swap3A], %swap3A_49 {strides = array<i32>} : memref<80xi32, #tpu.memory_space<vmem>>, vector<16xi32>,
    %get3A_50 = arith.constant 16 : index
    %get3A_51 = tpu.vector_load %arg5[%get3A_50] {strides = array<i32>} : memref<80xi32, #tpu.memory_space<vmem>>, vector<16xi32>,
    %get3A_52 = vector.shape_cast %get3A_51 : vector<16xi32> to vector<16xi32>
    %add3A_53 = vector.broadcast %mul3A_0 : i32 to vector<16xi32>
    %add3A_54 = arith.addi %get3A_52, %add3A_53 : vector<16xi32>
    %swap3A_55 = arith.constant 16 : index
    %swap3A_56 = tpu.vector_load %arg6[%swap3A_55] {strides = array<i32>} : memref<80xi32, #tpu.memory_space<vmem>>, vector<16xi32>,
    %swap3A_57 = vector.shape_cast %swap3A_56 : vector<16xi32> to vector<16xi32>
    %swap3A_58 = vector.shape_cast %add3A_54 : vector<16xi32> to vector<16xi32>
    tpu.vector_store %arg6[%swap3A_55], %swap3A_58 {strides = array<i32>} : memref<80xi32, #tpu.memory_space<vmem>>, vector<16xi32>,
    %get3A_59 = arith.constant 32 : index
    %get3A_60 = tpu.vector_load %arg5[%get3A_59] {strides = array<i32>} : memref<80xi32, #tpu.memory_space<vmem>>, vector<16xi32>,
    %get3A_61 = vector.shape_cast %get3A_60 : vector<16xi32> to vector<16xi32>
    %add3A_62 = vector.broadcast %mul3A_0 : i32 to vector<16xi32>
    %add3A_63 = arith.addi %get3A_61, %add3A_62 : vector<16xi32>
    %swap3A_64 = arith.constant 32 : index
    %swap3A_65 = tpu.vector_load %arg6[%swap3A_64] {strides = array<i32>} : memref<80xi32, #tpu.memory_space<vmem>>, vector<16xi32>,
    %swap3A_66 = vector.shape_cast %swap3A_65 : vector<16xi32> to vector<16xi32>
    %swap3A_67 = vector.shape_cast %add3A_63 : vector<16xi32> to vector<16xi32>
    tpu.vector_store %arg6[%swap3A_64], %swap3A_67 {strides = array<i32>} : memref<80xi32, #tpu.memory_space<vmem>>, vector<16xi32>,
    %get3A_68 = arith.constant 48 : index
    %get3A_69 = tpu.vector_load %arg5[%get3A_68] {strides = array<i32>} : memref<80xi32, #tpu.memory_space<vmem>>, vector<16xi32>,
    %get3A_70 = vector.shape_cast %get3A_69 : vector<16xi32> to vector<16xi32>
    %add3A_71 = vector.broadcast %mul3A_0 : i32 to vector<16xi32>
    %add3A_72 = arith.addi %get3A_70, %add3A_71 : vector<16xi32>
    %swap3A_73 = arith.constant 48 : index
    %swap3A_74 = tpu.vector_load %arg6[%swap3A_73] {strides = array<i32>} : memref<80xi32, #tpu.memory_space<vmem>>, vector<16xi32>,
    %swap3A_75 = vector.shape_cast %swap3A_74 : vector<16xi32> to vector<16xi32>
    %swap3A_76 = vector.shape_cast %add3A_72 : vector<16xi32> to vector<16xi32>
    tpu.vector_store %arg6[%swap3A_73], %swap3A_76 {strides = array<i32>} : memref<80xi32, #tpu.memory_space<vmem>>, vector<16xi32>,
    %get3A_77 = arith.constant 64 : index
    %get3A_78 = tpu.vector_load %arg5[%get3A_77] {strides = array<i32>} : memref<80xi32, #tpu.memory_space<vmem>>, vector<16xi32>,
    %get3A_79 = vector.shape_cast %get3A_78 : vector<16xi32> to vector<16xi32>
    %add3A_80 = vector.broadcast %mul3A_0 : i32 to vector<16xi32>
    %add3A_81 = arith.addi %get3A_79, %add3A_80 : vector<16xi32>
    %swap3A_82 = arith.constant 64 : index
    %swap3A_83 = tpu.vector_load %arg6[%swap3A_82] {strides = array<i32>} : memref<80xi32, #tpu.memory_space<vmem>>, vector<16xi32>,
    %swap3A_84 = vector.shape_cast %swap3A_83 : vector<16xi32> to vector<16xi32>
    %swap3A_85 = vector.shape_cast %add3A_81 : vector<16xi32> to vector<16xi32>
    tpu.vector_store %arg6[%swap3A_82], %swap3A_85 {strides = array<i32>} : memref<80xi32, #tpu.memory_space<vmem>>, vector<16xi32>,
    %dma_start3A = arith.constant 0 : i32
    %dma_start3A_86 = arith.constant 0 : i32
    %dma_start3A_87 = tpu.memref_slice %arg2[%dma_start3A, %dma_start3A_86] : memref<40000x128xf32, #tpu.memory_space<hbm>> -> memref<40000x128xf32, #tpu.memory_space<hbm>>
    tpu.enqueue_indirect_dma source(%dma_start3A_87 : memref<40000x128xf32, #tpu.memory_space<hbm>>) target(%arg9 : memref<80x128xf32, #tpu.memory_space<vmem>>) offsets(%arg6 : memref<80xi32, #tpu.memory_space<vmem>>) semaphore(%arg18 : memref<!tpu.dma_semaphore, #tpu.memory_space<semaphore_mem>>)
    %dma_start3A_88 = arith.constant 0 : i32
    %dma_start3A_89 = arith.constant 0 : i32
    %dma_start3A_90 = tpu.memref_slice %arg2[%dma_start3A_88, %dma_start3A_89] : memref<40000x128xf32, #tpu.memory_space<hbm>> -> memref<40000x128xf32, #tpu.memory_space<hbm>>
    tpu.enqueue_indirect_dma source(%dma_start3A_90 : memref<40000x128xf32, #tpu.memory_space<hbm>>) target(%arg10 : memref<80x128xf32, #tpu.memory_space<vmem>>) offsets(%arg7 : memref<80xi32, #tpu.memory_space<vmem>>) semaphore(%arg19 : memref<!tpu.dma_semaphore, #tpu.memory_space<semaphore_mem>>)
    %scan3A_91 = arith.constant 0 : i32
    %scan3A_92 = arith.constant 0 : i32
    %scan3A_93 = arith.constant 62 : i32
    %scan3A_94 = arith.addi %scan3A_92, %scan3A_93 : i32
    %scan3A_95 = arith.constant 1 : i32
    scf.for %scan3A_115 = %scan3A_92 to %scan3A_94 step %scan3A_95  : i32 {
      %gt3A = arith.constant 0 : i32
      %gt3A_116 = arith.cmpi sgt, %scan3A_115, %gt3A : i32
      %convert_element_type3A_117 = arith.extui %gt3A_116 : i1 to i32
      %cond3A_118 = arith.constant 0 : i32
      %cond3A_119 = arith.cmpi ne, %convert_element_type3A_117, %cond3A_118 : i32
      scf.if %cond3A_119 {
        %dma_wait3A_288 = arith.constant 0 : i32
        %dma_wait3A_289 = arith.constant 0 : i32
        %dma_wait3A_290 = tpu.memref_slice %arg17[%dma_wait3A_288, %dma_wait3A_289] : memref<10000x128xf32, #tpu.memory_space<vmem_shared>> -> memref<10000x128xf32, #tpu.memory_space<vmem_shared>>
        tpu.wait_indirect_dma semaphore(%arg23 : memref<!tpu.dma_semaphore, #tpu.memory_space<semaphore_mem>>) src(%arg15 : memref<80x128xf32, #tpu.memory_space<vmem>>) dst(%dma_wait3A_290 : memref<10000x128xf32, #tpu.memory_space<vmem_shared>>)
      } else {
      }
      %mul3A_120 = arith.constant 2 : i32
      %mul3A_121 = arith.muli %mul3A_120, %scan3A_115 : i32
      %add3A_122 = arith.constant 1 : i32
      %add3A_123 = arith.addi %mul3A_121, %add3A_122 : i32
      %mul3A_124 = arith.constant 80 : i32
      %mul3A_125 = arith.muli %add3A_123, %mul3A_124 : i32
      %add3A_126 = arith.addi %mul3A_37, %mul3A_125 : i32
      "tpu.region"() ({
        %run_scoped3A = tpu.sem_alloc : memref<!tpu.dma_semaphore, #tpu.memory_space<semaphore_mem>>
        %dma_start3A_288 = tpu.memref_slice %arg3[%add3A_126] : memref<480000xi32, #tpu.memory_space<hbm>> -> memref<80xi32, #tpu.memory_space<hbm>>
        %dma_start3A_289 = tpu.memref_slice %arg3[%add3A_126] : memref<480000xi32, #tpu.memory_space<hbm>> -> memref<80xi32, #tpu.memory_space<hbm>>
        tpu.enqueue_dma source(%dma_start3A_289 : memref<80xi32, #tpu.memory_space<hbm>>) target(%arg11 : memref<80xi32, #tpu.memory_space<vmem>>) target_semaphore(%run_scoped3A : memref<!tpu.dma_semaphore, #tpu.memory_space<semaphore_mem>>)
        %dma_wait3A_290 = tpu.memref_slice %arg3[%add3A_126] : memref<480000xi32, #tpu.memory_space<hbm>> -> memref<80xi32, #tpu.memory_space<hbm>>
        %dma_wait3A_291 = tpu.memref_slice %arg3[%add3A_126] : memref<480000xi32, #tpu.memory_space<hbm>> -> memref<80xi32, #tpu.memory_space<hbm>>
        tpu.wait_dma2 semaphore(%run_scoped3A : memref<!tpu.dma_semaphore, #tpu.memory_space<semaphore_mem>>) src(%dma_wait3A_291 : memref<80xi32, #tpu.memory_space<hbm>>) dst(%arg11 : memref<80xi32, #tpu.memory_space<vmem>>)
        tpu.yield
      }) : () -> ()
      %add3A_127 = arith.constant 1 : i32
      %add3A_128 = arith.addi %add3A_127, %arg0 : i32
      %mul3A_129 = arith.constant 160000 : i32
      %mul3A_130 = arith.muli %add3A_128, %mul3A_129 : i32
      %add3A_131 = arith.addi %mul3A_130, %add3A_126 : i32
      "tpu.region"() ({
        %run_scoped3A = tpu.sem_alloc : memref<!tpu.dma_semaphore, #tpu.memory_space<semaphore_mem>>
        %dma_start3A_288 = tpu.memref_slice %arg3[%add3A_131] : memref<480000xi32, #tpu.memory_space<hbm>> -> memref<80xi32, #tpu.memory_space<hbm>>
        %dma_start3A_289 = tpu.memref_slice %arg3[%add3A_131] : memref<480000xi32, #tpu.memory_space<hbm>> -> memref<80xi32, #tpu.memory_space<hbm>>
        tpu.enqueue_dma source(%dma_start3A_289 : memref<80xi32, #tpu.memory_space<hbm>>) target(%arg13 : memref<80xi32, #tpu.memory_space<vmem>>) target_semaphore(%run_scoped3A : memref<!tpu.dma_semaphore, #tpu.memory_space<semaphore_mem>>)
        %dma_wait3A_290 = tpu.memref_slice %arg3[%add3A_131] : memref<480000xi32, #tpu.memory_space<hbm>> -> memref<80xi32, #tpu.memory_space<hbm>>
        %dma_wait3A_291 = tpu.memref_slice %arg3[%add3A_131] : memref<480000xi32, #tpu.memory_space<hbm>> -> memref<80xi32, #tpu.memory_space<hbm>>
        tpu.wait_dma2 semaphore(%run_scoped3A : memref<!tpu.dma_semaphore, #tpu.memory_space<semaphore_mem>>) src(%dma_wait3A_291 : memref<80xi32, #tpu.memory_space<hbm>>) dst(%arg13 : memref<80xi32, #tpu.memory_space<vmem>>)
        tpu.yield
      }) : () -> ()
      %get3A_132 = arith.constant 0 : index
      %get3A_133 = tpu.vector_load %arg11[%get3A_132] {strides = array<i32>} : memref<80xi32, #tpu.memory_space<vmem>>, vector<16xi32>,
      %get3A_134 = vector.shape_cast %get3A_133 : vector<16xi32> to vector<16xi32>
      %add3A_135 = vector.broadcast %mul3A_0 : i32 to vector<16xi32>
      %add3A_136 = arith.addi %get3A_134, %add3A_135 : vector<16xi32>
      %swap3A_137 = arith.constant 0 : index
      %swap3A_138 = tpu.vector_load %arg12[%swap3A_137] {strides = array<i32>} : memref<80xi32, #tpu.memory_space<vmem>>, vector<16xi32>,
      %swap3A_139 = vector.shape_cast %swap3A_138 : vector<16xi32> to vector<16xi32>
      %swap3A_140 = vector.shape_cast %add3A_136 : vector<16xi32> to vector<16xi32>
      tpu.vector_store %arg12[%swap3A_137], %swap3A_140 {strides = array<i32>} : memref<80xi32, #tpu.memory_space<vmem>>, vector<16xi32>,
      %get3A_141 = arith.constant 16 : index
      %get3A_142 = tpu.vector_load %arg11[%get3A_141] {strides = array<i32>} : memref<80xi32, #tpu.memory_space<vmem>>, vector<16xi32>,
      %get3A_143 = vector.shape_cast %get3A_142 : vector<16xi32> to vector<16xi32>
      %add3A_144 = vector.broadcast %mul3A_0 : i32 to vector<16xi32>
      %add3A_145 = arith.addi %get3A_143, %add3A_144 : vector<16xi32>
      %swap3A_146 = arith.constant 16 : index
      %swap3A_147 = tpu.vector_load %arg12[%swap3A_146] {strides = array<i32>} : memref<80xi32, #tpu.memory_space<vmem>>, vector<16xi32>,
      %swap3A_148 = vector.shape_cast %swap3A_147 : vector<16xi32> to vector<16xi32>
      %swap3A_149 = vector.shape_cast %add3A_145 : vector<16xi32> to vector<16xi32>
      tpu.vector_store %arg12[%swap3A_146], %swap3A_149 {strides = array<i32>} : memref<80xi32, #tpu.memory_space<vmem>>, vector<16xi32>,
      %get3A_150 = arith.constant 32 : index
      %get3A_151 = tpu.vector_load %arg11[%get3A_150] {strides = array<i32>} : memref<80xi32, #tpu.memory_space<vmem>>, vector<16xi32>,
      %get3A_152 = vector.shape_cast %get3A_151 : vector<16xi32> to vector<16xi32>
      %add3A_153 = vector.broadcast %mul3A_0 : i32 to vector<16xi32>
      %add3A_154 = arith.addi %get3A_152, %add3A_153 : vector<16xi32>
      %swap3A_155 = arith.constant 32 : index
      %swap3A_156 = tpu.vector_load %arg12[%swap3A_155] {strides = array<i32>} : memref<80xi32, #tpu.memory_space<vmem>>, vector<16xi32>,
      %swap3A_157 = vector.shape_cast %swap3A_156 : vector<16xi32> to vector<16xi32>
      %swap3A_158 = vector.shape_cast %add3A_154 : vector<16xi32> to vector<16xi32>
      tpu.vector_store %arg12[%swap3A_155], %swap3A_158 {strides = array<i32>} : memref<80xi32, #tpu.memory_space<vmem>>, vector<16xi32>,
      %get3A_159 = arith.constant 48 : index
      %get3A_160 = tpu.vector_load %arg11[%get3A_159] {strides = array<i32>} : memref<80xi32, #tpu.memory_space<vmem>>, vector<16xi32>,
      %get3A_161 = vector.shape_cast %get3A_160 : vector<16xi32> to vector<16xi32>
      %add3A_162 = vector.broadcast %mul3A_0 : i32 to vector<16xi32>
      %add3A_163 = arith.addi %get3A_161, %add3A_162 : vector<16xi32>
      %swap3A_164 = arith.constant 48 : index
      %swap3A_165 = tpu.vector_load %arg12[%swap3A_164] {strides = array<i32>} : memref<80xi32, #tpu.memory_space<vmem>>, vector<16xi32>,
      %swap3A_166 = vector.shape_cast %swap3A_165 : vector<16xi32> to vector<16xi32>
      %swap3A_167 = vector.shape_cast %add3A_163 : vector<16xi32> to vector<16xi32>
      tpu.vector_store %arg12[%swap3A_164], %swap3A_167 {strides = array<i32>} : memref<80xi32, #tpu.memory_space<vmem>>, vector<16xi32>,
      %get3A_168 = arith.constant 64 : index
      %get3A_169 = tpu.vector_load %arg11[%get3A_168] {strides = array<i32>} : memref<80xi32, #tpu.memory_space<vmem>>, vector<16xi32>,
      %get3A_170 = vector.shape_cast %get3A_169 : vector<16xi32> to vector<16xi32>
      %add3A_171 = vector.broadcast %mul3A_0 : i32 to vector<16xi32>
      %add3A_172 = arith.addi %get3A_170, %add3A_171 : vector<16xi32>
      %swap3A_173 = arith.constant 64 : index
      %swap3A_174 = tpu.vector_load %arg12[%swap3A_173] {strides = array<i32>} : memref<80xi32, #tpu.memory_space<vmem>>, vector<16xi32>,
      %swap3A_175 = vector.shape_cast %swap3A_174 : vector<16xi32> to vector<16xi32>
      %swap3A_176 = vector.shape_cast %add3A_172 : vector<16xi32> to vector<16xi32>
      tpu.vector_store %arg12[%swap3A_173], %swap3A_176 {strides = array<i32>} : memref<80xi32, #tpu.memory_space<vmem>>, vector<16xi32>,
      %dma_start3A_177 = arith.constant 0 : i32
      %dma_start3A_178 = arith.constant 0 : i32
      %dma_start3A_179 = tpu.memref_slice %arg2[%dma_start3A_177, %dma_start3A_178] : memref<40000x128xf32, #tpu.memory_space<hbm>> -> memref<40000x128xf32, #tpu.memory_space<hbm>>
      tpu.enqueue_indirect_dma source(%dma_start3A_179 : memref<40000x128xf32, #tpu.memory_space<hbm>>) target(%arg15 : memref<80x128xf32, #tpu.memory_space<vmem>>) offsets(%arg12 : memref<80xi32, #tpu.memory_space<vmem>>) semaphore(%arg21 : memref<!tpu.dma_semaphore, #tpu.memory_space<semaphore_mem>>)
      %dma_start3A_180 = arith.constant 0 : i32
      %dma_start3A_181 = arith.constant 0 : i32
      %dma_start3A_182 = tpu.memref_slice %arg2[%dma_start3A_180, %dma_start3A_181] : memref<40000x128xf32, #tpu.memory_space<hbm>> -> memref<40000x128xf32, #tpu.memory_space<hbm>>
      tpu.enqueue_indirect_dma source(%dma_start3A_182 : memref<40000x128xf32, #tpu.memory_space<hbm>>) target(%arg16 : memref<80x128xf32, #tpu.memory_space<vmem>>) offsets(%arg13 : memref<80xi32, #tpu.memory_space<vmem>>) semaphore(%arg22 : memref<!tpu.dma_semaphore, #tpu.memory_space<semaphore_mem>>)
      %dma_wait3A_183 = arith.constant 0 : i32
      %dma_wait3A_184 = arith.constant 0 : i32
      %dma_wait3A_185 = tpu.memref_slice %arg2[%dma_wait3A_183, %dma_wait3A_184] : memref<40000x128xf32, #tpu.memory_space<hbm>> -> memref<40000x128xf32, #tpu.memory_space<hbm>>
      tpu.wait_indirect_dma semaphore(%arg18 : memref<!tpu.dma_semaphore, #tpu.memory_space<semaphore_mem>>) src(%dma_wait3A_185 : memref<40000x128xf32, #tpu.memory_space<hbm>>) dst(%arg9 : memref<80x128xf32, #tpu.memory_space<vmem>>)
      %dma_wait3A_186 = arith.constant 0 : i32
      %dma_wait3A_187 = arith.constant 0 : i32
      %dma_wait3A_188 = tpu.memref_slice %arg2[%dma_wait3A_186, %dma_wait3A_187] : memref<40000x128xf32, #tpu.memory_space<hbm>> -> memref<40000x128xf32, #tpu.memory_space<hbm>>
      tpu.wait_indirect_dma semaphore(%arg19 : memref<!tpu.dma_semaphore, #tpu.memory_space<semaphore_mem>>) src(%dma_wait3A_188 : memref<40000x128xf32, #tpu.memory_space<hbm>>) dst(%arg10 : memref<80x128xf32, #tpu.memory_space<vmem>>)
      %scan3A_189 = arith.constant 0 : i32
      %scan3A_190 = arith.constant 0 : i32
      %scan3A_191 = arith.constant 80 : i32
      %scan3A_192 = arith.addi %scan3A_190, %scan3A_191 : i32
      %scan3A_193 = arith.constant 1 : i32
      scf.for %scan3A_288 = %scan3A_190 to %scan3A_192 step %scan3A_193  : i32 {
        %get3A_289 = arith.index_cast %scan3A_288 : i32 to index
        %get3A_290 = arith.constant 0 : index
        %get3A_291 = tpu.vector_load %arg9[%get3A_289, %get3A_290] {strides = array<i32>} : memref<80x128xf32, #tpu.memory_space<vmem>>, vector<1x16xf32>,
        %get3A_292 = vector.shape_cast %get3A_291 : vector<1x16xf32> to vector<16xf32>
        %get3A_293 = arith.index_cast %scan3A_288 : i32 to index
        %get3A_294 = arith.constant 0 : index
        %get3A_295 = tpu.vector_load %arg10[%get3A_293, %get3A_294] {strides = array<i32>} : memref<80x128xf32, #tpu.memory_space<vmem>>, vector<1x16xf32>,
        %get3A_296 = vector.shape_cast %get3A_295 : vector<1x16xf32> to vector<16xf32>
        %add3A_297 = arith.addf %get3A_292, %get3A_296 : vector<16xf32>
        %max3A = arith.constant 0.000000e+00 : f32
        %max3A_298 = vector.broadcast %max3A : f32 to vector<16xf32>
        %max3A_299 = arith.maximumf %add3A_297, %max3A_298 : vector<16xf32>
        %swap3A_300 = arith.index_cast %scan3A_288 : i32 to index
        %swap3A_301 = arith.constant 0 : index
        %swap3A_302 = tpu.vector_load %arg9[%swap3A_300, %swap3A_301] {strides = array<i32>} : memref<80x128xf32, #tpu.memory_space<vmem>>, vector<1x16xf32>,
        %swap3A_303 = vector.shape_cast %swap3A_302 : vector<1x16xf32> to vector<16xf32>
        %swap3A_304 = vector.shape_cast %max3A_299 : vector<16xf32> to vector<1x16xf32>
        tpu.vector_store %arg9[%swap3A_300, %swap3A_301], %swap3A_304 {strides = array<i32>} : memref<80x128xf32, #tpu.memory_space<vmem>>, vector<1x16xf32>,
        %get3A_305 = arith.index_cast %scan3A_288 : i32 to index
        %get3A_306 = arith.constant 16 : index
        %get3A_307 = tpu.vector_load %arg9[%get3A_305, %get3A_306] {strides = array<i32>} : memref<80x128xf32, #tpu.memory_space<vmem>>, vector<1x16xf32>,
        %get3A_308 = vector.shape_cast %get3A_307 : vector<1x16xf32> to vector<16xf32>
        %get3A_309 = arith.index_cast %scan3A_288 : i32 to index
        %get3A_310 = arith.constant 16 : index
        %get3A_311 = tpu.vector_load %arg10[%get3A_309, %get3A_310] {strides = array<i32>} : memref<80x128xf32, #tpu.memory_space<vmem>>, vector<1x16xf32>,
        %get3A_312 = vector.shape_cast %get3A_311 : vector<1x16xf32> to vector<16xf32>
        %add3A_313 = arith.addf %get3A_308, %get3A_312 : vector<16xf32>
        %max3A_314 = arith.constant 0.000000e+00 : f32
        %max3A_315 = vector.broadcast %max3A_314 : f32 to vector<16xf32>
        %max3A_316 = arith.maximumf %add3A_313, %max3A_315 : vector<16xf32>
        %swap3A_317 = arith.index_cast %scan3A_288 : i32 to index
        %swap3A_318 = arith.constant 16 : index
        %swap3A_319 = tpu.vector_load %arg9[%swap3A_317, %swap3A_318] {strides = array<i32>} : memref<80x128xf32, #tpu.memory_space<vmem>>, vector<1x16xf32>,
        %swap3A_320 = vector.shape_cast %swap3A_319 : vector<1x16xf32> to vector<16xf32>
        %swap3A_321 = vector.shape_cast %max3A_316 : vector<16xf32> to vector<1x16xf32>
        tpu.vector_store %arg9[%swap3A_317, %swap3A_318], %swap3A_321 {strides = array<i32>} : memref<80x128xf32, #tpu.memory_space<vmem>>, vector<1x16xf32>,
        %get3A_322 = arith.index_cast %scan3A_288 : i32 to index
        %get3A_323 = arith.constant 32 : index
        %get3A_324 = tpu.vector_load %arg9[%get3A_322, %get3A_323] {strides = array<i32>} : memref<80x128xf32, #tpu.memory_space<vmem>>, vector<1x16xf32>,
        %get3A_325 = vector.shape_cast %get3A_324 : vector<1x16xf32> to vector<16xf32>
        %get3A_326 = arith.index_cast %scan3A_288 : i32 to index
        %get3A_327 = arith.constant 32 : index
        %get3A_328 = tpu.vector_load %arg10[%get3A_326, %get3A_327] {strides = array<i32>} : memref<80x128xf32, #tpu.memory_space<vmem>>, vector<1x16xf32>,
        %get3A_329 = vector.shape_cast %get3A_328 : vector<1x16xf32> to vector<16xf32>
        %add3A_330 = arith.addf %get3A_325, %get3A_329 : vector<16xf32>
        %max3A_331 = arith.constant 0.000000e+00 : f32
        %max3A_332 = vector.broadcast %max3A_331 : f32 to vector<16xf32>
        %max3A_333 = arith.maximumf %add3A_330, %max3A_332 : vector<16xf32>
        %swap3A_334 = arith.index_cast %scan3A_288 : i32 to index
        %swap3A_335 = arith.constant 32 : index
        %swap3A_336 = tpu.vector_load %arg9[%swap3A_334, %swap3A_335] {strides = array<i32>} : memref<80x128xf32, #tpu.memory_space<vmem>>, vector<1x16xf32>,
        %swap3A_337 = vector.shape_cast %swap3A_336 : vector<1x16xf32> to vector<16xf32>
        %swap3A_338 = vector.shape_cast %max3A_333 : vector<16xf32> to vector<1x16xf32>
        tpu.vector_store %arg9[%swap3A_334, %swap3A_335], %swap3A_338 {strides = array<i32>} : memref<80x128xf32, #tpu.memory_space<vmem>>, vector<1x16xf32>,
        %get3A_339 = arith.index_cast %scan3A_288 : i32 to index
        %get3A_340 = arith.constant 48 : index
        %get3A_341 = tpu.vector_load %arg9[%get3A_339, %get3A_340] {strides = array<i32>} : memref<80x128xf32, #tpu.memory_space<vmem>>, vector<1x16xf32>,
        %get3A_342 = vector.shape_cast %get3A_341 : vector<1x16xf32> to vector<16xf32>
        %get3A_343 = arith.index_cast %scan3A_288 : i32 to index
        %get3A_344 = arith.constant 48 : index
        %get3A_345 = tpu.vector_load %arg10[%get3A_343, %get3A_344] {strides = array<i32>} : memref<80x128xf32, #tpu.memory_space<vmem>>, vector<1x16xf32>,
        %get3A_346 = vector.shape_cast %get3A_345 : vector<1x16xf32> to vector<16xf32>
        %add3A_347 = arith.addf %get3A_342, %get3A_346 : vector<16xf32>
        %max3A_348 = arith.constant 0.000000e+00 : f32
        %max3A_349 = vector.broadcast %max3A_348 : f32 to vector<16xf32>
        %max3A_350 = arith.maximumf %add3A_347, %max3A_349 : vector<16xf32>
        %swap3A_351 = arith.index_cast %scan3A_288 : i32 to index
        %swap3A_352 = arith.constant 48 : index
        %swap3A_353 = tpu.vector_load %arg9[%swap3A_351, %swap3A_352] {strides = array<i32>} : memref<80x128xf32, #tpu.memory_space<vmem>>, vector<1x16xf32>,
        %swap3A_354 = vector.shape_cast %swap3A_353 : vector<1x16xf32> to vector<16xf32>
        %swap3A_355 = vector.shape_cast %max3A_350 : vector<16xf32> to vector<1x16xf32>
        tpu.vector_store %arg9[%swap3A_351, %swap3A_352], %swap3A_355 {strides = array<i32>} : memref<80x128xf32, #tpu.memory_space<vmem>>, vector<1x16xf32>,
        %get3A_356 = arith.index_cast %scan3A_288 : i32 to index
        %get3A_357 = arith.constant 64 : index
        %get3A_358 = tpu.vector_load %arg9[%get3A_356, %get3A_357] {strides = array<i32>} : memref<80x128xf32, #tpu.memory_space<vmem>>, vector<1x16xf32>,
        %get3A_359 = vector.shape_cast %get3A_358 : vector<1x16xf32> to vector<16xf32>
        %get3A_360 = arith.index_cast %scan3A_288 : i32 to index
        %get3A_361 = arith.constant 64 : index
        %get3A_362 = tpu.vector_load %arg10[%get3A_360, %get3A_361] {strides = array<i32>} : memref<80x128xf32, #tpu.memory_space<vmem>>, vector<1x16xf32>,
        %get3A_363 = vector.shape_cast %get3A_362 : vector<1x16xf32> to vector<16xf32>
        %add3A_364 = arith.addf %get3A_359, %get3A_363 : vector<16xf32>
        %max3A_365 = arith.constant 0.000000e+00 : f32
        %max3A_366 = vector.broadcast %max3A_365 : f32 to vector<16xf32>
        %max3A_367 = arith.maximumf %add3A_364, %max3A_366 : vector<16xf32>
        %swap3A_368 = arith.index_cast %scan3A_288 : i32 to index
        %swap3A_369 = arith.constant 64 : index
        %swap3A_370 = tpu.vector_load %arg9[%swap3A_368, %swap3A_369] {strides = array<i32>} : memref<80x128xf32, #tpu.memory_space<vmem>>, vector<1x16xf32>,
        %swap3A_371 = vector.shape_cast %swap3A_370 : vector<1x16xf32> to vector<16xf32>
        %swap3A_372 = vector.shape_cast %max3A_367 : vector<16xf32> to vector<1x16xf32>
        tpu.vector_store %arg9[%swap3A_368, %swap3A_369], %swap3A_372 {strides = array<i32>} : memref<80x128xf32, #tpu.memory_space<vmem>>, vector<1x16xf32>,
        %get3A_373 = arith.index_cast %scan3A_288 : i32 to index
        %get3A_374 = arith.constant 80 : index
        %get3A_375 = tpu.vector_load %arg9[%get3A_373, %get3A_374] {strides = array<i32>} : memref<80x128xf32, #tpu.memory_space<vmem>>, vector<1x16xf32>,
        %get3A_376 = vector.shape_cast %get3A_375 : vector<1x16xf32> to vector<16xf32>
        %get3A_377 = arith.index_cast %scan3A_288 : i32 to index
        %get3A_378 = arith.constant 80 : index
        %get3A_379 = tpu.vector_load %arg10[%get3A_377, %get3A_378] {strides = array<i32>} : memref<80x128xf32, #tpu.memory_space<vmem>>, vector<1x16xf32>,
        %get3A_380 = vector.shape_cast %get3A_379 : vector<1x16xf32> to vector<16xf32>
        %add3A_381 = arith.addf %get3A_376, %get3A_380 : vector<16xf32>
        %max3A_382 = arith.constant 0.000000e+00 : f32
        %max3A_383 = vector.broadcast %max3A_382 : f32 to vector<16xf32>
        %max3A_384 = arith.maximumf %add3A_381, %max3A_383 : vector<16xf32>
        %swap3A_385 = arith.index_cast %scan3A_288 : i32 to index
        %swap3A_386 = arith.constant 80 : index
        %swap3A_387 = tpu.vector_load %arg9[%swap3A_385, %swap3A_386] {strides = array<i32>} : memref<80x128xf32, #tpu.memory_space<vmem>>, vector<1x16xf32>,
        %swap3A_388 = vector.shape_cast %swap3A_387 : vector<1x16xf32> to vector<16xf32>
        %swap3A_389 = vector.shape_cast %max3A_384 : vector<16xf32> to vector<1x16xf32>
        tpu.vector_store %arg9[%swap3A_385, %swap3A_386], %swap3A_389 {strides = array<i32>} : memref<80x128xf32, #tpu.memory_space<vmem>>, vector<1x16xf32>,
        %get3A_390 = arith.index_cast %scan3A_288 : i32 to index
        %get3A_391 = arith.constant 96 : index
        %get3A_392 = tpu.vector_load %arg9[%get3A_390, %get3A_391] {strides = array<i32>} : memref<80x128xf32, #tpu.memory_space<vmem>>, vector<1x16xf32>,
        %get3A_393 = vector.shape_cast %get3A_392 : vector<1x16xf32> to vector<16xf32>
        %get3A_394 = arith.index_cast %scan3A_288 : i32 to index
        %get3A_395 = arith.constant 96 : index
        %get3A_396 = tpu.vector_load %arg10[%get3A_394, %get3A_395] {strides = array<i32>} : memref<80x128xf32, #tpu.memory_space<vmem>>, vector<1x16xf32>,
        %get3A_397 = vector.shape_cast %get3A_396 : vector<1x16xf32> to vector<16xf32>
        %add3A_398 = arith.addf %get3A_393, %get3A_397 : vector<16xf32>
        %max3A_399 = arith.constant 0.000000e+00 : f32
        %max3A_400 = vector.broadcast %max3A_399 : f32 to vector<16xf32>
        %max3A_401 = arith.maximumf %add3A_398, %max3A_400 : vector<16xf32>
        %swap3A_402 = arith.index_cast %scan3A_288 : i32 to index
        %swap3A_403 = arith.constant 96 : index
        %swap3A_404 = tpu.vector_load %arg9[%swap3A_402, %swap3A_403] {strides = array<i32>} : memref<80x128xf32, #tpu.memory_space<vmem>>, vector<1x16xf32>,
        %swap3A_405 = vector.shape_cast %swap3A_404 : vector<1x16xf32> to vector<16xf32>
        %swap3A_406 = vector.shape_cast %max3A_401 : vector<16xf32> to vector<1x16xf32>
        tpu.vector_store %arg9[%swap3A_402, %swap3A_403], %swap3A_406 {strides = array<i32>} : memref<80x128xf32, #tpu.memory_space<vmem>>, vector<1x16xf32>,
        %get3A_407 = arith.index_cast %scan3A_288 : i32 to index
        %get3A_408 = arith.constant 112 : index
        %get3A_409 = tpu.vector_load %arg9[%get3A_407, %get3A_408] {strides = array<i32>} : memref<80x128xf32, #tpu.memory_space<vmem>>, vector<1x16xf32>,
        %get3A_410 = vector.shape_cast %get3A_409 : vector<1x16xf32> to vector<16xf32>
        %get3A_411 = arith.index_cast %scan3A_288 : i32 to index
        %get3A_412 = arith.constant 112 : index
        %get3A_413 = tpu.vector_load %arg10[%get3A_411, %get3A_412] {strides = array<i32>} : memref<80x128xf32, #tpu.memory_space<vmem>>, vector<1x16xf32>,
        %get3A_414 = vector.shape_cast %get3A_413 : vector<1x16xf32> to vector<16xf32>
        %add3A_415 = arith.addf %get3A_410, %get3A_414 : vector<16xf32>
        %max3A_416 = arith.constant 0.000000e+00 : f32
        %max3A_417 = vector.broadcast %max3A_416 : f32 to vector<16xf32>
        %max3A_418 = arith.maximumf %add3A_415, %max3A_417 : vector<16xf32>
        %swap3A_419 = arith.index_cast %scan3A_288 : i32 to index
        %swap3A_420 = arith.constant 112 : index
        %swap3A_421 = tpu.vector_load %arg9[%swap3A_419, %swap3A_420] {strides = array<i32>} : memref<80x128xf32, #tpu.memory_space<vmem>>, vector<1x16xf32>,
        %swap3A_422 = vector.shape_cast %swap3A_421 : vector<1x16xf32> to vector<16xf32>
        %swap3A_423 = vector.shape_cast %max3A_418 : vector<16xf32> to vector<1x16xf32>
        tpu.vector_store %arg9[%swap3A_419, %swap3A_420], %swap3A_423 {strides = array<i32>} : memref<80x128xf32, #tpu.memory_space<vmem>>, vector<1x16xf32>,
      }
      %scan3A_194 = arith.constant 80 : i32
      %get3A_195 = arith.constant 0 : index
      %get3A_196 = tpu.vector_load %arg5[%get3A_195] {strides = array<i32>} : memref<80xi32, #tpu.memory_space<vmem>>, vector<16xi32>,
      %get3A_197 = vector.shape_cast %get3A_196 : vector<16xi32> to vector<16xi32>
      %swap3A_198 = arith.constant 0 : index
      %swap3A_199 = tpu.vector_load %arg8[%swap3A_198] {strides = array<i32>} : memref<80xi32, #tpu.memory_space<vmem>>, vector<16xi32>,
      %swap3A_200 = vector.shape_cast %swap3A_199 : vector<16xi32> to vector<16xi32>
      %swap3A_201 = vector.shape_cast %get3A_197 : vector<16xi32> to vector<16xi32>
      tpu.vector_store %arg8[%swap3A_198], %swap3A_201 {strides = array<i32>} : memref<80xi32, #tpu.memory_space<vmem>>, vector<16xi32>,
      %get3A_202 = arith.constant 16 : index
      %get3A_203 = tpu.vector_load %arg5[%get3A_202] {strides = array<i32>} : memref<80xi32, #tpu.memory_space<vmem>>, vector<16xi32>,
      %get3A_204 = vector.shape_cast %get3A_203 : vector<16xi32> to vector<16xi32>
      %swap3A_205 = arith.constant 16 : index
      %swap3A_206 = tpu.vector_load %arg8[%swap3A_205] {strides = array<i32>} : memref<80xi32, #tpu.memory_space<vmem>>, vector<16xi32>,
      %swap3A_207 = vector.shape_cast %swap3A_206 : vector<16xi32> to vector<16xi32>
      %swap3A_208 = vector.shape_cast %get3A_204 : vector<16xi32> to vector<16xi32>
      tpu.vector_store %arg8[%swap3A_205], %swap3A_208 {strides = array<i32>} : memref<80xi32, #tpu.memory_space<vmem>>, vector<16xi32>,
      %get3A_209 = arith.constant 32 : index
      %get3A_210 = tpu.vector_load %arg5[%get3A_209] {strides = array<i32>} : memref<80xi32, #tpu.memory_space<vmem>>, vector<16xi32>,
      %get3A_211 = vector.shape_cast %get3A_210 : vector<16xi32> to vector<16xi32>
      %swap3A_212 = arith.constant 32 : index
      %swap3A_213 = tpu.vector_load %arg8[%swap3A_212] {strides = array<i32>} : memref<80xi32, #tpu.memory_space<vmem>>, vector<16xi32>,
      %swap3A_214 = vector.shape_cast %swap3A_213 : vector<16xi32> to vector<16xi32>
      %swap3A_215 = vector.shape_cast %get3A_211 : vector<16xi32> to vector<16xi32>
      tpu.vector_store %arg8[%swap3A_212], %swap3A_215 {strides = array<i32>} : memref<80xi32, #tpu.memory_space<vmem>>, vector<16xi32>,
      %get3A_216 = arith.constant 48 : index
      %get3A_217 = tpu.vector_load %arg5[%get3A_216] {strides = array<i32>} : memref<80xi32, #tpu.memory_space<vmem>>, vector<16xi32>,
      %get3A_218 = vector.shape_cast %get3A_217 : vector<16xi32> to vector<16xi32>
      %swap3A_219 = arith.constant 48 : index
      %swap3A_220 = tpu.vector_load %arg8[%swap3A_219] {strides = array<i32>} : memref<80xi32, #tpu.memory_space<vmem>>, vector<16xi32>,
      %swap3A_221 = vector.shape_cast %swap3A_220 : vector<16xi32> to vector<16xi32>
      %swap3A_222 = vector.shape_cast %get3A_218 : vector<16xi32> to vector<16xi32>
      tpu.vector_store %arg8[%swap3A_219], %swap3A_222 {strides = array<i32>} : memref<80xi32, #tpu.memory_space<vmem>>, vector<16xi32>,
      %get3A_223 = arith.constant 64 : index
      %get3A_224 = tpu.vector_load %arg5[%get3A_223] {strides = array<i32>} : memref<80xi32, #tpu.memory_space<vmem>>, vector<16xi32>,
      %get3A_225 = vector.shape_cast %get3A_224 : vector<16xi32> to vector<16xi32>
      %swap3A_226 = arith.constant 64 : index
      %swap3A_227 = tpu.vector_load %arg8[%swap3A_226] {strides = array<i32>} : memref<80xi32, #tpu.memory_space<vmem>>, vector<16xi32>,
      %swap3A_228 = vector.shape_cast %swap3A_227 : vector<16xi32> to vector<16xi32>
      %swap3A_229 = vector.shape_cast %get3A_225 : vector<16xi32> to vector<16xi32>
      tpu.vector_store %arg8[%swap3A_226], %swap3A_229 {strides = array<i32>} : memref<80xi32, #tpu.memory_space<vmem>>, vector<16xi32>,
      %dma_start3A_230 = arith.constant 0 : i32
      %dma_start3A_231 = arith.constant 0 : i32
      %dma_start3A_232 = tpu.memref_slice %arg17[%dma_start3A_230, %dma_start3A_231] : memref<10000x128xf32, #tpu.memory_space<vmem_shared>> -> memref<10000x128xf32, #tpu.memory_space<vmem_shared>>
      tpu.enqueue_indirect_dma source(%arg9 : memref<80x128xf32, #tpu.memory_space<vmem>>) target(%dma_start3A_232 : memref<10000x128xf32, #tpu.memory_space<vmem_shared>>) offsets(%arg8 : memref<80xi32, #tpu.memory_space<vmem>>) semaphore(%arg20 : memref<!tpu.dma_semaphore, #tpu.memory_space<semaphore_mem>>) {add = true}
      %dma_wait3A_233 = arith.constant 0 : i32
      %dma_wait3A_234 = arith.constant 0 : i32
      %dma_wait3A_235 = tpu.memref_slice %arg2[%dma_wait3A_233, %dma_wait3A_234] : memref<40000x128xf32, #tpu.memory_space<hbm>> -> memref<40000x128xf32, #tpu.memory_space<hbm>>
      tpu.wait_indirect_dma semaphore(%arg21 : memref<!tpu.dma_semaphore, #tpu.memory_space<semaphore_mem>>) src(%dma_wait3A_235 : memref<40000x128xf32, #tpu.memory_space<hbm>>) dst(%arg15 : memref<80x128xf32, #tpu.memory_space<vmem>>)
      %dma_wait3A_236 = arith.constant 0 : i32
      %dma_wait3A_237 = arith.constant 0 : i32
      %dma_wait3A_238 = tpu.memref_slice %arg2[%dma_wait3A_236, %dma_wait3A_237] : memref<40000x128xf32, #tpu.memory_space<hbm>> -> memref<40000x128xf32, #tpu.memory_space<hbm>>
      tpu.wait_indirect_dma semaphore(%arg22 : memref<!tpu.dma_semaphore, #tpu.memory_space<semaphore_mem>>) src(%dma_wait3A_238 : memref<40000x128xf32, #tpu.memory_space<hbm>>) dst(%arg16 : memref<80x128xf32, #tpu.memory_space<vmem>>)
      %scan3A_239 = arith.constant 0 : i32
      %scan3A_240 = arith.constant 0 : i32
      %scan3A_241 = arith.constant 80 : i32
      %scan3A_242 = arith.addi %scan3A_240, %scan3A_241 : i32
      %scan3A_243 = arith.constant 1 : i32
      scf.for %scan3A_288 = %scan3A_240 to %scan3A_242 step %scan3A_243  : i32 {
        %get3A_289 = arith.index_cast %scan3A_288 : i32 to index
        %get3A_290 = arith.constant 0 : index
        %get3A_291 = tpu.vector_load %arg15[%get3A_289, %get3A_290] {strides = array<i32>} : memref<80x128xf32, #tpu.memory_space<vmem>>, vector<1x16xf32>,
        %get3A_292 = vector.shape_cast %get3A_291 : vector<1x16xf32> to vector<16xf32>
        %get3A_293 = arith.index_cast %scan3A_288 : i32 to index
        %get3A_294 = arith.constant 0 : index
        %get3A_295 = tpu.vector_load %arg16[%get3A_293, %get3A_294] {strides = array<i32>} : memref<80x128xf32, #tpu.memory_space<vmem>>, vector<1x16xf32>,
        %get3A_296 = vector.shape_cast %get3A_295 : vector<1x16xf32> to vector<16xf32>
        %add3A_297 = arith.addf %get3A_292, %get3A_296 : vector<16xf32>
        %max3A = arith.constant 0.000000e+00 : f32
        %max3A_298 = vector.broadcast %max3A : f32 to vector<16xf32>
        %max3A_299 = arith.maximumf %add3A_297, %max3A_298 : vector<16xf32>
        %swap3A_300 = arith.index_cast %scan3A_288 : i32 to index
        %swap3A_301 = arith.constant 0 : index
        %swap3A_302 = tpu.vector_load %arg15[%swap3A_300, %swap3A_301] {strides = array<i32>} : memref<80x128xf32, #tpu.memory_space<vmem>>, vector<1x16xf32>,
        %swap3A_303 = vector.shape_cast %swap3A_302 : vector<1x16xf32> to vector<16xf32>
        %swap3A_304 = vector.shape_cast %max3A_299 : vector<16xf32> to vector<1x16xf32>
        tpu.vector_store %arg15[%swap3A_300, %swap3A_301], %swap3A_304 {strides = array<i32>} : memref<80x128xf32, #tpu.memory_space<vmem>>, vector<1x16xf32>,
        %get3A_305 = arith.index_cast %scan3A_288 : i32 to index
        %get3A_306 = arith.constant 16 : index
        %get3A_307 = tpu.vector_load %arg15[%get3A_305, %get3A_306] {strides = array<i32>} : memref<80x128xf32, #tpu.memory_space<vmem>>, vector<1x16xf32>,
        %get3A_308 = vector.shape_cast %get3A_307 : vector<1x16xf32> to vector<16xf32>
        %get3A_309 = arith.index_cast %scan3A_288 : i32 to index
        %get3A_310 = arith.constant 16 : index
        %get3A_311 = tpu.vector_load %arg16[%get3A_309, %get3A_310] {strides = array<i32>} : memref<80x128xf32, #tpu.memory_space<vmem>>, vector<1x16xf32>,
        %get3A_312 = vector.shape_cast %get3A_311 : vector<1x16xf32> to vector<16xf32>
        %add3A_313 = arith.addf %get3A_308, %get3A_312 : vector<16xf32>
        %max3A_314 = arith.constant 0.000000e+00 : f32
        %max3A_315 = vector.broadcast %max3A_314 : f32 to vector<16xf32>
        %max3A_316 = arith.maximumf %add3A_313, %max3A_315 : vector<16xf32>
        %swap3A_317 = arith.index_cast %scan3A_288 : i32 to index
        %swap3A_318 = arith.constant 16 : index
        %swap3A_319 = tpu.vector_load %arg15[%swap3A_317, %swap3A_318] {strides = array<i32>} : memref<80x128xf32, #tpu.memory_space<vmem>>, vector<1x16xf32>,
        %swap3A_320 = vector.shape_cast %swap3A_319 : vector<1x16xf32> to vector<16xf32>
        %swap3A_321 = vector.shape_cast %max3A_316 : vector<16xf32> to vector<1x16xf32>
        tpu.vector_store %arg15[%swap3A_317, %swap3A_318], %swap3A_321 {strides = array<i32>} : memref<80x128xf32, #tpu.memory_space<vmem>>, vector<1x16xf32>,
        %get3A_322 = arith.index_cast %scan3A_288 : i32 to index
        %get3A_323 = arith.constant 32 : index
        %get3A_324 = tpu.vector_load %arg15[%get3A_322, %get3A_323] {strides = array<i32>} : memref<80x128xf32, #tpu.memory_space<vmem>>, vector<1x16xf32>,
        %get3A_325 = vector.shape_cast %get3A_324 : vector<1x16xf32> to vector<16xf32>
        %get3A_326 = arith.index_cast %scan3A_288 : i32 to index
        %get3A_327 = arith.constant 32 : index
        %get3A_328 = tpu.vector_load %arg16[%get3A_326, %get3A_327] {strides = array<i32>} : memref<80x128xf32, #tpu.memory_space<vmem>>, vector<1x16xf32>,
        %get3A_329 = vector.shape_cast %get3A_328 : vector<1x16xf32> to vector<16xf32>
        %add3A_330 = arith.addf %get3A_325, %get3A_329 : vector<16xf32>
        %max3A_331 = arith.constant 0.000000e+00 : f32
        %max3A_332 = vector.broadcast %max3A_331 : f32 to vector<16xf32>
        %max3A_333 = arith.maximumf %add3A_330, %max3A_332 : vector<16xf32>
        %swap3A_334 = arith.index_cast %scan3A_288 : i32 to index
        %swap3A_335 = arith.constant 32 : index
        %swap3A_336 = tpu.vector_load %arg15[%swap3A_334, %swap3A_335] {strides = array<i32>} : memref<80x128xf32, #tpu.memory_space<vmem>>, vector<1x16xf32>,
        %swap3A_337 = vector.shape_cast %swap3A_336 : vector<1x16xf32> to vector<16xf32>
        %swap3A_338 = vector.shape_cast %max3A_333 : vector<16xf32> to vector<1x16xf32>
        tpu.vector_store %arg15[%swap3A_334, %swap3A_335], %swap3A_338 {strides = array<i32>} : memref<80x128xf32, #tpu.memory_space<vmem>>, vector<1x16xf32>,
        %get3A_339 = arith.index_cast %scan3A_288 : i32 to index
        %get3A_340 = arith.constant 48 : index
        %get3A_341 = tpu.vector_load %arg15[%get3A_339, %get3A_340] {strides = array<i32>} : memref<80x128xf32, #tpu.memory_space<vmem>>, vector<1x16xf32>,
        %get3A_342 = vector.shape_cast %get3A_341 : vector<1x16xf32> to vector<16xf32>
        %get3A_343 = arith.index_cast %scan3A_288 : i32 to index
        %get3A_344 = arith.constant 48 : index
        %get3A_345 = tpu.vector_load %arg16[%get3A_343, %get3A_344] {strides = array<i32>} : memref<80x128xf32, #tpu.memory_space<vmem>>, vector<1x16xf32>,
        %get3A_346 = vector.shape_cast %get3A_345 : vector<1x16xf32> to vector<16xf32>
        %add3A_347 = arith.addf %get3A_342, %get3A_346 : vector<16xf32>
        %max3A_348 = arith.constant 0.000000e+00 : f32
        %max3A_349 = vector.broadcast %max3A_348 : f32 to vector<16xf32>
        %max3A_350 = arith.maximumf %add3A_347, %max3A_349 : vector<16xf32>
        %swap3A_351 = arith.index_cast %scan3A_288 : i32 to index
        %swap3A_352 = arith.constant 48 : index
        %swap3A_353 = tpu.vector_load %arg15[%swap3A_351, %swap3A_352] {strides = array<i32>} : memref<80x128xf32, #tpu.memory_space<vmem>>, vector<1x16xf32>,
        %swap3A_354 = vector.shape_cast %swap3A_353 : vector<1x16xf32> to vector<16xf32>
        %swap3A_355 = vector.shape_cast %max3A_350 : vector<16xf32> to vector<1x16xf32>
        tpu.vector_store %arg15[%swap3A_351, %swap3A_352], %swap3A_355 {strides = array<i32>} : memref<80x128xf32, #tpu.memory_space<vmem>>, vector<1x16xf32>,
        %get3A_356 = arith.index_cast %scan3A_288 : i32 to index
        %get3A_357 = arith.constant 64 : index
        %get3A_358 = tpu.vector_load %arg15[%get3A_356, %get3A_357] {strides = array<i32>} : memref<80x128xf32, #tpu.memory_space<vmem>>, vector<1x16xf32>,
        %get3A_359 = vector.shape_cast %get3A_358 : vector<1x16xf32> to vector<16xf32>
        %get3A_360 = arith.index_cast %scan3A_288 : i32 to index
        %get3A_361 = arith.constant 64 : index
        %get3A_362 = tpu.vector_load %arg16[%get3A_360, %get3A_361] {strides = array<i32>} : memref<80x128xf32, #tpu.memory_space<vmem>>, vector<1x16xf32>,
        %get3A_363 = vector.shape_cast %get3A_362 : vector<1x16xf32> to vector<16xf32>
        %add3A_364 = arith.addf %get3A_359, %get3A_363 : vector<16xf32>
        %max3A_365 = arith.constant 0.000000e+00 : f32
        %max3A_366 = vector.broadcast %max3A_365 : f32 to vector<16xf32>
        %max3A_367 = arith.maximumf %add3A_364, %max3A_366 : vector<16xf32>
        %swap3A_368 = arith.index_cast %scan3A_288 : i32 to index
        %swap3A_369 = arith.constant 64 : index
        %swap3A_370 = tpu.vector_load %arg15[%swap3A_368, %swap3A_369] {strides = array<i32>} : memref<80x128xf32, #tpu.memory_space<vmem>>, vector<1x16xf32>,
        %swap3A_371 = vector.shape_cast %swap3A_370 : vector<1x16xf32> to vector<16xf32>
        %swap3A_372 = vector.shape_cast %max3A_367 : vector<16xf32> to vector<1x16xf32>
        tpu.vector_store %arg15[%swap3A_368, %swap3A_369], %swap3A_372 {strides = array<i32>} : memref<80x128xf32, #tpu.memory_space<vmem>>, vector<1x16xf32>,
        %get3A_373 = arith.index_cast %scan3A_288 : i32 to index
        %get3A_374 = arith.constant 80 : index
        %get3A_375 = tpu.vector_load %arg15[%get3A_373, %get3A_374] {strides = array<i32>} : memref<80x128xf32, #tpu.memory_space<vmem>>, vector<1x16xf32>,
        %get3A_376 = vector.shape_cast %get3A_375 : vector<1x16xf32> to vector<16xf32>
        %get3A_377 = arith.index_cast %scan3A_288 : i32 to index
        %get3A_378 = arith.constant 80 : index
        %get3A_379 = tpu.vector_load %arg16[%get3A_377, %get3A_378] {strides = array<i32>} : memref<80x128xf32, #tpu.memory_space<vmem>>, vector<1x16xf32>,
        %get3A_380 = vector.shape_cast %get3A_379 : vector<1x16xf32> to vector<16xf32>
        %add3A_381 = arith.addf %get3A_376, %get3A_380 : vector<16xf32>
        %max3A_382 = arith.constant 0.000000e+00 : f32
        %max3A_383 = vector.broadcast %max3A_382 : f32 to vector<16xf32>
        %max3A_384 = arith.maximumf %add3A_381, %max3A_383 : vector<16xf32>
        %swap3A_385 = arith.index_cast %scan3A_288 : i32 to index
        %swap3A_386 = arith.constant 80 : index
        %swap3A_387 = tpu.vector_load %arg15[%swap3A_385, %swap3A_386] {strides = array<i32>} : memref<80x128xf32, #tpu.memory_space<vmem>>, vector<1x16xf32>,
        %swap3A_388 = vector.shape_cast %swap3A_387 : vector<1x16xf32> to vector<16xf32>
        %swap3A_389 = vector.shape_cast %max3A_384 : vector<16xf32> to vector<1x16xf32>
        tpu.vector_store %arg15[%swap3A_385, %swap3A_386], %swap3A_389 {strides = array<i32>} : memref<80x128xf32, #tpu.memory_space<vmem>>, vector<1x16xf32>,
        %get3A_390 = arith.index_cast %scan3A_288 : i32 to index
        %get3A_391 = arith.constant 96 : index
        %get3A_392 = tpu.vector_load %arg15[%get3A_390, %get3A_391] {strides = array<i32>} : memref<80x128xf32, #tpu.memory_space<vmem>>, vector<1x16xf32>,
        %get3A_393 = vector.shape_cast %get3A_392 : vector<1x16xf32> to vector<16xf32>
        %get3A_394 = arith.index_cast %scan3A_288 : i32 to index
        %get3A_395 = arith.constant 96 : index
        %get3A_396 = tpu.vector_load %arg16[%get3A_394, %get3A_395] {strides = array<i32>} : memref<80x128xf32, #tpu.memory_space<vmem>>, vector<1x16xf32>,
        %get3A_397 = vector.shape_cast %get3A_396 : vector<1x16xf32> to vector<16xf32>
        %add3A_398 = arith.addf %get3A_393, %get3A_397 : vector<16xf32>
        %max3A_399 = arith.constant 0.000000e+00 : f32
        %max3A_400 = vector.broadcast %max3A_399 : f32 to vector<16xf32>
        %max3A_401 = arith.maximumf %add3A_398, %max3A_400 : vector<16xf32>
        %swap3A_402 = arith.index_cast %scan3A_288 : i32 to index
        %swap3A_403 = arith.constant 96 : index
        %swap3A_404 = tpu.vector_load %arg15[%swap3A_402, %swap3A_403] {strides = array<i32>} : memref<80x128xf32, #tpu.memory_space<vmem>>, vector<1x16xf32>,
        %swap3A_405 = vector.shape_cast %swap3A_404 : vector<1x16xf32> to vector<16xf32>
        %swap3A_406 = vector.shape_cast %max3A_401 : vector<16xf32> to vector<1x16xf32>
        tpu.vector_store %arg15[%swap3A_402, %swap3A_403], %swap3A_406 {strides = array<i32>} : memref<80x128xf32, #tpu.memory_space<vmem>>, vector<1x16xf32>,
        %get3A_407 = arith.index_cast %scan3A_288 : i32 to index
        %get3A_408 = arith.constant 112 : index
        %get3A_409 = tpu.vector_load %arg15[%get3A_407, %get3A_408] {strides = array<i32>} : memref<80x128xf32, #tpu.memory_space<vmem>>, vector<1x16xf32>,
        %get3A_410 = vector.shape_cast %get3A_409 : vector<1x16xf32> to vector<16xf32>
        %get3A_411 = arith.index_cast %scan3A_288 : i32 to index
        %get3A_412 = arith.constant 112 : index
        %get3A_413 = tpu.vector_load %arg16[%get3A_411, %get3A_412] {strides = array<i32>} : memref<80x128xf32, #tpu.memory_space<vmem>>, vector<1x16xf32>,
        %get3A_414 = vector.shape_cast %get3A_413 : vector<1x16xf32> to vector<16xf32>
        %add3A_415 = arith.addf %get3A_410, %get3A_414 : vector<16xf32>
        %max3A_416 = arith.constant 0.000000e+00 : f32
        %max3A_417 = vector.broadcast %max3A_416 : f32 to vector<16xf32>
        %max3A_418 = arith.maximumf %add3A_415, %max3A_417 : vector<16xf32>
        %swap3A_419 = arith.index_cast %scan3A_288 : i32 to index
        %swap3A_420 = arith.constant 112 : index
        %swap3A_421 = tpu.vector_load %arg15[%swap3A_419, %swap3A_420] {strides = array<i32>} : memref<80x128xf32, #tpu.memory_space<vmem>>, vector<1x16xf32>,
        %swap3A_422 = vector.shape_cast %swap3A_421 : vector<1x16xf32> to vector<16xf32>
        %swap3A_423 = vector.shape_cast %max3A_418 : vector<16xf32> to vector<1x16xf32>
        tpu.vector_store %arg15[%swap3A_419, %swap3A_420], %swap3A_423 {strides = array<i32>} : memref<80x128xf32, #tpu.memory_space<vmem>>, vector<1x16xf32>,
      }
      %scan3A_244 = arith.constant 80 : i32
      %get3A_245 = arith.constant 0 : index
      %get3A_246 = tpu.vector_load %arg11[%get3A_245] {strides = array<i32>} : memref<80xi32, #tpu.memory_space<vmem>>, vector<16xi32>,
      %get3A_247 = vector.shape_cast %get3A_246 : vector<16xi32> to vector<16xi32>
      %swap3A_248 = arith.constant 0 : index
      %swap3A_249 = tpu.vector_load %arg14[%swap3A_248] {strides = array<i32>} : memref<80xi32, #tpu.memory_space<vmem>>, vector<16xi32>,
      %swap3A_250 = vector.shape_cast %swap3A_249 : vector<16xi32> to vector<16xi32>
      %swap3A_251 = vector.shape_cast %get3A_247 : vector<16xi32> to vector<16xi32>
      tpu.vector_store %arg14[%swap3A_248], %swap3A_251 {strides = array<i32>} : memref<80xi32, #tpu.memory_space<vmem>>, vector<16xi32>,
      %get3A_252 = arith.constant 16 : index
      %get3A_253 = tpu.vector_load %arg11[%get3A_252] {strides = array<i32>} : memref<80xi32, #tpu.memory_space<vmem>>, vector<16xi32>,
      %get3A_254 = vector.shape_cast %get3A_253 : vector<16xi32> to vector<16xi32>
      %swap3A_255 = arith.constant 16 : index
      %swap3A_256 = tpu.vector_load %arg14[%swap3A_255] {strides = array<i32>} : memref<80xi32, #tpu.memory_space<vmem>>, vector<16xi32>,
      %swap3A_257 = vector.shape_cast %swap3A_256 : vector<16xi32> to vector<16xi32>
      %swap3A_258 = vector.shape_cast %get3A_254 : vector<16xi32> to vector<16xi32>
      tpu.vector_store %arg14[%swap3A_255], %swap3A_258 {strides = array<i32>} : memref<80xi32, #tpu.memory_space<vmem>>, vector<16xi32>,
      %get3A_259 = arith.constant 32 : index
      %get3A_260 = tpu.vector_load %arg11[%get3A_259] {strides = array<i32>} : memref<80xi32, #tpu.memory_space<vmem>>, vector<16xi32>,
      %get3A_261 = vector.shape_cast %get3A_260 : vector<16xi32> to vector<16xi32>
      %swap3A_262 = arith.constant 32 : index
      %swap3A_263 = tpu.vector_load %arg14[%swap3A_262] {strides = array<i32>} : memref<80xi32, #tpu.memory_space<vmem>>, vector<16xi32>,
      %swap3A_264 = vector.shape_cast %swap3A_263 : vector<16xi32> to vector<16xi32>
      %swap3A_265 = vector.shape_cast %get3A_261 : vector<16xi32> to vector<16xi32>
      tpu.vector_store %arg14[%swap3A_262], %swap3A_265 {strides = array<i32>} : memref<80xi32, #tpu.memory_space<vmem>>, vector<16xi32>,
      %get3A_266 = arith.constant 48 : index
      %get3A_267 = tpu.vector_load %arg11[%get3A_266] {strides = array<i32>} : memref<80xi32, #tpu.memory_space<vmem>>, vector<16xi32>,
      %get3A_268 = vector.shape_cast %get3A_267 : vector<16xi32> to vector<16xi32>
      %swap3A_269 = arith.constant 48 : index
      %swap3A_270 = tpu.vector_load %arg14[%swap3A_269] {strides = array<i32>} : memref<80xi32, #tpu.memory_space<vmem>>, vector<16xi32>,
      %swap3A_271 = vector.shape_cast %swap3A_270 : vector<16xi32> to vector<16xi32>
      %swap3A_272 = vector.shape_cast %get3A_268 : vector<16xi32> to vector<16xi32>
      tpu.vector_store %arg14[%swap3A_269], %swap3A_272 {strides = array<i32>} : memref<80xi32, #tpu.memory_space<vmem>>, vector<16xi32>,
      %get3A_273 = arith.constant 64 : index
      %get3A_274 = tpu.vector_load %arg11[%get3A_273] {strides = array<i32>} : memref<80xi32, #tpu.memory_space<vmem>>, vector<16xi32>,
      %get3A_275 = vector.shape_cast %get3A_274 : vector<16xi32> to vector<16xi32>
      %swap3A_276 = arith.constant 64 : index
      %swap3A_277 = tpu.vector_load %arg14[%swap3A_276] {strides = array<i32>} : memref<80xi32, #tpu.memory_space<vmem>>, vector<16xi32>,
      %swap3A_278 = vector.shape_cast %swap3A_277 : vector<16xi32> to vector<16xi32>
      %swap3A_279 = vector.shape_cast %get3A_275 : vector<16xi32> to vector<16xi32>
      tpu.vector_store %arg14[%swap3A_276], %swap3A_279 {strides = array<i32>} : memref<80xi32, #tpu.memory_space<vmem>>, vector<16xi32>,
      %dma_start3A_280 = arith.constant 0 : i32
      %dma_start3A_281 = arith.constant 0 : i32
      %dma_start3A_282 = tpu.memref_slice %arg17[%dma_start3A_280, %dma_start3A_281] : memref<10000x128xf32, #tpu.memory_space<vmem_shared>> -> memref<10000x128xf32, #tpu.memory_space<vmem_shared>>
      tpu.enqueue_indirect_dma source(%arg15 : memref<80x128xf32, #tpu.memory_space<vmem>>) target(%dma_start3A_282 : memref<10000x128xf32, #tpu.memory_space<vmem_shared>>) offsets(%arg14 : memref<80xi32, #tpu.memory_space<vmem>>) semaphore(%arg23 : memref<!tpu.dma_semaphore, #tpu.memory_space<semaphore_mem>>) {add = true}
      %lt3A_283 = arith.constant 61 : i32
      %lt3A_284 = arith.cmpi slt, %scan3A_115, %lt3A_283 : i32
      %convert_element_type3A_285 = arith.extui %lt3A_284 : i1 to i32
      %cond3A_286 = arith.constant 0 : i32
      %cond3A_287 = arith.cmpi ne, %convert_element_type3A_285, %cond3A_286 : i32
      scf.if %cond3A_287 {
        %dma_wait3A_288 = arith.constant 0 : i32
        %dma_wait3A_289 = arith.constant 0 : i32
        %dma_wait3A_290 = tpu.memref_slice %arg17[%dma_wait3A_288, %dma_wait3A_289] : memref<10000x128xf32, #tpu.memory_space<vmem_shared>> -> memref<10000x128xf32, #tpu.memory_space<vmem_shared>>
        tpu.wait_indirect_dma semaphore(%arg20 : memref<!tpu.dma_semaphore, #tpu.memory_space<semaphore_mem>>) src(%arg9 : memref<80x128xf32, #tpu.memory_space<vmem>>) dst(%dma_wait3A_290 : memref<10000x128xf32, #tpu.memory_space<vmem_shared>>)
        %mul3A_291 = arith.constant 2 : i32
        %mul3A_292 = arith.muli %mul3A_291, %scan3A_115 : i32
        %add3A_293 = arith.constant 2 : i32
        %add3A_294 = arith.addi %mul3A_292, %add3A_293 : i32
        %mul3A_295 = arith.constant 80 : i32
        %mul3A_296 = arith.muli %add3A_294, %mul3A_295 : i32
        %add3A_297 = arith.addi %mul3A_37, %mul3A_296 : i32
        "tpu.region"() ({
          %run_scoped3A = tpu.sem_alloc : memref<!tpu.dma_semaphore, #tpu.memory_space<semaphore_mem>>
          %dma_start3A_354 = tpu.memref_slice %arg3[%add3A_297] : memref<480000xi32, #tpu.memory_space<hbm>> -> memref<80xi32, #tpu.memory_space<hbm>>
          %dma_start3A_355 = tpu.memref_slice %arg3[%add3A_297] : memref<480000xi32, #tpu.memory_space<hbm>> -> memref<80xi32, #tpu.memory_space<hbm>>
          tpu.enqueue_dma source(%dma_start3A_355 : memref<80xi32, #tpu.memory_space<hbm>>) target(%arg5 : memref<80xi32, #tpu.memory_space<vmem>>) target_semaphore(%run_scoped3A : memref<!tpu.dma_semaphore, #tpu.memory_space<semaphore_mem>>)
          %dma_wait3A_356 = tpu.memref_slice %arg3[%add3A_297] : memref<480000xi32, #tpu.memory_space<hbm>> -> memref<80xi32, #tpu.memory_space<hbm>>
          %dma_wait3A_357 = tpu.memref_slice %arg3[%add3A_297] : memref<480000xi32, #tpu.memory_space<hbm>> -> memref<80xi32, #tpu.memory_space<hbm>>
          tpu.wait_dma2 semaphore(%run_scoped3A : memref<!tpu.dma_semaphore, #tpu.memory_space<semaphore_mem>>) src(%dma_wait3A_357 : memref<80xi32, #tpu.memory_space<hbm>>) dst(%arg5 : memref<80xi32, #tpu.memory_space<vmem>>)
          tpu.yield
        }) : () -> ()
        %add3A_298 = arith.constant 1 : i32
        %add3A_299 = arith.addi %add3A_298, %arg0 : i32
        %mul3A_300 = arith.constant 160000 : i32
        %mul3A_301 = arith.muli %add3A_299, %mul3A_300 : i32
        %add3A_302 = arith.addi %mul3A_301, %add3A_297 : i32
        "tpu.region"() ({
          %run_scoped3A = tpu.sem_alloc : memref<!tpu.dma_semaphore, #tpu.memory_space<semaphore_mem>>
          %dma_start3A_354 = tpu.memref_slice %arg3[%add3A_302] : memref<480000xi32, #tpu.memory_space<hbm>> -> memref<80xi32, #tpu.memory_space<hbm>>
          %dma_start3A_355 = tpu.memref_slice %arg3[%add3A_302] : memref<480000xi32, #tpu.memory_space<hbm>> -> memref<80xi32, #tpu.memory_space<hbm>>
          tpu.enqueue_dma source(%dma_start3A_355 : memref<80xi32, #tpu.memory_space<hbm>>) target(%arg7 : memref<80xi32, #tpu.memory_space<vmem>>) target_semaphore(%run_scoped3A : memref<!tpu.dma_semaphore, #tpu.memory_space<semaphore_mem>>)
          %dma_wait3A_356 = tpu.memref_slice %arg3[%add3A_302] : memref<480000xi32, #tpu.memory_space<hbm>> -> memref<80xi32, #tpu.memory_space<hbm>>
          %dma_wait3A_357 = tpu.memref_slice %arg3[%add3A_302] : memref<480000xi32, #tpu.memory_space<hbm>> -> memref<80xi32, #tpu.memory_space<hbm>>
          tpu.wait_dma2 semaphore(%run_scoped3A : memref<!tpu.dma_semaphore, #tpu.memory_space<semaphore_mem>>) src(%dma_wait3A_357 : memref<80xi32, #tpu.memory_space<hbm>>) dst(%arg7 : memref<80xi32, #tpu.memory_space<vmem>>)
          tpu.yield
        }) : () -> ()
        %get3A_303 = arith.constant 0 : index
        %get3A_304 = tpu.vector_load %arg5[%get3A_303] {strides = array<i32>} : memref<80xi32, #tpu.memory_space<vmem>>, vector<16xi32>,
        %get3A_305 = vector.shape_cast %get3A_304 : vector<16xi32> to vector<16xi32>
        %add3A_306 = vector.broadcast %mul3A_0 : i32 to vector<16xi32>
        %add3A_307 = arith.addi %get3A_305, %add3A_306 : vector<16xi32>
        %swap3A_308 = arith.constant 0 : index
        %swap3A_309 = tpu.vector_load %arg6[%swap3A_308] {strides = array<i32>} : memref<80xi32, #tpu.memory_space<vmem>>, vector<16xi32>,
        %swap3A_310 = vector.shape_cast %swap3A_309 : vector<16xi32> to vector<16xi32>
        %swap3A_311 = vector.shape_cast %add3A_307 : vector<16xi32> to vector<16xi32>
        tpu.vector_store %arg6[%swap3A_308], %swap3A_311 {strides = array<i32>} : memref<80xi32, #tpu.memory_space<vmem>>, vector<16xi32>,
        %get3A_312 = arith.constant 16 : index
        %get3A_313 = tpu.vector_load %arg5[%get3A_312] {strides = array<i32>} : memref<80xi32, #tpu.memory_space<vmem>>, vector<16xi32>,
        %get3A_314 = vector.shape_cast %get3A_313 : vector<16xi32> to vector<16xi32>
        %add3A_315 = vector.broadcast %mul3A_0 : i32 to vector<16xi32>
        %add3A_316 = arith.addi %get3A_314, %add3A_315 : vector<16xi32>
        %swap3A_317 = arith.constant 16 : index
        %swap3A_318 = tpu.vector_load %arg6[%swap3A_317] {strides = array<i32>} : memref<80xi32, #tpu.memory_space<vmem>>, vector<16xi32>,
        %swap3A_319 = vector.shape_cast %swap3A_318 : vector<16xi32> to vector<16xi32>
        %swap3A_320 = vector.shape_cast %add3A_316 : vector<16xi32> to vector<16xi32>
        tpu.vector_store %arg6[%swap3A_317], %swap3A_320 {strides = array<i32>} : memref<80xi32, #tpu.memory_space<vmem>>, vector<16xi32>,
        %get3A_321 = arith.constant 32 : index
        %get3A_322 = tpu.vector_load %arg5[%get3A_321] {strides = array<i32>} : memref<80xi32, #tpu.memory_space<vmem>>, vector<16xi32>,
        %get3A_323 = vector.shape_cast %get3A_322 : vector<16xi32> to vector<16xi32>
        %add3A_324 = vector.broadcast %mul3A_0 : i32 to vector<16xi32>
        %add3A_325 = arith.addi %get3A_323, %add3A_324 : vector<16xi32>
        %swap3A_326 = arith.constant 32 : index
        %swap3A_327 = tpu.vector_load %arg6[%swap3A_326] {strides = array<i32>} : memref<80xi32, #tpu.memory_space<vmem>>, vector<16xi32>,
        %swap3A_328 = vector.shape_cast %swap3A_327 : vector<16xi32> to vector<16xi32>
        %swap3A_329 = vector.shape_cast %add3A_325 : vector<16xi32> to vector<16xi32>
        tpu.vector_store %arg6[%swap3A_326], %swap3A_329 {strides = array<i32>} : memref<80xi32, #tpu.memory_space<vmem>>, vector<16xi32>,
        %get3A_330 = arith.constant 48 : index
        %get3A_331 = tpu.vector_load %arg5[%get3A_330] {strides = array<i32>} : memref<80xi32, #tpu.memory_space<vmem>>, vector<16xi32>,
        %get3A_332 = vector.shape_cast %get3A_331 : vector<16xi32> to vector<16xi32>
        %add3A_333 = vector.broadcast %mul3A_0 : i32 to vector<16xi32>
        %add3A_334 = arith.addi %get3A_332, %add3A_333 : vector<16xi32>
        %swap3A_335 = arith.constant 48 : index
        %swap3A_336 = tpu.vector_load %arg6[%swap3A_335] {strides = array<i32>} : memref<80xi32, #tpu.memory_space<vmem>>, vector<16xi32>,
        %swap3A_337 = vector.shape_cast %swap3A_336 : vector<16xi32> to vector<16xi32>
        %swap3A_338 = vector.shape_cast %add3A_334 : vector<16xi32> to vector<16xi32>
        tpu.vector_store %arg6[%swap3A_335], %swap3A_338 {strides = array<i32>} : memref<80xi32, #tpu.memory_space<vmem>>, vector<16xi32>,
        %get3A_339 = arith.constant 64 : index
        %get3A_340 = tpu.vector_load %arg5[%get3A_339] {strides = array<i32>} : memref<80xi32, #tpu.memory_space<vmem>>, vector<16xi32>,
        %get3A_341 = vector.shape_cast %get3A_340 : vector<16xi32> to vector<16xi32>
        %add3A_342 = vector.broadcast %mul3A_0 : i32 to vector<16xi32>
        %add3A_343 = arith.addi %get3A_341, %add3A_342 : vector<16xi32>
        %swap3A_344 = arith.constant 64 : index
        %swap3A_345 = tpu.vector_load %arg6[%swap3A_344] {strides = array<i32>} : memref<80xi32, #tpu.memory_space<vmem>>, vector<16xi32>,
        %swap3A_346 = vector.shape_cast %swap3A_345 : vector<16xi32> to vector<16xi32>
        %swap3A_347 = vector.shape_cast %add3A_343 : vector<16xi32> to vector<16xi32>
        tpu.vector_store %arg6[%swap3A_344], %swap3A_347 {strides = array<i32>} : memref<80xi32, #tpu.memory_space<vmem>>, vector<16xi32>,
        %dma_start3A_348 = arith.constant 0 : i32
        %dma_start3A_349 = arith.constant 0 : i32
        %dma_start3A_350 = tpu.memref_slice %arg2[%dma_start3A_348, %dma_start3A_349] : memref<40000x128xf32, #tpu.memory_space<hbm>> -> memref<40000x128xf32, #tpu.memory_space<hbm>>
        tpu.enqueue_indirect_dma source(%dma_start3A_350 : memref<40000x128xf32, #tpu.memory_space<hbm>>) target(%arg9 : memref<80x128xf32, #tpu.memory_space<vmem>>) offsets(%arg6 : memref<80xi32, #tpu.memory_space<vmem>>) semaphore(%arg18 : memref<!tpu.dma_semaphore, #tpu.memory_space<semaphore_mem>>)
        %dma_start3A_351 = arith.constant 0 : i32
        %dma_start3A_352 = arith.constant 0 : i32
        %dma_start3A_353 = tpu.memref_slice %arg2[%dma_start3A_351, %dma_start3A_352] : memref<40000x128xf32, #tpu.memory_space<hbm>> -> memref<40000x128xf32, #tpu.memory_space<hbm>>
        tpu.enqueue_indirect_dma source(%dma_start3A_353 : memref<40000x128xf32, #tpu.memory_space<hbm>>) target(%arg10 : memref<80x128xf32, #tpu.memory_space<vmem>>) offsets(%arg7 : memref<80xi32, #tpu.memory_space<vmem>>) semaphore(%arg19 : memref<!tpu.dma_semaphore, #tpu.memory_space<semaphore_mem>>)
      } else {
      }
    }
    %scan3A_96 = arith.constant 62 : i32
    %dma_wait3A = arith.constant 0 : i32
    %dma_wait3A_97 = arith.constant 0 : i32
    %dma_wait3A_98 = tpu.memref_slice %arg17[%dma_wait3A, %dma_wait3A_97] : memref<10000x128xf32, #tpu.memory_space<vmem_shared>> -> memref<10000x128xf32, #tpu.memory_space<vmem_shared>>
    tpu.wait_indirect_dma semaphore(%arg20 : memref<!tpu.dma_semaphore, #tpu.memory_space<semaphore_mem>>) src(%arg9 : memref<80x128xf32, #tpu.memory_space<vmem>>) dst(%dma_wait3A_98 : memref<10000x128xf32, #tpu.memory_space<vmem_shared>>)
    %dma_wait3A_99 = arith.constant 0 : i32
    %dma_wait3A_100 = arith.constant 0 : i32
    %dma_wait3A_101 = tpu.memref_slice %arg17[%dma_wait3A_99, %dma_wait3A_100] : memref<10000x128xf32, #tpu.memory_space<vmem_shared>> -> memref<10000x128xf32, #tpu.memory_space<vmem_shared>>
    tpu.wait_indirect_dma semaphore(%arg23 : memref<!tpu.dma_semaphore, #tpu.memory_space<semaphore_mem>>) src(%arg15 : memref<80x128xf32, #tpu.memory_space<vmem>>) dst(%dma_wait3A_101 : memref<10000x128xf32, #tpu.memory_space<vmem_shared>>)
    %lt3A = arith.constant 16 : i32
    %lt3A_102 = arith.cmpi slt, %arg1, %lt3A : i32
    %convert_element_type3A = arith.extui %lt3A_102 : i1 to i32
    %cond3A = arith.constant 0 : i32
    %cond3A_103 = arith.cmpi ne, %convert_element_type3A, %cond3A : i32
    scf.if %cond3A_103 {
      %add3A_115 = arith.constant 1984 : i32
      %add3A_116 = arith.addi %add3A_115, %arg1 : i32
      %mul3A_117 = arith.constant 80 : i32
      %mul3A_118 = arith.muli %add3A_116, %mul3A_117 : i32
      "tpu.region"() ({
        %run_scoped3A = tpu.sem_alloc : memref<!tpu.dma_semaphore, #tpu.memory_space<semaphore_mem>>
        %dma_start3A_187 = tpu.memref_slice %arg3[%mul3A_118] : memref<480000xi32, #tpu.memory_space<hbm>> -> memref<80xi32, #tpu.memory_space<hbm>>
        %dma_start3A_188 = tpu.memref_slice %arg3[%mul3A_118] : memref<480000xi32, #tpu.memory_space<hbm>> -> memref<80xi32, #tpu.memory_space<hbm>>
        tpu.enqueue_dma source(%dma_start3A_188 : memref<80xi32, #tpu.memory_space<hbm>>) target(%arg5 : memref<80xi32, #tpu.memory_space<vmem>>) target_semaphore(%run_scoped3A : memref<!tpu.dma_semaphore, #tpu.memory_space<semaphore_mem>>)
        %dma_wait3A_189 = tpu.memref_slice %arg3[%mul3A_118] : memref<480000xi32, #tpu.memory_space<hbm>> -> memref<80xi32, #tpu.memory_space<hbm>>
        %dma_wait3A_190 = tpu.memref_slice %arg3[%mul3A_118] : memref<480000xi32, #tpu.memory_space<hbm>> -> memref<80xi32, #tpu.memory_space<hbm>>
        tpu.wait_dma2 semaphore(%run_scoped3A : memref<!tpu.dma_semaphore, #tpu.memory_space<semaphore_mem>>) src(%dma_wait3A_190 : memref<80xi32, #tpu.memory_space<hbm>>) dst(%arg5 : memref<80xi32, #tpu.memory_space<vmem>>)
        tpu.yield
      }) : () -> ()
      %add3A_119 = arith.constant 1 : i32
      %add3A_120 = arith.addi %add3A_119, %arg0 : i32
      %mul3A_121 = arith.constant 160000 : i32
      %mul3A_122 = arith.muli %add3A_120, %mul3A_121 : i32
      %add3A_123 = arith.addi %mul3A_122, %mul3A_118 : i32
      "tpu.region"() ({
        %run_scoped3A = tpu.sem_alloc : memref<!tpu.dma_semaphore, #tpu.memory_space<semaphore_mem>>
        %dma_start3A_187 = tpu.memref_slice %arg3[%add3A_123] : memref<480000xi32, #tpu.memory_space<hbm>> -> memref<80xi32, #tpu.memory_space<hbm>>
        %dma_start3A_188 = tpu.memref_slice %arg3[%add3A_123] : memref<480000xi32, #tpu.memory_space<hbm>> -> memref<80xi32, #tpu.memory_space<hbm>>
        tpu.enqueue_dma source(%dma_start3A_188 : memref<80xi32, #tpu.memory_space<hbm>>) target(%arg7 : memref<80xi32, #tpu.memory_space<vmem>>) target_semaphore(%run_scoped3A : memref<!tpu.dma_semaphore, #tpu.memory_space<semaphore_mem>>)
        %dma_wait3A_189 = tpu.memref_slice %arg3[%add3A_123] : memref<480000xi32, #tpu.memory_space<hbm>> -> memref<80xi32, #tpu.memory_space<hbm>>
        %dma_wait3A_190 = tpu.memref_slice %arg3[%add3A_123] : memref<480000xi32, #tpu.memory_space<hbm>> -> memref<80xi32, #tpu.memory_space<hbm>>
        tpu.wait_dma2 semaphore(%run_scoped3A : memref<!tpu.dma_semaphore, #tpu.memory_space<semaphore_mem>>) src(%dma_wait3A_190 : memref<80xi32, #tpu.memory_space<hbm>>) dst(%arg7 : memref<80xi32, #tpu.memory_space<vmem>>)
        tpu.yield
      }) : () -> ()
      %get3A_124 = arith.constant 0 : index
      %get3A_125 = tpu.vector_load %arg5[%get3A_124] {strides = array<i32>} : memref<80xi32, #tpu.memory_space<vmem>>, vector<16xi32>,
      %get3A_126 = vector.shape_cast %get3A_125 : vector<16xi32> to vector<16xi32>
      %add3A_127 = vector.broadcast %mul3A_0 : i32 to vector<16xi32>
      %add3A_128 = arith.addi %get3A_126, %add3A_127 : vector<16xi32>
      %swap3A_129 = arith.constant 0 : index
      %swap3A_130 = tpu.vector_load %arg6[%swap3A_129] {strides = array<i32>} : memref<80xi32, #tpu.memory_space<vmem>>, vector<16xi32>,
      %swap3A_131 = vector.shape_cast %swap3A_130 : vector<16xi32> to vector<16xi32>
      %swap3A_132 = vector.shape_cast %add3A_128 : vector<16xi32> to vector<16xi32>
      tpu.vector_store %arg6[%swap3A_129], %swap3A_132 {strides = array<i32>} : memref<80xi32, #tpu.memory_space<vmem>>, vector<16xi32>,
      %get3A_133 = arith.constant 16 : index
      %get3A_134 = tpu.vector_load %arg5[%get3A_133] {strides = array<i32>} : memref<80xi32, #tpu.memory_space<vmem>>, vector<16xi32>,
      %get3A_135 = vector.shape_cast %get3A_134 : vector<16xi32> to vector<16xi32>
      %add3A_136 = vector.broadcast %mul3A_0 : i32 to vector<16xi32>
      %add3A_137 = arith.addi %get3A_135, %add3A_136 : vector<16xi32>
      %swap3A_138 = arith.constant 16 : index
      %swap3A_139 = tpu.vector_load %arg6[%swap3A_138] {strides = array<i32>} : memref<80xi32, #tpu.memory_space<vmem>>, vector<16xi32>,
      %swap3A_140 = vector.shape_cast %swap3A_139 : vector<16xi32> to vector<16xi32>
      %swap3A_141 = vector.shape_cast %add3A_137 : vector<16xi32> to vector<16xi32>
      tpu.vector_store %arg6[%swap3A_138], %swap3A_141 {strides = array<i32>} : memref<80xi32, #tpu.memory_space<vmem>>, vector<16xi32>,
      %get3A_142 = arith.constant 32 : index
      %get3A_143 = tpu.vector_load %arg5[%get3A_142] {strides = array<i32>} : memref<80xi32, #tpu.memory_space<vmem>>, vector<16xi32>,
      %get3A_144 = vector.shape_cast %get3A_143 : vector<16xi32> to vector<16xi32>
      %add3A_145 = vector.broadcast %mul3A_0 : i32 to vector<16xi32>
      %add3A_146 = arith.addi %get3A_144, %add3A_145 : vector<16xi32>
      %swap3A_147 = arith.constant 32 : index
      %swap3A_148 = tpu.vector_load %arg6[%swap3A_147] {strides = array<i32>} : memref<80xi32, #tpu.memory_space<vmem>>, vector<16xi32>,
      %swap3A_149 = vector.shape_cast %swap3A_148 : vector<16xi32> to vector<16xi32>
      %swap3A_150 = vector.shape_cast %add3A_146 : vector<16xi32> to vector<16xi32>
      tpu.vector_store %arg6[%swap3A_147], %swap3A_150 {strides = array<i32>} : memref<80xi32, #tpu.memory_space<vmem>>, vector<16xi32>,
      %get3A_151 = arith.constant 48 : index
      %get3A_152 = tpu.vector_load %arg5[%get3A_151] {strides = array<i32>} : memref<80xi32, #tpu.memory_space<vmem>>, vector<16xi32>,
      %get3A_153 = vector.shape_cast %get3A_152 : vector<16xi32> to vector<16xi32>
      %add3A_154 = vector.broadcast %mul3A_0 : i32 to vector<16xi32>
      %add3A_155 = arith.addi %get3A_153, %add3A_154 : vector<16xi32>
      %swap3A_156 = arith.constant 48 : index
      %swap3A_157 = tpu.vector_load %arg6[%swap3A_156] {strides = array<i32>} : memref<80xi32, #tpu.memory_space<vmem>>, vector<16xi32>,
      %swap3A_158 = vector.shape_cast %swap3A_157 : vector<16xi32> to vector<16xi32>
      %swap3A_159 = vector.shape_cast %add3A_155 : vector<16xi32> to vector<16xi32>
      tpu.vector_store %arg6[%swap3A_156], %swap3A_159 {strides = array<i32>} : memref<80xi32, #tpu.memory_space<vmem>>, vector<16xi32>,
      %get3A_160 = arith.constant 64 : index
      %get3A_161 = tpu.vector_load %arg5[%get3A_160] {strides = array<i32>} : memref<80xi32, #tpu.memory_space<vmem>>, vector<16xi32>,
      %get3A_162 = vector.shape_cast %get3A_161 : vector<16xi32> to vector<16xi32>
      %add3A_163 = vector.broadcast %mul3A_0 : i32 to vector<16xi32>
      %add3A_164 = arith.addi %get3A_162, %add3A_163 : vector<16xi32>
      %swap3A_165 = arith.constant 64 : index
      %swap3A_166 = tpu.vector_load %arg6[%swap3A_165] {strides = array<i32>} : memref<80xi32, #tpu.memory_space<vmem>>, vector<16xi32>,
      %swap3A_167 = vector.shape_cast %swap3A_166 : vector<16xi32> to vector<16xi32>
      %swap3A_168 = vector.shape_cast %add3A_164 : vector<16xi32> to vector<16xi32>
      tpu.vector_store %arg6[%swap3A_165], %swap3A_168 {strides = array<i32>} : memref<80xi32, #tpu.memory_space<vmem>>, vector<16xi32>,
      %dma_start3A_169 = arith.constant 0 : i32
      %dma_start3A_170 = arith.constant 0 : i32
      %dma_start3A_171 = tpu.memref_slice %arg2[%dma_start3A_169, %dma_start3A_170] : memref<40000x128xf32, #tpu.memory_space<hbm>> -> memref<40000x128xf32, #tpu.memory_space<hbm>>
      tpu.enqueue_indirect_dma source(%dma_start3A_171 : memref<40000x128xf32, #tpu.memory_space<hbm>>) target(%arg9 : memref<80x128xf32, #tpu.memory_space<vmem>>) offsets(%arg6 : memref<80xi32, #tpu.memory_space<vmem>>) semaphore(%arg18 : memref<!tpu.dma_semaphore, #tpu.memory_space<semaphore_mem>>)
      %dma_start3A_172 = arith.constant 0 : i32
      %dma_start3A_173 = arith.constant 0 : i32
      %dma_start3A_174 = tpu.memref_slice %arg2[%dma_start3A_172, %dma_start3A_173] : memref<40000x128xf32, #tpu.memory_space<hbm>> -> memref<40000x128xf32, #tpu.memory_space<hbm>>
      tpu.enqueue_indirect_dma source(%dma_start3A_174 : memref<40000x128xf32, #tpu.memory_space<hbm>>) target(%arg10 : memref<80x128xf32, #tpu.memory_space<vmem>>) offsets(%arg7 : memref<80xi32, #tpu.memory_space<vmem>>) semaphore(%arg19 : memref<!tpu.dma_semaphore, #tpu.memory_space<semaphore_mem>>)
      %dma_wait3A_175 = arith.constant 0 : i32
      %dma_wait3A_176 = arith.constant 0 : i32
      %dma_wait3A_177 = tpu.memref_slice %arg2[%dma_wait3A_175, %dma_wait3A_176] : memref<40000x128xf32, #tpu.memory_space<hbm>> -> memref<40000x128xf32, #tpu.memory_space<hbm>>
      tpu.wait_indirect_dma semaphore(%arg18 : memref<!tpu.dma_semaphore, #tpu.memory_space<semaphore_mem>>) src(%dma_wait3A_177 : memref<40000x128xf32, #tpu.memory_space<hbm>>) dst(%arg9 : memref<80x128xf32, #tpu.memory_space<vmem>>)
      %dma_wait3A_178 = arith.constant 0 : i32
      %dma_wait3A_179 = arith.constant 0 : i32
      %dma_wait3A_180 = tpu.memref_slice %arg2[%dma_wait3A_178, %dma_wait3A_179] : memref<40000x128xf32, #tpu.memory_space<hbm>> -> memref<40000x128xf32, #tpu.memory_space<hbm>>
      tpu.wait_indirect_dma semaphore(%arg19 : memref<!tpu.dma_semaphore, #tpu.memory_space<semaphore_mem>>) src(%dma_wait3A_180 : memref<40000x128xf32, #tpu.memory_space<hbm>>) dst(%arg10 : memref<80x128xf32, #tpu.memory_space<vmem>>)
      %scan3A_181 = arith.constant 0 : i32
      %scan3A_182 = arith.constant 0 : i32
      %scan3A_183 = arith.constant 80 : i32
      %scan3A_184 = arith.addi %scan3A_182, %scan3A_183 : i32
      %scan3A_185 = arith.constant 1 : i32
      scf.for %scan3A_187 = %scan3A_182 to %scan3A_184 step %scan3A_185  : i32 {
        %get3A_188 = arith.index_cast %scan3A_187 : i32 to index
        %get3A_189 = arith.constant 0 : index
        %get3A_190 = tpu.vector_load %arg9[%get3A_188, %get3A_189] {strides = array<i32>} : memref<80x128xf32, #tpu.memory_space<vmem>>, vector<1x16xf32>,
        %get3A_191 = vector.shape_cast %get3A_190 : vector<1x16xf32> to vector<16xf32>
        %get3A_192 = arith.index_cast %scan3A_187 : i32 to index
        %get3A_193 = arith.constant 0 : index
        %get3A_194 = tpu.vector_load %arg10[%get3A_192, %get3A_193] {strides = array<i32>} : memref<80x128xf32, #tpu.memory_space<vmem>>, vector<1x16xf32>,
        %get3A_195 = vector.shape_cast %get3A_194 : vector<1x16xf32> to vector<16xf32>
        %add3A_196 = arith.addf %get3A_191, %get3A_195 : vector<16xf32>
        %max3A = arith.constant 0.000000e+00 : f32
        %max3A_197 = vector.broadcast %max3A : f32 to vector<16xf32>
        %max3A_198 = arith.maximumf %add3A_196, %max3A_197 : vector<16xf32>
        %swap3A_199 = arith.index_cast %scan3A_187 : i32 to index
        %swap3A_200 = arith.constant 0 : index
        %swap3A_201 = tpu.vector_load %arg9[%swap3A_199, %swap3A_200] {strides = array<i32>} : memref<80x128xf32, #tpu.memory_space<vmem>>, vector<1x16xf32>,
        %swap3A_202 = vector.shape_cast %swap3A_201 : vector<1x16xf32> to vector<16xf32>
        %swap3A_203 = vector.shape_cast %max3A_198 : vector<16xf32> to vector<1x16xf32>
        tpu.vector_store %arg9[%swap3A_199, %swap3A_200], %swap3A_203 {strides = array<i32>} : memref<80x128xf32, #tpu.memory_space<vmem>>, vector<1x16xf32>,
        %get3A_204 = arith.index_cast %scan3A_187 : i32 to index
        %get3A_205 = arith.constant 16 : index
        %get3A_206 = tpu.vector_load %arg9[%get3A_204, %get3A_205] {strides = array<i32>} : memref<80x128xf32, #tpu.memory_space<vmem>>, vector<1x16xf32>,
        %get3A_207 = vector.shape_cast %get3A_206 : vector<1x16xf32> to vector<16xf32>
        %get3A_208 = arith.index_cast %scan3A_187 : i32 to index
        %get3A_209 = arith.constant 16 : index
        %get3A_210 = tpu.vector_load %arg10[%get3A_208, %get3A_209] {strides = array<i32>} : memref<80x128xf32, #tpu.memory_space<vmem>>, vector<1x16xf32>,
        %get3A_211 = vector.shape_cast %get3A_210 : vector<1x16xf32> to vector<16xf32>
        %add3A_212 = arith.addf %get3A_207, %get3A_211 : vector<16xf32>
        %max3A_213 = arith.constant 0.000000e+00 : f32
        %max3A_214 = vector.broadcast %max3A_213 : f32 to vector<16xf32>
        %max3A_215 = arith.maximumf %add3A_212, %max3A_214 : vector<16xf32>
        %swap3A_216 = arith.index_cast %scan3A_187 : i32 to index
        %swap3A_217 = arith.constant 16 : index
        %swap3A_218 = tpu.vector_load %arg9[%swap3A_216, %swap3A_217] {strides = array<i32>} : memref<80x128xf32, #tpu.memory_space<vmem>>, vector<1x16xf32>,
        %swap3A_219 = vector.shape_cast %swap3A_218 : vector<1x16xf32> to vector<16xf32>
        %swap3A_220 = vector.shape_cast %max3A_215 : vector<16xf32> to vector<1x16xf32>
        tpu.vector_store %arg9[%swap3A_216, %swap3A_217], %swap3A_220 {strides = array<i32>} : memref<80x128xf32, #tpu.memory_space<vmem>>, vector<1x16xf32>,
        %get3A_221 = arith.index_cast %scan3A_187 : i32 to index
        %get3A_222 = arith.constant 32 : index
        %get3A_223 = tpu.vector_load %arg9[%get3A_221, %get3A_222] {strides = array<i32>} : memref<80x128xf32, #tpu.memory_space<vmem>>, vector<1x16xf32>,
        %get3A_224 = vector.shape_cast %get3A_223 : vector<1x16xf32> to vector<16xf32>
        %get3A_225 = arith.index_cast %scan3A_187 : i32 to index
        %get3A_226 = arith.constant 32 : index
        %get3A_227 = tpu.vector_load %arg10[%get3A_225, %get3A_226] {strides = array<i32>} : memref<80x128xf32, #tpu.memory_space<vmem>>, vector<1x16xf32>,
        %get3A_228 = vector.shape_cast %get3A_227 : vector<1x16xf32> to vector<16xf32>
        %add3A_229 = arith.addf %get3A_224, %get3A_228 : vector<16xf32>
        %max3A_230 = arith.constant 0.000000e+00 : f32
        %max3A_231 = vector.broadcast %max3A_230 : f32 to vector<16xf32>
        %max3A_232 = arith.maximumf %add3A_229, %max3A_231 : vector<16xf32>
        %swap3A_233 = arith.index_cast %scan3A_187 : i32 to index
        %swap3A_234 = arith.constant 32 : index
        %swap3A_235 = tpu.vector_load %arg9[%swap3A_233, %swap3A_234] {strides = array<i32>} : memref<80x128xf32, #tpu.memory_space<vmem>>, vector<1x16xf32>,
        %swap3A_236 = vector.shape_cast %swap3A_235 : vector<1x16xf32> to vector<16xf32>
        %swap3A_237 = vector.shape_cast %max3A_232 : vector<16xf32> to vector<1x16xf32>
        tpu.vector_store %arg9[%swap3A_233, %swap3A_234], %swap3A_237 {strides = array<i32>} : memref<80x128xf32, #tpu.memory_space<vmem>>, vector<1x16xf32>,
        %get3A_238 = arith.index_cast %scan3A_187 : i32 to index
        %get3A_239 = arith.constant 48 : index
        %get3A_240 = tpu.vector_load %arg9[%get3A_238, %get3A_239] {strides = array<i32>} : memref<80x128xf32, #tpu.memory_space<vmem>>, vector<1x16xf32>,
        %get3A_241 = vector.shape_cast %get3A_240 : vector<1x16xf32> to vector<16xf32>
        %get3A_242 = arith.index_cast %scan3A_187 : i32 to index
        %get3A_243 = arith.constant 48 : index
        %get3A_244 = tpu.vector_load %arg10[%get3A_242, %get3A_243] {strides = array<i32>} : memref<80x128xf32, #tpu.memory_space<vmem>>, vector<1x16xf32>,
        %get3A_245 = vector.shape_cast %get3A_244 : vector<1x16xf32> to vector<16xf32>
        %add3A_246 = arith.addf %get3A_241, %get3A_245 : vector<16xf32>
        %max3A_247 = arith.constant 0.000000e+00 : f32
        %max3A_248 = vector.broadcast %max3A_247 : f32 to vector<16xf32>
        %max3A_249 = arith.maximumf %add3A_246, %max3A_248 : vector<16xf32>
        %swap3A_250 = arith.index_cast %scan3A_187 : i32 to index
        %swap3A_251 = arith.constant 48 : index
        %swap3A_252 = tpu.vector_load %arg9[%swap3A_250, %swap3A_251] {strides = array<i32>} : memref<80x128xf32, #tpu.memory_space<vmem>>, vector<1x16xf32>,
        %swap3A_253 = vector.shape_cast %swap3A_252 : vector<1x16xf32> to vector<16xf32>
        %swap3A_254 = vector.shape_cast %max3A_249 : vector<16xf32> to vector<1x16xf32>
        tpu.vector_store %arg9[%swap3A_250, %swap3A_251], %swap3A_254 {strides = array<i32>} : memref<80x128xf32, #tpu.memory_space<vmem>>, vector<1x16xf32>,
        %get3A_255 = arith.index_cast %scan3A_187 : i32 to index
        %get3A_256 = arith.constant 64 : index
        %get3A_257 = tpu.vector_load %arg9[%get3A_255, %get3A_256] {strides = array<i32>} : memref<80x128xf32, #tpu.memory_space<vmem>>, vector<1x16xf32>,
        %get3A_258 = vector.shape_cast %get3A_257 : vector<1x16xf32> to vector<16xf32>
        %get3A_259 = arith.index_cast %scan3A_187 : i32 to index
        %get3A_260 = arith.constant 64 : index
        %get3A_261 = tpu.vector_load %arg10[%get3A_259, %get3A_260] {strides = array<i32>} : memref<80x128xf32, #tpu.memory_space<vmem>>, vector<1x16xf32>,
        %get3A_262 = vector.shape_cast %get3A_261 : vector<1x16xf32> to vector<16xf32>
        %add3A_263 = arith.addf %get3A_258, %get3A_262 : vector<16xf32>
        %max3A_264 = arith.constant 0.000000e+00 : f32
        %max3A_265 = vector.broadcast %max3A_264 : f32 to vector<16xf32>
        %max3A_266 = arith.maximumf %add3A_263, %max3A_265 : vector<16xf32>
        %swap3A_267 = arith.index_cast %scan3A_187 : i32 to index
        %swap3A_268 = arith.constant 64 : index
        %swap3A_269 = tpu.vector_load %arg9[%swap3A_267, %swap3A_268] {strides = array<i32>} : memref<80x128xf32, #tpu.memory_space<vmem>>, vector<1x16xf32>,
        %swap3A_270 = vector.shape_cast %swap3A_269 : vector<1x16xf32> to vector<16xf32>
        %swap3A_271 = vector.shape_cast %max3A_266 : vector<16xf32> to vector<1x16xf32>
        tpu.vector_store %arg9[%swap3A_267, %swap3A_268], %swap3A_271 {strides = array<i32>} : memref<80x128xf32, #tpu.memory_space<vmem>>, vector<1x16xf32>,
        %get3A_272 = arith.index_cast %scan3A_187 : i32 to index
        %get3A_273 = arith.constant 80 : index
        %get3A_274 = tpu.vector_load %arg9[%get3A_272, %get3A_273] {strides = array<i32>} : memref<80x128xf32, #tpu.memory_space<vmem>>, vector<1x16xf32>,
        %get3A_275 = vector.shape_cast %get3A_274 : vector<1x16xf32> to vector<16xf32>
        %get3A_276 = arith.index_cast %scan3A_187 : i32 to index
        %get3A_277 = arith.constant 80 : index
        %get3A_278 = tpu.vector_load %arg10[%get3A_276, %get3A_277] {strides = array<i32>} : memref<80x128xf32, #tpu.memory_space<vmem>>, vector<1x16xf32>,
        %get3A_279 = vector.shape_cast %get3A_278 : vector<1x16xf32> to vector<16xf32>
        %add3A_280 = arith.addf %get3A_275, %get3A_279 : vector<16xf32>
        %max3A_281 = arith.constant 0.000000e+00 : f32
        %max3A_282 = vector.broadcast %max3A_281 : f32 to vector<16xf32>
        %max3A_283 = arith.maximumf %add3A_280, %max3A_282 : vector<16xf32>
        %swap3A_284 = arith.index_cast %scan3A_187 : i32 to index
        %swap3A_285 = arith.constant 80 : index
        %swap3A_286 = tpu.vector_load %arg9[%swap3A_284, %swap3A_285] {strides = array<i32>} : memref<80x128xf32, #tpu.memory_space<vmem>>, vector<1x16xf32>,
        %swap3A_287 = vector.shape_cast %swap3A_286 : vector<1x16xf32> to vector<16xf32>
        %swap3A_288 = vector.shape_cast %max3A_283 : vector<16xf32> to vector<1x16xf32>
        tpu.vector_store %arg9[%swap3A_284, %swap3A_285], %swap3A_288 {strides = array<i32>} : memref<80x128xf32, #tpu.memory_space<vmem>>, vector<1x16xf32>,
        %get3A_289 = arith.index_cast %scan3A_187 : i32 to index
        %get3A_290 = arith.constant 96 : index
        %get3A_291 = tpu.vector_load %arg9[%get3A_289, %get3A_290] {strides = array<i32>} : memref<80x128xf32, #tpu.memory_space<vmem>>, vector<1x16xf32>,
        %get3A_292 = vector.shape_cast %get3A_291 : vector<1x16xf32> to vector<16xf32>
        %get3A_293 = arith.index_cast %scan3A_187 : i32 to index
        %get3A_294 = arith.constant 96 : index
        %get3A_295 = tpu.vector_load %arg10[%get3A_293, %get3A_294] {strides = array<i32>} : memref<80x128xf32, #tpu.memory_space<vmem>>, vector<1x16xf32>,
        %get3A_296 = vector.shape_cast %get3A_295 : vector<1x16xf32> to vector<16xf32>
        %add3A_297 = arith.addf %get3A_292, %get3A_296 : vector<16xf32>
        %max3A_298 = arith.constant 0.000000e+00 : f32
        %max3A_299 = vector.broadcast %max3A_298 : f32 to vector<16xf32>
        %max3A_300 = arith.maximumf %add3A_297, %max3A_299 : vector<16xf32>
        %swap3A_301 = arith.index_cast %scan3A_187 : i32 to index
        %swap3A_302 = arith.constant 96 : index
        %swap3A_303 = tpu.vector_load %arg9[%swap3A_301, %swap3A_302] {strides = array<i32>} : memref<80x128xf32, #tpu.memory_space<vmem>>, vector<1x16xf32>,
        %swap3A_304 = vector.shape_cast %swap3A_303 : vector<1x16xf32> to vector<16xf32>
        %swap3A_305 = vector.shape_cast %max3A_300 : vector<16xf32> to vector<1x16xf32>
        tpu.vector_store %arg9[%swap3A_301, %swap3A_302], %swap3A_305 {strides = array<i32>} : memref<80x128xf32, #tpu.memory_space<vmem>>, vector<1x16xf32>,
        %get3A_306 = arith.index_cast %scan3A_187 : i32 to index
        %get3A_307 = arith.constant 112 : index
        %get3A_308 = tpu.vector_load %arg9[%get3A_306, %get3A_307] {strides = array<i32>} : memref<80x128xf32, #tpu.memory_space<vmem>>, vector<1x16xf32>,
        %get3A_309 = vector.shape_cast %get3A_308 : vector<1x16xf32> to vector<16xf32>
        %get3A_310 = arith.index_cast %scan3A_187 : i32 to index
        %get3A_311 = arith.constant 112 : index
        %get3A_312 = tpu.vector_load %arg10[%get3A_310, %get3A_311] {strides = array<i32>} : memref<80x128xf32, #tpu.memory_space<vmem>>, vector<1x16xf32>,
        %get3A_313 = vector.shape_cast %get3A_312 : vector<1x16xf32> to vector<16xf32>
        %add3A_314 = arith.addf %get3A_309, %get3A_313 : vector<16xf32>
        %max3A_315 = arith.constant 0.000000e+00 : f32
        %max3A_316 = vector.broadcast %max3A_315 : f32 to vector<16xf32>
        %max3A_317 = arith.maximumf %add3A_314, %max3A_316 : vector<16xf32>
        %swap3A_318 = arith.index_cast %scan3A_187 : i32 to index
        %swap3A_319 = arith.constant 112 : index
        %swap3A_320 = tpu.vector_load %arg9[%swap3A_318, %swap3A_319] {strides = array<i32>} : memref<80x128xf32, #tpu.memory_space<vmem>>, vector<1x16xf32>,
        %swap3A_321 = vector.shape_cast %swap3A_320 : vector<1x16xf32> to vector<16xf32>
        %swap3A_322 = vector.shape_cast %max3A_317 : vector<16xf32> to vector<1x16xf32>
        tpu.vector_store %arg9[%swap3A_318, %swap3A_319], %swap3A_322 {strides = array<i32>} : memref<80x128xf32, #tpu.memory_space<vmem>>, vector<1x16xf32>,
      }
      %scan3A_186 = arith.constant 80 : i32
      "tpu.region"() ({
        %run_scoped3A = tpu.sem_alloc : memref<!tpu.dma_semaphore, #tpu.memory_space<semaphore_mem>>
        %dma_start3A_187 = arith.constant 0 : i32
        %dma_start3A_188 = arith.constant 0 : i32
        %dma_start3A_189 = tpu.memref_slice %arg17[%dma_start3A_187, %dma_start3A_188] : memref<10000x128xf32, #tpu.memory_space<vmem_shared>> -> memref<10000x128xf32, #tpu.memory_space<vmem_shared>>
        tpu.enqueue_indirect_dma source(%arg9 : memref<80x128xf32, #tpu.memory_space<vmem>>) target(%dma_start3A_189 : memref<10000x128xf32, #tpu.memory_space<vmem_shared>>) offsets(%arg5 : memref<80xi32, #tpu.memory_space<vmem>>) semaphore(%run_scoped3A : memref<!tpu.dma_semaphore, #tpu.memory_space<semaphore_mem>>) {add = true}
        %dma_wait3A_190 = arith.constant 0 : i32
        %dma_wait3A_191 = arith.constant 0 : i32
        %dma_wait3A_192 = tpu.memref_slice %arg17[%dma_wait3A_190, %dma_wait3A_191] : memref<10000x128xf32, #tpu.memory_space<vmem_shared>> -> memref<10000x128xf32, #tpu.memory_space<vmem_shared>>
        tpu.wait_indirect_dma semaphore(%run_scoped3A : memref<!tpu.dma_semaphore, #tpu.memory_space<semaphore_mem>>) src(%arg9 : memref<80x128xf32, #tpu.memory_space<vmem>>) dst(%dma_wait3A_192 : memref<10000x128xf32, #tpu.memory_space<vmem_shared>>)
        tpu.yield
      }) : () -> ()
    } else {
    }
    %barrier3A_104 = arith.constant 0 : index
    tpu.barrier barrier_id(%barrier3A_104)
    %while3A_105 = arith.constant 0 : i32
    %while3A_106 = arith.constant 0 : i32
    %while3A_107 = arith.subi %select_n3A, %while3A_106 : i32
    %while3A_108 = arith.addi %while3A_106, %while3A_107 : i32
    %while3A_109 = arith.constant 1 : i32
    %while3A_110 = arith.divsi %while3A_107, %while3A_109 : i32
    %while3A_111 = arith.muli %while3A_110, %while3A_109 : i32
    %while3A_112 = arith.addi %while3A_106, %while3A_111 : i32
    %while3A_113 = arith.constant 1 : i32
    scf.for %while3A_115 = %while3A_106 to %while3A_112 step %while3A_113  : i32 {
      %mul3A_116 = arith.constant 16 : i32
      %mul3A_117 = arith.muli %mul3A_116, %while3A_115 : i32
      %add3A_118 = arith.addi %arg1, %mul3A_117 : i32
      %mul3A_119 = arith.constant 80 : i32
      %mul3A_120 = arith.muli %add3A_118, %mul3A_119 : i32
      "tpu.region"() ({
        %run_scoped3A = tpu.sem_alloc : memref<!tpu.dma_semaphore, #tpu.memory_space<semaphore_mem>>
        %dma_start3A_126 = arith.constant 0 : i32
        %dma_start3A_127 = tpu.memref_slice %arg17[%mul3A_120, %dma_start3A_126] : memref<10000x128xf32, #tpu.memory_space<vmem_shared>> -> memref<80x128xf32, #tpu.memory_space<vmem_shared>>
        %dma_start3A_128 = arith.constant 0 : i32
        %dma_start3A_129 = tpu.memref_slice %arg17[%mul3A_120, %dma_start3A_128] : memref<10000x128xf32, #tpu.memory_space<vmem_shared>> -> memref<80x128xf32, #tpu.memory_space<vmem_shared>>
        tpu.enqueue_dma source(%dma_start3A_129 : memref<80x128xf32, #tpu.memory_space<vmem_shared>>) target(%arg9 : memref<80x128xf32, #tpu.memory_space<vmem>>) target_semaphore(%run_scoped3A : memref<!tpu.dma_semaphore, #tpu.memory_space<semaphore_mem>>)
        %dma_wait3A_130 = arith.constant 0 : i32
        %dma_wait3A_131 = tpu.memref_slice %arg17[%mul3A_120, %dma_wait3A_130] : memref<10000x128xf32, #tpu.memory_space<vmem_shared>> -> memref<80x128xf32, #tpu.memory_space<vmem_shared>>
        %dma_wait3A_132 = arith.constant 0 : i32
        %dma_wait3A_133 = tpu.memref_slice %arg17[%mul3A_120, %dma_wait3A_132] : memref<10000x128xf32, #tpu.memory_space<vmem_shared>> -> memref<80x128xf32, #tpu.memory_space<vmem_shared>>
        tpu.wait_dma2 semaphore(%run_scoped3A : memref<!tpu.dma_semaphore, #tpu.memory_space<semaphore_mem>>) src(%dma_wait3A_133 : memref<80x128xf32, #tpu.memory_space<vmem_shared>>) dst(%arg9 : memref<80x128xf32, #tpu.memory_space<vmem>>)
        tpu.yield
      }) : () -> ()
      %mul3A_121 = arith.constant 10000 : i32
      %mul3A_122 = arith.muli %arg0, %mul3A_121 : i32
      %mul3A_123 = arith.constant 80 : i32
      %mul3A_124 = arith.muli %add3A_118, %mul3A_123 : i32
      %add3A_125 = arith.addi %mul3A_122, %mul3A_124 : i32
      "tpu.region"() ({
        %run_scoped3A = tpu.sem_alloc : memref<!tpu.dma_semaphore, #tpu.memory_space<semaphore_mem>>
        %dma_start3A_126 = arith.constant 0 : i32
        %dma_start3A_127 = tpu.memref_slice %arg4[%add3A_125, %dma_start3A_126] : memref<20000x128xf32, #tpu.memory_space<hbm>> -> memref<80x128xf32, #tpu.memory_space<hbm>>
        %dma_start3A_128 = arith.constant 0 : i32
        %dma_start3A_129 = tpu.memref_slice %arg4[%add3A_125, %dma_start3A_128] : memref<20000x128xf32, #tpu.memory_space<hbm>> -> memref<80x128xf32, #tpu.memory_space<hbm>>
        tpu.enqueue_dma source(%arg9 : memref<80x128xf32, #tpu.memory_space<vmem>>) target(%dma_start3A_129 : memref<80x128xf32, #tpu.memory_space<hbm>>) target_semaphore(%run_scoped3A : memref<!tpu.dma_semaphore, #tpu.memory_space<semaphore_mem>>)
        %dma_wait3A_130 = arith.constant 0 : i32
        %dma_wait3A_131 = tpu.memref_slice %arg4[%add3A_125, %dma_wait3A_130] : memref<20000x128xf32, #tpu.memory_space<hbm>> -> memref<80x128xf32, #tpu.memory_space<hbm>>
        %dma_wait3A_132 = arith.constant 0 : i32
        %dma_wait3A_133 = tpu.memref_slice %arg4[%add3A_125, %dma_wait3A_132] : memref<20000x128xf32, #tpu.memory_space<hbm>> -> memref<80x128xf32, #tpu.memory_space<hbm>>
        tpu.wait_dma2 semaphore(%run_scoped3A : memref<!tpu.dma_semaphore, #tpu.memory_space<semaphore_mem>>) src(%arg9 : memref<80x128xf32, #tpu.memory_space<vmem>>) dst(%dma_wait3A_133 : memref<80x128xf32, #tpu.memory_space<hbm>>)
        tpu.yield
      }) : () -> ()
    }
    %while3A_114 = arith.constant 1 : i32
    scf.for %while3A_115 = %while3A_112 to %while3A_108 step %while3A_114  : i32 {
      %mul3A_116 = arith.constant 16 : i32
      %mul3A_117 = arith.muli %mul3A_116, %while3A_115 : i32
      %add3A_118 = arith.addi %arg1, %mul3A_117 : i32
      %mul3A_119 = arith.constant 80 : i32
      %mul3A_120 = arith.muli %add3A_118, %mul3A_119 : i32
      "tpu.region"() ({
        %run_scoped3A = tpu.sem_alloc : memref<!tpu.dma_semaphore, #tpu.memory_space<semaphore_mem>>
        %dma_start3A_126 = arith.constant 0 : i32
        %dma_start3A_127 = tpu.memref_slice %arg17[%mul3A_120, %dma_start3A_126] : memref<10000x128xf32, #tpu.memory_space<vmem_shared>> -> memref<80x128xf32, #tpu.memory_space<vmem_shared>>
        %dma_start3A_128 = arith.constant 0 : i32
        %dma_start3A_129 = tpu.memref_slice %arg17[%mul3A_120, %dma_start3A_128] : memref<10000x128xf32, #tpu.memory_space<vmem_shared>> -> memref<80x128xf32, #tpu.memory_space<vmem_shared>>
        tpu.enqueue_dma source(%dma_start3A_129 : memref<80x128xf32, #tpu.memory_space<vmem_shared>>) target(%arg9 : memref<80x128xf32, #tpu.memory_space<vmem>>) target_semaphore(%run_scoped3A : memref<!tpu.dma_semaphore, #tpu.memory_space<semaphore_mem>>)
        %dma_wait3A_130 = arith.constant 0 : i32
        %dma_wait3A_131 = tpu.memref_slice %arg17[%mul3A_120, %dma_wait3A_130] : memref<10000x128xf32, #tpu.memory_space<vmem_shared>> -> memref<80x128xf32, #tpu.memory_space<vmem_shared>>
        %dma_wait3A_132 = arith.constant 0 : i32
        %dma_wait3A_133 = tpu.memref_slice %arg17[%mul3A_120, %dma_wait3A_132] : memref<10000x128xf32, #tpu.memory_space<vmem_shared>> -> memref<80x128xf32, #tpu.memory_space<vmem_shared>>
        tpu.wait_dma2 semaphore(%run_scoped3A : memref<!tpu.dma_semaphore, #tpu.memory_space<semaphore_mem>>) src(%dma_wait3A_133 : memref<80x128xf32, #tpu.memory_space<vmem_shared>>) dst(%arg9 : memref<80x128xf32, #tpu.memory_space<vmem>>)
        tpu.yield
      }) : () -> ()
      %mul3A_121 = arith.constant 10000 : i32
      %mul3A_122 = arith.muli %arg0, %mul3A_121 : i32
      %mul3A_123 = arith.constant 80 : i32
      %mul3A_124 = arith.muli %add3A_118, %mul3A_123 : i32
      %add3A_125 = arith.addi %mul3A_122, %mul3A_124 : i32
      "tpu.region"() ({
        %run_scoped3A = tpu.sem_alloc : memref<!tpu.dma_semaphore, #tpu.memory_space<semaphore_mem>>
        %dma_start3A_126 = arith.constant 0 : i32
        %dma_start3A_127 = tpu.memref_slice %arg4[%add3A_125, %dma_start3A_126] : memref<20000x128xf32, #tpu.memory_space<hbm>> -> memref<80x128xf32, #tpu.memory_space<hbm>>
        %dma_start3A_128 = arith.constant 0 : i32
        %dma_start3A_129 = tpu.memref_slice %arg4[%add3A_125, %dma_start3A_128] : memref<20000x128xf32, #tpu.memory_space<hbm>> -> memref<80x128xf32, #tpu.memory_space<hbm>>
        tpu.enqueue_dma source(%arg9 : memref<80x128xf32, #tpu.memory_space<vmem>>) target(%dma_start3A_129 : memref<80x128xf32, #tpu.memory_space<hbm>>) target_semaphore(%run_scoped3A : memref<!tpu.dma_semaphore, #tpu.memory_space<semaphore_mem>>)
        %dma_wait3A_130 = arith.constant 0 : i32
        %dma_wait3A_131 = tpu.memref_slice %arg4[%add3A_125, %dma_wait3A_130] : memref<20000x128xf32, #tpu.memory_space<hbm>> -> memref<80x128xf32, #tpu.memory_space<hbm>>
        %dma_wait3A_132 = arith.constant 0 : i32
        %dma_wait3A_133 = tpu.memref_slice %arg4[%add3A_125, %dma_wait3A_132] : memref<20000x128xf32, #tpu.memory_space<hbm>> -> memref<80x128xf32, #tpu.memory_space<hbm>>
        tpu.wait_dma2 semaphore(%run_scoped3A : memref<!tpu.dma_semaphore, #tpu.memory_space<semaphore_mem>>) src(%arg9 : memref<80x128xf32, #tpu.memory_space<vmem>>) dst(%dma_wait3A_133 : memref<80x128xf32, #tpu.memory_space<hbm>>)
        tpu.yield
      }) : () -> ()
    }
    return
  }
}

module attributes {stable_mosaic.version = 14 : i64} {
  func.func @_init_body(%arg0: i32, %arg1: memref<1000x256xf32, #tpu.memory_space<vmem>>, %arg2: memref<256x256xf32, #tpu.memory_space<vmem>>, %arg3: memref<1x256xf32, #tpu.memory_space<vmem>>, %arg4: memref<256x256xf32, #tpu.memory_space<vmem>>, %arg5: memref<256x256xf32, #tpu.memory_space<vmem>>, %arg6: memref<1x256xf32, #tpu.memory_space<vmem>>, %arg7: memref<1000x256xf32, #tpu.memory_space<vmem>>, %arg8: memref<4x1000x128xf32, #tpu.memory_space<vmem>>) attributes {dimension_semantics = [#tpu.dimension_semantics<arbitrary>], iteration_bounds = array<i64: 10>, scalar_prefetch = 0 : i64, scratch_operands = 0 : i64, tpu.core_type = #tpu.core_type<tc>, window_params = [{transform_indices = @transform_0, window_bounds = array<i64: 1000, 256>}, {pipeline_mode = #tpu.pipeline_mode<synchronous>, transform_indices = @transform_1, window_bounds = array<i64: 256, 256>}, {pipeline_mode = #tpu.pipeline_mode<synchronous>, transform_indices = @transform_2, window_bounds = array<i64: 1, 256>}, {pipeline_mode = #tpu.pipeline_mode<synchronous>, transform_indices = @transform_3, window_bounds = array<i64: 256, 256>}, {pipeline_mode = #tpu.pipeline_mode<synchronous>, transform_indices = @transform_4, window_bounds = array<i64: 256, 256>}, {pipeline_mode = #tpu.pipeline_mode<synchronous>, transform_indices = @transform_5, window_bounds = array<i64: 1, 256>}, {transform_indices = @transform_6, window_bounds = array<i64: 1000, 256>}, {transform_indices = @transform_7, window_bounds = array<i64: 4, 1000, 128>}]} {
    %get3A = arith.constant 0 : index
    %get3A_0 = arith.constant 0 : index
    %get3A_1 = vector.load %arg1[%get3A, %get3A_0] : memref<1000x256xf32, #tpu.memory_space<vmem>>, vector<1000x256xf32>
    %get3A_2 = arith.constant 0 : index
    %get3A_3 = arith.constant 0 : index
    %get3A_4 = vector.load %arg2[%get3A_2, %get3A_3] : memref<256x256xf32, #tpu.memory_space<vmem>>, vector<256x256xf32>
    %dot_general3A = arith.constant dense<0.000000e+00> : vector<1000x256xf32>
    %dot_general3A_5 = tpu.matmul %get3A_1, %get3A_4, %dot_general3A {dimension_numbers = #tpu.dot_dimension_numbers<[1], [0], [0], [1], [0, 0, 1, 1], [], []>, transpose_lhs_hint = false} : vector<1000x256xf32>, vector<256x256xf32>, vector<1000x256xf32> -> vector<1000x256xf32>
    %get3A_6 = arith.constant 0 : index
    %get3A_7 = arith.constant 0 : index
    %get3A_8 = vector.load %arg3[%get3A_6, %get3A_7] : memref<1x256xf32, #tpu.memory_space<vmem>>, vector<1x256xf32>
    %add3A = vector.broadcast %get3A_8 : vector<1x256xf32> to vector<1000x256xf32>
    %add3A_9 = arith.addf %dot_general3A_5, %add3A : vector<1000x256xf32>
    %swap3A = arith.constant 0 : index
    %swap3A_10 = arith.constant 0 : index
    %swap3A_11 = vector.load %arg7[%swap3A, %swap3A_10] : memref<1000x256xf32, #tpu.memory_space<vmem>>, vector<1000x256xf32>
    tpu.vector_store %arg7[%swap3A, %swap3A_10], %add3A_9 {strides = array<i32>} : memref<1000x256xf32, #tpu.memory_space<vmem>>, vector<1000x256xf32>,
    %get3A_12 = arith.constant 0 : index
    %get3A_13 = arith.constant 0 : index
    %get3A_14 = vector.load %arg4[%get3A_12, %get3A_13] : memref<256x256xf32, #tpu.memory_space<vmem>>, vector<256x256xf32>
    %dot_general3A_15 = arith.constant dense<0.000000e+00> : vector<1000x256xf32>
    %dot_general3A_16 = tpu.matmul %add3A_9, %get3A_14, %dot_general3A_15 {dimension_numbers = #tpu.dot_dimension_numbers<[1], [0], [0], [1], [0, 0, 1, 1], [], []>, transpose_lhs_hint = false} : vector<1000x256xf32>, vector<256x256xf32>, vector<1000x256xf32> -> vector<1000x256xf32>
    %get3A_17 = arith.constant 0 : index
    %get3A_18 = arith.constant 0 : index
    %get3A_19 = vector.load %arg6[%get3A_17, %get3A_18] : memref<1x256xf32, #tpu.memory_space<vmem>>, vector<1x256xf32>
    %add3A_20 = vector.broadcast %get3A_19 : vector<1x256xf32> to vector<1000x256xf32>
    %add3A_21 = arith.addf %dot_general3A_16, %add3A_20 : vector<1000x256xf32>
    %get3A_22 = arith.constant 0 : index
    %get3A_23 = arith.constant 0 : index
    %get3A_24 = vector.load %arg5[%get3A_22, %get3A_23] : memref<256x256xf32, #tpu.memory_space<vmem>>, vector<256x256xf32>
    %dot_general3A_25 = arith.constant dense<0.000000e+00> : vector<1000x256xf32>
    %dot_general3A_26 = tpu.matmul %add3A_9, %get3A_24, %dot_general3A_25 {dimension_numbers = #tpu.dot_dimension_numbers<[1], [0], [0], [1], [0, 0, 1, 1], [], []>, transpose_lhs_hint = false} : vector<1000x256xf32>, vector<256x256xf32>, vector<1000x256xf32> -> vector<1000x256xf32>
    %slice3A = vector.extract_strided_slice %add3A_21 {offsets = [0, 0], sizes = [1000, 128], strides = [1, 1]} : vector<1000x256xf32> to vector<1000x128xf32>
    %swap3A_27 = arith.constant 0 : index
    %swap3A_28 = arith.constant 0 : index
    %swap3A_29 = arith.constant 0 : index
    %swap3A_30 = vector.load %arg8[%swap3A_27, %swap3A_28, %swap3A_29] : memref<4x1000x128xf32, #tpu.memory_space<vmem>>, vector<1x1000x128xf32>
    %swap3A_31 = vector.shape_cast %swap3A_30 : vector<1x1000x128xf32> to vector<1000x128xf32>
    %swap3A_32 = vector.shape_cast %slice3A : vector<1000x128xf32> to vector<1x1000x128xf32>
    tpu.vector_store %arg8[%swap3A_27, %swap3A_28, %swap3A_29], %swap3A_32 {strides = array<i32>} : memref<4x1000x128xf32, #tpu.memory_space<vmem>>, vector<1x1000x128xf32>,
    %slice3A_33 = vector.extract_strided_slice %add3A_21 {offsets = [0, 128], sizes = [1000, 128], strides = [1, 1]} : vector<1000x256xf32> to vector<1000x128xf32>
    %swap3A_34 = arith.constant 1 : index
    %swap3A_35 = arith.constant 0 : index
    %swap3A_36 = arith.constant 0 : index
    %swap3A_37 = vector.load %arg8[%swap3A_34, %swap3A_35, %swap3A_36] : memref<4x1000x128xf32, #tpu.memory_space<vmem>>, vector<1x1000x128xf32>
    %swap3A_38 = vector.shape_cast %swap3A_37 : vector<1x1000x128xf32> to vector<1000x128xf32>
    %swap3A_39 = vector.shape_cast %slice3A_33 : vector<1000x128xf32> to vector<1x1000x128xf32>
    tpu.vector_store %arg8[%swap3A_34, %swap3A_35, %swap3A_36], %swap3A_39 {strides = array<i32>} : memref<4x1000x128xf32, #tpu.memory_space<vmem>>, vector<1x1000x128xf32>,
    %slice3A_40 = vector.extract_strided_slice %dot_general3A_26 {offsets = [0, 0], sizes = [1000, 128], strides = [1, 1]} : vector<1000x256xf32> to vector<1000x128xf32>
    %swap3A_41 = arith.constant 2 : index
    %swap3A_42 = arith.constant 0 : index
    %swap3A_43 = arith.constant 0 : index
    %swap3A_44 = vector.load %arg8[%swap3A_41, %swap3A_42, %swap3A_43] : memref<4x1000x128xf32, #tpu.memory_space<vmem>>, vector<1x1000x128xf32>
    %swap3A_45 = vector.shape_cast %swap3A_44 : vector<1x1000x128xf32> to vector<1000x128xf32>
    %swap3A_46 = vector.shape_cast %slice3A_40 : vector<1000x128xf32> to vector<1x1000x128xf32>
    tpu.vector_store %arg8[%swap3A_41, %swap3A_42, %swap3A_43], %swap3A_46 {strides = array<i32>} : memref<4x1000x128xf32, #tpu.memory_space<vmem>>, vector<1x1000x128xf32>,
    %slice3A_47 = vector.extract_strided_slice %dot_general3A_26 {offsets = [0, 128], sizes = [1000, 128], strides = [1, 1]} : vector<1000x256xf32> to vector<1000x128xf32>
    %swap3A_48 = arith.constant 3 : index
    %swap3A_49 = arith.constant 0 : index
    %swap3A_50 = arith.constant 0 : index
    %swap3A_51 = vector.load %arg8[%swap3A_48, %swap3A_49, %swap3A_50] : memref<4x1000x128xf32, #tpu.memory_space<vmem>>, vector<1x1000x128xf32>
    %swap3A_52 = vector.shape_cast %swap3A_51 : vector<1x1000x128xf32> to vector<1000x128xf32>
    %swap3A_53 = vector.shape_cast %slice3A_47 : vector<1000x128xf32> to vector<1x1000x128xf32>
    tpu.vector_store %arg8[%swap3A_48, %swap3A_49, %swap3A_50], %swap3A_53 {strides = array<i32>} : memref<4x1000x128xf32, #tpu.memory_space<vmem>>, vector<1x1000x128xf32>,
    return
  }
  func.func @transform_0(%arg0: i32) -> (i32, i32) {
    %c0_i32 = arith.constant 0 : i32
    %c0_i32_0 = arith.constant 0 : i32
    return %arg0, %c0_i32 : i32, i32
  }
  func.func @transform_1(%arg0: i32) -> (i32, i32) {
    %c0_i32 = arith.constant 0 : i32
    %c0_i32_0 = arith.constant 0 : i32
    %c0_i32_1 = arith.constant 0 : i32
    return %c0_i32, %c0_i32_0 : i32, i32
  }
  func.func @transform_2(%arg0: i32) -> (i32, i32) {
    %c0_i32 = arith.constant 0 : i32
    %c0_i32_0 = arith.constant 0 : i32
    %c0_i32_1 = arith.constant 0 : i32
    return %c0_i32, %c0_i32_0 : i32, i32
  }
  func.func @transform_3(%arg0: i32) -> (i32, i32) {
    %c0_i32 = arith.constant 0 : i32
    %c0_i32_0 = arith.constant 0 : i32
    %c0_i32_1 = arith.constant 0 : i32
    return %c0_i32, %c0_i32_0 : i32, i32
  }
  func.func @transform_4(%arg0: i32) -> (i32, i32) {
    %c0_i32 = arith.constant 0 : i32
    %c0_i32_0 = arith.constant 0 : i32
    %c0_i32_1 = arith.constant 0 : i32
    return %c0_i32, %c0_i32_0 : i32, i32
  }
  func.func @transform_5(%arg0: i32) -> (i32, i32) {
    %c0_i32 = arith.constant 0 : i32
    %c0_i32_0 = arith.constant 0 : i32
    %c0_i32_1 = arith.constant 0 : i32
    return %c0_i32, %c0_i32_0 : i32, i32
  }
  func.func @transform_6(%arg0: i32) -> (i32, i32) {
    %c0_i32 = arith.constant 0 : i32
    %c0_i32_0 = arith.constant 0 : i32
    return %arg0, %c0_i32 : i32, i32
  }
  func.func @transform_7(%arg0: i32) -> (i32, i32, i32) {
    %c0_i32 = arith.constant 0 : i32
    %c0_i32_0 = arith.constant 0 : i32
    %c0_i32_1 = arith.constant 0 : i32
    return %c0_i32, %arg0, %c0_i32_0 : i32, i32, i32
  }
}

module attributes {stable_mosaic.version = 14 : i64} {
  func.func @_lambda_(%arg0: i32, %arg1: memref<2x1000x128xf32, #tpu.memory_space<vmem>>, %arg2: memref<1000x256xf32, #tpu.memory_space<vmem>>, %arg3: memref<256x768xf32, #tpu.memory_space<vmem>>, %arg4: memref<256x768xf32, #tpu.memory_space<vmem>>, %arg5: memref<1x768xf32, #tpu.memory_space<vmem>>, %arg6: memref<1x768xf32, #tpu.memory_space<vmem>>, %arg7: memref<256x256xf32, #tpu.memory_space<vmem>>, %arg8: memref<256x256xf32, #tpu.memory_space<vmem>>, %arg9: memref<1x256xf32, #tpu.memory_space<vmem>>, %arg10: memref<1000x256xf32, #tpu.memory_space<vmem>>, %arg11: memref<4x1000x128xf32, #tpu.memory_space<vmem>>) attributes {dimension_semantics = [#tpu.dimension_semantics<arbitrary>], iteration_bounds = array<i64: 10>, scalar_prefetch = 0 : i64, scratch_operands = 0 : i64, tpu.core_type = #tpu.core_type<tc>, window_params = [{transform_indices = @transform_0, window_bounds = array<i64: 2, 1000, 128>}, {transform_indices = @transform_1, window_bounds = array<i64: 1000, 256>}, {pipeline_mode = #tpu.pipeline_mode<synchronous>, transform_indices = @transform_2, window_bounds = array<i64: 256, 768>}, {pipeline_mode = #tpu.pipeline_mode<synchronous>, transform_indices = @transform_3, window_bounds = array<i64: 256, 768>}, {pipeline_mode = #tpu.pipeline_mode<synchronous>, transform_indices = @transform_4, window_bounds = array<i64: 1, 768>}, {pipeline_mode = #tpu.pipeline_mode<synchronous>, transform_indices = @transform_5, window_bounds = array<i64: 1, 768>}, {pipeline_mode = #tpu.pipeline_mode<synchronous>, transform_indices = @transform_6, window_bounds = array<i64: 256, 256>}, {pipeline_mode = #tpu.pipeline_mode<synchronous>, transform_indices = @transform_7, window_bounds = array<i64: 256, 256>}, {pipeline_mode = #tpu.pipeline_mode<synchronous>, transform_indices = @transform_8, window_bounds = array<i64: 1, 256>}, {transform_indices = @transform_9, window_bounds = array<i64: 1000, 256>}, {transform_indices = @transform_10, window_bounds = array<i64: 4, 1000, 128>}]} {
    %get3A = arith.constant 0 : index
    %get3A_0 = arith.constant 0 : index
    %get3A_1 = vector.load %arg2[%get3A, %get3A_0] : memref<1000x256xf32, #tpu.memory_space<vmem>>, vector<1000x256xf32>
    %get3A_2 = arith.constant 0 : index
    %get3A_3 = arith.constant 0 : index
    %get3A_4 = arith.constant 0 : index
    %get3A_5 = vector.load %arg1[%get3A_2, %get3A_3, %get3A_4] : memref<2x1000x128xf32, #tpu.memory_space<vmem>>, vector<1x1000x128xf32>
    %get3A_6 = vector.shape_cast %get3A_5 : vector<1x1000x128xf32> to vector<1000x128xf32>
    %get3A_7 = arith.constant 0 : index
    %get3A_8 = arith.constant 0 : index
    %get3A_9 = vector.load %arg3[%get3A_7, %get3A_8] : memref<256x768xf32, #tpu.memory_space<vmem>>, vector<128x768xf32>
    %dot_general3A = arith.constant dense<0.000000e+00> : vector<1000x768xf32>
    %dot_general3A_10 = tpu.matmul %get3A_6, %get3A_9, %dot_general3A {dimension_numbers = #tpu.dot_dimension_numbers<[1], [0], [0], [1], [0, 0, 1, 1], [], []>, transpose_lhs_hint = false} : vector<1000x128xf32>, vector<128x768xf32>, vector<1000x768xf32> -> vector<1000x768xf32>
    %get3A_11 = arith.constant 1 : index
    %get3A_12 = arith.constant 0 : index
    %get3A_13 = arith.constant 0 : index
    %get3A_14 = vector.load %arg1[%get3A_11, %get3A_12, %get3A_13] : memref<2x1000x128xf32, #tpu.memory_space<vmem>>, vector<1x1000x128xf32>
    %get3A_15 = vector.shape_cast %get3A_14 : vector<1x1000x128xf32> to vector<1000x128xf32>
    %get3A_16 = arith.constant 128 : index
    %get3A_17 = arith.constant 0 : index
    %get3A_18 = vector.load %arg3[%get3A_16, %get3A_17] : memref<256x768xf32, #tpu.memory_space<vmem>>, vector<128x768xf32>
    %dot_general3A_19 = arith.constant dense<0.000000e+00> : vector<1000x768xf32>
    %dot_general3A_20 = tpu.matmul %get3A_15, %get3A_18, %dot_general3A_19 {dimension_numbers = #tpu.dot_dimension_numbers<[1], [0], [0], [1], [0, 0, 1, 1], [], []>, transpose_lhs_hint = false} : vector<1000x128xf32>, vector<128x768xf32>, vector<1000x768xf32> -> vector<1000x768xf32>
    %add3A = arith.addf %dot_general3A_10, %dot_general3A_20 : vector<1000x768xf32>
    %get3A_21 = arith.constant 0 : index
    %get3A_22 = arith.constant 0 : index
    %get3A_23 = vector.load %arg5[%get3A_21, %get3A_22] : memref<1x768xf32, #tpu.memory_space<vmem>>, vector<1x768xf32>
    %add3A_24 = vector.broadcast %get3A_23 : vector<1x768xf32> to vector<1000x768xf32>
    %add3A_25 = arith.addf %add3A, %add3A_24 : vector<1000x768xf32>
    %get3A_26 = arith.constant 0 : index
    %get3A_27 = arith.constant 0 : index
    %get3A_28 = vector.load %arg4[%get3A_26, %get3A_27] : memref<256x768xf32, #tpu.memory_space<vmem>>, vector<256x768xf32>
    %dot_general3A_29 = arith.constant dense<0.000000e+00> : vector<1000x768xf32>
    %dot_general3A_30 = tpu.matmul %get3A_1, %get3A_28, %dot_general3A_29 {dimension_numbers = #tpu.dot_dimension_numbers<[1], [0], [0], [1], [0, 0, 1, 1], [], []>, transpose_lhs_hint = false} : vector<1000x256xf32>, vector<256x768xf32>, vector<1000x768xf32> -> vector<1000x768xf32>
    %get3A_31 = arith.constant 0 : index
    %get3A_32 = arith.constant 0 : index
    %get3A_33 = vector.load %arg6[%get3A_31, %get3A_32] : memref<1x768xf32, #tpu.memory_space<vmem>>, vector<1x768xf32>
    %add3A_34 = vector.broadcast %get3A_33 : vector<1x768xf32> to vector<1000x768xf32>
    %add3A_35 = arith.addf %dot_general3A_30, %add3A_34 : vector<1000x768xf32>
    %slice3A = vector.extract_strided_slice %add3A_25 {offsets = [0, 0], sizes = [1000, 256], strides = [1, 1]} : vector<1000x768xf32> to vector<1000x256xf32>
    %slice3A_36 = vector.extract_strided_slice %add3A_35 {offsets = [0, 0], sizes = [1000, 256], strides = [1, 1]} : vector<1000x768xf32> to vector<1000x256xf32>
    %add3A_37 = arith.addf %slice3A, %slice3A_36 : vector<1000x256xf32>
    %logistic3A = arith.negf %add3A_37 : vector<1000x256xf32>
    %logistic3A_38 = math.exp %logistic3A : vector<1000x256xf32>
    %logistic3A_39 = arith.constant 1.000000e+00 : f32
    %logistic3A_40 = vector.broadcast %logistic3A_39 : f32 to vector<1000x256xf32>
    %logistic3A_41 = arith.addf %logistic3A_40, %logistic3A_38 : vector<1000x256xf32>
    %logistic3A_42 = arith.divf %logistic3A_40, %logistic3A_41 : vector<1000x256xf32>
    %slice3A_43 = vector.extract_strided_slice %add3A_25 {offsets = [0, 256], sizes = [1000, 256], strides = [1, 1]} : vector<1000x768xf32> to vector<1000x256xf32>
    %slice3A_44 = vector.extract_strided_slice %add3A_35 {offsets = [0, 256], sizes = [1000, 256], strides = [1, 1]} : vector<1000x768xf32> to vector<1000x256xf32>
    %add3A_45 = arith.addf %slice3A_43, %slice3A_44 : vector<1000x256xf32>
    %logistic3A_46 = arith.negf %add3A_45 : vector<1000x256xf32>
    %logistic3A_47 = math.exp %logistic3A_46 : vector<1000x256xf32>
    %logistic3A_48 = arith.constant 1.000000e+00 : f32
    %logistic3A_49 = vector.broadcast %logistic3A_48 : f32 to vector<1000x256xf32>
    %logistic3A_50 = arith.addf %logistic3A_49, %logistic3A_47 : vector<1000x256xf32>
    %logistic3A_51 = arith.divf %logistic3A_49, %logistic3A_50 : vector<1000x256xf32>
    %slice3A_52 = vector.extract_strided_slice %add3A_25 {offsets = [0, 512], sizes = [1000, 256], strides = [1, 1]} : vector<1000x768xf32> to vector<1000x256xf32>
    %slice3A_53 = vector.extract_strided_slice %add3A_35 {offsets = [0, 512], sizes = [1000, 256], strides = [1, 1]} : vector<1000x768xf32> to vector<1000x256xf32>
    %mul3A = arith.mulf %logistic3A_42, %slice3A_53 : vector<1000x256xf32>
    %add3A_54 = arith.addf %slice3A_52, %mul3A : vector<1000x256xf32>
    %tanh3A = math.tanh %add3A_54 : vector<1000x256xf32>
    %sub3A = arith.constant 1.000000e+00 : f32
    %sub3A_55 = vector.broadcast %sub3A : f32 to vector<1000x256xf32>
    %sub3A_56 = arith.subf %sub3A_55, %logistic3A_51 : vector<1000x256xf32>
    %mul3A_57 = arith.mulf %sub3A_56, %tanh3A : vector<1000x256xf32>
    %mul3A_58 = arith.mulf %logistic3A_51, %get3A_1 : vector<1000x256xf32>
    %add3A_59 = arith.addf %mul3A_57, %mul3A_58 : vector<1000x256xf32>
    %swap3A = arith.constant 0 : index
    %swap3A_60 = arith.constant 0 : index
    %swap3A_61 = vector.load %arg10[%swap3A, %swap3A_60] : memref<1000x256xf32, #tpu.memory_space<vmem>>, vector<1000x256xf32>
    tpu.vector_store %arg10[%swap3A, %swap3A_60], %add3A_59 {strides = array<i32>} : memref<1000x256xf32, #tpu.memory_space<vmem>>, vector<1000x256xf32>,
    %get3A_62 = arith.constant 0 : index
    %get3A_63 = arith.constant 0 : index
    %get3A_64 = vector.load %arg7[%get3A_62, %get3A_63] : memref<256x256xf32, #tpu.memory_space<vmem>>, vector<256x256xf32>
    %dot_general3A_65 = arith.constant dense<0.000000e+00> : vector<1000x256xf32>
    %dot_general3A_66 = tpu.matmul %add3A_59, %get3A_64, %dot_general3A_65 {dimension_numbers = #tpu.dot_dimension_numbers<[1], [0], [0], [1], [0, 0, 1, 1], [], []>, transpose_lhs_hint = false} : vector<1000x256xf32>, vector<256x256xf32>, vector<1000x256xf32> -> vector<1000x256xf32>
    %get3A_67 = arith.constant 0 : index
    %get3A_68 = arith.constant 0 : index
    %get3A_69 = vector.load %arg9[%get3A_67, %get3A_68] : memref<1x256xf32, #tpu.memory_space<vmem>>, vector<1x256xf32>
    %add3A_70 = vector.broadcast %get3A_69 : vector<1x256xf32> to vector<1000x256xf32>
    %add3A_71 = arith.addf %dot_general3A_66, %add3A_70 : vector<1000x256xf32>
    %get3A_72 = arith.constant 0 : index
    %get3A_73 = arith.constant 0 : index
    %get3A_74 = vector.load %arg8[%get3A_72, %get3A_73] : memref<256x256xf32, #tpu.memory_space<vmem>>, vector<256x256xf32>
    %dot_general3A_75 = arith.constant dense<0.000000e+00> : vector<1000x256xf32>
    %dot_general3A_76 = tpu.matmul %add3A_59, %get3A_74, %dot_general3A_75 {dimension_numbers = #tpu.dot_dimension_numbers<[1], [0], [0], [1], [0, 0, 1, 1], [], []>, transpose_lhs_hint = false} : vector<1000x256xf32>, vector<256x256xf32>, vector<1000x256xf32> -> vector<1000x256xf32>
    %slice3A_77 = vector.extract_strided_slice %add3A_71 {offsets = [0, 0], sizes = [1000, 128], strides = [1, 1]} : vector<1000x256xf32> to vector<1000x128xf32>
    %swap3A_78 = arith.constant 0 : index
    %swap3A_79 = arith.constant 0 : index
    %swap3A_80 = arith.constant 0 : index
    %swap3A_81 = vector.load %arg11[%swap3A_78, %swap3A_79, %swap3A_80] : memref<4x1000x128xf32, #tpu.memory_space<vmem>>, vector<1x1000x128xf32>
    %swap3A_82 = vector.shape_cast %swap3A_81 : vector<1x1000x128xf32> to vector<1000x128xf32>
    %swap3A_83 = vector.shape_cast %slice3A_77 : vector<1000x128xf32> to vector<1x1000x128xf32>
    tpu.vector_store %arg11[%swap3A_78, %swap3A_79, %swap3A_80], %swap3A_83 {strides = array<i32>} : memref<4x1000x128xf32, #tpu.memory_space<vmem>>, vector<1x1000x128xf32>,
    %slice3A_84 = vector.extract_strided_slice %add3A_71 {offsets = [0, 128], sizes = [1000, 128], strides = [1, 1]} : vector<1000x256xf32> to vector<1000x128xf32>
    %swap3A_85 = arith.constant 1 : index
    %swap3A_86 = arith.constant 0 : index
    %swap3A_87 = arith.constant 0 : index
    %swap3A_88 = vector.load %arg11[%swap3A_85, %swap3A_86, %swap3A_87] : memref<4x1000x128xf32, #tpu.memory_space<vmem>>, vector<1x1000x128xf32>
    %swap3A_89 = vector.shape_cast %swap3A_88 : vector<1x1000x128xf32> to vector<1000x128xf32>
    %swap3A_90 = vector.shape_cast %slice3A_84 : vector<1000x128xf32> to vector<1x1000x128xf32>
    tpu.vector_store %arg11[%swap3A_85, %swap3A_86, %swap3A_87], %swap3A_90 {strides = array<i32>} : memref<4x1000x128xf32, #tpu.memory_space<vmem>>, vector<1x1000x128xf32>,
    %slice3A_91 = vector.extract_strided_slice %dot_general3A_76 {offsets = [0, 0], sizes = [1000, 128], strides = [1, 1]} : vector<1000x256xf32> to vector<1000x128xf32>
    %swap3A_92 = arith.constant 2 : index
    %swap3A_93 = arith.constant 0 : index
    %swap3A_94 = arith.constant 0 : index
    %swap3A_95 = vector.load %arg11[%swap3A_92, %swap3A_93, %swap3A_94] : memref<4x1000x128xf32, #tpu.memory_space<vmem>>, vector<1x1000x128xf32>
    %swap3A_96 = vector.shape_cast %swap3A_95 : vector<1x1000x128xf32> to vector<1000x128xf32>
    %swap3A_97 = vector.shape_cast %slice3A_91 : vector<1000x128xf32> to vector<1x1000x128xf32>
    tpu.vector_store %arg11[%swap3A_92, %swap3A_93, %swap3A_94], %swap3A_97 {strides = array<i32>} : memref<4x1000x128xf32, #tpu.memory_space<vmem>>, vector<1x1000x128xf32>,
    %slice3A_98 = vector.extract_strided_slice %dot_general3A_76 {offsets = [0, 128], sizes = [1000, 128], strides = [1, 1]} : vector<1000x256xf32> to vector<1000x128xf32>
    %swap3A_99 = arith.constant 3 : index
    %swap3A_100 = arith.constant 0 : index
    %swap3A_101 = arith.constant 0 : index
    %swap3A_102 = vector.load %arg11[%swap3A_99, %swap3A_100, %swap3A_101] : memref<4x1000x128xf32, #tpu.memory_space<vmem>>, vector<1x1000x128xf32>
    %swap3A_103 = vector.shape_cast %swap3A_102 : vector<1x1000x128xf32> to vector<1000x128xf32>
    %swap3A_104 = vector.shape_cast %slice3A_98 : vector<1000x128xf32> to vector<1x1000x128xf32>
    tpu.vector_store %arg11[%swap3A_99, %swap3A_100, %swap3A_101], %swap3A_104 {strides = array<i32>} : memref<4x1000x128xf32, #tpu.memory_space<vmem>>, vector<1x1000x128xf32>,
    return
  }
  func.func @transform_0(%arg0: i32) -> (i32, i32, i32) {
    %c0_i32 = arith.constant 0 : i32
    %c0_i32_0 = arith.constant 0 : i32
    %c0_i32_1 = arith.constant 0 : i32
    return %c0_i32, %arg0, %c0_i32_0 : i32, i32, i32
  }
  func.func @transform_1(%arg0: i32) -> (i32, i32) {
    %c0_i32 = arith.constant 0 : i32
    %c0_i32_0 = arith.constant 0 : i32
    return %arg0, %c0_i32 : i32, i32
  }
  func.func @transform_2(%arg0: i32) -> (i32, i32) {
    %c0_i32 = arith.constant 0 : i32
    %c0_i32_0 = arith.constant 0 : i32
    %c0_i32_1 = arith.constant 0 : i32
    return %c0_i32, %c0_i32_0 : i32, i32
  }
  func.func @transform_3(%arg0: i32) -> (i32, i32) {
    %c0_i32 = arith.constant 0 : i32
    %c0_i32_0 = arith.constant 0 : i32
    %c0_i32_1 = arith.constant 0 : i32
    return %c0_i32, %c0_i32_0 : i32, i32
  }
  func.func @transform_4(%arg0: i32) -> (i32, i32) {
    %c0_i32 = arith.constant 0 : i32
    %c0_i32_0 = arith.constant 0 : i32
    %c0_i32_1 = arith.constant 0 : i32
    return %c0_i32, %c0_i32_0 : i32, i32
  }
  func.func @transform_5(%arg0: i32) -> (i32, i32) {
    %c0_i32 = arith.constant 0 : i32
    %c0_i32_0 = arith.constant 0 : i32
    %c0_i32_1 = arith.constant 0 : i32
    return %c0_i32, %c0_i32_0 : i32, i32
  }
  func.func @transform_6(%arg0: i32) -> (i32, i32) {
    %c0_i32 = arith.constant 0 : i32
    %c0_i32_0 = arith.constant 0 : i32
    %c0_i32_1 = arith.constant 0 : i32
    return %c0_i32, %c0_i32_0 : i32, i32
  }
  func.func @transform_7(%arg0: i32) -> (i32, i32) {
    %c0_i32 = arith.constant 0 : i32
    %c0_i32_0 = arith.constant 0 : i32
    %c0_i32_1 = arith.constant 0 : i32
    return %c0_i32, %c0_i32_0 : i32, i32
  }
  func.func @transform_8(%arg0: i32) -> (i32, i32) {
    %c0_i32 = arith.constant 0 : i32
    %c0_i32_0 = arith.constant 0 : i32
    %c0_i32_1 = arith.constant 0 : i32
    return %c0_i32, %c0_i32_0 : i32, i32
  }
  func.func @transform_9(%arg0: i32) -> (i32, i32) {
    %c0_i32 = arith.constant 0 : i32
    %c0_i32_0 = arith.constant 0 : i32
    return %arg0, %c0_i32 : i32, i32
  }
  func.func @transform_10(%arg0: i32) -> (i32, i32, i32) {
    %c0_i32 = arith.constant 0 : i32
    %c0_i32_0 = arith.constant 0 : i32
    %c0_i32_1 = arith.constant 0 : i32
    return %c0_i32, %arg0, %c0_i32_0 : i32, i32, i32
  }
}

module attributes {stable_mosaic.version = 14 : i64} {
  func.func @_lambda_(%arg0: i32, %arg1: memref<2x1000x128xf32, #tpu.memory_space<vmem>>, %arg2: memref<1000x256xf32, #tpu.memory_space<vmem>>, %arg3: memref<256x768xf32, #tpu.memory_space<vmem>>, %arg4: memref<256x768xf32, #tpu.memory_space<vmem>>, %arg5: memref<1x768xf32, #tpu.memory_space<vmem>>, %arg6: memref<1x768xf32, #tpu.memory_space<vmem>>, %arg7: memref<1000x256xf32, #tpu.memory_space<vmem>>) attributes {dimension_semantics = [#tpu.dimension_semantics<arbitrary>], iteration_bounds = array<i64: 10>, scalar_prefetch = 0 : i64, scratch_operands = 0 : i64, tpu.core_type = #tpu.core_type<tc>, window_params = [{transform_indices = @transform_0, window_bounds = array<i64: 2, 1000, 128>}, {transform_indices = @transform_1, window_bounds = array<i64: 1000, 256>}, {pipeline_mode = #tpu.pipeline_mode<synchronous>, transform_indices = @transform_2, window_bounds = array<i64: 256, 768>}, {pipeline_mode = #tpu.pipeline_mode<synchronous>, transform_indices = @transform_3, window_bounds = array<i64: 256, 768>}, {pipeline_mode = #tpu.pipeline_mode<synchronous>, transform_indices = @transform_4, window_bounds = array<i64: 1, 768>}, {pipeline_mode = #tpu.pipeline_mode<synchronous>, transform_indices = @transform_5, window_bounds = array<i64: 1, 768>}, {transform_indices = @transform_6, window_bounds = array<i64: 1000, 256>}]} {
    %get3A = arith.constant 0 : index
    %get3A_0 = arith.constant 0 : index
    %get3A_1 = vector.load %arg2[%get3A, %get3A_0] : memref<1000x256xf32, #tpu.memory_space<vmem>>, vector<1000x256xf32>
    %get3A_2 = arith.constant 0 : index
    %get3A_3 = arith.constant 0 : index
    %get3A_4 = arith.constant 0 : index
    %get3A_5 = vector.load %arg1[%get3A_2, %get3A_3, %get3A_4] : memref<2x1000x128xf32, #tpu.memory_space<vmem>>, vector<1x1000x128xf32>
    %get3A_6 = vector.shape_cast %get3A_5 : vector<1x1000x128xf32> to vector<1000x128xf32>
    %get3A_7 = arith.constant 0 : index
    %get3A_8 = arith.constant 0 : index
    %get3A_9 = vector.load %arg3[%get3A_7, %get3A_8] : memref<256x768xf32, #tpu.memory_space<vmem>>, vector<128x768xf32>
    %dot_general3A = arith.constant dense<0.000000e+00> : vector<1000x768xf32>
    %dot_general3A_10 = tpu.matmul %get3A_6, %get3A_9, %dot_general3A {dimension_numbers = #tpu.dot_dimension_numbers<[1], [0], [0], [1], [0, 0, 1, 1], [], []>, transpose_lhs_hint = false} : vector<1000x128xf32>, vector<128x768xf32>, vector<1000x768xf32> -> vector<1000x768xf32>
    %get3A_11 = arith.constant 1 : index
    %get3A_12 = arith.constant 0 : index
    %get3A_13 = arith.constant 0 : index
    %get3A_14 = vector.load %arg1[%get3A_11, %get3A_12, %get3A_13] : memref<2x1000x128xf32, #tpu.memory_space<vmem>>, vector<1x1000x128xf32>
    %get3A_15 = vector.shape_cast %get3A_14 : vector<1x1000x128xf32> to vector<1000x128xf32>
    %get3A_16 = arith.constant 128 : index
    %get3A_17 = arith.constant 0 : index
    %get3A_18 = vector.load %arg3[%get3A_16, %get3A_17] : memref<256x768xf32, #tpu.memory_space<vmem>>, vector<128x768xf32>
    %dot_general3A_19 = arith.constant dense<0.000000e+00> : vector<1000x768xf32>
    %dot_general3A_20 = tpu.matmul %get3A_15, %get3A_18, %dot_general3A_19 {dimension_numbers = #tpu.dot_dimension_numbers<[1], [0], [0], [1], [0, 0, 1, 1], [], []>, transpose_lhs_hint = false} : vector<1000x128xf32>, vector<128x768xf32>, vector<1000x768xf32> -> vector<1000x768xf32>
    %add3A = arith.addf %dot_general3A_10, %dot_general3A_20 : vector<1000x768xf32>
    %get3A_21 = arith.constant 0 : index
    %get3A_22 = arith.constant 0 : index
    %get3A_23 = vector.load %arg5[%get3A_21, %get3A_22] : memref<1x768xf32, #tpu.memory_space<vmem>>, vector<1x768xf32>
    %add3A_24 = vector.broadcast %get3A_23 : vector<1x768xf32> to vector<1000x768xf32>
    %add3A_25 = arith.addf %add3A, %add3A_24 : vector<1000x768xf32>
    %get3A_26 = arith.constant 0 : index
    %get3A_27 = arith.constant 0 : index
    %get3A_28 = vector.load %arg4[%get3A_26, %get3A_27] : memref<256x768xf32, #tpu.memory_space<vmem>>, vector<256x768xf32>
    %dot_general3A_29 = arith.constant dense<0.000000e+00> : vector<1000x768xf32>
    %dot_general3A_30 = tpu.matmul %get3A_1, %get3A_28, %dot_general3A_29 {dimension_numbers = #tpu.dot_dimension_numbers<[1], [0], [0], [1], [0, 0, 1, 1], [], []>, transpose_lhs_hint = false} : vector<1000x256xf32>, vector<256x768xf32>, vector<1000x768xf32> -> vector<1000x768xf32>
    %get3A_31 = arith.constant 0 : index
    %get3A_32 = arith.constant 0 : index
    %get3A_33 = vector.load %arg6[%get3A_31, %get3A_32] : memref<1x768xf32, #tpu.memory_space<vmem>>, vector<1x768xf32>
    %add3A_34 = vector.broadcast %get3A_33 : vector<1x768xf32> to vector<1000x768xf32>
    %add3A_35 = arith.addf %dot_general3A_30, %add3A_34 : vector<1000x768xf32>
    %slice3A = vector.extract_strided_slice %add3A_25 {offsets = [0, 0], sizes = [1000, 256], strides = [1, 1]} : vector<1000x768xf32> to vector<1000x256xf32>
    %slice3A_36 = vector.extract_strided_slice %add3A_35 {offsets = [0, 0], sizes = [1000, 256], strides = [1, 1]} : vector<1000x768xf32> to vector<1000x256xf32>
    %add3A_37 = arith.addf %slice3A, %slice3A_36 : vector<1000x256xf32>
    %logistic3A = arith.negf %add3A_37 : vector<1000x256xf32>
    %logistic3A_38 = math.exp %logistic3A : vector<1000x256xf32>
    %logistic3A_39 = arith.constant 1.000000e+00 : f32
    %logistic3A_40 = vector.broadcast %logistic3A_39 : f32 to vector<1000x256xf32>
    %logistic3A_41 = arith.addf %logistic3A_40, %logistic3A_38 : vector<1000x256xf32>
    %logistic3A_42 = arith.divf %logistic3A_40, %logistic3A_41 : vector<1000x256xf32>
    %slice3A_43 = vector.extract_strided_slice %add3A_25 {offsets = [0, 256], sizes = [1000, 256], strides = [1, 1]} : vector<1000x768xf32> to vector<1000x256xf32>
    %slice3A_44 = vector.extract_strided_slice %add3A_35 {offsets = [0, 256], sizes = [1000, 256], strides = [1, 1]} : vector<1000x768xf32> to vector<1000x256xf32>
    %add3A_45 = arith.addf %slice3A_43, %slice3A_44 : vector<1000x256xf32>
    %logistic3A_46 = arith.negf %add3A_45 : vector<1000x256xf32>
    %logistic3A_47 = math.exp %logistic3A_46 : vector<1000x256xf32>
    %logistic3A_48 = arith.constant 1.000000e+00 : f32
    %logistic3A_49 = vector.broadcast %logistic3A_48 : f32 to vector<1000x256xf32>
    %logistic3A_50 = arith.addf %logistic3A_49, %logistic3A_47 : vector<1000x256xf32>
    %logistic3A_51 = arith.divf %logistic3A_49, %logistic3A_50 : vector<1000x256xf32>
    %slice3A_52 = vector.extract_strided_slice %add3A_25 {offsets = [0, 512], sizes = [1000, 256], strides = [1, 1]} : vector<1000x768xf32> to vector<1000x256xf32>
    %slice3A_53 = vector.extract_strided_slice %add3A_35 {offsets = [0, 512], sizes = [1000, 256], strides = [1, 1]} : vector<1000x768xf32> to vector<1000x256xf32>
    %mul3A = arith.mulf %logistic3A_42, %slice3A_53 : vector<1000x256xf32>
    %add3A_54 = arith.addf %slice3A_52, %mul3A : vector<1000x256xf32>
    %tanh3A = math.tanh %add3A_54 : vector<1000x256xf32>
    %sub3A = arith.constant 1.000000e+00 : f32
    %sub3A_55 = vector.broadcast %sub3A : f32 to vector<1000x256xf32>
    %sub3A_56 = arith.subf %sub3A_55, %logistic3A_51 : vector<1000x256xf32>
    %mul3A_57 = arith.mulf %sub3A_56, %tanh3A : vector<1000x256xf32>
    %mul3A_58 = arith.mulf %logistic3A_51, %get3A_1 : vector<1000x256xf32>
    %add3A_59 = arith.addf %mul3A_57, %mul3A_58 : vector<1000x256xf32>
    %swap3A = arith.constant 0 : index
    %swap3A_60 = arith.constant 0 : index
    %swap3A_61 = vector.load %arg7[%swap3A, %swap3A_60] : memref<1000x256xf32, #tpu.memory_space<vmem>>, vector<1000x256xf32>
    tpu.vector_store %arg7[%swap3A, %swap3A_60], %add3A_59 {strides = array<i32>} : memref<1000x256xf32, #tpu.memory_space<vmem>>, vector<1000x256xf32>,
    return
  }
  func.func @transform_0(%arg0: i32) -> (i32, i32, i32) {
    %c0_i32 = arith.constant 0 : i32
    %c0_i32_0 = arith.constant 0 : i32
    %c0_i32_1 = arith.constant 0 : i32
    return %c0_i32, %arg0, %c0_i32_0 : i32, i32, i32
  }
  func.func @transform_1(%arg0: i32) -> (i32, i32) {
    %c0_i32 = arith.constant 0 : i32
    %c0_i32_0 = arith.constant 0 : i32
    return %arg0, %c0_i32 : i32, i32
  }
  func.func @transform_2(%arg0: i32) -> (i32, i32) {
    %c0_i32 = arith.constant 0 : i32
    %c0_i32_0 = arith.constant 0 : i32
    %c0_i32_1 = arith.constant 0 : i32
    return %c0_i32, %c0_i32_0 : i32, i32
  }
  func.func @transform_3(%arg0: i32) -> (i32, i32) {
    %c0_i32 = arith.constant 0 : i32
    %c0_i32_0 = arith.constant 0 : i32
    %c0_i32_1 = arith.constant 0 : i32
    return %c0_i32, %c0_i32_0 : i32, i32
  }
  func.func @transform_4(%arg0: i32) -> (i32, i32) {
    %c0_i32 = arith.constant 0 : i32
    %c0_i32_0 = arith.constant 0 : i32
    %c0_i32_1 = arith.constant 0 : i32
    return %c0_i32, %c0_i32_0 : i32, i32
  }
  func.func @transform_5(%arg0: i32) -> (i32, i32) {
    %c0_i32 = arith.constant 0 : i32
    %c0_i32_0 = arith.constant 0 : i32
    %c0_i32_1 = arith.constant 0 : i32
    return %c0_i32, %c0_i32_0 : i32, i32
  }
  func.func @transform_6(%arg0: i32) -> (i32, i32) {
    %c0_i32 = arith.constant 0 : i32
    %c0_i32_0 = arith.constant 0 : i32
    return %arg0, %c0_i32 : i32, i32
  }
}

module attributes {stable_mosaic.version = 14 : i64} {
  func.func @_pool_body(%arg0: i32, %arg1: memref<1000x256xf32, #tpu.memory_space<vmem>>, %arg2: memref<1x1x1000xi32, #tpu.memory_space<vmem>>, %arg3: memref<256x1xf32, #tpu.memory_space<vmem>>, %arg4: memref<1x1xf32, #tpu.memory_space<vmem>>, %arg5: memref<64x1xf32, #tpu.memory_space<vmem>>, %arg6: memref<64x1xf32, #tpu.memory_space<vmem>>, %arg7: memref<64x1xf32, #tpu.memory_space<vmem>>) attributes {dimension_semantics = [#tpu.dimension_semantics<arbitrary>], iteration_bounds = array<i64: 10>, scalar_prefetch = 0 : i64, scratch_operands = 2 : i64, tpu.core_type = #tpu.core_type<tc>, window_params = [{transform_indices = @transform_0, window_bounds = array<i64: 1000, 256>}, {transform_indices = @transform_1, window_bounds = array<i64: 1, 1, 1000>}, {pipeline_mode = #tpu.pipeline_mode<synchronous>, transform_indices = @transform_2, window_bounds = array<i64: 256, 1>}, {pipeline_mode = #tpu.pipeline_mode<synchronous>, transform_indices = @transform_3, window_bounds = array<i64: 1, 1>}, {pipeline_mode = #tpu.pipeline_mode<synchronous>, transform_indices = @transform_4, window_bounds = array<i64: 64, 1>}]} {
    %eq3A = arith.constant 0 : i32
    %eq3A_0 = arith.cmpi eq, %arg0, %eq3A : i32
    %convert_element_type3A = arith.extui %eq3A_0 : i1 to i32
    %cond3A = arith.constant 0 : i32
    %cond3A_1 = arith.cmpi ne, %convert_element_type3A, %cond3A : i32
    scf.if %cond3A_1 {
      %broadcast_in_dim3A_37 = arith.constant 0.000000e+00 : f32
      %broadcast_in_dim3A_38 = vector.broadcast %broadcast_in_dim3A_37 : f32 to vector<64x1xf32>
      %swap3A_39 = arith.constant 0 : index
      %swap3A_40 = arith.constant 0 : index
      %swap3A_41 = vector.load %arg6[%swap3A_39, %swap3A_40] : memref<64x1xf32, #tpu.memory_space<vmem>>, vector<64x1xf32>
      tpu.vector_store %arg6[%swap3A_39, %swap3A_40], %broadcast_in_dim3A_38 {strides = array<i32>} : memref<64x1xf32, #tpu.memory_space<vmem>>, vector<64x1xf32>,
      %broadcast_in_dim3A_42 = arith.constant 0.000000e+00 : f32
      %broadcast_in_dim3A_43 = vector.broadcast %broadcast_in_dim3A_42 : f32 to vector<64x1xf32>
      %swap3A_44 = arith.constant 0 : index
      %swap3A_45 = arith.constant 0 : index
      %swap3A_46 = vector.load %arg7[%swap3A_44, %swap3A_45] : memref<64x1xf32, #tpu.memory_space<vmem>>, vector<64x1xf32>
      tpu.vector_store %arg7[%swap3A_44, %swap3A_45], %broadcast_in_dim3A_43 {strides = array<i32>} : memref<64x1xf32, #tpu.memory_space<vmem>>, vector<64x1xf32>,
    } else {
    }
    %get3A = arith.constant 0 : index
    %get3A_2 = arith.constant 0 : index
    %get3A_3 = vector.load %arg1[%get3A, %get3A_2] : memref<1000x256xf32, #tpu.memory_space<vmem>>, vector<1000x256xf32>
    %get3A_4 = arith.constant 0 : index
    %get3A_5 = arith.constant 0 : index
    %get3A_6 = vector.load %arg3[%get3A_4, %get3A_5] : memref<256x1xf32, #tpu.memory_space<vmem>>, vector<256x1xf32>
    %dot_general3A = arith.constant dense<0.000000e+00> : vector<1000x1xf32>
    %dot_general3A_7 = tpu.matmul %get3A_3, %get3A_6, %dot_general3A {dimension_numbers = #tpu.dot_dimension_numbers<[1], [0], [0], [1], [0, 0, 1, 1], [], []>, transpose_lhs_hint = false} : vector<1000x256xf32>, vector<256x1xf32>, vector<1000x1xf32> -> vector<1000x1xf32>
    %get3A_8 = arith.constant 0 : index
    %get3A_9 = arith.constant 0 : index
    %get3A_10 = arith.constant 0 : index
    %get3A_11 = vector.load %arg2[%get3A_8, %get3A_9, %get3A_10] : memref<1x1x1000xi32, #tpu.memory_space<vmem>>, vector<1x1x1000xi32>
    %get3A_12 = vector.shape_cast %get3A_11 : vector<1x1x1000xi32> to vector<1x1000xi32>
    %iota3A = tpu.iota {dimensions = array<i32: 0>} : vector<64x1000xi32>
    %eq3A_13 = vector.broadcast %get3A_12 : vector<1x1000xi32> to vector<64x1000xi32>
    %eq3A_14 = arith.cmpi eq, %eq3A_13, %iota3A : vector<64x1000xi32>
    %convert_element_type3A_15 = arith.extui %eq3A_14 : vector<64x1000xi1> to vector<64x1000xi32>
    %convert_element_type3A_16 = arith.sitofp %convert_element_type3A_15 : vector<64x1000xi32> to vector<64x1000xf32>
    %get3A_17 = arith.constant 0 : index
    %get3A_18 = arith.constant 0 : index
    %get3A_19 = vector.load %arg6[%get3A_17, %get3A_18] : memref<64x1xf32, #tpu.memory_space<vmem>>, vector<64x1xf32>
    %dot_general3A_20 = arith.constant dense<0.000000e+00> : vector<64x1xf32>
    %dot_general3A_21 = tpu.matmul %convert_element_type3A_16, %dot_general3A_7, %dot_general3A_20 {dimension_numbers = #tpu.dot_dimension_numbers<[1], [0], [0], [1], [0, 0, 1, 1], [], []>, transpose_lhs_hint = false} : vector<64x1000xf32>, vector<1000x1xf32>, vector<64x1xf32> -> vector<64x1xf32>
    %add3A = arith.addf %get3A_19, %dot_general3A_21 : vector<64x1xf32>
    %swap3A = arith.constant 0 : index
    %swap3A_22 = arith.constant 0 : index
    %swap3A_23 = vector.load %arg6[%swap3A, %swap3A_22] : memref<64x1xf32, #tpu.memory_space<vmem>>, vector<64x1xf32>
    tpu.vector_store %arg6[%swap3A, %swap3A_22], %add3A {strides = array<i32>} : memref<64x1xf32, #tpu.memory_space<vmem>>, vector<64x1xf32>,
    %get3A_24 = arith.constant 0 : index
    %get3A_25 = arith.constant 0 : index
    %get3A_26 = vector.load %arg7[%get3A_24, %get3A_25] : memref<64x1xf32, #tpu.memory_space<vmem>>, vector<64x1xf32>
    %reduce_sum3A = arith.constant dense<0.000000e+00> : vector<64xf32>
    %reduce_sum3A_27 = vector.multi_reduction <add>, %convert_element_type3A_16, %reduce_sum3A [1] : vector<64x1000xf32> to vector<64xf32>
    %broadcast_in_dim3A = vector.shape_cast %reduce_sum3A_27 : vector<64xf32> to vector<64x1xf32>
    %add3A_28 = arith.addf %get3A_26, %broadcast_in_dim3A : vector<64x1xf32>
    %swap3A_29 = arith.constant 0 : index
    %swap3A_30 = arith.constant 0 : index
    %swap3A_31 = vector.load %arg7[%swap3A_29, %swap3A_30] : memref<64x1xf32, #tpu.memory_space<vmem>>, vector<64x1xf32>
    tpu.vector_store %arg7[%swap3A_29, %swap3A_30], %add3A_28 {strides = array<i32>} : memref<64x1xf32, #tpu.memory_space<vmem>>, vector<64x1xf32>,
    %eq3A_32 = arith.constant 9 : i32
    %eq3A_33 = arith.cmpi eq, %arg0, %eq3A_32 : i32
    %convert_element_type3A_34 = arith.extui %eq3A_33 : i1 to i32
    %cond3A_35 = arith.constant 0 : i32
    %cond3A_36 = arith.cmpi ne, %convert_element_type3A_34, %cond3A_35 : i32
    scf.if %cond3A_36 {
      %get3A_37 = arith.constant 0 : index
      %get3A_38 = arith.constant 0 : index
      %get3A_39 = vector.load %arg6[%get3A_37, %get3A_38] : memref<64x1xf32, #tpu.memory_space<vmem>>, vector<64x1xf32>
      %get3A_40 = arith.constant 0 : index
      %get3A_41 = arith.constant 0 : index
      %get3A_42 = vector.load %arg7[%get3A_40, %get3A_41] : memref<64x1xf32, #tpu.memory_space<vmem>>, vector<64x1xf32>
      %max3A = arith.constant 1.000000e+00 : f32
      %max3A_43 = vector.broadcast %max3A : f32 to vector<64x1xf32>
      %max3A_44 = arith.maximumf %get3A_42, %max3A_43 : vector<64x1xf32>
      %div3A = arith.divf %get3A_39, %max3A_44 : vector<64x1xf32>
      %get3A_45 = arith.constant 0 : index
      %get3A_46 = arith.constant 0 : index
      %get3A_47 = vector.load %arg4[%get3A_45, %get3A_46] : memref<1x1xf32, #tpu.memory_space<vmem>>, vector<1x1xf32>
      %add3A_48 = vector.broadcast %get3A_47 : vector<1x1xf32> to vector<64x1xf32>
      %add3A_49 = arith.addf %div3A, %add3A_48 : vector<64x1xf32>
      %swap3A_50 = arith.constant 0 : index
      %swap3A_51 = arith.constant 0 : index
      %swap3A_52 = vector.load %arg5[%swap3A_50, %swap3A_51] : memref<64x1xf32, #tpu.memory_space<vmem>>, vector<64x1xf32>
      tpu.vector_store %arg5[%swap3A_50, %swap3A_51], %add3A_49 {strides = array<i32>} : memref<64x1xf32, #tpu.memory_space<vmem>>, vector<64x1xf32>,
    } else {
    }
    return
  }
  func.func @transform_0(%arg0: i32) -> (i32, i32) {
    %c0_i32 = arith.constant 0 : i32
    %c0_i32_0 = arith.constant 0 : i32
    return %arg0, %c0_i32 : i32, i32
  }
  func.func @transform_1(%arg0: i32) -> (i32, i32, i32) {
    %c0_i32 = arith.constant 0 : i32
    %c0_i32_0 = arith.constant 0 : i32
    %c0_i32_1 = arith.constant 0 : i32
    return %arg0, %c0_i32, %c0_i32_0 : i32, i32, i32
  }
  func.func @transform_2(%arg0: i32) -> (i32, i32) {
    %c0_i32 = arith.constant 0 : i32
    %c0_i32_0 = arith.constant 0 : i32
    %c0_i32_1 = arith.constant 0 : i32
    return %c0_i32, %c0_i32_0 : i32, i32
  }
  func.func @transform_3(%arg0: i32) -> (i32, i32) {
    %c0_i32 = arith.constant 0 : i32
    %c0_i32_0 = arith.constant 0 : i32
    %c0_i32_1 = arith.constant 0 : i32
    return %c0_i32, %c0_i32_0 : i32, i32
  }
  func.func @transform_4(%arg0: i32) -> (i32, i32) {
    %c0_i32 = arith.constant 0 : i32
    %c0_i32_0 = arith.constant 0 : i32
    %c0_i32_1 = arith.constant 0 : i32
    return %c0_i32, %c0_i32_0 : i32, i32
  }
}

</mosaic_0001>

<sc_bundles>
// kernel: kernel.10.cloned.1.call-start
scs
__scs_entry_jumppad:
0x0: {  	(pc) =	sbr.rel $0x88, $3  }
0x1: {  	(tag) =	ssettag $0x0;
	lr =	simm.s32 $0x1  }
0x2: {  	[smem:$0x3F94] =	sst lr;
	_ =	strace $0xD0000000  }
0x3: {  	_ = 	snop  }
0x4: {  	_ = 	snop  }
0x5: {  	_ = 	snop  }
0x6: {  	_ = 	snop  }
0x7: {  	_ = 	snop  }
__scs_overlays_trampoline_lowered:
0x8: {  	[smem:$0x3FA3] =	sst s0  }
0x9: {  	[smem:$0x3FA4] =	sst s1  }
0xa: {  	[smem:$0x3FA5] =	sst s2  }
0xb: {  	[smem:$0x3FA6] =	sst s3  }
0xc: {  	[smem:$0x3FA7] =	sst s4  }
0xd: {  	[smem:$0x3FA8] =	sst s5  }
0xe: {  	[smem:$0x3FA9] =	sst s6  }
0xf: {  	[smem:$0x3FAA] =	sst s7  }
0x10: {  	[smem:$0x3FAB] =	sst s8  }
0x11: {  	[smem:$0x3FAC] =	sst s9;
	s0 =	simm.s32 @!p0 $0x0  }
0x12: {  	s1 =	sld [smem:$0x3F92];
	s0 =	simm.s32 @p0 $0x1  }
0x13: {  	[smem:$0x3FAD] =	sst s0;
	s0 =	simm.s32 @!p1 $0x0  }
0x14: {  	s2 =	sld [smem:$0x3F91];
	s0 =	simm.s32 @p1 $0x1  }
0x15: {  	[smem:$0x3FAE] =	sst s0;
	s0 =	simm.s32 @!p2 $0x0  }
0x16: {  	s3 =	sld [smem:$0x3FDB];
	s0 =	simm.s32 @p2 $0x1  }
0x17: {  	s4 =	simm.s32 $0x1BF5;
	[smem:$0x3FB0] =	sst s0  }
0x18: {  	s0 =	sld [smem:$0x3F93];
	_ =	swait.ge [sflag:s4], $0x0  }
0x19: {  	s7 =	sld [smem:$0x3F94]  }
0x1a: {  	s8 =	sadd.s32 $0xFFFFE003, lr  }
0x1b: {  	s9 =	sadd.s32 $0xFFFFFEF7, lr;
	s5 =	simm.s32 $0xFFFFFFFF;
	p2 =	slt.u32 s8, $0xFFFFF086  }
0x1c: {  	p1 =	slt.u32 s9, $0xF7A;
	s5 =	simm.s32 @!p2 $0x0  }
0x1d: {  	s5 =	simm.s32 @p1 $0x1;
	p0 =	seq.s32 s7, s2  }
0x1e: {  	s7 =	smul.u32 @!p0 $0xF7A, s2;
	p2 =	seq.s32 @!p0 s5, $0x0  }
0x1f: {  	s9 =	smul.u32 $0xF7A, s1;
	s8 =	simm.s32 @!p0 $0x1BF5;
	p2 =	por !p2, p0  }
0x20: {  	[sflag:s8] =	ssyncset.s32 @!p0 $0xFFFFF086;
	s6 =	sadd.s32 @!p0 s3, s7;
	s7 =	simm.s32 @!p0 $0x108  }
0x21: {  	s3 =	sadd.s32 s3, s9;
	s6 =	sadd.s32 @!p0 $0x88, s6;
	s7 =	simm.s32 @p2 $0x1082  }
0x22: {  	[simem:s7], [sflag:s8] =	dma.local @!p0 [hbm:s6], $0xF7A  }
0x23: {  	s9 =	sor.u32 $0xD0000000, s2;
	s6 =	simm.s32 $0x108;
	_ =	swait.ge @!p0 [sflag:s8], $0x0  }
0x24: {  	s3 =	sadd.s32 $0x88, s3;
	s6 =	simm.s32 @!p1 $0x1082;
	[sflag:s4] =	ssyncset.s32 $0xFFFFF086  }
0x25: {  	[simem:s6], [sflag:s4] =	dma.local [hbm:s3], $0xF7A  }
0x26: {  	[smem:$0x3F94] =	sst s1;
	(tag) =	ssettag s2;
	_ =	strace s9  }
0x27: {  	s1 =	sld [smem:$0x3FA4]  }
0x28: {  	s2 =	sld [smem:$0x3FA5]  }
0x29: {  	s4 =	sld [smem:$0x3FA7]  }
0x2a: {  	p0 =	seq.s32 s5, $0x0;
	s5 =	sld [smem:$0x3FA8]  }
0x2b: {  	s6 =	sld [smem:$0x3FA9]  }
0x2c: {  	s7 =	sld [smem:$0x3FAA]  }
0x2d: {  	s3 =	simm.s32 $0x108;
	s8 =	sld [smem:$0x3FAB]  }
0x2e: {  	s3 =	simm.s32 @!p0 $0x1082;
	s9 =	sld [smem:$0x3FAC]  }
0x2f: {  	lr =	sadd.s32 s0, s3;
	s0 =	sld [smem:$0x3FA3]  }
0x30: {  	s3 =	sld [smem:$0x3FA6]  }
0x31: {  	[smem:$0x3FAF] =	sst s10  }
0x32: {  	s10 =	sld [smem:$0x3FAD];
	_ =	sdelay $0x3  }
0x33: {  	p0 =	seq.s32 s10, $0x1;
	s10 =	sld [smem:$0x3FAF];
	_ =	sdelay $0x3  }
0x34: {  	[smem:$0x3FAF] =	sst s10  }
0x35: {  	s10 =	sld [smem:$0x3FAE];
	_ =	sdelay $0x3  }
0x36: {  	p1 =	seq.s32 s10, $0x1;
	s10 =	sld [smem:$0x3FAF];
	_ =	sdelay $0x3  }
0x37: {  	[smem:$0x3FAF] =	sst s10  }
0x38: {  	s10 =	sld [smem:$0x3FB0]  }
0x39: {  	_ = 	snop;
	(pc) =	sbr.ind lr, $3  }
0x3a: {  	_ = 	snop  }
0x3b: {  	_ = 	snop  }
0x3c: {  	p2 =	seq.s32 s10, $0x1;
	s10 =	sld [smem:$0x3FAF]  }
0x3d: {  	_ =	shalt  }
0x3e: {  	_ =	shalt  }
0x3f: {  	_ =	shalt  }
0x40: {  	_ =	shalt  }
0x41: {  	_ =	shalt  }
0x42: {  	_ =	shalt  }
0x43: {  	_ =	shalt  }
0x44: {  	_ =	shalt  }
0x45: {  	_ =	shalt  }
0x46: {  	_ =	shalt  }
0x47: {  	_ =	shalt  }
0x48: {  	_ =	shalt  }
0x49: {  	_ =	shalt  }
0x4a: {  	_ =	shalt  }
0x4b: {  	_ =	shalt  }
0x4c: {  	_ =	shalt  }
0x4d: {  	_ =	shalt  }
0x4e: {  	_ =	shalt  }
0x4f: {  	_ =	shalt  }
0x50: {  	_ =	shalt  }
0x51: {  	_ =	shalt  }
0x52: {  	_ =	shalt  }
0x53: {  	_ =	shalt  }
0x54: {  	_ =	shalt  }
0x55: {  	_ =	shalt  }
0x56: {  	_ =	shalt  }
0x57: {  	_ =	shalt  }
0x58: {  	_ =	shalt  }
0x59: {  	_ =	shalt  }
0x5a: {  	_ =	shalt  }
0x5b: {  	_ =	shalt  }
0x5c: {  	_ =	shalt  }
0x5d: {  	_ =	shalt  }
0x5e: {  	_ =	shalt  }
0x5f: {  	_ =	shalt  }
0x60: {  	_ =	shalt  }
0x61: {  	_ =	shalt  }
0x62: {  	_ =	shalt  }
0x63: {  	_ =	shalt  }
0x64: {  	_ =	shalt  }
0x65: {  	_ =	shalt  }
0x66: {  	_ =	shalt  }
0x67: {  	_ =	shalt  }
0x68: {  	_ =	shalt  }
0x69: {  	_ =	shalt  }
0x6a: {  	_ =	shalt  }
0x6b: {  	_ =	shalt  }
0x6c: {  	_ =	shalt  }
0x6d: {  	_ =	shalt  }
0x6e: {  	_ =	shalt  }
0x6f: {  	_ =	shalt  }
0x70: {  	_ =	shalt  }
0x71: {  	_ =	shalt  }
0x72: {  	_ =	shalt  }
0x73: {  	_ =	shalt  }
0x74: {  	_ =	shalt  }
0x75: {  	_ =	shalt  }
0x76: {  	_ =	shalt  }
0x77: {  	_ =	shalt  }
0x78: {  	_ =	shalt  }
0x79: {  	_ =	shalt  }
0x7a: {  	_ =	shalt  }
0x7b: {  	_ =	shalt  }
0x7c: {  	_ =	shalt  }
0x7d: {  	_ =	shalt  }
0x7e: {  	_ =	shalt  }
0x7f: {  	_ =	shalt  }
0x80: {  	_ =	shalt  }
0x81: {  	_ =	shalt  }
0x82: {  	_ =	shalt  }
0x83: {  	_ =	shalt  }
0x84: {  	_ =	shalt  }
0x85: {  	_ =	shalt  }
0x86: {  	_ =	shalt  }
0x87: {  	_ =	shalt  }
.Lfunc_end0:
.L_simem_size_0:
called_computation_lowered:
.L_overlay_start_0:
0x88: {  	s2 =	sld [smem:$0x3FD9]  }
0x89: {  	s3 =	sld [smem:$0x3FFE];
	_ =	sdelay $0x1  }
0x8a: {  	s1 =	srdreg.scid  }
0x8b: {  	s0 =	sand.u32 $0x1, s1  }
0x8c: {  	s16 =	sshll.u32 s0, $0xA;
	s2 =	sadd.s32 s3, s2  }
0x8d: {  	s2 =	sadd.s32 s2, s16  }
0x8e: {  	[smem:$0x3FBB] =	sst s2  }
0x8f: {  	_ = 	snop  }
0x90: {  	(tm) =	ssettm $0x1  }
0x91: {  	s17 =	sld [smem:$0x3FFB];
	_ =	sdelay $0x3  }
0x92: {  	_ =	strace s17  }
0x93: {  	s2 =	sld [smem:$0x3FFC];
	_ =	sdelay $0x3  }
0x94: {  	_ =	strace s2  }
0x95: {  	s2 =	sld [smem:$0x3FFD];
	_ =	sdelay $0x3  }
0x96: {  	_ =	strace s2  }
0x97: {  	_ =	strace $0x8FFFFFFF  }
0x98: {  	s18 =	sld [smem:$0x3FDB];
	_ =	sdelay $0x1  }
0x99: {  	s19 =	simm.s32 $_scs_section_size  }
0x9a: {  	s4 =	simm.s32 $_size__tile_overlayer_lowered;
	s5 =	simm.s32 $_tile_overlayer_lowered  }
0x9b: {  	s22 =	simm.s32 $0x1BFF;
	s21 =	sshll.u32 s5, $0x1;
	s2 =	sadd.s32 s19, s18  }
0x9c: {  	s6 =	simm.s32 $0x0;
	s20 =	sshll.u32 s4, $0x1;
	s4 =	sadd.s32 s21, s2  }
0x9d: {  	[timem:s6], [sflag:s22] =	dma.local [hbm:s4], s20  }
0x9e: {  	_ =	swait.ge [sflag:s22], s20  }
0x9f: {  	s3 =	ssub.s32 $0x0, s20;
	[sflag:s22] =	ssyncset.done $0x0  }
0xa0: {  	[sflag:s22] =	ssyncadd.s32 s3;
	_ =	sdelay $0x1  }
0xa1: {  	s23 =	simm.s32 $0x1B8B  }
0xa2: {  	_ =	swait.ge [sflag:s23], $0x1  }
0xa3: {  	[sflag:s23] =	ssyncset.done $0x0  }
0xa4: {  	s25 =	simm.s32 $0x1B8E;
	s24 =	sld [smem:$0x3FFE];
	[sflag:s23] =	ssyncadd.s32 $0xFFFFFFFF  }
0xa5: {  	s26 =	simm.s32 $execute0_lowered;
	[smem:$0x3FD2] =	sst s25  }
0xa6: {  	s4 =	sshll.u32 s26, $0x1;
	_ =	strace $0x80000046;
	[dreg:$0x1] =	wrdreg $0xFFFFFFFF  }
0xa7: {  	s28 =	simm.s32 $_size_execute0_lowered;
	s2 =	sadd.s32 s2, s4;
	[dreg:$0x0] =	wrdreg $0x0  }
0xa8: {  	s4 =	sshll.u32 s28, $0x1;
	[dreg:$0x2] =	wrdreg s2  }
0xa9: {  	[dreg:$0x3] =	wrdreg s4  }
0xaa: {  	[dreg:$0x4] =	wrdreg $0xC0  }
0xab: {  	_ =	task [dreg:s6], $0x5FFFF  }
0xac: {  	[dreg:$0x1] =	wrdreg $0xFFFFFFFF  }
0xad: {  	[dreg:$0x0] =	wrdreg $0x60  }
0xae: {  	[dreg:$0x2] =	wrdreg s24  }
0xaf: {  	[dreg:$0x3] =	wrdreg $0xA4000  }
0xb0: {  	[dreg:$0x4] =	wrdreg $0x9  }
0xb1: {  	_ =	task.clear_ibuf [dreg:s6], $0x5FFFF;
	_ =	strace $0x90000046  }
0xb2: {  	s29 =	simm.s32 $0x9;
	_ =	strace $0x80000048  }
0xb3: {  	_ =	swait.ge [sflag:s29], $0x1  }
0xb4: {  	[sflag:s29] =	ssyncadd.s32 $0xFFFFFFFF  }
0xb5: {  	_ =	strace $0x90000048  }
0xb6: {  	_ =	sfence  }
0xb7: {  	s30 =	sld [smem:$0x0];
	_ =	sdelay $0x2  }
0xb8: {  	s31 =	sshll.u32 s1, $0xD;
	s1 =	sshrl.u32 s1, $0x2  }
0xb9: {  	s3 =	sand.u32 $0x4000, s31;
	s1 =	sadd.s32 s1, s30  }
0xba: {  	s0 =	sor.u32 s3, s0;
	s1 =	sshll.u32 s1, $0x11  }
0xbb: {  	s0 =	sor.u32 s1, s0  }
0xbc: {  	s0 =	sadd.s32 $0x8F2B, s0  }
0xbd: {  	[sflag:s0] =	ssyncadd.remote.s32 $0x1  }
0xbe: {  	_ =	sfence.sel $0xFFFF  }
0xbf: {  	[dreg:$0x0] =	wrdreg $0xFFFFFFFF;
	(pc) =	sbr.abs _section_cstart, $3  }
0xc0: {  	[dreg:$0x1] =	wrdreg $0xFFFFFFFF  }
0xc1: {  	_ =	task.clear_ibuf [dreg:s6], $0x2FFFF;
	_ =	strace $0x9FFFFFFF  }
0xc2: {  	(tm) =	ssettm $0x7FFFFFFF  }
0xc3: {  	_ =	shalt  }
tec
execute0_lowered:
.L_overlay_start_1:
0x0: {  	(tag) =	ssettag $0x1  }
0x1: {  	s0 =	rddreg [dreg:$0x0]  }
0x2: {  	s1 =	rddreg [dreg:$0x1]  }
0x3: {  	s2 =	simm.s32 $0x0;
	s3 =	srdreg.scid;
	s13 =	stileid.u32  }
0x4: {  	s17 =	simm.s32 $0x200;
	s28 =	simm.s32 $0x7C00;
	s18 =	smul.u32 $0x26C0, s13  }
0x5: {  	s29 =	simm.s32 $0x1;
	s30 =	simm.s32 $0x2;
	s12 =	smul.u32 $0x50, s13  }
0x6: {  	s31 =	simm.s32 $0x180;
	[smem:$0x7FF] =	sst s2;
	s24 =	smul.u32 $0xA000, s13  }
0x7: {  	s3 =	sand.u32 $0x1, s3;
	s19 =	ssub.s32 $0x8C, s13;
	s13 =	smul.u32 $0x500, s13  }
0x8: {  	s4 =	sadd.s32 $0x11400, s0;
	s5 =	sadd.s32 $0x2800, s0;
	s6 =	smul.u32 $0x27100, s3  }
0x9: {  	_ =	strace $0x80000047;
	s7 =	ssub.s32 $0x2, s3;
	s9 =	smul.u32 $0x2710, s3  }
0xa: {  	s15 =	sshrl.u32 s19, $0x4;
	s19 =	simm.s32 $0x100;
	s8 =	sshrl.u32 s7, $0x1  }
0xb: {  	s10 =	sshrl.u32 s18, $0x3;
	s22 =	sadd.s32 $0x26C00, s12;
	s26 =	sshrl.u32 s24, $0x2  }
0xc: {  	s24 =	simm.s32 $0x5300;
	s12 =	simm.s32 $0x0;
	[dreg:$0x3] =	wrdreg s15  }
0xd: {  	s0 =	sadd.s32 s6, s0;
	s7 =	ssub.s32 s7, s8;
	s6 =	sadd.s32 $0x27100, s6  }
0xe: {  	s20 =	sadd.s32 s5, s10;
	s10 =	sadd.s32 $0x50, s18;
	s16 =	sadd.s32 s26, s1  }
0xf: {  	s26 =	simm.s32 $0x5400;
	v0 =	vmov s9;
	s9 =	simm.s32 $0x3;
	s11 =	sadd.s32 s18, s6  }
0x10: {  	[dreg:$0x4] =	wrdreg s20;
	s23 =	sadd.s32 s22, s6;
	s7 =	smax.u32 s7, $0x1  }
0x11: {  	s0 =	sadd.s32 s13, s0;
	s20 =	simm.s32 $0x50;
	[dreg:$0x9] =	wrdreg s16  }
0x12: {  	s21 =	sshrl.u32 s11, $0x3;
	s11 =	sadd.s32 $0xA0, s18;
	s8 =	sshrl.u32 s23, $0x3  }
0x13: {  	[dreg:$0x8] =	wrdreg s7;
	s0 =	sadd.s32 $0xFBA00, s0;
	s18 =	simm.s32 $0x7  }
0x14: {  	s23 =	simm.s32 $0x5200;
	s3 =	sadd.s32 s5, s21;
	s25 =	sadd.s32 s5, s8  }
0x15: {  	[dreg:$0xa] =	wrdreg s0;
	s21 =	simm.s32 $0x80;
	s0 =	simm.s32 $0x4  }
0x16: {  	s8 =	simm.s32 $0x5380;
	[dreg:$0x5] =	wrdreg s3;
	s3 =	sshrl.u32 s22, $0x3  }
0x17: {  	[dreg:$0x7] =	wrdreg s25;
	s22 =	simm.s32 $0x2A00;
	s3 =	sadd.s32 s5, s3  }
0x18: {  	v1 =	vimm.f32 $0.0e+00;
	s25 =	simm.s32 $0x5280;
	[dreg:$0x6] =	wrdreg s3;
	s3 =	simm.s32 $0x5  }
.LBB2_1:
0x19: {  	[dreg:$0xb] =	wrdreg s12;
	s7 =	simm.s32 $0x0;
	s12 =	simm.s32 $0x200  }
.LBB2_2:
0x1a: {  	p0 =	sne.s32 s12, $0x9E00;
	[tilespmem:s7+$0x270] =	vst v1  }
0x1b: {  	[tilespmem:s7+$0x200] =	vst v1  }
0x1c: {  	[tilespmem:s7+$0x210] =	vst v1  }
.Ltmp0:
0x1d: {  	[tilespmem:s7+$0x220] =	vst v1;
	(pc) =	sbr.rel @p0 .LBB2_2-.Ltmp0, $4  }
0x1e: {  	[tilespmem:s7+$0x230] =	vst v1  }
0x1f: {  	[tilespmem:s7+$0x240] =	vst v1  }
0x20: {  	[tilespmem:s7+$0x250] =	vst v1  }
0x21: {  	[tilespmem:s7+$0x260] =	vst v1;
	s7 =	sshra.s32 s12, $0x2;
	s12 =	sadd.s32 $0x200, s12  }
0x22: {  	[tilespmem:s7+$0x270] =	vst v1  }
0x23: {  	[tilespmem:s7+$0x200] =	vst v1  }
0x24: {  	[tilespmem:s7+$0x210] =	vst v1  }
0x25: {  	[tilespmem:s7+$0x220] =	vst v1  }
0x26: {  	[tilespmem:s7+$0x230] =	vst v1  }
0x27: {  	[tilespmem:s7+$0x240] =	vst v1;
	p0 =	sne.s32 s15, $0x1  }
.Ltmp1:
0x28: {  	[tilespmem:s7+$0x250] =	vst v1;
	(pc) =	sbr.rel @!p0 .LBB2_5-.Ltmp1, $4  }
0x29: {  	[tilespmem:s7+$0x260] =	vst v1  }
0x2a: {  	[spmem:s16] =	stream.linear.scatter [tilespmem:s17], [sflag:$0x7], $0x2800, $0x38;
	[tilespmem:$0x1DC80] =	vst v63  }
0x2b: {  	_ =	swait.ge [sflag:s18], $0x2800  }
0x2c: {  	s7 =	sadd.s32 $0xFFFFFFFF, s15;
	s12 =	smov.u32 s16;
	[sflag:s18] =	ssyncset.done $0x0  }
.LBB2_4:
0x2d: {  	p1 =	sne.s32 s7, $0x1;
	[sflag:s18] =	ssyncadd.s32 $0xFFFFD800;
	s12 =	sadd.s32 $0x28000, s12  }
.Ltmp2:
0x2e: {  	s7 =	sadd.s32 $0xFFFFFFFF, s7;
	(pc) =	sbr.rel @p1 .LBB2_4-.Ltmp2, $4  }
0x2f: {  	_ = 	snop  }
0x30: {  	[spmem:s12] =	stream.linear.scatter [tilespmem:s17], [sflag:$0x7], $0x2800, $0x38;
	[tilespmem:$0x1DC80] =	vst v63  }
0x31: {  	_ =	swait.ge [sflag:s18], $0x2800  }
0x32: {  	[sflag:s18] =	ssyncset.done $0x0  }
.LBB2_5:
0x33: {  	[sflag:s18] =	ssyncadd.s32 $0xFFFFD800  }
0x34: {  	[bflag:$0x0] =	sbarrier.arrive $0xFFFF  }
0x35: {  	s14 =	simm.s32 $0x0;
	s7 =	rddreg [dreg:$0x4]  }
0x36: {  	[tilespmem:s14], [sflag:$0x7] =	stream.linear.gather [hbm4b:s7+s14], $0x50, $0x38;
	[tilespmem:$0x1DC80] =	vst v63  }
0x37: {  	_ =	swait.ge [sflag:s18], $0x50  }
0x38: {  	[sflag:s18] =	ssyncset.done $0x0  }
0x39: {  	s16 =	rddreg [dreg:$0x5];
	[sflag:s18] =	ssyncadd.s32 $0xFFFFFFB0  }
0x3a: {  	[tilespmem:s19], [sflag:$0x7] =	stream.linear.gather [hbm4b:s16+s14], $0x50, $0x38;
	[tilespmem:$0x1DC80] =	vst v63  }
0x3b: {  	_ =	swait.ge [sflag:s18], $0x50  }
0x3c: {  	[sflag:s18] =	ssyncset.done $0x0  }
0x3d: {  	[sflag:s18] =	ssyncadd.s32 $0xFFFFFFB0  }
0x3e: {  	v2 =	vld [tilespmem:$0x0]  }
0x3f: {  	v3 =	vld [tilespmem:$0x10]  }
0x40: {  	v4 =	vld [tilespmem:$0x20]  }
0x41: {  	v5 =	vld [tilespmem:$0x30]  }
0x42: {  	v6 =	vld [tilespmem:$0x40]  }
0x43: {  	v2 =	vadd.s32 v0, v2  }
0x44: {  	[tilespmem:$0x80] =	vst v2;
	v2 =	vadd.s32 v0, v3  }
0x45: {  	[tilespmem:$0x90] =	vst v2;
	v2 =	vadd.s32 v0, v4  }
0x46: {  	[tilespmem:$0xA0] =	vst v2;
	v2 =	vadd.s32 v0, v5  }
0x47: {  	[tilespmem:$0xB0] =	vst v2;
	v2 =	vadd.s32 v0, v6  }
0x48: {  	[tilespmem:$0xC0] =	vst v2  }
0x49: {  	[tilespmem:s17], [sflag:$0x1] =	stream.indirect.gather [hbm4b:s4+s20], $0x80, s21, s20, $0xb8;
	[tilespmem:$0x1DC80] =	vst v63  }
0x4a: {  	s12 =	simm.s32 $0x0  }
0x4b: {  	[tilespmem:s22], [sflag:$0x2] =	stream.indirect.gather [hbm4b:s4+s20], $0x80, s19, s20, $0xb8;
	[tilespmem:$0x1DC80] =	vst v63  }
.LBB2_6:
0x4c: {  	p1 =	seq.s32 s12, $0x0;
	s16 =	smul.u32 $0xA0, s12  }
0x4d: {  	s7 =	simm.s32 @!p1 $0x6  }
0x4e: {  	_ =	swait.ge @!p1 [sflag:s7], $0x2800;
	s15 =	sadd.s32 s16, s10  }
0x4f: {  	[sflag:s7] =	ssyncset.done @!p1 $0x0;
	s13 =	sshrl.u32 s15, $0x3  }
0x50: {  	[sflag:s7] =	ssyncadd.s32 @!p1 $0xFFFFD800;
	s13 =	sadd.s32 s5, s13  }
0x51: {  	[tilespmem:s23], [sflag:$0x7] =	stream.linear.gather [hbm4b:s13+s14], $0x50, $0x38;
	[tilespmem:$0x1DC80] =	vst v63  }
0x52: {  	s15 =	sadd.s32 s6, s15;
	_ =	swait.ge [sflag:s18], $0x50  }
0x53: {  	s7 =	sshrl.u32 s15, $0x3;
	[sflag:s18] =	ssyncset.done $0x0  }
0x54: {  	s7 =	sadd.s32 s5, s7;
	[sflag:s18] =	ssyncadd.s32 $0xFFFFFFB0  }
0x55: {  	[tilespmem:s24], [sflag:$0x7] =	stream.linear.gather [hbm4b:s7+s14], $0x50, $0x38;
	[tilespmem:$0x1DC80] =	vst v63  }
0x56: {  	_ =	swait.ge [sflag:s18], $0x50  }
0x57: {  	[sflag:s18] =	ssyncset.done $0x0  }
0x58: {  	[sflag:s18] =	ssyncadd.s32 $0xFFFFFFB0  }
0x59: {  	v2 =	vld [tilespmem:$0x5200]  }
0x5a: {  	v3 =	vld [tilespmem:$0x5210]  }
0x5b: {  	v4 =	vld [tilespmem:$0x5220]  }
0x5c: {  	v5 =	vld [tilespmem:$0x5230]  }
0x5d: {  	v6 =	vld [tilespmem:$0x5240]  }
0x5e: {  	v2 =	vadd.s32 v0, v2  }
0x5f: {  	[tilespmem:$0x5280] =	vst v2;
	v2 =	vadd.s32 v0, v3  }
0x60: {  	[tilespmem:$0x5290] =	vst v2;
	v2 =	vadd.s32 v0, v4  }
0x61: {  	[tilespmem:$0x52A0] =	vst v2;
	v2 =	vadd.s32 v0, v5  }
0x62: {  	[tilespmem:$0x52B0] =	vst v2;
	v2 =	vadd.s32 v0, v6  }
0x63: {  	[tilespmem:$0x52C0] =	vst v2  }
0x64: {  	[tilespmem:s26], [sflag:$0x4] =	stream.indirect.gather [hbm4b:s4+s20], $0x80, s25, s20, $0xb8;
	[tilespmem:$0x1DC80] =	vst v63  }
0x65: {  	_ = 	snop  }
0x66: {  	[tilespmem:s28], [sflag:$0x5] =	stream.indirect.gather [hbm4b:s4+s20], $0x80, s24, s20, $0xb8;
	[tilespmem:$0x1DC80] =	vst v63  }
0x67: {  	_ =	swait.ge [sflag:s29], $0x2800  }
0x68: {  	[sflag:s29] =	ssyncset.done $0x0  }
0x69: {  	[sflag:s29] =	ssyncadd.s32 $0xFFFFD800  }
0x6a: {  	_ =	swait.ge [sflag:s30], $0x2800  }
0x6b: {  	[sflag:s30] =	ssyncset.done $0x0  }
0x6c: {  	s7 =	simm.s32 $0x0;
	[sflag:s30] =	ssyncadd.s32 $0xFFFFD800  }
0x6d: {  	v8 =	vld [tilespmem:s7+$0x2A00]  }
0x6e: {  	v13 =	vld [tilespmem:s7+$0x2A10]  }
0x6f: {  	v7 =	vld [tilespmem:s7+$0x2A20]  }
0x70: {  	v6 =	vld [tilespmem:s7+$0x2A30]  }
0x71: {  	v5 =	vld [tilespmem:s7+$0x2A40]  }
0x72: {  	v4 =	vld [tilespmem:s7+$0x2A50]  }
0x73: {  	v3 =	vld [tilespmem:s7+$0x2A60]  }
0x74: {  	v2 =	vld [tilespmem:s7+$0x2A70]  }
0x75: {  	v14 =	vld [tilespmem:s7+$0x200]  }
0x76: {  	v15 =	vld [tilespmem:s7+$0x210]  }
0x77: {  	v12 =	vld [tilespmem:s7+$0x220]  }
0x78: {  	v11 =	vld [tilespmem:s7+$0x230]  }
0x79: {  	v10 =	vld [tilespmem:s7+$0x240]  }
0x7a: {  	v9 =	vld [tilespmem:s7+$0x250];
	v14 =	vadd.f32 v8, v14  }
0x7b: {  	s15 =	simm.s32 $0x200;
	v13 =	vadd.f32 v13, v15;
	v8 =	vld [tilespmem:s7+$0x260]  }
.LBB2_7:
0x7c: {  	s13 =	sshra.s32 s15, $0x2;
	p1 =	sne.s32 s15, $0x9E00;
	v14 =	vmax.f32 v14, $0.0e+00;
	v7 =	vadd.f32 v7, v12;
	v12 =	vld [tilespmem:s7+$0x270]  }
0x7d: {  	v15 =	vld [tilespmem:s13+$0x2A00];
	[tilespmem:s7+$0x200] =	vst v14;
	v13 =	vmax.f32 v13, $0.0e+00;
	v6 =	vadd.f32 v6, v11  }
0x7e: {  	v16 =	vld [tilespmem:s13+$0x2A10];
	[tilespmem:s7+$0x210] =	vst v13;
	v11 =	vmax.f32 v7, $0.0e+00;
	v5 =	vadd.f32 v5, v10  }
0x7f: {  	v7 =	vld [tilespmem:s13+$0x2A20];
	[tilespmem:s7+$0x220] =	vst v11;
	v10 =	vmax.f32 v6, $0.0e+00;
	v4 =	vadd.f32 v4, v9  }
0x80: {  	v6 =	vld [tilespmem:s13+$0x2A30];
	[tilespmem:s7+$0x230] =	vst v10;
	v9 =	vmax.f32 v5, $0.0e+00;
	v3 =	vadd.f32 v3, v8  }
0x81: {  	v5 =	vld [tilespmem:s13+$0x2A40];
	[tilespmem:s7+$0x240] =	vst v9;
	v8 =	vmax.f32 v4, $0.0e+00;
	v2 =	vadd.f32 v2, v12  }
0x82: {  	v4 =	vld [tilespmem:s13+$0x2A50];
	[tilespmem:s7+$0x250] =	vst v8;
	v8 =	vmax.f32 v3, $0.0e+00  }
0x83: {  	v3 =	vld [tilespmem:s13+$0x2A60];
	[tilespmem:s7+$0x260] =	vst v8;
	v8 =	vmax.f32 v2, $0.0e+00  }
0x84: {  	v2 =	vld [tilespmem:s13+$0x2A70];
	[tilespmem:s7+$0x270] =	vst v8;
	s7 =	smov.u32 s13  }
0x85: {  	v8 =	vld [tilespmem:s7+$0x200]  }
0x86: {  	v13 =	vld [tilespmem:s7+$0x210]  }
.Ltmp3:
0x87: {  	v12 =	vld [tilespmem:s7+$0x220];
	(pc) =	sbr.rel @p1 .LBB2_7-.Ltmp3, $4  }
0x88: {  	v11 =	vld [tilespmem:s7+$0x230]  }
0x89: {  	v10 =	vld [tilespmem:s7+$0x240]  }
0x8a: {  	v14 =	vadd.f32 v15, v8;
	v9 =	vld [tilespmem:s7+$0x250]  }
0x8b: {  	s15 =	sadd.s32 $0x200, s15;
	v13 =	vadd.f32 v16, v13;
	v8 =	vld [tilespmem:s7+$0x260]  }
0x8c: {  	v14 =	vmax.f32 v14, $0.0e+00;
	v7 =	vadd.f32 v7, v12;
	v12 =	vld [tilespmem:s7+$0x270]  }
0x8d: {  	[tilespmem:s7+$0x200] =	vst v14;
	v13 =	vmax.f32 v13, $0.0e+00;
	v6 =	vadd.f32 v6, v11  }
0x8e: {  	[tilespmem:s7+$0x210] =	vst v13;
	v7 =	vmax.f32 v7, $0.0e+00;
	v5 =	vadd.f32 v5, v10  }
0x8f: {  	[tilespmem:s7+$0x220] =	vst v7;
	v6 =	vmax.f32 v6, $0.0e+00;
	v4 =	vadd.f32 v4, v9  }
0x90: {  	[tilespmem:s7+$0x230] =	vst v6;
	v5 =	vmax.f32 v5, $0.0e+00;
	v3 =	vadd.f32 v3, v8  }
0x91: {  	[tilespmem:s7+$0x240] =	vst v5;
	v4 =	vmax.f32 v4, $0.0e+00;
	v2 =	vadd.f32 v2, v12  }
0x92: {  	[tilespmem:s7+$0x250] =	vst v4;
	v3 =	vmax.f32 v3, $0.0e+00  }
0x93: {  	[tilespmem:s7+$0x260] =	vst v3;
	v2 =	vmax.f32 v2, $0.0e+00  }
0x94: {  	[tilespmem:s7+$0x270] =	vst v2  }
0x95: {  	v2 =	vld [tilespmem:$0x0]  }
0x96: {  	v3 =	vld [tilespmem:$0x10]  }
0x97: {  	v4 =	vld [tilespmem:$0x20]  }
0x98: {  	v5 =	vld [tilespmem:$0x30]  }
0x99: {  	v6 =	vld [tilespmem:$0x40]  }
0x9a: {  	[tilespmem:$0x180] =	vst v2  }
0x9b: {  	[tilespmem:$0x190] =	vst v3  }
0x9c: {  	[tilespmem:$0x1A0] =	vst v4  }
0x9d: {  	[tilespmem:$0x1B0] =	vst v5  }
0x9e: {  	[tilespmem:$0x1C0] =	vst v6  }
0x9f: {  	[spmem:s1] =	stream.indirect.scatter.add.f32 [tilespmem:s17], [sflag:$0x3], $0x80, s31, s20, $0xb8;
	[tilespmem:$0x1DC80] =	vst v63  }
0xa0: {  	_ =	swait.ge [sflag:s0], $0x2800  }
0xa1: {  	[sflag:s0] =	ssyncset.done $0x0  }
0xa2: {  	[sflag:s0] =	ssyncadd.s32 $0xFFFFD800  }
0xa3: {  	_ =	swait.ge [sflag:s3], $0x2800  }
0xa4: {  	[sflag:s3] =	ssyncset.done $0x0  }
0xa5: {  	s7 =	simm.s32 $0x0;
	[sflag:s3] =	ssyncadd.s32 $0xFFFFD800  }
0xa6: {  	v8 =	vld [tilespmem:s7+$0x7C00]  }
0xa7: {  	v13 =	vld [tilespmem:s7+$0x7C10]  }
0xa8: {  	v7 =	vld [tilespmem:s7+$0x7C20]  }
0xa9: {  	v6 =	vld [tilespmem:s7+$0x7C30]  }
0xaa: {  	v5 =	vld [tilespmem:s7+$0x7C40]  }
0xab: {  	v4 =	vld [tilespmem:s7+$0x7C50]  }
0xac: {  	v3 =	vld [tilespmem:s7+$0x7C60]  }
0xad: {  	v2 =	vld [tilespmem:s7+$0x7C70]  }
0xae: {  	v14 =	vld [tilespmem:s7+$0x5400]  }
0xaf: {  	v15 =	vld [tilespmem:s7+$0x5410]  }
0xb0: {  	v12 =	vld [tilespmem:s7+$0x5420]  }
0xb1: {  	v11 =	vld [tilespmem:s7+$0x5430]  }
0xb2: {  	v10 =	vld [tilespmem:s7+$0x5440]  }
0xb3: {  	v9 =	vld [tilespmem:s7+$0x5450];
	v14 =	vadd.f32 v8, v14  }
0xb4: {  	s15 =	simm.s32 $0x200;
	v13 =	vadd.f32 v13, v15;
	v8 =	vld [tilespmem:s7+$0x5460]  }
.LBB2_9:
0xb5: {  	s13 =	sshra.s32 s15, $0x2;
	p1 =	sne.s32 s15, $0x9E00;
	v14 =	vmax.f32 v14, $0.0e+00;
	v7 =	vadd.f32 v7, v12;
	v12 =	vld [tilespmem:s7+$0x5470]  }
0xb6: {  	v15 =	vld [tilespmem:s13+$0x7C00];
	[tilespmem:s7+$0x5400] =	vst v14;
	v13 =	vmax.f32 v13, $0.0e+00;
	v6 =	vadd.f32 v6, v11  }
0xb7: {  	v16 =	vld [tilespmem:s13+$0x7C10];
	[tilespmem:s7+$0x5410] =	vst v13;
	v11 =	vmax.f32 v7, $0.0e+00;
	v5 =	vadd.f32 v5, v10  }
0xb8: {  	v7 =	vld [tilespmem:s13+$0x7C20];
	[tilespmem:s7+$0x5420] =	vst v11;
	v10 =	vmax.f32 v6, $0.0e+00;
	v4 =	vadd.f32 v4, v9  }
0xb9: {  	v6 =	vld [tilespmem:s13+$0x7C30];
	[tilespmem:s7+$0x5430] =	vst v10;
	v9 =	vmax.f32 v5, $0.0e+00;
	v3 =	vadd.f32 v3, v8  }
0xba: {  	v5 =	vld [tilespmem:s13+$0x7C40];
	[tilespmem:s7+$0x5440] =	vst v9;
	v8 =	vmax.f32 v4, $0.0e+00;
	v2 =	vadd.f32 v2, v12  }
0xbb: {  	v4 =	vld [tilespmem:s13+$0x7C50];
	[tilespmem:s7+$0x5450] =	vst v8;
	v8 =	vmax.f32 v3, $0.0e+00  }
0xbc: {  	v3 =	vld [tilespmem:s13+$0x7C60];
	[tilespmem:s7+$0x5460] =	vst v8;
	v8 =	vmax.f32 v2, $0.0e+00  }
0xbd: {  	v2 =	vld [tilespmem:s13+$0x7C70];
	[tilespmem:s7+$0x5470] =	vst v8;
	s7 =	smov.u32 s13  }
0xbe: {  	v8 =	vld [tilespmem:s7+$0x5400]  }
0xbf: {  	v13 =	vld [tilespmem:s7+$0x5410]  }
.Ltmp4:
0xc0: {  	v12 =	vld [tilespmem:s7+$0x5420];
	(pc) =	sbr.rel @p1 .LBB2_9-.Ltmp4, $4  }
0xc1: {  	v11 =	vld [tilespmem:s7+$0x5430]  }
0xc2: {  	v10 =	vld [tilespmem:s7+$0x5440]  }
0xc3: {  	v14 =	vadd.f32 v15, v8;
	v9 =	vld [tilespmem:s7+$0x5450]  }
0xc4: {  	s15 =	sadd.s32 $0x200, s15;
	v13 =	vadd.f32 v16, v13;
	v8 =	vld [tilespmem:s7+$0x5460]  }
0xc5: {  	v14 =	vmax.f32 v14, $0.0e+00;
	v7 =	vadd.f32 v7, v12;
	v63 =	vld [tilespmem:s7+$0x5470]  }
0xc6: {  	[tilespmem:s7+$0x5400] =	vst v14;
	v13 =	vmax.f32 v13, $0.0e+00;
	v6 =	vadd.f32 v6, v11  }
0xc7: {  	[tilespmem:s7+$0x5410] =	vst v13;
	v7 =	vmax.f32 v7, $0.0e+00;
	v5 =	vadd.f32 v5, v10  }
0xc8: {  	[tilespmem:s7+$0x5420] =	vst v7;
	v6 =	vmax.f32 v6, $0.0e+00;
	v4 =	vadd.f32 v4, v9  }
0xc9: {  	[tilespmem:s7+$0x5430] =	vst v6;
	v5 =	vmax.f32 v5, $0.0e+00;
	v3 =	vadd.f32 v3, v8  }
0xca: {  	[tilespmem:s7+$0x5440] =	vst v5;
	v4 =	vmax.f32 v4, $0.0e+00;
	v2 =	vadd.f32 v2, v63  }
0xcb: {  	[tilespmem:s7+$0x5450] =	vst v4;
	v3 =	vmax.f32 v3, $0.0e+00  }
0xcc: {  	[tilespmem:s7+$0x5460] =	vst v3;
	v2 =	vmax.f32 v2, $0.0e+00  }
0xcd: {  	[tilespmem:s7+$0x5470] =	vst v2  }
0xce: {  	v2 =	vld [tilespmem:$0x5200]  }
0xcf: {  	v3 =	vld [tilespmem:$0x5210]  }
0xd0: {  	v4 =	vld [tilespmem:$0x5220]  }
0xd1: {  	v5 =	vld [tilespmem:$0x5230]  }
0xd2: {  	v6 =	vld [tilespmem:$0x5240]  }
0xd3: {  	[tilespmem:$0x5380] =	vst v2  }
0xd4: {  	[tilespmem:$0x5390] =	vst v3  }
0xd5: {  	[tilespmem:$0x53A0] =	vst v4  }
0xd6: {  	p1 =	seq.s32 s12, $0x3D;
	[tilespmem:$0x53B0] =	vst v5  }
.Ltmp5:
0xd7: {  	[tilespmem:$0x53C0] =	vst v6;
	(pc) =	sbr.rel @p1 .LBB2_12-.Ltmp5, $4  }
0xd8: {  	[spmem:s1] =	stream.indirect.scatter.add.f32 [tilespmem:s26], [sflag:$0x6], $0x80, s8, s20, $0xb8;
	[tilespmem:$0x1DC80] =	vst v63  }
0xd9: {  	_ =	swait.ge [sflag:s9], $0x2800  }
0xda: {  	[sflag:s9] =	ssyncset.done $0x0  }
0xdb: {  	[sflag:s9] =	ssyncadd.s32 $0xFFFFD800  }
0xdc: {  	s7 =	sadd.s32 s16, s11  }
0xdd: {  	s13 =	sshrl.u32 s7, $0x3  }
0xde: {  	s13 =	sadd.s32 s5, s13  }
0xdf: {  	[tilespmem:s2], [sflag:$0x7] =	stream.linear.gather [hbm4b:s13+s2], $0x50, $0x38;
	[tilespmem:$0x1DC80] =	vst v63  }
0xe0: {  	s7 =	sadd.s32 s6, s7;
	_ =	swait.ge [sflag:s18], $0x50  }
0xe1: {  	s7 =	sshrl.u32 s7, $0x3;
	[sflag:s18] =	ssyncset.done $0x0  }
0xe2: {  	s7 =	sadd.s32 s5, s7;
	[sflag:s18] =	ssyncadd.s32 $0xFFFFFFB0  }
0xe3: {  	[tilespmem:s19], [sflag:$0x7] =	stream.linear.gather [hbm4b:s7+s2], $0x50, $0x38;
	[tilespmem:$0x1DC80] =	vst v63  }
0xe4: {  	_ =	swait.ge [sflag:s18], $0x50  }
0xe5: {  	[sflag:s18] =	ssyncset.done $0x0  }
0xe6: {  	[sflag:s18] =	ssyncadd.s32 $0xFFFFFFB0  }
0xe7: {  	v2 =	vld [tilespmem:$0x0]  }
0xe8: {  	v3 =	vld [tilespmem:$0x10]  }
0xe9: {  	v4 =	vld [tilespmem:$0x20]  }
0xea: {  	v5 =	vld [tilespmem:$0x30]  }
0xeb: {  	v6 =	vld [tilespmem:$0x40]  }
0xec: {  	v2 =	vadd.s32 v0, v2  }
0xed: {  	[tilespmem:$0x80] =	vst v2;
	v2 =	vadd.s32 v0, v3  }
0xee: {  	[tilespmem:$0x90] =	vst v2;
	v2 =	vadd.s32 v0, v4  }
0xef: {  	[tilespmem:$0xA0] =	vst v2;
	v2 =	vadd.s32 v0, v5  }
.Ltmp6:
0xf0: {  	[tilespmem:$0xB0] =	vst v2;
	v2 =	vadd.s32 v0, v6;
	(pc) =	sbr.rel .LBB2_6-.Ltmp6, $4  }
0xf1: {  	[tilespmem:$0xC0] =	vst v2  }
0xf2: {  	[tilespmem:s17], [sflag:$0x1] =	stream.indirect.gather [hbm4b:s4+s20], $0x80, s21, s20, $0xb8;
	[tilespmem:$0x1DC80] =	vst v63  }
0xf3: {  	s12 =	sadd.s32 $0x1, s12  }
0xf4: {  	[tilespmem:s22], [sflag:$0x2] =	stream.indirect.gather [hbm4b:s4+s20], $0x80, s19, s20, $0xb8;
	[tilespmem:$0x1DC80] =	vst v63  }
.LBB2_12:
0xf5: {  	s7 =	simm.s32 $0x6  }
0xf6: {  	_ =	swait.ge [sflag:s7], $0x2800  }
0xf7: {  	[sflag:s7] =	ssyncset.done $0x0  }
0xf8: {  	s15 =	simm.s32 $0x0;
	s12 =	rddreg [dreg:$0x6];
	[sflag:s7] =	ssyncadd.s32 $0xFFFFD800  }
0xf9: {  	[tilespmem:s15], [sflag:$0x7] =	stream.linear.gather [hbm4b:s12+s15], $0x50, $0x38;
	[tilespmem:$0x1DC80] =	vst v63  }
0xfa: {  	_ =	swait.ge [sflag:s18], $0x50  }
0xfb: {  	[sflag:s18] =	ssyncset.done $0x0  }
0xfc: {  	s16 =	rddreg [dreg:$0x7];
	[sflag:s18] =	ssyncadd.s32 $0xFFFFFFB0  }
0xfd: {  	[tilespmem:s19], [sflag:$0x7] =	stream.linear.gather [hbm4b:s16+s15], $0x50, $0x38;
	[tilespmem:$0x1DC80] =	vst v63  }
0xfe: {  	_ =	swait.ge [sflag:s18], $0x50  }
0xff: {  	[sflag:s18] =	ssyncset.done $0x0  }
0x100: {  	[sflag:s18] =	ssyncadd.s32 $0xFFFFFFB0  }
0x101: {  	v2 =	vld [tilespmem:$0x0]  }
0x102: {  	v3 =	vld [tilespmem:$0x10]  }
0x103: {  	v4 =	vld [tilespmem:$0x20]  }
0x104: {  	v5 =	vld [tilespmem:$0x30]  }
0x105: {  	v6 =	vld [tilespmem:$0x40]  }
0x106: {  	v2 =	vadd.s32 v0, v2  }
0x107: {  	[tilespmem:$0x80] =	vst v2;
	v2 =	vadd.s32 v0, v3  }
0x108: {  	[tilespmem:$0x90] =	vst v2;
	v2 =	vadd.s32 v0, v4  }
0x109: {  	[tilespmem:$0xA0] =	vst v2;
	v2 =	vadd.s32 v0, v5  }
0x10a: {  	[tilespmem:$0xB0] =	vst v2;
	v2 =	vadd.s32 v0, v6  }
0x10b: {  	[tilespmem:$0xC0] =	vst v2  }
0x10c: {  	[tilespmem:s17], [sflag:$0x1] =	stream.indirect.gather [hbm4b:s4+s20], $0x80, s21, s20, $0xb8;
	[tilespmem:$0x1DC80] =	vst v63  }
0x10d: {  	_ = 	snop  }
0x10e: {  	[tilespmem:s22], [sflag:$0x2] =	stream.indirect.gather [hbm4b:s4+s20], $0x80, s19, s20, $0xb8;
	[tilespmem:$0x1DC80] =	vst v63  }
0x10f: {  	_ =	swait.ge [sflag:s29], $0x2800  }
0x110: {  	[sflag:s29] =	ssyncset.done $0x0  }
0x111: {  	[sflag:s29] =	ssyncadd.s32 $0xFFFFD800  }
0x112: {  	_ =	swait.ge [sflag:s30], $0x2800  }
0x113: {  	[sflag:s30] =	ssyncset.done $0x0  }
0x114: {  	s7 =	simm.s32 $0x0;
	[sflag:s30] =	ssyncadd.s32 $0xFFFFD800  }
0x115: {  	v8 =	vld [tilespmem:s7+$0x2A00]  }
0x116: {  	v13 =	vld [tilespmem:s7+$0x2A10]  }
0x117: {  	v7 =	vld [tilespmem:s7+$0x2A20]  }
0x118: {  	v6 =	vld [tilespmem:s7+$0x2A30]  }
0x119: {  	v5 =	vld [tilespmem:s7+$0x2A40]  }
0x11a: {  	v4 =	vld [tilespmem:s7+$0x2A50]  }
0x11b: {  	v3 =	vld [tilespmem:s7+$0x2A60]  }
0x11c: {  	v2 =	vld [tilespmem:s7+$0x2A70]  }
0x11d: {  	v14 =	vld [tilespmem:s7+$0x200]  }
0x11e: {  	v15 =	vld [tilespmem:s7+$0x210]  }
0x11f: {  	v12 =	vld [tilespmem:s7+$0x220]  }
0x120: {  	v11 =	vld [tilespmem:s7+$0x230]  }
0x121: {  	v10 =	vld [tilespmem:s7+$0x240]  }
0x122: {  	v9 =	vld [tilespmem:s7+$0x250];
	v14 =	vadd.f32 v8, v14  }
0x123: {  	s12 =	simm.s32 $0x200;
	v13 =	vadd.f32 v13, v15;
	v8 =	vld [tilespmem:s7+$0x260]  }
.LBB2_13:
0x124: {  	s13 =	sshra.s32 s12, $0x2;
	p1 =	sne.s32 s12, $0x9E00;
	v14 =	vmax.f32 v14, $0.0e+00;
	v7 =	vadd.f32 v7, v12;
	v12 =	vld [tilespmem:s7+$0x270]  }
0x125: {  	v15 =	vld [tilespmem:s13+$0x2A00];
	[tilespmem:s7+$0x200] =	vst v14;
	v13 =	vmax.f32 v13, $0.0e+00;
	v6 =	vadd.f32 v6, v11  }
0x126: {  	v16 =	vld [tilespmem:s13+$0x2A10];
	[tilespmem:s7+$0x210] =	vst v13;
	v11 =	vmax.f32 v7, $0.0e+00;
	v5 =	vadd.f32 v5, v10  }
0x127: {  	v7 =	vld [tilespmem:s13+$0x2A20];
	[tilespmem:s7+$0x220] =	vst v11;
	v10 =	vmax.f32 v6, $0.0e+00;
	v4 =	vadd.f32 v4, v9  }
0x128: {  	v6 =	vld [tilespmem:s13+$0x2A30];
	[tilespmem:s7+$0x230] =	vst v10;
	v9 =	vmax.f32 v5, $0.0e+00;
	v3 =	vadd.f32 v3, v8  }
0x129: {  	v5 =	vld [tilespmem:s13+$0x2A40];
	[tilespmem:s7+$0x240] =	vst v9;
	v8 =	vmax.f32 v4, $0.0e+00;
	v2 =	vadd.f32 v2, v12  }
0x12a: {  	v4 =	vld [tilespmem:s13+$0x2A50];
	[tilespmem:s7+$0x250] =	vst v8;
	v8 =	vmax.f32 v3, $0.0e+00  }
0x12b: {  	v3 =	vld [tilespmem:s13+$0x2A60];
	[tilespmem:s7+$0x260] =	vst v8;
	v8 =	vmax.f32 v2, $0.0e+00  }
0x12c: {  	v2 =	vld [tilespmem:s13+$0x2A70];
	[tilespmem:s7+$0x270] =	vst v8;
	s7 =	smov.u32 s13  }
0x12d: {  	v8 =	vld [tilespmem:s7+$0x200]  }
0x12e: {  	v13 =	vld [tilespmem:s7+$0x210]  }
.Ltmp7:
0x12f: {  	v12 =	vld [tilespmem:s7+$0x220];
	(pc) =	sbr.rel @p1 .LBB2_13-.Ltmp7, $4  }
0x130: {  	v11 =	vld [tilespmem:s7+$0x230]  }
0x131: {  	v10 =	vld [tilespmem:s7+$0x240]  }
0x132: {  	v14 =	vadd.f32 v15, v8;
	v9 =	vld [tilespmem:s7+$0x250]  }
0x133: {  	s12 =	sadd.s32 $0x200, s12;
	v13 =	vadd.f32 v16, v13;
	v8 =	vld [tilespmem:s7+$0x260]  }
0x134: {  	v14 =	vmax.f32 v14, $0.0e+00;
	v7 =	vadd.f32 v7, v12;
	v63 =	vld [tilespmem:s7+$0x270]  }
0x135: {  	[tilespmem:s7+$0x200] =	vst v14;
	v13 =	vmax.f32 v13, $0.0e+00;
	v6 =	vadd.f32 v6, v11  }
0x136: {  	[tilespmem:s7+$0x210] =	vst v13;
	v7 =	vmax.f32 v7, $0.0e+00;
	v5 =	vadd.f32 v5, v10  }
0x137: {  	[tilespmem:s7+$0x220] =	vst v7;
	v6 =	vmax.f32 v6, $0.0e+00;
	v4 =	vadd.f32 v4, v9  }
0x138: {  	[tilespmem:s7+$0x230] =	vst v6;
	v5 =	vmax.f32 v5, $0.0e+00;
	v3 =	vadd.f32 v3, v8  }
0x139: {  	[tilespmem:s7+$0x240] =	vst v5;
	v4 =	vmax.f32 v4, $0.0e+00;
	v2 =	vadd.f32 v2, v63  }
0x13a: {  	[tilespmem:s7+$0x250] =	vst v4;
	v3 =	vmax.f32 v3, $0.0e+00  }
0x13b: {  	[tilespmem:s7+$0x260] =	vst v3;
	v2 =	vmax.f32 v2, $0.0e+00  }
0x13c: {  	[tilespmem:s7+$0x270] =	vst v2  }
0x13d: {  	[spmem:s1] =	stream.indirect.scatter.add.f32 [tilespmem:s17], [sflag:$0x7], $0x80, s2, s20, $0xb8;
	[tilespmem:$0x1DC80] =	vst v63  }
0x13e: {  	_ =	swait.ge [sflag:s18], $0x2800  }
0x13f: {  	[sflag:s18] =	ssyncset.done $0x0  }
0x140: {  	[sflag:s18] =	ssyncadd.s32 $0xFFFFD800  }
0x141: {  	[bflag:$0x0] =	sbarrier.arrive $0xFFFF  }
0x142: {  	s16 =	rddreg [dreg:$0x9]  }
0x143: {  	[tilespmem:s17], [sflag:$0x7] =	stream.linear.gather [spmem:s16], $0x2800, $0x38;
	[tilespmem:$0x1DC80] =	vst v63  }
0x144: {  	_ =	swait.ge [sflag:s18], $0x2800  }
0x145: {  	[sflag:s18] =	ssyncset.done $0x0  }
.Ltmp8:
0x146: {  	s12 =	rddreg [dreg:$0xa];
	[sflag:s18] =	ssyncadd.s32 $0xFFFFD800;
	(pc) =	sbr.rel @!p0 .LBB2_16-.Ltmp8, $4  }
0x147: {  	[hbm4b:s12+s2] =	stream.linear.scatter [tilespmem:s17], [sflag:$0x7], $0x2800, $0x38;
	[tilespmem:$0x1DC80] =	vst v63  }
0x148: {  	_ =	swait.ge [sflag:s18], $0x2800  }
0x149: {  	s15 =	rddreg [dreg:$0x3]  }
0x14a: {  	s14 =	smov.u32 s16;
	[sflag:s18] =	ssyncset.done $0x0;
	s7 =	sadd.s32 $0xFFFFFFFF, s15  }
.LBB2_15:
0x14b: {  	[sflag:s18] =	ssyncadd.s32 $0xFFFFD800;
	s12 =	sadd.s32 $0x5000, s12;
	s14 =	sadd.s32 $0x28000, s14  }
0x14c: {  	[tilespmem:s17], [sflag:$0x7] =	stream.linear.gather [spmem:s14], $0x2800, $0x38;
	[tilespmem:$0x1DC80] =	vst v63  }
0x14d: {  	p0 =	sne.s32 s7, $0x1;
	s7 =	sadd.s32 $0xFFFFFFFF, s7;
	_ =	swait.ge [sflag:s18], $0x2800  }
.Ltmp9:
0x14e: {  	[sflag:s18] =	ssyncset.done $0x0;
	(pc) =	sbr.rel @p0 .LBB2_15-.Ltmp9, $4  }
0x14f: {  	[sflag:s18] =	ssyncadd.s32 $0xFFFFD800  }
0x150: {  	[hbm4b:s12+s2] =	stream.linear.scatter [tilespmem:s17], [sflag:$0x7], $0x2800, $0x38;
	[tilespmem:$0x1DC80] =	vst v63  }
0x151: {  	_ =	swait.ge [sflag:s18], $0x2800  }
0x152: {  	[sflag:s18] =	ssyncset.done $0x0  }
.LBB2_16:
0x153: {  	s12 =	rddreg [dreg:$0xb]  }
0x154: {  	s7 =	rddreg [dreg:$0x8];
	s12 =	sadd.s32 $0x1, s12  }
0x155: {  	p0 =	sne.s32 s12, s7  }
.Ltmp10:
0x156: {  	_ = 	snop;
	(pc) =	sbr.rel @p0 .LBB2_1-.Ltmp10, $2  }
0x157: {  	_ =	sdelay $0x2  }
0x158: {  	[sflag:s18] =	ssyncadd.s32 $0xFFFFD800  }
0x159: {  	_ =	sfence.sel $0x180000  }
0x15a: {  	[bflag:$0x0] =	sbarrier.arrive $0xFFFF  }
0x15b: {  	_ =	strace $0x90000047  }
0x15c: {  	s0 =	stileid.u32;
	[bflag:$0x2] =	sbarrier.arrive $0xFFFF  }
0x15d: {  	p0 =	sne.s32 s0, $0x0;
	s0 =	rddreg [dreg:$0x2]  }
0x15e: {  	s0 =	sadd.s32 @!p0 $0x100000, s0  }
0x15f: {  	[sflag:s0] =	ssyncadd.tile.s32 @!p0 $0x1;
	_ =	shalt  }
.Lfunc_end2:
_tile_overlayer_lowered:
.L_overlay_start_2:
0x160: {  	(tag) =	ssettag $0x2  }
0x161: {  	s0 =	rddreg [dreg:$0x0];
	s2 =	stileid.u32  }
0x162: {  	s1 =	rddreg [dreg:$0x1];
	p0 =	sne.s32 s2, $0x0  }
0x163: {  	s3 =	rddreg [dreg:$0x2];
	[bflag:$0x3] =	sbarrier.arrive $0xFFFF;
	s2 =	simm.s32 @!p0 $0x1C07  }
0x164: {  	[timem:s3], [sflag:s2] =	dma.local @!p0 [hbm:s0], s1  }
0x165: {  	s0 =	simm.s32 @!p0 $0x7  }
0x166: {  	_ =	swait.ge @!p0 [sflag:s0], s1  }
0x167: {  	s1 =	ssub.s32 @!p0 $0x0, s1;
	[sflag:s0] =	ssyncset.done @!p0 $0x0  }
0x168: {  	[sflag:s0] =	ssyncadd.s32 @!p0 s1  }
0x169: {  	[bflag:$0x3] =	sbarrier.arrive $0xFFFF  }
0x16a: {  	_ =	shalt  }

// kernel: kernel.13.cloned.1.call-start
scs
__scs_entry_jumppad:
0x0: {  	(pc) =	sbr.rel $0x88, $3  }
0x1: {  	(tag) =	ssettag $0x0;
	lr =	simm.s32 $0x1  }
0x2: {  	[smem:$0x3F94] =	sst lr;
	_ =	strace $0xD0000000  }
0x3: {  	_ = 	snop  }
0x4: {  	_ = 	snop  }
0x5: {  	_ = 	snop  }
0x6: {  	_ = 	snop  }
0x7: {  	_ = 	snop  }
__scs_overlays_trampoline_lowered:
0x8: {  	[smem:$0x3FA3] =	sst s0  }
0x9: {  	[smem:$0x3FA4] =	sst s1  }
0xa: {  	[smem:$0x3FA5] =	sst s2  }
0xb: {  	[smem:$0x3FA6] =	sst s3  }
0xc: {  	[smem:$0x3FA7] =	sst s4  }
0xd: {  	[smem:$0x3FA8] =	sst s5  }
0xe: {  	[smem:$0x3FA9] =	sst s6  }
0xf: {  	[smem:$0x3FAA] =	sst s7  }
0x10: {  	[smem:$0x3FAB] =	sst s8  }
0x11: {  	[smem:$0x3FAC] =	sst s9;
	s0 =	simm.s32 @!p0 $0x0  }
0x12: {  	s1 =	sld [smem:$0x3F92];
	s0 =	simm.s32 @p0 $0x1  }
0x13: {  	[smem:$0x3FAD] =	sst s0;
	s0 =	simm.s32 @!p1 $0x0  }
0x14: {  	s2 =	sld [smem:$0x3F91];
	s0 =	simm.s32 @p1 $0x1  }
0x15: {  	[smem:$0x3FAE] =	sst s0;
	s0 =	simm.s32 @!p2 $0x0  }
0x16: {  	s3 =	sld [smem:$0x3FDB];
	s0 =	simm.s32 @p2 $0x1  }
0x17: {  	s4 =	simm.s32 $0x1BF5;
	[smem:$0x3FB0] =	sst s0  }
0x18: {  	s0 =	sld [smem:$0x3F93];
	_ =	swait.ge [sflag:s4], $0x0  }
0x19: {  	s7 =	sld [smem:$0x3F94]  }
0x1a: {  	s8 =	sadd.s32 $0xFFFFE003, lr  }
0x1b: {  	s9 =	sadd.s32 $0xFFFFFEF7, lr;
	s5 =	simm.s32 $0xFFFFFFFF;
	p2 =	slt.u32 s8, $0xFFFFF086  }
0x1c: {  	p1 =	slt.u32 s9, $0xF7A;
	s5 =	simm.s32 @!p2 $0x0  }
0x1d: {  	s5 =	simm.s32 @p1 $0x1;
	p0 =	seq.s32 s7, s2  }
0x1e: {  	s7 =	smul.u32 @!p0 $0xF7A, s2;
	p2 =	seq.s32 @!p0 s5, $0x0  }
0x1f: {  	s9 =	smul.u32 $0xF7A, s1;
	s8 =	simm.s32 @!p0 $0x1BF5;
	p2 =	por !p2, p0  }
0x20: {  	[sflag:s8] =	ssyncset.s32 @!p0 $0xFFFFF086;
	s6 =	sadd.s32 @!p0 s3, s7;
	s7 =	simm.s32 @!p0 $0x108  }
0x21: {  	s3 =	sadd.s32 s3, s9;
	s6 =	sadd.s32 @!p0 $0x88, s6;
	s7 =	simm.s32 @p2 $0x1082  }
0x22: {  	[simem:s7], [sflag:s8] =	dma.local @!p0 [hbm:s6], $0xF7A  }
0x23: {  	s9 =	sor.u32 $0xD0000000, s2;
	s6 =	simm.s32 $0x108;
	_ =	swait.ge @!p0 [sflag:s8], $0x0  }
0x24: {  	s3 =	sadd.s32 $0x88, s3;
	s6 =	simm.s32 @!p1 $0x1082;
	[sflag:s4] =	ssyncset.s32 $0xFFFFF086  }
0x25: {  	[simem:s6], [sflag:s4] =	dma.local [hbm:s3], $0xF7A  }
0x26: {  	[smem:$0x3F94] =	sst s1;
	(tag) =	ssettag s2;
	_ =	strace s9  }
0x27: {  	s1 =	sld [smem:$0x3FA4]  }
0x28: {  	s2 =	sld [smem:$0x3FA5]  }
0x29: {  	s4 =	sld [smem:$0x3FA7]  }
0x2a: {  	p0 =	seq.s32 s5, $0x0;
	s5 =	sld [smem:$0x3FA8]  }
0x2b: {  	s6 =	sld [smem:$0x3FA9]  }
0x2c: {  	s7 =	sld [smem:$0x3FAA]  }
0x2d: {  	s3 =	simm.s32 $0x108;
	s8 =	sld [smem:$0x3FAB]  }
0x2e: {  	s3 =	simm.s32 @!p0 $0x1082;
	s9 =	sld [smem:$0x3FAC]  }
0x2f: {  	lr =	sadd.s32 s0, s3;
	s0 =	sld [smem:$0x3FA3]  }
0x30: {  	s3 =	sld [smem:$0x3FA6]  }
0x31: {  	[smem:$0x3FAF] =	sst s10  }
0x32: {  	s10 =	sld [smem:$0x3FAD];
	_ =	sdelay $0x3  }
0x33: {  	p0 =	seq.s32 s10, $0x1;
	s10 =	sld [smem:$0x3FAF];
	_ =	sdelay $0x3  }
0x34: {  	[smem:$0x3FAF] =	sst s10  }
0x35: {  	s10 =	sld [smem:$0x3FAE];
	_ =	sdelay $0x3  }
0x36: {  	p1 =	seq.s32 s10, $0x1;
	s10 =	sld [smem:$0x3FAF];
	_ =	sdelay $0x3  }
0x37: {  	[smem:$0x3FAF] =	sst s10  }
0x38: {  	s10 =	sld [smem:$0x3FB0]  }
0x39: {  	_ = 	snop;
	(pc) =	sbr.ind lr, $3  }
0x3a: {  	_ = 	snop  }
0x3b: {  	_ = 	snop  }
0x3c: {  	p2 =	seq.s32 s10, $0x1;
	s10 =	sld [smem:$0x3FAF]  }
0x3d: {  	_ =	shalt  }
0x3e: {  	_ =	shalt  }
0x3f: {  	_ =	shalt  }
0x40: {  	_ =	shalt  }
0x41: {  	_ =	shalt  }
0x42: {  	_ =	shalt  }
0x43: {  	_ =	shalt  }
0x44: {  	_ =	shalt  }
0x45: {  	_ =	shalt  }
0x46: {  	_ =	shalt  }
0x47: {  	_ =	shalt  }
0x48: {  	_ =	shalt  }
0x49: {  	_ =	shalt  }
0x4a: {  	_ =	shalt  }
0x4b: {  	_ =	shalt  }
0x4c: {  	_ =	shalt  }
0x4d: {  	_ =	shalt  }
0x4e: {  	_ =	shalt  }
0x4f: {  	_ =	shalt  }
0x50: {  	_ =	shalt  }
0x51: {  	_ =	shalt  }
0x52: {  	_ =	shalt  }
0x53: {  	_ =	shalt  }
0x54: {  	_ =	shalt  }
0x55: {  	_ =	shalt  }
0x56: {  	_ =	shalt  }
0x57: {  	_ =	shalt  }
0x58: {  	_ =	shalt  }
0x59: {  	_ =	shalt  }
0x5a: {  	_ =	shalt  }
0x5b: {  	_ =	shalt  }
0x5c: {  	_ =	shalt  }
0x5d: {  	_ =	shalt  }
0x5e: {  	_ =	shalt  }
0x5f: {  	_ =	shalt  }
0x60: {  	_ =	shalt  }
0x61: {  	_ =	shalt  }
0x62: {  	_ =	shalt  }
0x63: {  	_ =	shalt  }
0x64: {  	_ =	shalt  }
0x65: {  	_ =	shalt  }
0x66: {  	_ =	shalt  }
0x67: {  	_ =	shalt  }
0x68: {  	_ =	shalt  }
0x69: {  	_ =	shalt  }
0x6a: {  	_ =	shalt  }
0x6b: {  	_ =	shalt  }
0x6c: {  	_ =	shalt  }
0x6d: {  	_ =	shalt  }
0x6e: {  	_ =	shalt  }
0x6f: {  	_ =	shalt  }
0x70: {  	_ =	shalt  }
0x71: {  	_ =	shalt  }
0x72: {  	_ =	shalt  }
0x73: {  	_ =	shalt  }
0x74: {  	_ =	shalt  }
0x75: {  	_ =	shalt  }
0x76: {  	_ =	shalt  }
0x77: {  	_ =	shalt  }
0x78: {  	_ =	shalt  }
0x79: {  	_ =	shalt  }
0x7a: {  	_ =	shalt  }
0x7b: {  	_ =	shalt  }
0x7c: {  	_ =	shalt  }
0x7d: {  	_ =	shalt  }
0x7e: {  	_ =	shalt  }
0x7f: {  	_ =	shalt  }
0x80: {  	_ =	shalt  }
0x81: {  	_ =	shalt  }
0x82: {  	_ =	shalt  }
0x83: {  	_ =	shalt  }
0x84: {  	_ =	shalt  }
0x85: {  	_ =	shalt  }
0x86: {  	_ =	shalt  }
0x87: {  	_ =	shalt  }
.Lfunc_end0:
.L_simem_size_0:
called_computation.1_lowered:
.L_overlay_start_0:
0x88: {  	s2 =	sld [smem:$0x3FD9]  }
0x89: {  	s3 =	sld [smem:$0x3FFE];
	_ =	sdelay $0x1  }
0x8a: {  	s1 =	srdreg.scid  }
0x8b: {  	s0 =	sand.u32 $0x1, s1  }
0x8c: {  	s16 =	sshll.u32 s0, $0xA;
	s2 =	sadd.s32 s3, s2  }
0x8d: {  	s2 =	sadd.s32 s2, s16  }
0x8e: {  	[smem:$0x3FBB] =	sst s2  }
0x8f: {  	_ = 	snop  }
0x90: {  	(tm) =	ssettm $0x1  }
0x91: {  	s17 =	sld [smem:$0x3FFB];
	_ =	sdelay $0x3  }
0x92: {  	_ =	strace s17  }
0x93: {  	s2 =	sld [smem:$0x3FFC];
	_ =	sdelay $0x3  }
0x94: {  	_ =	strace s2  }
0x95: {  	s2 =	sld [smem:$0x3FFD];
	_ =	sdelay $0x3  }
0x96: {  	_ =	strace s2  }
0x97: {  	_ =	strace $0x8FFFFFFF  }
0x98: {  	s18 =	sld [smem:$0x3FDB];
	_ =	sdelay $0x1  }
0x99: {  	s19 =	simm.s32 $_scs_section_size  }
0x9a: {  	s4 =	simm.s32 $_size__tile_overlayer_lowered;
	s5 =	simm.s32 $_tile_overlayer_lowered  }
0x9b: {  	s22 =	simm.s32 $0x1BFF;
	s21 =	sshll.u32 s5, $0x1;
	s2 =	sadd.s32 s19, s18  }
0x9c: {  	s6 =	simm.s32 $0x0;
	s20 =	sshll.u32 s4, $0x1;
	s4 =	sadd.s32 s21, s2  }
0x9d: {  	[timem:s6], [sflag:s22] =	dma.local [hbm:s4], s20  }
0x9e: {  	_ =	swait.ge [sflag:s22], s20  }
0x9f: {  	s3 =	ssub.s32 $0x0, s20;
	[sflag:s22] =	ssyncset.done $0x0  }
0xa0: {  	[sflag:s22] =	ssyncadd.s32 s3;
	_ =	sdelay $0x1  }
0xa1: {  	s23 =	simm.s32 $0x1B8B  }
0xa2: {  	_ =	swait.ge [sflag:s23], $0x1  }
0xa3: {  	[sflag:s23] =	ssyncset.done $0x0  }
0xa4: {  	s25 =	simm.s32 $0x1B8E;
	s24 =	sld [smem:$0x3FFE];
	[sflag:s23] =	ssyncadd.s32 $0xFFFFFFFF  }
0xa5: {  	s26 =	simm.s32 $execute0_lowered;
	[smem:$0x3FD2] =	sst s25  }
0xa6: {  	s4 =	sshll.u32 s26, $0x1;
	_ =	strace $0x80000049;
	[dreg:$0x1] =	wrdreg $0xFFFFFFFF  }
0xa7: {  	s28 =	simm.s32 $_size_execute0_lowered;
	s2 =	sadd.s32 s2, s4;
	[dreg:$0x0] =	wrdreg $0x0  }
0xa8: {  	s4 =	sshll.u32 s28, $0x1;
	[dreg:$0x2] =	wrdreg s2  }
0xa9: {  	[dreg:$0x3] =	wrdreg s4  }
0xaa: {  	[dreg:$0x4] =	wrdreg $0xC0  }
0xab: {  	_ =	task [dreg:s6], $0x5FFFF  }
0xac: {  	[dreg:$0x1] =	wrdreg $0xFFFFFFFF  }
0xad: {  	[dreg:$0x0] =	wrdreg $0x60  }
0xae: {  	[dreg:$0x2] =	wrdreg s24  }
0xaf: {  	[dreg:$0x3] =	wrdreg $0xA4000  }
0xb0: {  	[dreg:$0x4] =	wrdreg $0x9  }
0xb1: {  	_ =	task.clear_ibuf [dreg:s6], $0x5FFFF;
	_ =	strace $0x90000049  }
0xb2: {  	s29 =	simm.s32 $0x9;
	_ =	strace $0x8000004B  }
0xb3: {  	_ =	swait.ge [sflag:s29], $0x1  }
0xb4: {  	[sflag:s29] =	ssyncadd.s32 $0xFFFFFFFF  }
0xb5: {  	_ =	strace $0x9000004B  }
0xb6: {  	_ =	sfence  }
0xb7: {  	s30 =	sld [smem:$0x0];
	_ =	sdelay $0x2  }
0xb8: {  	s31 =	sshll.u32 s1, $0xD;
	s1 =	sshrl.u32 s1, $0x2  }
0xb9: {  	s3 =	sand.u32 $0x4000, s31;
	s1 =	sadd.s32 s1, s30  }
0xba: {  	s0 =	sor.u32 s3, s0;
	s1 =	sshll.u32 s1, $0x11  }
0xbb: {  	s0 =	sor.u32 s1, s0  }
0xbc: {  	s0 =	sadd.s32 $0x8F2B, s0  }
0xbd: {  	[sflag:s0] =	ssyncadd.remote.s32 $0x1  }
0xbe: {  	_ =	sfence.sel $0xFFFF  }
0xbf: {  	[dreg:$0x0] =	wrdreg $0xFFFFFFFF;
	(pc) =	sbr.abs _section_cstart, $3  }
0xc0: {  	[dreg:$0x1] =	wrdreg $0xFFFFFFFF  }
0xc1: {  	_ =	task.clear_ibuf [dreg:s6], $0x2FFFF;
	_ =	strace $0x9FFFFFFF  }
0xc2: {  	(tm) =	ssettm $0x7FFFFFFF  }
0xc3: {  	_ =	shalt  }
tec
execute0_lowered:
.L_overlay_start_1:
0x0: {  	(tag) =	ssettag $0x1  }
0x1: {  	s0 =	rddreg [dreg:$0x0]  }
0x2: {  	s1 =	rddreg [dreg:$0x1]  }
0x3: {  	s2 =	simm.s32 $0x0;
	s3 =	srdreg.scid;
	s13 =	stileid.u32  }
0x4: {  	s17 =	simm.s32 $0x200;
	s28 =	simm.s32 $0x7C00;
	s18 =	smul.u32 $0x26C0, s13  }
0x5: {  	s29 =	simm.s32 $0x1;
	s30 =	simm.s32 $0x2;
	s12 =	smul.u32 $0x50, s13  }
0x6: {  	s31 =	simm.s32 $0x180;
	[smem:$0x7FF] =	sst s2;
	s24 =	smul.u32 $0xA000, s13  }
0x7: {  	s3 =	sand.u32 $0x1, s3;
	s19 =	ssub.s32 $0x8C, s13;
	s13 =	smul.u32 $0x500, s13  }
0x8: {  	s4 =	sadd.s32 $0x11400, s0;
	s5 =	sadd.s32 $0x2800, s0;
	s6 =	smul.u32 $0x27100, s3  }
0x9: {  	_ =	strace $0x8000004A;
	s7 =	ssub.s32 $0x2, s3;
	s9 =	smul.u32 $0x2710, s3  }
0xa: {  	s15 =	sshrl.u32 s19, $0x4;
	s19 =	simm.s32 $0x100;
	s8 =	sshrl.u32 s7, $0x1  }
0xb: {  	s10 =	sshrl.u32 s18, $0x3;
	s22 =	sadd.s32 $0x26C00, s12;
	s26 =	sshrl.u32 s24, $0x2  }
0xc: {  	s24 =	simm.s32 $0x5300;
	s12 =	simm.s32 $0x0;
	[dreg:$0x3] =	wrdreg s15  }
0xd: {  	s0 =	sadd.s32 s6, s0;
	s7 =	ssub.s32 s7, s8;
	s6 =	sadd.s32 $0x27100, s6  }
0xe: {  	s20 =	sadd.s32 s5, s10;
	s10 =	sadd.s32 $0x50, s18;
	s16 =	sadd.s32 s26, s1  }
0xf: {  	s26 =	simm.s32 $0x5400;
	v0 =	vmov s9;
	s9 =	simm.s32 $0x3;
	s11 =	sadd.s32 s18, s6  }
0x10: {  	[dreg:$0x4] =	wrdreg s20;
	s23 =	sadd.s32 s22, s6;
	s7 =	smax.u32 s7, $0x1  }
0x11: {  	s0 =	sadd.s32 s13, s0;
	s20 =	simm.s32 $0x50;
	[dreg:$0x9] =	wrdreg s16  }
0x12: {  	s21 =	sshrl.u32 s11, $0x3;
	s11 =	sadd.s32 $0xA0, s18;
	s8 =	sshrl.u32 s23, $0x3  }
0x13: {  	[dreg:$0x8] =	wrdreg s7;
	s0 =	sadd.s32 $0xFBA00, s0;
	s18 =	simm.s32 $0x7  }
0x14: {  	s23 =	simm.s32 $0x5200;
	s3 =	sadd.s32 s5, s21;
	s25 =	sadd.s32 s5, s8  }
0x15: {  	[dreg:$0xa] =	wrdreg s0;
	s21 =	simm.s32 $0x80;
	s0 =	simm.s32 $0x4  }
0x16: {  	s8 =	simm.s32 $0x5380;
	[dreg:$0x5] =	wrdreg s3;
	s3 =	sshrl.u32 s22, $0x3  }
0x17: {  	[dreg:$0x7] =	wrdreg s25;
	s22 =	simm.s32 $0x2A00;
	s3 =	sadd.s32 s5, s3  }
0x18: {  	v1 =	vimm.f32 $0.0e+00;
	s25 =	simm.s32 $0x5280;
	[dreg:$0x6] =	wrdreg s3;
	s3 =	simm.s32 $0x5  }
.LBB2_1:
0x19: {  	[dreg:$0xb] =	wrdreg s12;
	s7 =	simm.s32 $0x0;
	s12 =	simm.s32 $0x200  }
.LBB2_2:
0x1a: {  	p0 =	sne.s32 s12, $0x9E00;
	[tilespmem:s7+$0x270] =	vst v1  }
0x1b: {  	[tilespmem:s7+$0x200] =	vst v1  }
0x1c: {  	[tilespmem:s7+$0x210] =	vst v1  }
.Ltmp0:
0x1d: {  	[tilespmem:s7+$0x220] =	vst v1;
	(pc) =	sbr.rel @p0 .LBB2_2-.Ltmp0, $4  }
0x1e: {  	[tilespmem:s7+$0x230] =	vst v1  }
0x1f: {  	[tilespmem:s7+$0x240] =	vst v1  }
0x20: {  	[tilespmem:s7+$0x250] =	vst v1  }
0x21: {  	[tilespmem:s7+$0x260] =	vst v1;
	s7 =	sshra.s32 s12, $0x2;
	s12 =	sadd.s32 $0x200, s12  }
0x22: {  	[tilespmem:s7+$0x270] =	vst v1  }
0x23: {  	[tilespmem:s7+$0x200] =	vst v1  }
0x24: {  	[tilespmem:s7+$0x210] =	vst v1  }
0x25: {  	[tilespmem:s7+$0x220] =	vst v1  }
0x26: {  	[tilespmem:s7+$0x230] =	vst v1  }
0x27: {  	[tilespmem:s7+$0x240] =	vst v1;
	p0 =	sne.s32 s15, $0x1  }
.Ltmp1:
0x28: {  	[tilespmem:s7+$0x250] =	vst v1;
	(pc) =	sbr.rel @!p0 .LBB2_5-.Ltmp1, $4  }
0x29: {  	[tilespmem:s7+$0x260] =	vst v1  }
0x2a: {  	[spmem:s16] =	stream.linear.scatter [tilespmem:s17], [sflag:$0x7], $0x2800, $0x38;
	[tilespmem:$0x1DC80] =	vst v63  }
0x2b: {  	_ =	swait.ge [sflag:s18], $0x2800  }
0x2c: {  	s7 =	sadd.s32 $0xFFFFFFFF, s15;
	s12 =	smov.u32 s16;
	[sflag:s18] =	ssyncset.done $0x0  }
.LBB2_4:
0x2d: {  	p1 =	sne.s32 s7, $0x1;
	[sflag:s18] =	ssyncadd.s32 $0xFFFFD800;
	s12 =	sadd.s32 $0x28000, s12  }
.Ltmp2:
0x2e: {  	s7 =	sadd.s32 $0xFFFFFFFF, s7;
	(pc) =	sbr.rel @p1 .LBB2_4-.Ltmp2, $4  }
0x2f: {  	_ = 	snop  }
0x30: {  	[spmem:s12] =	stream.linear.scatter [tilespmem:s17], [sflag:$0x7], $0x2800, $0x38;
	[tilespmem:$0x1DC80] =	vst v63  }
0x31: {  	_ =	swait.ge [sflag:s18], $0x2800  }
0x32: {  	[sflag:s18] =	ssyncset.done $0x0  }
.LBB2_5:
0x33: {  	[sflag:s18] =	ssyncadd.s32 $0xFFFFD800  }
0x34: {  	[bflag:$0x0] =	sbarrier.arrive $0xFFFF  }
0x35: {  	s14 =	simm.s32 $0x0;
	s7 =	rddreg [dreg:$0x4]  }
0x36: {  	[tilespmem:s14], [sflag:$0x7] =	stream.linear.gather [hbm4b:s7+s14], $0x50, $0x38;
	[tilespmem:$0x1DC80] =	vst v63  }
0x37: {  	_ =	swait.ge [sflag:s18], $0x50  }
0x38: {  	[sflag:s18] =	ssyncset.done $0x0  }
0x39: {  	s16 =	rddreg [dreg:$0x5];
	[sflag:s18] =	ssyncadd.s32 $0xFFFFFFB0  }
0x3a: {  	[tilespmem:s19], [sflag:$0x7] =	stream.linear.gather [hbm4b:s16+s14], $0x50, $0x38;
	[tilespmem:$0x1DC80] =	vst v63  }
0x3b: {  	_ =	swait.ge [sflag:s18], $0x50  }
0x3c: {  	[sflag:s18] =	ssyncset.done $0x0  }
0x3d: {  	[sflag:s18] =	ssyncadd.s32 $0xFFFFFFB0  }
0x3e: {  	v2 =	vld [tilespmem:$0x0]  }
0x3f: {  	v3 =	vld [tilespmem:$0x10]  }
0x40: {  	v4 =	vld [tilespmem:$0x20]  }
0x41: {  	v5 =	vld [tilespmem:$0x30]  }
0x42: {  	v6 =	vld [tilespmem:$0x40]  }
0x43: {  	v2 =	vadd.s32 v0, v2  }
0x44: {  	[tilespmem:$0x80] =	vst v2;
	v2 =	vadd.s32 v0, v3  }
0x45: {  	[tilespmem:$0x90] =	vst v2;
	v2 =	vadd.s32 v0, v4  }
0x46: {  	[tilespmem:$0xA0] =	vst v2;
	v2 =	vadd.s32 v0, v5  }
0x47: {  	[tilespmem:$0xB0] =	vst v2;
	v2 =	vadd.s32 v0, v6  }
0x48: {  	[tilespmem:$0xC0] =	vst v2  }
0x49: {  	[tilespmem:s17], [sflag:$0x1] =	stream.indirect.gather [hbm4b:s4+s20], $0x80, s21, s20, $0xb8;
	[tilespmem:$0x1DC80] =	vst v63  }
0x4a: {  	s12 =	simm.s32 $0x0  }
0x4b: {  	[tilespmem:s22], [sflag:$0x2] =	stream.indirect.gather [hbm4b:s4+s20], $0x80, s19, s20, $0xb8;
	[tilespmem:$0x1DC80] =	vst v63  }
.LBB2_6:
0x4c: {  	p1 =	seq.s32 s12, $0x0;
	s16 =	smul.u32 $0xA0, s12  }
0x4d: {  	s7 =	simm.s32 @!p1 $0x6  }
0x4e: {  	_ =	swait.ge @!p1 [sflag:s7], $0x2800;
	s15 =	sadd.s32 s16, s10  }
0x4f: {  	[sflag:s7] =	ssyncset.done @!p1 $0x0;
	s13 =	sshrl.u32 s15, $0x3  }
0x50: {  	[sflag:s7] =	ssyncadd.s32 @!p1 $0xFFFFD800;
	s13 =	sadd.s32 s5, s13  }
0x51: {  	[tilespmem:s23], [sflag:$0x7] =	stream.linear.gather [hbm4b:s13+s14], $0x50, $0x38;
	[tilespmem:$0x1DC80] =	vst v63  }
0x52: {  	s15 =	sadd.s32 s6, s15;
	_ =	swait.ge [sflag:s18], $0x50  }
0x53: {  	s7 =	sshrl.u32 s15, $0x3;
	[sflag:s18] =	ssyncset.done $0x0  }
0x54: {  	s7 =	sadd.s32 s5, s7;
	[sflag:s18] =	ssyncadd.s32 $0xFFFFFFB0  }
0x55: {  	[tilespmem:s24], [sflag:$0x7] =	stream.linear.gather [hbm4b:s7+s14], $0x50, $0x38;
	[tilespmem:$0x1DC80] =	vst v63  }
0x56: {  	_ =	swait.ge [sflag:s18], $0x50  }
0x57: {  	[sflag:s18] =	ssyncset.done $0x0  }
0x58: {  	[sflag:s18] =	ssyncadd.s32 $0xFFFFFFB0  }
0x59: {  	v2 =	vld [tilespmem:$0x5200]  }
0x5a: {  	v3 =	vld [tilespmem:$0x5210]  }
0x5b: {  	v4 =	vld [tilespmem:$0x5220]  }
0x5c: {  	v5 =	vld [tilespmem:$0x5230]  }
0x5d: {  	v6 =	vld [tilespmem:$0x5240]  }
0x5e: {  	v2 =	vadd.s32 v0, v2  }
0x5f: {  	[tilespmem:$0x5280] =	vst v2;
	v2 =	vadd.s32 v0, v3  }
0x60: {  	[tilespmem:$0x5290] =	vst v2;
	v2 =	vadd.s32 v0, v4  }
0x61: {  	[tilespmem:$0x52A0] =	vst v2;
	v2 =	vadd.s32 v0, v5  }
0x62: {  	[tilespmem:$0x52B0] =	vst v2;
	v2 =	vadd.s32 v0, v6  }
0x63: {  	[tilespmem:$0x52C0] =	vst v2  }
0x64: {  	[tilespmem:s26], [sflag:$0x4] =	stream.indirect.gather [hbm4b:s4+s20], $0x80, s25, s20, $0xb8;
	[tilespmem:$0x1DC80] =	vst v63  }
0x65: {  	_ = 	snop  }
0x66: {  	[tilespmem:s28], [sflag:$0x5] =	stream.indirect.gather [hbm4b:s4+s20], $0x80, s24, s20, $0xb8;
	[tilespmem:$0x1DC80] =	vst v63  }
0x67: {  	_ =	swait.ge [sflag:s29], $0x2800  }
0x68: {  	[sflag:s29] =	ssyncset.done $0x0  }
0x69: {  	[sflag:s29] =	ssyncadd.s32 $0xFFFFD800  }
0x6a: {  	_ =	swait.ge [sflag:s30], $0x2800  }
0x6b: {  	[sflag:s30] =	ssyncset.done $0x0  }
0x6c: {  	s7 =	simm.s32 $0x0;
	[sflag:s30] =	ssyncadd.s32 $0xFFFFD800  }
0x6d: {  	v8 =	vld [tilespmem:s7+$0x2A00]  }
0x6e: {  	v13 =	vld [tilespmem:s7+$0x2A10]  }
0x6f: {  	v7 =	vld [tilespmem:s7+$0x2A20]  }
0x70: {  	v6 =	vld [tilespmem:s7+$0x2A30]  }
0x71: {  	v5 =	vld [tilespmem:s7+$0x2A40]  }
0x72: {  	v4 =	vld [tilespmem:s7+$0x2A50]  }
0x73: {  	v3 =	vld [tilespmem:s7+$0x2A60]  }
0x74: {  	v2 =	vld [tilespmem:s7+$0x2A70]  }
0x75: {  	v14 =	vld [tilespmem:s7+$0x200]  }
0x76: {  	v15 =	vld [tilespmem:s7+$0x210]  }
0x77: {  	v12 =	vld [tilespmem:s7+$0x220]  }
0x78: {  	v11 =	vld [tilespmem:s7+$0x230]  }
0x79: {  	v10 =	vld [tilespmem:s7+$0x240]  }
0x7a: {  	v9 =	vld [tilespmem:s7+$0x250];
	v14 =	vadd.f32 v8, v14  }
0x7b: {  	s15 =	simm.s32 $0x200;
	v13 =	vadd.f32 v13, v15;
	v8 =	vld [tilespmem:s7+$0x260]  }
.LBB2_7:
0x7c: {  	s13 =	sshra.s32 s15, $0x2;
	p1 =	sne.s32 s15, $0x9E00;
	v14 =	vmax.f32 v14, $0.0e+00;
	v7 =	vadd.f32 v7, v12;
	v12 =	vld [tilespmem:s7+$0x270]  }
0x7d: {  	v15 =	vld [tilespmem:s13+$0x2A00];
	[tilespmem:s7+$0x200] =	vst v14;
	v13 =	vmax.f32 v13, $0.0e+00;
	v6 =	vadd.f32 v6, v11  }
0x7e: {  	v16 =	vld [tilespmem:s13+$0x2A10];
	[tilespmem:s7+$0x210] =	vst v13;
	v11 =	vmax.f32 v7, $0.0e+00;
	v5 =	vadd.f32 v5, v10  }
0x7f: {  	v7 =	vld [tilespmem:s13+$0x2A20];
	[tilespmem:s7+$0x220] =	vst v11;
	v10 =	vmax.f32 v6, $0.0e+00;
	v4 =	vadd.f32 v4, v9  }
0x80: {  	v6 =	vld [tilespmem:s13+$0x2A30];
	[tilespmem:s7+$0x230] =	vst v10;
	v9 =	vmax.f32 v5, $0.0e+00;
	v3 =	vadd.f32 v3, v8  }
0x81: {  	v5 =	vld [tilespmem:s13+$0x2A40];
	[tilespmem:s7+$0x240] =	vst v9;
	v8 =	vmax.f32 v4, $0.0e+00;
	v2 =	vadd.f32 v2, v12  }
0x82: {  	v4 =	vld [tilespmem:s13+$0x2A50];
	[tilespmem:s7+$0x250] =	vst v8;
	v8 =	vmax.f32 v3, $0.0e+00  }
0x83: {  	v3 =	vld [tilespmem:s13+$0x2A60];
	[tilespmem:s7+$0x260] =	vst v8;
	v8 =	vmax.f32 v2, $0.0e+00  }
0x84: {  	v2 =	vld [tilespmem:s13+$0x2A70];
	[tilespmem:s7+$0x270] =	vst v8;
	s7 =	smov.u32 s13  }
0x85: {  	v8 =	vld [tilespmem:s7+$0x200]  }
0x86: {  	v13 =	vld [tilespmem:s7+$0x210]  }
.Ltmp3:
0x87: {  	v12 =	vld [tilespmem:s7+$0x220];
	(pc) =	sbr.rel @p1 .LBB2_7-.Ltmp3, $4  }
0x88: {  	v11 =	vld [tilespmem:s7+$0x230]  }
0x89: {  	v10 =	vld [tilespmem:s7+$0x240]  }
0x8a: {  	v14 =	vadd.f32 v15, v8;
	v9 =	vld [tilespmem:s7+$0x250]  }
0x8b: {  	s15 =	sadd.s32 $0x200, s15;
	v13 =	vadd.f32 v16, v13;
	v8 =	vld [tilespmem:s7+$0x260]  }
0x8c: {  	v14 =	vmax.f32 v14, $0.0e+00;
	v7 =	vadd.f32 v7, v12;
	v12 =	vld [tilespmem:s7+$0x270]  }
0x8d: {  	[tilespmem:s7+$0x200] =	vst v14;
	v13 =	vmax.f32 v13, $0.0e+00;
	v6 =	vadd.f32 v6, v11  }
0x8e: {  	[tilespmem:s7+$0x210] =	vst v13;
	v7 =	vmax.f32 v7, $0.0e+00;
	v5 =	vadd.f32 v5, v10  }
0x8f: {  	[tilespmem:s7+$0x220] =	vst v7;
	v6 =	vmax.f32 v6, $0.0e+00;
	v4 =	vadd.f32 v4, v9  }
0x90: {  	[tilespmem:s7+$0x230] =	vst v6;
	v5 =	vmax.f32 v5, $0.0e+00;
	v3 =	vadd.f32 v3, v8  }
0x91: {  	[tilespmem:s7+$0x240] =	vst v5;
	v4 =	vmax.f32 v4, $0.0e+00;
	v2 =	vadd.f32 v2, v12  }
0x92: {  	[tilespmem:s7+$0x250] =	vst v4;
	v3 =	vmax.f32 v3, $0.0e+00  }
0x93: {  	[tilespmem:s7+$0x260] =	vst v3;
	v2 =	vmax.f32 v2, $0.0e+00  }
0x94: {  	[tilespmem:s7+$0x270] =	vst v2  }
0x95: {  	v2 =	vld [tilespmem:$0x0]  }
0x96: {  	v3 =	vld [tilespmem:$0x10]  }
0x97: {  	v4 =	vld [tilespmem:$0x20]  }
0x98: {  	v5 =	vld [tilespmem:$0x30]  }
0x99: {  	v6 =	vld [tilespmem:$0x40]  }
0x9a: {  	[tilespmem:$0x180] =	vst v2  }
0x9b: {  	[tilespmem:$0x190] =	vst v3  }
0x9c: {  	[tilespmem:$0x1A0] =	vst v4  }
0x9d: {  	[tilespmem:$0x1B0] =	vst v5  }
0x9e: {  	[tilespmem:$0x1C0] =	vst v6  }
0x9f: {  	[spmem:s1] =	stream.indirect.scatter.add.f32 [tilespmem:s17], [sflag:$0x3], $0x80, s31, s20, $0xb8;
	[tilespmem:$0x1DC80] =	vst v63  }
0xa0: {  	_ =	swait.ge [sflag:s0], $0x2800  }
0xa1: {  	[sflag:s0] =	ssyncset.done $0x0  }
0xa2: {  	[sflag:s0] =	ssyncadd.s32 $0xFFFFD800  }
0xa3: {  	_ =	swait.ge [sflag:s3], $0x2800  }
0xa4: {  	[sflag:s3] =	ssyncset.done $0x0  }
0xa5: {  	s7 =	simm.s32 $0x0;
	[sflag:s3] =	ssyncadd.s32 $0xFFFFD800  }
0xa6: {  	v8 =	vld [tilespmem:s7+$0x7C00]  }
0xa7: {  	v13 =	vld [tilespmem:s7+$0x7C10]  }
0xa8: {  	v7 =	vld [tilespmem:s7+$0x7C20]  }
0xa9: {  	v6 =	vld [tilespmem:s7+$0x7C30]  }
0xaa: {  	v5 =	vld [tilespmem:s7+$0x7C40]  }
0xab: {  	v4 =	vld [tilespmem:s7+$0x7C50]  }
0xac: {  	v3 =	vld [tilespmem:s7+$0x7C60]  }
0xad: {  	v2 =	vld [tilespmem:s7+$0x7C70]  }
0xae: {  	v14 =	vld [tilespmem:s7+$0x5400]  }
0xaf: {  	v15 =	vld [tilespmem:s7+$0x5410]  }
0xb0: {  	v12 =	vld [tilespmem:s7+$0x5420]  }
0xb1: {  	v11 =	vld [tilespmem:s7+$0x5430]  }
0xb2: {  	v10 =	vld [tilespmem:s7+$0x5440]  }
0xb3: {  	v9 =	vld [tilespmem:s7+$0x5450];
	v14 =	vadd.f32 v8, v14  }
0xb4: {  	s15 =	simm.s32 $0x200;
	v13 =	vadd.f32 v13, v15;
	v8 =	vld [tilespmem:s7+$0x5460]  }
.LBB2_9:
0xb5: {  	s13 =	sshra.s32 s15, $0x2;
	p1 =	sne.s32 s15, $0x9E00;
	v14 =	vmax.f32 v14, $0.0e+00;
	v7 =	vadd.f32 v7, v12;
	v12 =	vld [tilespmem:s7+$0x5470]  }
0xb6: {  	v15 =	vld [tilespmem:s13+$0x7C00];
	[tilespmem:s7+$0x5400] =	vst v14;
	v13 =	vmax.f32 v13, $0.0e+00;
	v6 =	vadd.f32 v6, v11  }
0xb7: {  	v16 =	vld [tilespmem:s13+$0x7C10];
	[tilespmem:s7+$0x5410] =	vst v13;
	v11 =	vmax.f32 v7, $0.0e+00;
	v5 =	vadd.f32 v5, v10  }
0xb8: {  	v7 =	vld [tilespmem:s13+$0x7C20];
	[tilespmem:s7+$0x5420] =	vst v11;
	v10 =	vmax.f32 v6, $0.0e+00;
	v4 =	vadd.f32 v4, v9  }
0xb9: {  	v6 =	vld [tilespmem:s13+$0x7C30];
	[tilespmem:s7+$0x5430] =	vst v10;
	v9 =	vmax.f32 v5, $0.0e+00;
	v3 =	vadd.f32 v3, v8  }
0xba: {  	v5 =	vld [tilespmem:s13+$0x7C40];
	[tilespmem:s7+$0x5440] =	vst v9;
	v8 =	vmax.f32 v4, $0.0e+00;
	v2 =	vadd.f32 v2, v12  }
0xbb: {  	v4 =	vld [tilespmem:s13+$0x7C50];
	[tilespmem:s7+$0x5450] =	vst v8;
	v8 =	vmax.f32 v3, $0.0e+00  }
0xbc: {  	v3 =	vld [tilespmem:s13+$0x7C60];
	[tilespmem:s7+$0x5460] =	vst v8;
	v8 =	vmax.f32 v2, $0.0e+00  }
0xbd: {  	v2 =	vld [tilespmem:s13+$0x7C70];
	[tilespmem:s7+$0x5470] =	vst v8;
	s7 =	smov.u32 s13  }
0xbe: {  	v8 =	vld [tilespmem:s7+$0x5400]  }
0xbf: {  	v13 =	vld [tilespmem:s7+$0x5410]  }
.Ltmp4:
0xc0: {  	v12 =	vld [tilespmem:s7+$0x5420];
	(pc) =	sbr.rel @p1 .LBB2_9-.Ltmp4, $4  }
0xc1: {  	v11 =	vld [tilespmem:s7+$0x5430]  }
0xc2: {  	v10 =	vld [tilespmem:s7+$0x5440]  }
0xc3: {  	v14 =	vadd.f32 v15, v8;
	v9 =	vld [tilespmem:s7+$0x5450]  }
0xc4: {  	s15 =	sadd.s32 $0x200, s15;
	v13 =	vadd.f32 v16, v13;
	v8 =	vld [tilespmem:s7+$0x5460]  }
0xc5: {  	v14 =	vmax.f32 v14, $0.0e+00;
	v7 =	vadd.f32 v7, v12;
	v63 =	vld [tilespmem:s7+$0x5470]  }
0xc6: {  	[tilespmem:s7+$0x5400] =	vst v14;
	v13 =	vmax.f32 v13, $0.0e+00;
	v6 =	vadd.f32 v6, v11  }
0xc7: {  	[tilespmem:s7+$0x5410] =	vst v13;
	v7 =	vmax.f32 v7, $0.0e+00;
	v5 =	vadd.f32 v5, v10  }
0xc8: {  	[tilespmem:s7+$0x5420] =	vst v7;
	v6 =	vmax.f32 v6, $0.0e+00;
	v4 =	vadd.f32 v4, v9  }
0xc9: {  	[tilespmem:s7+$0x5430] =	vst v6;
	v5 =	vmax.f32 v5, $0.0e+00;
	v3 =	vadd.f32 v3, v8  }
0xca: {  	[tilespmem:s7+$0x5440] =	vst v5;
	v4 =	vmax.f32 v4, $0.0e+00;
	v2 =	vadd.f32 v2, v63  }
0xcb: {  	[tilespmem:s7+$0x5450] =	vst v4;
	v3 =	vmax.f32 v3, $0.0e+00  }
0xcc: {  	[tilespmem:s7+$0x5460] =	vst v3;
	v2 =	vmax.f32 v2, $0.0e+00  }
0xcd: {  	[tilespmem:s7+$0x5470] =	vst v2  }
0xce: {  	v2 =	vld [tilespmem:$0x5200]  }
0xcf: {  	v3 =	vld [tilespmem:$0x5210]  }
0xd0: {  	v4 =	vld [tilespmem:$0x5220]  }
0xd1: {  	v5 =	vld [tilespmem:$0x5230]  }
0xd2: {  	v6 =	vld [tilespmem:$0x5240]  }
0xd3: {  	[tilespmem:$0x5380] =	vst v2  }
0xd4: {  	[tilespmem:$0x5390] =	vst v3  }
0xd5: {  	[tilespmem:$0x53A0] =	vst v4  }
0xd6: {  	p1 =	seq.s32 s12, $0x3D;
	[tilespmem:$0x53B0] =	vst v5  }
.Ltmp5:
0xd7: {  	[tilespmem:$0x53C0] =	vst v6;
	(pc) =	sbr.rel @p1 .LBB2_12-.Ltmp5, $4  }
0xd8: {  	[spmem:s1] =	stream.indirect.scatter.add.f32 [tilespmem:s26], [sflag:$0x6], $0x80, s8, s20, $0xb8;
	[tilespmem:$0x1DC80] =	vst v63  }
0xd9: {  	_ =	swait.ge [sflag:s9], $0x2800  }
0xda: {  	[sflag:s9] =	ssyncset.done $0x0  }
0xdb: {  	[sflag:s9] =	ssyncadd.s32 $0xFFFFD800  }
0xdc: {  	s7 =	sadd.s32 s16, s11  }
0xdd: {  	s13 =	sshrl.u32 s7, $0x3  }
0xde: {  	s13 =	sadd.s32 s5, s13  }
0xdf: {  	[tilespmem:s2], [sflag:$0x7] =	stream.linear.gather [hbm4b:s13+s2], $0x50, $0x38;
	[tilespmem:$0x1DC80] =	vst v63  }
0xe0: {  	s7 =	sadd.s32 s6, s7;
	_ =	swait.ge [sflag:s18], $0x50  }
0xe1: {  	s7 =	sshrl.u32 s7, $0x3;
	[sflag:s18] =	ssyncset.done $0x0  }
0xe2: {  	s7 =	sadd.s32 s5, s7;
	[sflag:s18] =	ssyncadd.s32 $0xFFFFFFB0  }
0xe3: {  	[tilespmem:s19], [sflag:$0x7] =	stream.linear.gather [hbm4b:s7+s2], $0x50, $0x38;
	[tilespmem:$0x1DC80] =	vst v63  }
0xe4: {  	_ =	swait.ge [sflag:s18], $0x50  }
0xe5: {  	[sflag:s18] =	ssyncset.done $0x0  }
0xe6: {  	[sflag:s18] =	ssyncadd.s32 $0xFFFFFFB0  }
0xe7: {  	v2 =	vld [tilespmem:$0x0]  }
0xe8: {  	v3 =	vld [tilespmem:$0x10]  }
0xe9: {  	v4 =	vld [tilespmem:$0x20]  }
0xea: {  	v5 =	vld [tilespmem:$0x30]  }
0xeb: {  	v6 =	vld [tilespmem:$0x40]  }
0xec: {  	v2 =	vadd.s32 v0, v2  }
0xed: {  	[tilespmem:$0x80] =	vst v2;
	v2 =	vadd.s32 v0, v3  }
0xee: {  	[tilespmem:$0x90] =	vst v2;
	v2 =	vadd.s32 v0, v4  }
0xef: {  	[tilespmem:$0xA0] =	vst v2;
	v2 =	vadd.s32 v0, v5  }
.Ltmp6:
0xf0: {  	[tilespmem:$0xB0] =	vst v2;
	v2 =	vadd.s32 v0, v6;
	(pc) =	sbr.rel .LBB2_6-.Ltmp6, $4  }
0xf1: {  	[tilespmem:$0xC0] =	vst v2  }
0xf2: {  	[tilespmem:s17], [sflag:$0x1] =	stream.indirect.gather [hbm4b:s4+s20], $0x80, s21, s20, $0xb8;
	[tilespmem:$0x1DC80] =	vst v63  }
0xf3: {  	s12 =	sadd.s32 $0x1, s12  }
0xf4: {  	[tilespmem:s22], [sflag:$0x2] =	stream.indirect.gather [hbm4b:s4+s20], $0x80, s19, s20, $0xb8;
	[tilespmem:$0x1DC80] =	vst v63  }
.LBB2_12:
0xf5: {  	s7 =	simm.s32 $0x6  }
0xf6: {  	_ =	swait.ge [sflag:s7], $0x2800  }
0xf7: {  	[sflag:s7] =	ssyncset.done $0x0  }
0xf8: {  	s15 =	simm.s32 $0x0;
	s12 =	rddreg [dreg:$0x6];
	[sflag:s7] =	ssyncadd.s32 $0xFFFFD800  }
0xf9: {  	[tilespmem:s15], [sflag:$0x7] =	stream.linear.gather [hbm4b:s12+s15], $0x50, $0x38;
	[tilespmem:$0x1DC80] =	vst v63  }
0xfa: {  	_ =	swait.ge [sflag:s18], $0x50  }
0xfb: {  	[sflag:s18] =	ssyncset.done $0x0  }
0xfc: {  	s16 =	rddreg [dreg:$0x7];
	[sflag:s18] =	ssyncadd.s32 $0xFFFFFFB0  }
0xfd: {  	[tilespmem:s19], [sflag:$0x7] =	stream.linear.gather [hbm4b:s16+s15], $0x50, $0x38;
	[tilespmem:$0x1DC80] =	vst v63  }
0xfe: {  	_ =	swait.ge [sflag:s18], $0x50  }
0xff: {  	[sflag:s18] =	ssyncset.done $0x0  }
0x100: {  	[sflag:s18] =	ssyncadd.s32 $0xFFFFFFB0  }
0x101: {  	v2 =	vld [tilespmem:$0x0]  }
0x102: {  	v3 =	vld [tilespmem:$0x10]  }
0x103: {  	v4 =	vld [tilespmem:$0x20]  }
0x104: {  	v5 =	vld [tilespmem:$0x30]  }
0x105: {  	v6 =	vld [tilespmem:$0x40]  }
0x106: {  	v2 =	vadd.s32 v0, v2  }
0x107: {  	[tilespmem:$0x80] =	vst v2;
	v2 =	vadd.s32 v0, v3  }
0x108: {  	[tilespmem:$0x90] =	vst v2;
	v2 =	vadd.s32 v0, v4  }
0x109: {  	[tilespmem:$0xA0] =	vst v2;
	v2 =	vadd.s32 v0, v5  }
0x10a: {  	[tilespmem:$0xB0] =	vst v2;
	v2 =	vadd.s32 v0, v6  }
0x10b: {  	[tilespmem:$0xC0] =	vst v2  }
0x10c: {  	[tilespmem:s17], [sflag:$0x1] =	stream.indirect.gather [hbm4b:s4+s20], $0x80, s21, s20, $0xb8;
	[tilespmem:$0x1DC80] =	vst v63  }
0x10d: {  	_ = 	snop  }
0x10e: {  	[tilespmem:s22], [sflag:$0x2] =	stream.indirect.gather [hbm4b:s4+s20], $0x80, s19, s20, $0xb8;
	[tilespmem:$0x1DC80] =	vst v63  }
0x10f: {  	_ =	swait.ge [sflag:s29], $0x2800  }
0x110: {  	[sflag:s29] =	ssyncset.done $0x0  }
0x111: {  	[sflag:s29] =	ssyncadd.s32 $0xFFFFD800  }
0x112: {  	_ =	swait.ge [sflag:s30], $0x2800  }
0x113: {  	[sflag:s30] =	ssyncset.done $0x0  }
0x114: {  	s7 =	simm.s32 $0x0;
	[sflag:s30] =	ssyncadd.s32 $0xFFFFD800  }
0x115: {  	v8 =	vld [tilespmem:s7+$0x2A00]  }
0x116: {  	v13 =	vld [tilespmem:s7+$0x2A10]  }
0x117: {  	v7 =	vld [tilespmem:s7+$0x2A20]  }
0x118: {  	v6 =	vld [tilespmem:s7+$0x2A30]  }
0x119: {  	v5 =	vld [tilespmem:s7+$0x2A40]  }
0x11a: {  	v4 =	vld [tilespmem:s7+$0x2A50]  }
0x11b: {  	v3 =	vld [tilespmem:s7+$0x2A60]  }
0x11c: {  	v2 =	vld [tilespmem:s7+$0x2A70]  }
0x11d: {  	v14 =	vld [tilespmem:s7+$0x200]  }
0x11e: {  	v15 =	vld [tilespmem:s7+$0x210]  }
0x11f: {  	v12 =	vld [tilespmem:s7+$0x220]  }
0x120: {  	v11 =	vld [tilespmem:s7+$0x230]  }
0x121: {  	v10 =	vld [tilespmem:s7+$0x240]  }
0x122: {  	v9 =	vld [tilespmem:s7+$0x250];
	v14 =	vadd.f32 v8, v14  }
0x123: {  	s12 =	simm.s32 $0x200;
	v13 =	vadd.f32 v13, v15;
	v8 =	vld [tilespmem:s7+$0x260]  }
.LBB2_13:
0x124: {  	s13 =	sshra.s32 s12, $0x2;
	p1 =	sne.s32 s12, $0x9E00;
	v14 =	vmax.f32 v14, $0.0e+00;
	v7 =	vadd.f32 v7, v12;
	v12 =	vld [tilespmem:s7+$0x270]  }
0x125: {  	v15 =	vld [tilespmem:s13+$0x2A00];
	[tilespmem:s7+$0x200] =	vst v14;
	v13 =	vmax.f32 v13, $0.0e+00;
	v6 =	vadd.f32 v6, v11  }
0x126: {  	v16 =	vld [tilespmem:s13+$0x2A10];
	[tilespmem:s7+$0x210] =	vst v13;
	v11 =	vmax.f32 v7, $0.0e+00;
	v5 =	vadd.f32 v5, v10  }
0x127: {  	v7 =	vld [tilespmem:s13+$0x2A20];
	[tilespmem:s7+$0x220] =	vst v11;
	v10 =	vmax.f32 v6, $0.0e+00;
	v4 =	vadd.f32 v4, v9  }
0x128: {  	v6 =	vld [tilespmem:s13+$0x2A30];
	[tilespmem:s7+$0x230] =	vst v10;
	v9 =	vmax.f32 v5, $0.0e+00;
	v3 =	vadd.f32 v3, v8  }
0x129: {  	v5 =	vld [tilespmem:s13+$0x2A40];
	[tilespmem:s7+$0x240] =	vst v9;
	v8 =	vmax.f32 v4, $0.0e+00;
	v2 =	vadd.f32 v2, v12  }
0x12a: {  	v4 =	vld [tilespmem:s13+$0x2A50];
	[tilespmem:s7+$0x250] =	vst v8;
	v8 =	vmax.f32 v3, $0.0e+00  }
0x12b: {  	v3 =	vld [tilespmem:s13+$0x2A60];
	[tilespmem:s7+$0x260] =	vst v8;
	v8 =	vmax.f32 v2, $0.0e+00  }
0x12c: {  	v2 =	vld [tilespmem:s13+$0x2A70];
	[tilespmem:s7+$0x270] =	vst v8;
	s7 =	smov.u32 s13  }
0x12d: {  	v8 =	vld [tilespmem:s7+$0x200]  }
0x12e: {  	v13 =	vld [tilespmem:s7+$0x210]  }
.Ltmp7:
0x12f: {  	v12 =	vld [tilespmem:s7+$0x220];
	(pc) =	sbr.rel @p1 .LBB2_13-.Ltmp7, $4  }
0x130: {  	v11 =	vld [tilespmem:s7+$0x230]  }
0x131: {  	v10 =	vld [tilespmem:s7+$0x240]  }
0x132: {  	v14 =	vadd.f32 v15, v8;
	v9 =	vld [tilespmem:s7+$0x250]  }
0x133: {  	s12 =	sadd.s32 $0x200, s12;
	v13 =	vadd.f32 v16, v13;
	v8 =	vld [tilespmem:s7+$0x260]  }
0x134: {  	v14 =	vmax.f32 v14, $0.0e+00;
	v7 =	vadd.f32 v7, v12;
	v63 =	vld [tilespmem:s7+$0x270]  }
0x135: {  	[tilespmem:s7+$0x200] =	vst v14;
	v13 =	vmax.f32 v13, $0.0e+00;
	v6 =	vadd.f32 v6, v11  }
0x136: {  	[tilespmem:s7+$0x210] =	vst v13;
	v7 =	vmax.f32 v7, $0.0e+00;
	v5 =	vadd.f32 v5, v10  }
0x137: {  	[tilespmem:s7+$0x220] =	vst v7;
	v6 =	vmax.f32 v6, $0.0e+00;
	v4 =	vadd.f32 v4, v9  }
0x138: {  	[tilespmem:s7+$0x230] =	vst v6;
	v5 =	vmax.f32 v5, $0.0e+00;
	v3 =	vadd.f32 v3, v8  }
0x139: {  	[tilespmem:s7+$0x240] =	vst v5;
	v4 =	vmax.f32 v4, $0.0e+00;
	v2 =	vadd.f32 v2, v63  }
0x13a: {  	[tilespmem:s7+$0x250] =	vst v4;
	v3 =	vmax.f32 v3, $0.0e+00  }
0x13b: {  	[tilespmem:s7+$0x260] =	vst v3;
	v2 =	vmax.f32 v2, $0.0e+00  }
0x13c: {  	[tilespmem:s7+$0x270] =	vst v2  }
0x13d: {  	[spmem:s1] =	stream.indirect.scatter.add.f32 [tilespmem:s17], [sflag:$0x7], $0x80, s2, s20, $0xb8;
	[tilespmem:$0x1DC80] =	vst v63  }
0x13e: {  	_ =	swait.ge [sflag:s18], $0x2800  }
0x13f: {  	[sflag:s18] =	ssyncset.done $0x0  }
0x140: {  	[sflag:s18] =	ssyncadd.s32 $0xFFFFD800  }
0x141: {  	[bflag:$0x0] =	sbarrier.arrive $0xFFFF  }
0x142: {  	s16 =	rddreg [dreg:$0x9]  }
0x143: {  	[tilespmem:s17], [sflag:$0x7] =	stream.linear.gather [spmem:s16], $0x2800, $0x38;
	[tilespmem:$0x1DC80] =	vst v63  }
0x144: {  	_ =	swait.ge [sflag:s18], $0x2800  }
0x145: {  	[sflag:s18] =	ssyncset.done $0x0  }
.Ltmp8:
0x146: {  	s12 =	rddreg [dreg:$0xa];
	[sflag:s18] =	ssyncadd.s32 $0xFFFFD800;
	(pc) =	sbr.rel @!p0 .LBB2_16-.Ltmp8, $4  }
0x147: {  	[hbm4b:s12+s2] =	stream.linear.scatter [tilespmem:s17], [sflag:$0x7], $0x2800, $0x38;
	[tilespmem:$0x1DC80] =	vst v63  }
0x148: {  	_ =	swait.ge [sflag:s18], $0x2800  }
0x149: {  	s15 =	rddreg [dreg:$0x3]  }
0x14a: {  	s14 =	smov.u32 s16;
	[sflag:s18] =	ssyncset.done $0x0;
	s7 =	sadd.s32 $0xFFFFFFFF, s15  }
.LBB2_15:
0x14b: {  	[sflag:s18] =	ssyncadd.s32 $0xFFFFD800;
	s12 =	sadd.s32 $0x5000, s12;
	s14 =	sadd.s32 $0x28000, s14  }
0x14c: {  	[tilespmem:s17], [sflag:$0x7] =	stream.linear.gather [spmem:s14], $0x2800, $0x38;
	[tilespmem:$0x1DC80] =	vst v63  }
0x14d: {  	p0 =	sne.s32 s7, $0x1;
	s7 =	sadd.s32 $0xFFFFFFFF, s7;
	_ =	swait.ge [sflag:s18], $0x2800  }
.Ltmp9:
0x14e: {  	[sflag:s18] =	ssyncset.done $0x0;
	(pc) =	sbr.rel @p0 .LBB2_15-.Ltmp9, $4  }
0x14f: {  	[sflag:s18] =	ssyncadd.s32 $0xFFFFD800  }
0x150: {  	[hbm4b:s12+s2] =	stream.linear.scatter [tilespmem:s17], [sflag:$0x7], $0x2800, $0x38;
	[tilespmem:$0x1DC80] =	vst v63  }
0x151: {  	_ =	swait.ge [sflag:s18], $0x2800  }
0x152: {  	[sflag:s18] =	ssyncset.done $0x0  }
.LBB2_16:
0x153: {  	s12 =	rddreg [dreg:$0xb]  }
0x154: {  	s7 =	rddreg [dreg:$0x8];
	s12 =	sadd.s32 $0x1, s12  }
0x155: {  	p0 =	sne.s32 s12, s7  }
.Ltmp10:
0x156: {  	_ = 	snop;
	(pc) =	sbr.rel @p0 .LBB2_1-.Ltmp10, $2  }
0x157: {  	_ =	sdelay $0x2  }
0x158: {  	[sflag:s18] =	ssyncadd.s32 $0xFFFFD800  }
0x159: {  	_ =	sfence.sel $0x180000  }
0x15a: {  	[bflag:$0x0] =	sbarrier.arrive $0xFFFF  }
0x15b: {  	_ =	strace $0x9000004A  }
0x15c: {  	s0 =	stileid.u32;
	[bflag:$0x2] =	sbarrier.arrive $0xFFFF  }
0x15d: {  	p0 =	sne.s32 s0, $0x0;
	s0 =	rddreg [dreg:$0x2]  }
0x15e: {  	s0 =	sadd.s32 @!p0 $0x100000, s0  }
0x15f: {  	[sflag:s0] =	ssyncadd.tile.s32 @!p0 $0x1;
	_ =	shalt  }
.Lfunc_end2:
_tile_overlayer_lowered:
.L_overlay_start_2:
0x160: {  	(tag) =	ssettag $0x2  }
0x161: {  	s0 =	rddreg [dreg:$0x0];
	s2 =	stileid.u32  }
0x162: {  	s1 =	rddreg [dreg:$0x1];
	p0 =	sne.s32 s2, $0x0  }
0x163: {  	s3 =	rddreg [dreg:$0x2];
	[bflag:$0x3] =	sbarrier.arrive $0xFFFF;
	s2 =	simm.s32 @!p0 $0x1C07  }
0x164: {  	[timem:s3], [sflag:s2] =	dma.local @!p0 [hbm:s0], s1  }
0x165: {  	s0 =	simm.s32 @!p0 $0x7  }
0x166: {  	_ =	swait.ge @!p0 [sflag:s0], s1  }
0x167: {  	s1 =	ssub.s32 @!p0 $0x0, s1;
	[sflag:s0] =	ssyncset.done @!p0 $0x0  }
0x168: {  	[sflag:s0] =	ssyncadd.s32 @!p0 s1  }
0x169: {  	[bflag:$0x3] =	sbarrier.arrive $0xFFFF  }
0x16a: {  	_ =	shalt  }

// kernel: kernel.16.cloned.1.call-start
scs
__scs_entry_jumppad:
0x0: {  	(pc) =	sbr.rel $0x88, $3  }
0x1: {  	(tag) =	ssettag $0x0;
	lr =	simm.s32 $0x1  }
0x2: {  	[smem:$0x3F94] =	sst lr;
	_ =	strace $0xD0000000  }
0x3: {  	_ = 	snop  }
0x4: {  	_ = 	snop  }
0x5: {  	_ = 	snop  }
0x6: {  	_ = 	snop  }
0x7: {  	_ = 	snop  }
__scs_overlays_trampoline_lowered:
0x8: {  	[smem:$0x3FA3] =	sst s0  }
0x9: {  	[smem:$0x3FA4] =	sst s1  }
0xa: {  	[smem:$0x3FA5] =	sst s2  }
0xb: {  	[smem:$0x3FA6] =	sst s3  }
0xc: {  	[smem:$0x3FA7] =	sst s4  }
0xd: {  	[smem:$0x3FA8] =	sst s5  }
0xe: {  	[smem:$0x3FA9] =	sst s6  }
0xf: {  	[smem:$0x3FAA] =	sst s7  }
0x10: {  	[smem:$0x3FAB] =	sst s8  }
0x11: {  	[smem:$0x3FAC] =	sst s9;
	s0 =	simm.s32 @!p0 $0x0  }
0x12: {  	s1 =	sld [smem:$0x3F92];
	s0 =	simm.s32 @p0 $0x1  }
0x13: {  	[smem:$0x3FAD] =	sst s0;
	s0 =	simm.s32 @!p1 $0x0  }
0x14: {  	s2 =	sld [smem:$0x3F91];
	s0 =	simm.s32 @p1 $0x1  }
0x15: {  	[smem:$0x3FAE] =	sst s0;
	s0 =	simm.s32 @!p2 $0x0  }
0x16: {  	s3 =	sld [smem:$0x3FDB];
	s0 =	simm.s32 @p2 $0x1  }
0x17: {  	s4 =	simm.s32 $0x1BF5;
	[smem:$0x3FB0] =	sst s0  }
0x18: {  	s0 =	sld [smem:$0x3F93];
	_ =	swait.ge [sflag:s4], $0x0  }
0x19: {  	s7 =	sld [smem:$0x3F94]  }
0x1a: {  	s8 =	sadd.s32 $0xFFFFE003, lr  }
0x1b: {  	s9 =	sadd.s32 $0xFFFFFEF7, lr;
	s5 =	simm.s32 $0xFFFFFFFF;
	p2 =	slt.u32 s8, $0xFFFFF086  }
0x1c: {  	p1 =	slt.u32 s9, $0xF7A;
	s5 =	simm.s32 @!p2 $0x0  }
0x1d: {  	s5 =	simm.s32 @p1 $0x1;
	p0 =	seq.s32 s7, s2  }
0x1e: {  	s7 =	smul.u32 @!p0 $0xF7A, s2;
	p2 =	seq.s32 @!p0 s5, $0x0  }
0x1f: {  	s9 =	smul.u32 $0xF7A, s1;
	s8 =	simm.s32 @!p0 $0x1BF5;
	p2 =	por !p2, p0  }
0x20: {  	[sflag:s8] =	ssyncset.s32 @!p0 $0xFFFFF086;
	s6 =	sadd.s32 @!p0 s3, s7;
	s7 =	simm.s32 @!p0 $0x108  }
0x21: {  	s3 =	sadd.s32 s3, s9;
	s6 =	sadd.s32 @!p0 $0x88, s6;
	s7 =	simm.s32 @p2 $0x1082  }
0x22: {  	[simem:s7], [sflag:s8] =	dma.local @!p0 [hbm:s6], $0xF7A  }
0x23: {  	s9 =	sor.u32 $0xD0000000, s2;
	s6 =	simm.s32 $0x108;
	_ =	swait.ge @!p0 [sflag:s8], $0x0  }
0x24: {  	s3 =	sadd.s32 $0x88, s3;
	s6 =	simm.s32 @!p1 $0x1082;
	[sflag:s4] =	ssyncset.s32 $0xFFFFF086  }
0x25: {  	[simem:s6], [sflag:s4] =	dma.local [hbm:s3], $0xF7A  }
0x26: {  	[smem:$0x3F94] =	sst s1;
	(tag) =	ssettag s2;
	_ =	strace s9  }
0x27: {  	s1 =	sld [smem:$0x3FA4]  }
0x28: {  	s2 =	sld [smem:$0x3FA5]  }
0x29: {  	s4 =	sld [smem:$0x3FA7]  }
0x2a: {  	p0 =	seq.s32 s5, $0x0;
	s5 =	sld [smem:$0x3FA8]  }
0x2b: {  	s6 =	sld [smem:$0x3FA9]  }
0x2c: {  	s7 =	sld [smem:$0x3FAA]  }
0x2d: {  	s3 =	simm.s32 $0x108;
	s8 =	sld [smem:$0x3FAB]  }
0x2e: {  	s3 =	simm.s32 @!p0 $0x1082;
	s9 =	sld [smem:$0x3FAC]  }
0x2f: {  	lr =	sadd.s32 s0, s3;
	s0 =	sld [smem:$0x3FA3]  }
0x30: {  	s3 =	sld [smem:$0x3FA6]  }
0x31: {  	[smem:$0x3FAF] =	sst s10  }
0x32: {  	s10 =	sld [smem:$0x3FAD];
	_ =	sdelay $0x3  }
0x33: {  	p0 =	seq.s32 s10, $0x1;
	s10 =	sld [smem:$0x3FAF];
	_ =	sdelay $0x3  }
0x34: {  	[smem:$0x3FAF] =	sst s10  }
0x35: {  	s10 =	sld [smem:$0x3FAE];
	_ =	sdelay $0x3  }
0x36: {  	p1 =	seq.s32 s10, $0x1;
	s10 =	sld [smem:$0x3FAF];
	_ =	sdelay $0x3  }
0x37: {  	[smem:$0x3FAF] =	sst s10  }
0x38: {  	s10 =	sld [smem:$0x3FB0]  }
0x39: {  	_ = 	snop;
	(pc) =	sbr.ind lr, $3  }
0x3a: {  	_ = 	snop  }
0x3b: {  	_ = 	snop  }
0x3c: {  	p2 =	seq.s32 s10, $0x1;
	s10 =	sld [smem:$0x3FAF]  }
0x3d: {  	_ =	shalt  }
0x3e: {  	_ =	shalt  }
0x3f: {  	_ =	shalt  }
0x40: {  	_ =	shalt  }
0x41: {  	_ =	shalt  }
0x42: {  	_ =	shalt  }
0x43: {  	_ =	shalt  }
0x44: {  	_ =	shalt  }
0x45: {  	_ =	shalt  }
0x46: {  	_ =	shalt  }
0x47: {  	_ =	shalt  }
0x48: {  	_ =	shalt  }
0x49: {  	_ =	shalt  }
0x4a: {  	_ =	shalt  }
0x4b: {  	_ =	shalt  }
0x4c: {  	_ =	shalt  }
0x4d: {  	_ =	shalt  }
0x4e: {  	_ =	shalt  }
0x4f: {  	_ =	shalt  }
0x50: {  	_ =	shalt  }
0x51: {  	_ =	shalt  }
0x52: {  	_ =	shalt  }
0x53: {  	_ =	shalt  }
0x54: {  	_ =	shalt  }
0x55: {  	_ =	shalt  }
0x56: {  	_ =	shalt  }
0x57: {  	_ =	shalt  }
0x58: {  	_ =	shalt  }
0x59: {  	_ =	shalt  }
0x5a: {  	_ =	shalt  }
0x5b: {  	_ =	shalt  }
0x5c: {  	_ =	shalt  }
0x5d: {  	_ =	shalt  }
0x5e: {  	_ =	shalt  }
0x5f: {  	_ =	shalt  }
0x60: {  	_ =	shalt  }
0x61: {  	_ =	shalt  }
0x62: {  	_ =	shalt  }
0x63: {  	_ =	shalt  }
0x64: {  	_ =	shalt  }
0x65: {  	_ =	shalt  }
0x66: {  	_ =	shalt  }
0x67: {  	_ =	shalt  }
0x68: {  	_ =	shalt  }
0x69: {  	_ =	shalt  }
0x6a: {  	_ =	shalt  }
0x6b: {  	_ =	shalt  }
0x6c: {  	_ =	shalt  }
0x6d: {  	_ =	shalt  }
0x6e: {  	_ =	shalt  }
0x6f: {  	_ =	shalt  }
0x70: {  	_ =	shalt  }
0x71: {  	_ =	shalt  }
0x72: {  	_ =	shalt  }
0x73: {  	_ =	shalt  }
0x74: {  	_ =	shalt  }
0x75: {  	_ =	shalt  }
0x76: {  	_ =	shalt  }
0x77: {  	_ =	shalt  }
0x78: {  	_ =	shalt  }
0x79: {  	_ =	shalt  }
0x7a: {  	_ =	shalt  }
0x7b: {  	_ =	shalt  }
0x7c: {  	_ =	shalt  }
0x7d: {  	_ =	shalt  }
0x7e: {  	_ =	shalt  }
0x7f: {  	_ =	shalt  }
0x80: {  	_ =	shalt  }
0x81: {  	_ =	shalt  }
0x82: {  	_ =	shalt  }
0x83: {  	_ =	shalt  }
0x84: {  	_ =	shalt  }
0x85: {  	_ =	shalt  }
0x86: {  	_ =	shalt  }
0x87: {  	_ =	shalt  }
.Lfunc_end0:
.L_simem_size_0:
called_computation.2_lowered:
.L_overlay_start_0:
0x88: {  	s2 =	sld [smem:$0x3FD9]  }
0x89: {  	s3 =	sld [smem:$0x3FFE];
	_ =	sdelay $0x1  }
0x8a: {  	s1 =	srdreg.scid  }
0x8b: {  	s0 =	sand.u32 $0x1, s1  }
0x8c: {  	s16 =	sshll.u32 s0, $0xA;
	s2 =	sadd.s32 s3, s2  }
0x8d: {  	s2 =	sadd.s32 s2, s16  }
0x8e: {  	[smem:$0x3FBB] =	sst s2  }
0x8f: {  	_ = 	snop  }
0x90: {  	(tm) =	ssettm $0x1  }
0x91: {  	s17 =	sld [smem:$0x3FFB];
	_ =	sdelay $0x3  }
0x92: {  	_ =	strace s17  }
0x93: {  	s2 =	sld [smem:$0x3FFC];
	_ =	sdelay $0x3  }
0x94: {  	_ =	strace s2  }
0x95: {  	s2 =	sld [smem:$0x3FFD];
	_ =	sdelay $0x3  }
0x96: {  	_ =	strace s2  }
0x97: {  	_ =	strace $0x8FFFFFFF  }
0x98: {  	s18 =	sld [smem:$0x3FDB];
	_ =	sdelay $0x1  }
0x99: {  	s19 =	simm.s32 $_scs_section_size  }
0x9a: {  	s4 =	simm.s32 $_size__tile_overlayer_lowered;
	s5 =	simm.s32 $_tile_overlayer_lowered  }
0x9b: {  	s22 =	simm.s32 $0x1BFF;
	s21 =	sshll.u32 s5, $0x1;
	s2 =	sadd.s32 s19, s18  }
0x9c: {  	s6 =	simm.s32 $0x0;
	s20 =	sshll.u32 s4, $0x1;
	s4 =	sadd.s32 s21, s2  }
0x9d: {  	[timem:s6], [sflag:s22] =	dma.local [hbm:s4], s20  }
0x9e: {  	_ =	swait.ge [sflag:s22], s20  }
0x9f: {  	s3 =	ssub.s32 $0x0, s20;
	[sflag:s22] =	ssyncset.done $0x0  }
0xa0: {  	[sflag:s22] =	ssyncadd.s32 s3;
	_ =	sdelay $0x1  }
0xa1: {  	s23 =	simm.s32 $0x1B8B  }
0xa2: {  	_ =	swait.ge [sflag:s23], $0x1  }
0xa3: {  	[sflag:s23] =	ssyncset.done $0x0  }
0xa4: {  	s25 =	simm.s32 $0x1B8E;
	s24 =	sld [smem:$0x3FFE];
	[sflag:s23] =	ssyncadd.s32 $0xFFFFFFFF  }
0xa5: {  	s26 =	simm.s32 $execute0_lowered;
	[smem:$0x3FD2] =	sst s25  }
0xa6: {  	s4 =	sshll.u32 s26, $0x1;
	_ =	strace $0x8000004C;
	[dreg:$0x1] =	wrdreg $0xFFFFFFFF  }
0xa7: {  	s28 =	simm.s32 $_size_execute0_lowered;
	s2 =	sadd.s32 s2, s4;
	[dreg:$0x0] =	wrdreg $0x0  }
0xa8: {  	s4 =	sshll.u32 s28, $0x1;
	[dreg:$0x2] =	wrdreg s2  }
0xa9: {  	[dreg:$0x3] =	wrdreg s4  }
0xaa: {  	[dreg:$0x4] =	wrdreg $0xC0  }
0xab: {  	_ =	task [dreg:s6], $0x5FFFF  }
0xac: {  	[dreg:$0x1] =	wrdreg $0xFFFFFFFF  }
0xad: {  	[dreg:$0x0] =	wrdreg $0x60  }
0xae: {  	[dreg:$0x2] =	wrdreg s24  }
0xaf: {  	[dreg:$0x3] =	wrdreg $0xA4000  }
0xb0: {  	[dreg:$0x4] =	wrdreg $0x9  }
0xb1: {  	_ =	task.clear_ibuf [dreg:s6], $0x5FFFF;
	_ =	strace $0x9000004C  }
0xb2: {  	s29 =	simm.s32 $0x9;
	_ =	strace $0x8000004E  }
0xb3: {  	_ =	swait.ge [sflag:s29], $0x1  }
0xb4: {  	[sflag:s29] =	ssyncadd.s32 $0xFFFFFFFF  }
0xb5: {  	_ =	strace $0x9000004E  }
0xb6: {  	_ =	sfence  }
0xb7: {  	s30 =	sld [smem:$0x0];
	_ =	sdelay $0x2  }
0xb8: {  	s31 =	sshll.u32 s1, $0xD;
	s1 =	sshrl.u32 s1, $0x2  }
0xb9: {  	s3 =	sand.u32 $0x4000, s31;
	s1 =	sadd.s32 s1, s30  }
0xba: {  	s0 =	sor.u32 s3, s0;
	s1 =	sshll.u32 s1, $0x11  }
0xbb: {  	s0 =	sor.u32 s1, s0  }
0xbc: {  	s0 =	sadd.s32 $0x8F2B, s0  }
0xbd: {  	[sflag:s0] =	ssyncadd.remote.s32 $0x1  }
0xbe: {  	_ =	sfence.sel $0xFFFF  }
0xbf: {  	[dreg:$0x0] =	wrdreg $0xFFFFFFFF;
	(pc) =	sbr.abs _section_cstart, $3  }
0xc0: {  	[dreg:$0x1] =	wrdreg $0xFFFFFFFF  }
0xc1: {  	_ =	task.clear_ibuf [dreg:s6], $0x2FFFF;
	_ =	strace $0x9FFFFFFF  }
0xc2: {  	(tm) =	ssettm $0x7FFFFFFF  }
0xc3: {  	_ =	shalt  }
tec
execute0_lowered:
.L_overlay_start_1:
0x0: {  	(tag) =	ssettag $0x1  }
0x1: {  	s0 =	rddreg [dreg:$0x0]  }
0x2: {  	s1 =	rddreg [dreg:$0x1]  }
0x3: {  	s2 =	simm.s32 $0x0;
	s3 =	srdreg.scid;
	s13 =	stileid.u32  }
0x4: {  	s17 =	simm.s32 $0x200;
	s28 =	simm.s32 $0x7C00;
	s18 =	smul.u32 $0x26C0, s13  }
0x5: {  	s29 =	simm.s32 $0x1;
	s30 =	simm.s32 $0x2;
	s12 =	smul.u32 $0x50, s13  }
0x6: {  	s31 =	simm.s32 $0x180;
	[smem:$0x7FF] =	sst s2;
	s24 =	smul.u32 $0xA000, s13  }
0x7: {  	s3 =	sand.u32 $0x1, s3;
	s19 =	ssub.s32 $0x8C, s13;
	s13 =	smul.u32 $0x500, s13  }
0x8: {  	s4 =	sadd.s32 $0x11400, s0;
	s5 =	sadd.s32 $0x2800, s0;
	s6 =	smul.u32 $0x27100, s3  }
0x9: {  	_ =	strace $0x8000004D;
	s7 =	ssub.s32 $0x2, s3;
	s9 =	smul.u32 $0x2710, s3  }
0xa: {  	s15 =	sshrl.u32 s19, $0x4;
	s19 =	simm.s32 $0x100;
	s8 =	sshrl.u32 s7, $0x1  }
0xb: {  	s10 =	sshrl.u32 s18, $0x3;
	s22 =	sadd.s32 $0x26C00, s12;
	s26 =	sshrl.u32 s24, $0x2  }
0xc: {  	s24 =	simm.s32 $0x5300;
	s12 =	simm.s32 $0x0;
	[dreg:$0x3] =	wrdreg s15  }
0xd: {  	s0 =	sadd.s32 s6, s0;
	s7 =	ssub.s32 s7, s8;
	s6 =	sadd.s32 $0x27100, s6  }
0xe: {  	s20 =	sadd.s32 s5, s10;
	s10 =	sadd.s32 $0x50, s18;
	s16 =	sadd.s32 s26, s1  }
0xf: {  	s26 =	simm.s32 $0x5400;
	v0 =	vmov s9;
	s9 =	simm.s32 $0x3;
	s11 =	sadd.s32 s18, s6  }
0x10: {  	[dreg:$0x4] =	wrdreg s20;
	s23 =	sadd.s32 s22, s6;
	s7 =	smax.u32 s7, $0x1  }
0x11: {  	s0 =	sadd.s32 s13, s0;
	s20 =	simm.s32 $0x50;
	[dreg:$0x9] =	wrdreg s16  }
0x12: {  	s21 =	sshrl.u32 s11, $0x3;
	s11 =	sadd.s32 $0xA0, s18;
	s8 =	sshrl.u32 s23, $0x3  }
0x13: {  	[dreg:$0x8] =	wrdreg s7;
	s0 =	sadd.s32 $0xFBA00, s0;
	s18 =	simm.s32 $0x7  }
0x14: {  	s23 =	simm.s32 $0x5200;
	s3 =	sadd.s32 s5, s21;
	s25 =	sadd.s32 s5, s8  }
0x15: {  	[dreg:$0xa] =	wrdreg s0;
	s21 =	simm.s32 $0x80;
	s0 =	simm.s32 $0x4  }
0x16: {  	s8 =	simm.s32 $0x5380;
	[dreg:$0x5] =	wrdreg s3;
	s3 =	sshrl.u32 s22, $0x3  }
0x17: {  	[dreg:$0x7] =	wrdreg s25;
	s22 =	simm.s32 $0x2A00;
	s3 =	sadd.s32 s5, s3  }
0x18: {  	v1 =	vimm.f32 $0.0e+00;
	s25 =	simm.s32 $0x5280;
	[dreg:$0x6] =	wrdreg s3;
	s3 =	simm.s32 $0x5  }
.LBB2_1:
0x19: {  	[dreg:$0xb] =	wrdreg s12;
	s7 =	simm.s32 $0x0;
	s12 =	simm.s32 $0x200  }
.LBB2_2:
0x1a: {  	p0 =	sne.s32 s12, $0x9E00;
	[tilespmem:s7+$0x270] =	vst v1  }
0x1b: {  	[tilespmem:s7+$0x200] =	vst v1  }
0x1c: {  	[tilespmem:s7+$0x210] =	vst v1  }
.Ltmp0:
0x1d: {  	[tilespmem:s7+$0x220] =	vst v1;
	(pc) =	sbr.rel @p0 .LBB2_2-.Ltmp0, $4  }
0x1e: {  	[tilespmem:s7+$0x230] =	vst v1  }
0x1f: {  	[tilespmem:s7+$0x240] =	vst v1  }
0x20: {  	[tilespmem:s7+$0x250] =	vst v1  }
0x21: {  	[tilespmem:s7+$0x260] =	vst v1;
	s7 =	sshra.s32 s12, $0x2;
	s12 =	sadd.s32 $0x200, s12  }
0x22: {  	[tilespmem:s7+$0x270] =	vst v1  }
0x23: {  	[tilespmem:s7+$0x200] =	vst v1  }
0x24: {  	[tilespmem:s7+$0x210] =	vst v1  }
0x25: {  	[tilespmem:s7+$0x220] =	vst v1  }
0x26: {  	[tilespmem:s7+$0x230] =	vst v1  }
0x27: {  	[tilespmem:s7+$0x240] =	vst v1;
	p0 =	sne.s32 s15, $0x1  }
.Ltmp1:
0x28: {  	[tilespmem:s7+$0x250] =	vst v1;
	(pc) =	sbr.rel @!p0 .LBB2_5-.Ltmp1, $4  }
0x29: {  	[tilespmem:s7+$0x260] =	vst v1  }
0x2a: {  	[spmem:s16] =	stream.linear.scatter [tilespmem:s17], [sflag:$0x7], $0x2800, $0x38;
	[tilespmem:$0x1DC80] =	vst v63  }
0x2b: {  	_ =	swait.ge [sflag:s18], $0x2800  }
0x2c: {  	s7 =	sadd.s32 $0xFFFFFFFF, s15;
	s12 =	smov.u32 s16;
	[sflag:s18] =	ssyncset.done $0x0  }
.LBB2_4:
0x2d: {  	p1 =	sne.s32 s7, $0x1;
	[sflag:s18] =	ssyncadd.s32 $0xFFFFD800;
	s12 =	sadd.s32 $0x28000, s12  }
.Ltmp2:
0x2e: {  	s7 =	sadd.s32 $0xFFFFFFFF, s7;
	(pc) =	sbr.rel @p1 .LBB2_4-.Ltmp2, $4  }
0x2f: {  	_ = 	snop  }
0x30: {  	[spmem:s12] =	stream.linear.scatter [tilespmem:s17], [sflag:$0x7], $0x2800, $0x38;
	[tilespmem:$0x1DC80] =	vst v63  }
0x31: {  	_ =	swait.ge [sflag:s18], $0x2800  }
0x32: {  	[sflag:s18] =	ssyncset.done $0x0  }
.LBB2_5:
0x33: {  	[sflag:s18] =	ssyncadd.s32 $0xFFFFD800  }
0x34: {  	[bflag:$0x0] =	sbarrier.arrive $0xFFFF  }
0x35: {  	s14 =	simm.s32 $0x0;
	s7 =	rddreg [dreg:$0x4]  }
0x36: {  	[tilespmem:s14], [sflag:$0x7] =	stream.linear.gather [hbm4b:s7+s14], $0x50, $0x38;
	[tilespmem:$0x1DC80] =	vst v63  }
0x37: {  	_ =	swait.ge [sflag:s18], $0x50  }
0x38: {  	[sflag:s18] =	ssyncset.done $0x0  }
0x39: {  	s16 =	rddreg [dreg:$0x5];
	[sflag:s18] =	ssyncadd.s32 $0xFFFFFFB0  }
0x3a: {  	[tilespmem:s19], [sflag:$0x7] =	stream.linear.gather [hbm4b:s16+s14], $0x50, $0x38;
	[tilespmem:$0x1DC80] =	vst v63  }
0x3b: {  	_ =	swait.ge [sflag:s18], $0x50  }
0x3c: {  	[sflag:s18] =	ssyncset.done $0x0  }
0x3d: {  	[sflag:s18] =	ssyncadd.s32 $0xFFFFFFB0  }
0x3e: {  	v2 =	vld [tilespmem:$0x0]  }
0x3f: {  	v3 =	vld [tilespmem:$0x10]  }
0x40: {  	v4 =	vld [tilespmem:$0x20]  }
0x41: {  	v5 =	vld [tilespmem:$0x30]  }
0x42: {  	v6 =	vld [tilespmem:$0x40]  }
0x43: {  	v2 =	vadd.s32 v0, v2  }
0x44: {  	[tilespmem:$0x80] =	vst v2;
	v2 =	vadd.s32 v0, v3  }
0x45: {  	[tilespmem:$0x90] =	vst v2;
	v2 =	vadd.s32 v0, v4  }
0x46: {  	[tilespmem:$0xA0] =	vst v2;
	v2 =	vadd.s32 v0, v5  }
0x47: {  	[tilespmem:$0xB0] =	vst v2;
	v2 =	vadd.s32 v0, v6  }
0x48: {  	[tilespmem:$0xC0] =	vst v2  }
0x49: {  	[tilespmem:s17], [sflag:$0x1] =	stream.indirect.gather [hbm4b:s4+s20], $0x80, s21, s20, $0xb8;
	[tilespmem:$0x1DC80] =	vst v63  }
0x4a: {  	s12 =	simm.s32 $0x0  }
0x4b: {  	[tilespmem:s22], [sflag:$0x2] =	stream.indirect.gather [hbm4b:s4+s20], $0x80, s19, s20, $0xb8;
	[tilespmem:$0x1DC80] =	vst v63  }
.LBB2_6:
0x4c: {  	p1 =	seq.s32 s12, $0x0;
	s16 =	smul.u32 $0xA0, s12  }
0x4d: {  	s7 =	simm.s32 @!p1 $0x6  }
0x4e: {  	_ =	swait.ge @!p1 [sflag:s7], $0x2800;
	s15 =	sadd.s32 s16, s10  }
0x4f: {  	[sflag:s7] =	ssyncset.done @!p1 $0x0;
	s13 =	sshrl.u32 s15, $0x3  }
0x50: {  	[sflag:s7] =	ssyncadd.s32 @!p1 $0xFFFFD800;
	s13 =	sadd.s32 s5, s13  }
0x51: {  	[tilespmem:s23], [sflag:$0x7] =	stream.linear.gather [hbm4b:s13+s14], $0x50, $0x38;
	[tilespmem:$0x1DC80] =	vst v63  }
0x52: {  	s15 =	sadd.s32 s6, s15;
	_ =	swait.ge [sflag:s18], $0x50  }
0x53: {  	s7 =	sshrl.u32 s15, $0x3;
	[sflag:s18] =	ssyncset.done $0x0  }
0x54: {  	s7 =	sadd.s32 s5, s7;
	[sflag:s18] =	ssyncadd.s32 $0xFFFFFFB0  }
0x55: {  	[tilespmem:s24], [sflag:$0x7] =	stream.linear.gather [hbm4b:s7+s14], $0x50, $0x38;
	[tilespmem:$0x1DC80] =	vst v63  }
0x56: {  	_ =	swait.ge [sflag:s18], $0x50  }
0x57: {  	[sflag:s18] =	ssyncset.done $0x0  }
0x58: {  	[sflag:s18] =	ssyncadd.s32 $0xFFFFFFB0  }
0x59: {  	v2 =	vld [tilespmem:$0x5200]  }
0x5a: {  	v3 =	vld [tilespmem:$0x5210]  }
0x5b: {  	v4 =	vld [tilespmem:$0x5220]  }
0x5c: {  	v5 =	vld [tilespmem:$0x5230]  }
0x5d: {  	v6 =	vld [tilespmem:$0x5240]  }
0x5e: {  	v2 =	vadd.s32 v0, v2  }
0x5f: {  	[tilespmem:$0x5280] =	vst v2;
	v2 =	vadd.s32 v0, v3  }
0x60: {  	[tilespmem:$0x5290] =	vst v2;
	v2 =	vadd.s32 v0, v4  }
0x61: {  	[tilespmem:$0x52A0] =	vst v2;
	v2 =	vadd.s32 v0, v5  }
0x62: {  	[tilespmem:$0x52B0] =	vst v2;
	v2 =	vadd.s32 v0, v6  }
0x63: {  	[tilespmem:$0x52C0] =	vst v2  }
0x64: {  	[tilespmem:s26], [sflag:$0x4] =	stream.indirect.gather [hbm4b:s4+s20], $0x80, s25, s20, $0xb8;
	[tilespmem:$0x1DC80] =	vst v63  }
0x65: {  	_ = 	snop  }
0x66: {  	[tilespmem:s28], [sflag:$0x5] =	stream.indirect.gather [hbm4b:s4+s20], $0x80, s24, s20, $0xb8;
	[tilespmem:$0x1DC80] =	vst v63  }
0x67: {  	_ =	swait.ge [sflag:s29], $0x2800  }
0x68: {  	[sflag:s29] =	ssyncset.done $0x0  }
0x69: {  	[sflag:s29] =	ssyncadd.s32 $0xFFFFD800  }
0x6a: {  	_ =	swait.ge [sflag:s30], $0x2800  }
0x6b: {  	[sflag:s30] =	ssyncset.done $0x0  }
0x6c: {  	s7 =	simm.s32 $0x0;
	[sflag:s30] =	ssyncadd.s32 $0xFFFFD800  }
0x6d: {  	v8 =	vld [tilespmem:s7+$0x2A00]  }
0x6e: {  	v13 =	vld [tilespmem:s7+$0x2A10]  }
0x6f: {  	v7 =	vld [tilespmem:s7+$0x2A20]  }
0x70: {  	v6 =	vld [tilespmem:s7+$0x2A30]  }
0x71: {  	v5 =	vld [tilespmem:s7+$0x2A40]  }
0x72: {  	v4 =	vld [tilespmem:s7+$0x2A50]  }
0x73: {  	v3 =	vld [tilespmem:s7+$0x2A60]  }
0x74: {  	v2 =	vld [tilespmem:s7+$0x2A70]  }
0x75: {  	v14 =	vld [tilespmem:s7+$0x200]  }
0x76: {  	v15 =	vld [tilespmem:s7+$0x210]  }
0x77: {  	v12 =	vld [tilespmem:s7+$0x220]  }
0x78: {  	v11 =	vld [tilespmem:s7+$0x230]  }
0x79: {  	v10 =	vld [tilespmem:s7+$0x240]  }
0x7a: {  	v9 =	vld [tilespmem:s7+$0x250];
	v14 =	vadd.f32 v8, v14  }
0x7b: {  	s15 =	simm.s32 $0x200;
	v13 =	vadd.f32 v13, v15;
	v8 =	vld [tilespmem:s7+$0x260]  }
.LBB2_7:
0x7c: {  	s13 =	sshra.s32 s15, $0x2;
	p1 =	sne.s32 s15, $0x9E00;
	v14 =	vmax.f32 v14, $0.0e+00;
	v7 =	vadd.f32 v7, v12;
	v12 =	vld [tilespmem:s7+$0x270]  }
0x7d: {  	v15 =	vld [tilespmem:s13+$0x2A00];
	[tilespmem:s7+$0x200] =	vst v14;
	v13 =	vmax.f32 v13, $0.0e+00;
	v6 =	vadd.f32 v6, v11  }
0x7e: {  	v16 =	vld [tilespmem:s13+$0x2A10];
	[tilespmem:s7+$0x210] =	vst v13;
	v11 =	vmax.f32 v7, $0.0e+00;
	v5 =	vadd.f32 v5, v10  }
0x7f: {  	v7 =	vld [tilespmem:s13+$0x2A20];
	[tilespmem:s7+$0x220] =	vst v11;
	v10 =	vmax.f32 v6, $0.0e+00;
	v4 =	vadd.f32 v4, v9  }
0x80: {  	v6 =	vld [tilespmem:s13+$0x2A30];
	[tilespmem:s7+$0x230] =	vst v10;
	v9 =	vmax.f32 v5, $0.0e+00;
	v3 =	vadd.f32 v3, v8  }
0x81: {  	v5 =	vld [tilespmem:s13+$0x2A40];
	[tilespmem:s7+$0x240] =	vst v9;
	v8 =	vmax.f32 v4, $0.0e+00;
	v2 =	vadd.f32 v2, v12  }
0x82: {  	v4 =	vld [tilespmem:s13+$0x2A50];
	[tilespmem:s7+$0x250] =	vst v8;
	v8 =	vmax.f32 v3, $0.0e+00  }
0x83: {  	v3 =	vld [tilespmem:s13+$0x2A60];
	[tilespmem:s7+$0x260] =	vst v8;
	v8 =	vmax.f32 v2, $0.0e+00  }
0x84: {  	v2 =	vld [tilespmem:s13+$0x2A70];
	[tilespmem:s7+$0x270] =	vst v8;
	s7 =	smov.u32 s13  }
0x85: {  	v8 =	vld [tilespmem:s7+$0x200]  }
0x86: {  	v13 =	vld [tilespmem:s7+$0x210]  }
.Ltmp3:
0x87: {  	v12 =	vld [tilespmem:s7+$0x220];
	(pc) =	sbr.rel @p1 .LBB2_7-.Ltmp3, $4  }
0x88: {  	v11 =	vld [tilespmem:s7+$0x230]  }
0x89: {  	v10 =	vld [tilespmem:s7+$0x240]  }
0x8a: {  	v14 =	vadd.f32 v15, v8;
	v9 =	vld [tilespmem:s7+$0x250]  }
0x8b: {  	s15 =	sadd.s32 $0x200, s15;
	v13 =	vadd.f32 v16, v13;
	v8 =	vld [tilespmem:s7+$0x260]  }
0x8c: {  	v14 =	vmax.f32 v14, $0.0e+00;
	v7 =	vadd.f32 v7, v12;
	v12 =	vld [tilespmem:s7+$0x270]  }
0x8d: {  	[tilespmem:s7+$0x200] =	vst v14;
	v13 =	vmax.f32 v13, $0.0e+00;
	v6 =	vadd.f32 v6, v11  }
0x8e: {  	[tilespmem:s7+$0x210] =	vst v13;
	v7 =	vmax.f32 v7, $0.0e+00;
	v5 =	vadd.f32 v5, v10  }
0x8f: {  	[tilespmem:s7+$0x220] =	vst v7;
	v6 =	vmax.f32 v6, $0.0e+00;
	v4 =	vadd.f32 v4, v9  }
0x90: {  	[tilespmem:s7+$0x230] =	vst v6;
	v5 =	vmax.f32 v5, $0.0e+00;
	v3 =	vadd.f32 v3, v8  }
0x91: {  	[tilespmem:s7+$0x240] =	vst v5;
	v4 =	vmax.f32 v4, $0.0e+00;
	v2 =	vadd.f32 v2, v12  }
0x92: {  	[tilespmem:s7+$0x250] =	vst v4;
	v3 =	vmax.f32 v3, $0.0e+00  }
0x93: {  	[tilespmem:s7+$0x260] =	vst v3;
	v2 =	vmax.f32 v2, $0.0e+00  }
0x94: {  	[tilespmem:s7+$0x270] =	vst v2  }
0x95: {  	v2 =	vld [tilespmem:$0x0]  }
0x96: {  	v3 =	vld [tilespmem:$0x10]  }
0x97: {  	v4 =	vld [tilespmem:$0x20]  }
0x98: {  	v5 =	vld [tilespmem:$0x30]  }
0x99: {  	v6 =	vld [tilespmem:$0x40]  }
0x9a: {  	[tilespmem:$0x180] =	vst v2  }
0x9b: {  	[tilespmem:$0x190] =	vst v3  }
0x9c: {  	[tilespmem:$0x1A0] =	vst v4  }
0x9d: {  	[tilespmem:$0x1B0] =	vst v5  }
0x9e: {  	[tilespmem:$0x1C0] =	vst v6  }
0x9f: {  	[spmem:s1] =	stream.indirect.scatter.add.f32 [tilespmem:s17], [sflag:$0x3], $0x80, s31, s20, $0xb8;
	[tilespmem:$0x1DC80] =	vst v63  }
0xa0: {  	_ =	swait.ge [sflag:s0], $0x2800  }
0xa1: {  	[sflag:s0] =	ssyncset.done $0x0  }
0xa2: {  	[sflag:s0] =	ssyncadd.s32 $0xFFFFD800  }
0xa3: {  	_ =	swait.ge [sflag:s3], $0x2800  }
0xa4: {  	[sflag:s3] =	ssyncset.done $0x0  }
0xa5: {  	s7 =	simm.s32 $0x0;
	[sflag:s3] =	ssyncadd.s32 $0xFFFFD800  }
0xa6: {  	v8 =	vld [tilespmem:s7+$0x7C00]  }
0xa7: {  	v13 =	vld [tilespmem:s7+$0x7C10]  }
0xa8: {  	v7 =	vld [tilespmem:s7+$0x7C20]  }
0xa9: {  	v6 =	vld [tilespmem:s7+$0x7C30]  }
0xaa: {  	v5 =	vld [tilespmem:s7+$0x7C40]  }
0xab: {  	v4 =	vld [tilespmem:s7+$0x7C50]  }
0xac: {  	v3 =	vld [tilespmem:s7+$0x7C60]  }
0xad: {  	v2 =	vld [tilespmem:s7+$0x7C70]  }
0xae: {  	v14 =	vld [tilespmem:s7+$0x5400]  }
0xaf: {  	v15 =	vld [tilespmem:s7+$0x5410]  }
0xb0: {  	v12 =	vld [tilespmem:s7+$0x5420]  }
0xb1: {  	v11 =	vld [tilespmem:s7+$0x5430]  }
0xb2: {  	v10 =	vld [tilespmem:s7+$0x5440]  }
0xb3: {  	v9 =	vld [tilespmem:s7+$0x5450];
	v14 =	vadd.f32 v8, v14  }
0xb4: {  	s15 =	simm.s32 $0x200;
	v13 =	vadd.f32 v13, v15;
	v8 =	vld [tilespmem:s7+$0x5460]  }
.LBB2_9:
0xb5: {  	s13 =	sshra.s32 s15, $0x2;
	p1 =	sne.s32 s15, $0x9E00;
	v14 =	vmax.f32 v14, $0.0e+00;
	v7 =	vadd.f32 v7, v12;
	v12 =	vld [tilespmem:s7+$0x5470]  }
0xb6: {  	v15 =	vld [tilespmem:s13+$0x7C00];
	[tilespmem:s7+$0x5400] =	vst v14;
	v13 =	vmax.f32 v13, $0.0e+00;
	v6 =	vadd.f32 v6, v11  }
0xb7: {  	v16 =	vld [tilespmem:s13+$0x7C10];
	[tilespmem:s7+$0x5410] =	vst v13;
	v11 =	vmax.f32 v7, $0.0e+00;
	v5 =	vadd.f32 v5, v10  }
0xb8: {  	v7 =	vld [tilespmem:s13+$0x7C20];
	[tilespmem:s7+$0x5420] =	vst v11;
	v10 =	vmax.f32 v6, $0.0e+00;
	v4 =	vadd.f32 v4, v9  }
0xb9: {  	v6 =	vld [tilespmem:s13+$0x7C30];
	[tilespmem:s7+$0x5430] =	vst v10;
	v9 =	vmax.f32 v5, $0.0e+00;
	v3 =	vadd.f32 v3, v8  }
0xba: {  	v5 =	vld [tilespmem:s13+$0x7C40];
	[tilespmem:s7+$0x5440] =	vst v9;
	v8 =	vmax.f32 v4, $0.0e+00;
	v2 =	vadd.f32 v2, v12  }
0xbb: {  	v4 =	vld [tilespmem:s13+$0x7C50];
	[tilespmem:s7+$0x5450] =	vst v8;
	v8 =	vmax.f32 v3, $0.0e+00  }
0xbc: {  	v3 =	vld [tilespmem:s13+$0x7C60];
	[tilespmem:s7+$0x5460] =	vst v8;
	v8 =	vmax.f32 v2, $0.0e+00  }
0xbd: {  	v2 =	vld [tilespmem:s13+$0x7C70];
	[tilespmem:s7+$0x5470] =	vst v8;
	s7 =	smov.u32 s13  }
0xbe: {  	v8 =	vld [tilespmem:s7+$0x5400]  }
0xbf: {  	v13 =	vld [tilespmem:s7+$0x5410]  }
.Ltmp4:
0xc0: {  	v12 =	vld [tilespmem:s7+$0x5420];
	(pc) =	sbr.rel @p1 .LBB2_9-.Ltmp4, $4  }
0xc1: {  	v11 =	vld [tilespmem:s7+$0x5430]  }
0xc2: {  	v10 =	vld [tilespmem:s7+$0x5440]  }
0xc3: {  	v14 =	vadd.f32 v15, v8;
	v9 =	vld [tilespmem:s7+$0x5450]  }
0xc4: {  	s15 =	sadd.s32 $0x200, s15;
	v13 =	vadd.f32 v16, v13;
	v8 =	vld [tilespmem:s7+$0x5460]  }
0xc5: {  	v14 =	vmax.f32 v14, $0.0e+00;
	v7 =	vadd.f32 v7, v12;
	v63 =	vld [tilespmem:s7+$0x5470]  }
0xc6: {  	[tilespmem:s7+$0x5400] =	vst v14;
	v13 =	vmax.f32 v13, $0.0e+00;
	v6 =	vadd.f32 v6, v11  }
0xc7: {  	[tilespmem:s7+$0x5410] =	vst v13;
	v7 =	vmax.f32 v7, $0.0e+00;
	v5 =	vadd.f32 v5, v10  }
0xc8: {  	[tilespmem:s7+$0x5420] =	vst v7;
	v6 =	vmax.f32 v6, $0.0e+00;
	v4 =	vadd.f32 v4, v9  }
0xc9: {  	[tilespmem:s7+$0x5430] =	vst v6;
	v5 =	vmax.f32 v5, $0.0e+00;
	v3 =	vadd.f32 v3, v8  }
0xca: {  	[tilespmem:s7+$0x5440] =	vst v5;
	v4 =	vmax.f32 v4, $0.0e+00;
	v2 =	vadd.f32 v2, v63  }
0xcb: {  	[tilespmem:s7+$0x5450] =	vst v4;
	v3 =	vmax.f32 v3, $0.0e+00  }
0xcc: {  	[tilespmem:s7+$0x5460] =	vst v3;
	v2 =	vmax.f32 v2, $0.0e+00  }
0xcd: {  	[tilespmem:s7+$0x5470] =	vst v2  }
0xce: {  	v2 =	vld [tilespmem:$0x5200]  }
0xcf: {  	v3 =	vld [tilespmem:$0x5210]  }
0xd0: {  	v4 =	vld [tilespmem:$0x5220]  }
0xd1: {  	v5 =	vld [tilespmem:$0x5230]  }
0xd2: {  	v6 =	vld [tilespmem:$0x5240]  }
0xd3: {  	[tilespmem:$0x5380] =	vst v2  }
0xd4: {  	[tilespmem:$0x5390] =	vst v3  }
0xd5: {  	[tilespmem:$0x53A0] =	vst v4  }
0xd6: {  	p1 =	seq.s32 s12, $0x3D;
	[tilespmem:$0x53B0] =	vst v5  }
.Ltmp5:
0xd7: {  	[tilespmem:$0x53C0] =	vst v6;
	(pc) =	sbr.rel @p1 .LBB2_12-.Ltmp5, $4  }
0xd8: {  	[spmem:s1] =	stream.indirect.scatter.add.f32 [tilespmem:s26], [sflag:$0x6], $0x80, s8, s20, $0xb8;
	[tilespmem:$0x1DC80] =	vst v63  }
0xd9: {  	_ =	swait.ge [sflag:s9], $0x2800  }
0xda: {  	[sflag:s9] =	ssyncset.done $0x0  }
0xdb: {  	[sflag:s9] =	ssyncadd.s32 $0xFFFFD800  }
0xdc: {  	s7 =	sadd.s32 s16, s11  }
0xdd: {  	s13 =	sshrl.u32 s7, $0x3  }
0xde: {  	s13 =	sadd.s32 s5, s13  }
0xdf: {  	[tilespmem:s2], [sflag:$0x7] =	stream.linear.gather [hbm4b:s13+s2], $0x50, $0x38;
	[tilespmem:$0x1DC80] =	vst v63  }
0xe0: {  	s7 =	sadd.s32 s6, s7;
	_ =	swait.ge [sflag:s18], $0x50  }
0xe1: {  	s7 =	sshrl.u32 s7, $0x3;
	[sflag:s18] =	ssyncset.done $0x0  }
0xe2: {  	s7 =	sadd.s32 s5, s7;
	[sflag:s18] =	ssyncadd.s32 $0xFFFFFFB0  }
0xe3: {  	[tilespmem:s19], [sflag:$0x7] =	stream.linear.gather [hbm4b:s7+s2], $0x50, $0x38;
	[tilespmem:$0x1DC80] =	vst v63  }
0xe4: {  	_ =	swait.ge [sflag:s18], $0x50  }
0xe5: {  	[sflag:s18] =	ssyncset.done $0x0  }
0xe6: {  	[sflag:s18] =	ssyncadd.s32 $0xFFFFFFB0  }
0xe7: {  	v2 =	vld [tilespmem:$0x0]  }
0xe8: {  	v3 =	vld [tilespmem:$0x10]  }
0xe9: {  	v4 =	vld [tilespmem:$0x20]  }
0xea: {  	v5 =	vld [tilespmem:$0x30]  }
0xeb: {  	v6 =	vld [tilespmem:$0x40]  }
0xec: {  	v2 =	vadd.s32 v0, v2  }
0xed: {  	[tilespmem:$0x80] =	vst v2;
	v2 =	vadd.s32 v0, v3  }
0xee: {  	[tilespmem:$0x90] =	vst v2;
	v2 =	vadd.s32 v0, v4  }
0xef: {  	[tilespmem:$0xA0] =	vst v2;
	v2 =	vadd.s32 v0, v5  }
.Ltmp6:
0xf0: {  	[tilespmem:$0xB0] =	vst v2;
	v2 =	vadd.s32 v0, v6;
	(pc) =	sbr.rel .LBB2_6-.Ltmp6, $4  }
0xf1: {  	[tilespmem:$0xC0] =	vst v2  }
0xf2: {  	[tilespmem:s17], [sflag:$0x1] =	stream.indirect.gather [hbm4b:s4+s20], $0x80, s21, s20, $0xb8;
	[tilespmem:$0x1DC80] =	vst v63  }
0xf3: {  	s12 =	sadd.s32 $0x1, s12  }
0xf4: {  	[tilespmem:s22], [sflag:$0x2] =	stream.indirect.gather [hbm4b:s4+s20], $0x80, s19, s20, $0xb8;
	[tilespmem:$0x1DC80] =	vst v63  }
.LBB2_12:
0xf5: {  	s7 =	simm.s32 $0x6  }
0xf6: {  	_ =	swait.ge [sflag:s7], $0x2800  }
0xf7: {  	[sflag:s7] =	ssyncset.done $0x0  }
0xf8: {  	s15 =	simm.s32 $0x0;
	s12 =	rddreg [dreg:$0x6];
	[sflag:s7] =	ssyncadd.s32 $0xFFFFD800  }
0xf9: {  	[tilespmem:s15], [sflag:$0x7] =	stream.linear.gather [hbm4b:s12+s15], $0x50, $0x38;
	[tilespmem:$0x1DC80] =	vst v63  }
0xfa: {  	_ =	swait.ge [sflag:s18], $0x50  }
0xfb: {  	[sflag:s18] =	ssyncset.done $0x0  }
0xfc: {  	s16 =	rddreg [dreg:$0x7];
	[sflag:s18] =	ssyncadd.s32 $0xFFFFFFB0  }
0xfd: {  	[tilespmem:s19], [sflag:$0x7] =	stream.linear.gather [hbm4b:s16+s15], $0x50, $0x38;
	[tilespmem:$0x1DC80] =	vst v63  }
0xfe: {  	_ =	swait.ge [sflag:s18], $0x50  }
0xff: {  	[sflag:s18] =	ssyncset.done $0x0  }
0x100: {  	[sflag:s18] =	ssyncadd.s32 $0xFFFFFFB0  }
0x101: {  	v2 =	vld [tilespmem:$0x0]  }
0x102: {  	v3 =	vld [tilespmem:$0x10]  }
0x103: {  	v4 =	vld [tilespmem:$0x20]  }
0x104: {  	v5 =	vld [tilespmem:$0x30]  }
0x105: {  	v6 =	vld [tilespmem:$0x40]  }
0x106: {  	v2 =	vadd.s32 v0, v2  }
0x107: {  	[tilespmem:$0x80] =	vst v2;
	v2 =	vadd.s32 v0, v3  }
0x108: {  	[tilespmem:$0x90] =	vst v2;
	v2 =	vadd.s32 v0, v4  }
0x109: {  	[tilespmem:$0xA0] =	vst v2;
	v2 =	vadd.s32 v0, v5  }
0x10a: {  	[tilespmem:$0xB0] =	vst v2;
	v2 =	vadd.s32 v0, v6  }
0x10b: {  	[tilespmem:$0xC0] =	vst v2  }
0x10c: {  	[tilespmem:s17], [sflag:$0x1] =	stream.indirect.gather [hbm4b:s4+s20], $0x80, s21, s20, $0xb8;
	[tilespmem:$0x1DC80] =	vst v63  }
0x10d: {  	_ = 	snop  }
0x10e: {  	[tilespmem:s22], [sflag:$0x2] =	stream.indirect.gather [hbm4b:s4+s20], $0x80, s19, s20, $0xb8;
	[tilespmem:$0x1DC80] =	vst v63  }
0x10f: {  	_ =	swait.ge [sflag:s29], $0x2800  }
0x110: {  	[sflag:s29] =	ssyncset.done $0x0  }
0x111: {  	[sflag:s29] =	ssyncadd.s32 $0xFFFFD800  }
0x112: {  	_ =	swait.ge [sflag:s30], $0x2800  }
0x113: {  	[sflag:s30] =	ssyncset.done $0x0  }
0x114: {  	s7 =	simm.s32 $0x0;
	[sflag:s30] =	ssyncadd.s32 $0xFFFFD800  }
0x115: {  	v8 =	vld [tilespmem:s7+$0x2A00]  }
0x116: {  	v13 =	vld [tilespmem:s7+$0x2A10]  }
0x117: {  	v7 =	vld [tilespmem:s7+$0x2A20]  }
0x118: {  	v6 =	vld [tilespmem:s7+$0x2A30]  }
0x119: {  	v5 =	vld [tilespmem:s7+$0x2A40]  }
0x11a: {  	v4 =	vld [tilespmem:s7+$0x2A50]  }
0x11b: {  	v3 =	vld [tilespmem:s7+$0x2A60]  }
0x11c: {  	v2 =	vld [tilespmem:s7+$0x2A70]  }
0x11d: {  	v14 =	vld [tilespmem:s7+$0x200]  }
0x11e: {  	v15 =	vld [tilespmem:s7+$0x210]  }
0x11f: {  	v12 =	vld [tilespmem:s7+$0x220]  }
0x120: {  	v11 =	vld [tilespmem:s7+$0x230]  }
0x121: {  	v10 =	vld [tilespmem:s7+$0x240]  }
0x122: {  	v9 =	vld [tilespmem:s7+$0x250];
	v14 =	vadd.f32 v8, v14  }
0x123: {  	s12 =	simm.s32 $0x200;
	v13 =	vadd.f32 v13, v15;
	v8 =	vld [tilespmem:s7+$0x260]  }
.LBB2_13:
0x124: {  	s13 =	sshra.s32 s12, $0x2;
	p1 =	sne.s32 s12, $0x9E00;
	v14 =	vmax.f32 v14, $0.0e+00;
	v7 =	vadd.f32 v7, v12;
	v12 =	vld [tilespmem:s7+$0x270]  }
0x125: {  	v15 =	vld [tilespmem:s13+$0x2A00];
	[tilespmem:s7+$0x200] =	vst v14;
	v13 =	vmax.f32 v13, $0.0e+00;
	v6 =	vadd.f32 v6, v11  }
0x126: {  	v16 =	vld [tilespmem:s13+$0x2A10];
	[tilespmem:s7+$0x210] =	vst v13;
	v11 =	vmax.f32 v7, $0.0e+00;
	v5 =	vadd.f32 v5, v10  }
0x127: {  	v7 =	vld [tilespmem:s13+$0x2A20];
	[tilespmem:s7+$0x220] =	vst v11;
	v10 =	vmax.f32 v6, $0.0e+00;
	v4 =	vadd.f32 v4, v9  }
0x128: {  	v6 =	vld [tilespmem:s13+$0x2A30];
	[tilespmem:s7+$0x230] =	vst v10;
	v9 =	vmax.f32 v5, $0.0e+00;
	v3 =	vadd.f32 v3, v8  }
0x129: {  	v5 =	vld [tilespmem:s13+$0x2A40];
	[tilespmem:s7+$0x240] =	vst v9;
	v8 =	vmax.f32 v4, $0.0e+00;
	v2 =	vadd.f32 v2, v12  }
0x12a: {  	v4 =	vld [tilespmem:s13+$0x2A50];
	[tilespmem:s7+$0x250] =	vst v8;
	v8 =	vmax.f32 v3, $0.0e+00  }
0x12b: {  	v3 =	vld [tilespmem:s13+$0x2A60];
	[tilespmem:s7+$0x260] =	vst v8;
	v8 =	vmax.f32 v2, $0.0e+00  }
0x12c: {  	v2 =	vld [tilespmem:s13+$0x2A70];
	[tilespmem:s7+$0x270] =	vst v8;
	s7 =	smov.u32 s13  }
0x12d: {  	v8 =	vld [tilespmem:s7+$0x200]  }
0x12e: {  	v13 =	vld [tilespmem:s7+$0x210]  }
.Ltmp7:
0x12f: {  	v12 =	vld [tilespmem:s7+$0x220];
	(pc) =	sbr.rel @p1 .LBB2_13-.Ltmp7, $4  }
0x130: {  	v11 =	vld [tilespmem:s7+$0x230]  }
0x131: {  	v10 =	vld [tilespmem:s7+$0x240]  }
0x132: {  	v14 =	vadd.f32 v15, v8;
	v9 =	vld [tilespmem:s7+$0x250]  }
0x133: {  	s12 =	sadd.s32 $0x200, s12;
	v13 =	vadd.f32 v16, v13;
	v8 =	vld [tilespmem:s7+$0x260]  }
0x134: {  	v14 =	vmax.f32 v14, $0.0e+00;
	v7 =	vadd.f32 v7, v12;
	v63 =	vld [tilespmem:s7+$0x270]  }
0x135: {  	[tilespmem:s7+$0x200] =	vst v14;
	v13 =	vmax.f32 v13, $0.0e+00;
	v6 =	vadd.f32 v6, v11  }
0x136: {  	[tilespmem:s7+$0x210] =	vst v13;
	v7 =	vmax.f32 v7, $0.0e+00;
	v5 =	vadd.f32 v5, v10  }
0x137: {  	[tilespmem:s7+$0x220] =	vst v7;
	v6 =	vmax.f32 v6, $0.0e+00;
	v4 =	vadd.f32 v4, v9  }
0x138: {  	[tilespmem:s7+$0x230] =	vst v6;
	v5 =	vmax.f32 v5, $0.0e+00;
	v3 =	vadd.f32 v3, v8  }
0x139: {  	[tilespmem:s7+$0x240] =	vst v5;
	v4 =	vmax.f32 v4, $0.0e+00;
	v2 =	vadd.f32 v2, v63  }
0x13a: {  	[tilespmem:s7+$0x250] =	vst v4;
	v3 =	vmax.f32 v3, $0.0e+00  }
0x13b: {  	[tilespmem:s7+$0x260] =	vst v3;
	v2 =	vmax.f32 v2, $0.0e+00  }
0x13c: {  	[tilespmem:s7+$0x270] =	vst v2  }
0x13d: {  	[spmem:s1] =	stream.indirect.scatter.add.f32 [tilespmem:s17], [sflag:$0x7], $0x80, s2, s20, $0xb8;
	[tilespmem:$0x1DC80] =	vst v63  }
0x13e: {  	_ =	swait.ge [sflag:s18], $0x2800  }
0x13f: {  	[sflag:s18] =	ssyncset.done $0x0  }
0x140: {  	[sflag:s18] =	ssyncadd.s32 $0xFFFFD800  }
0x141: {  	[bflag:$0x0] =	sbarrier.arrive $0xFFFF  }
0x142: {  	s16 =	rddreg [dreg:$0x9]  }
0x143: {  	[tilespmem:s17], [sflag:$0x7] =	stream.linear.gather [spmem:s16], $0x2800, $0x38;
	[tilespmem:$0x1DC80] =	vst v63  }
0x144: {  	_ =	swait.ge [sflag:s18], $0x2800  }
0x145: {  	[sflag:s18] =	ssyncset.done $0x0  }
.Ltmp8:
0x146: {  	s12 =	rddreg [dreg:$0xa];
	[sflag:s18] =	ssyncadd.s32 $0xFFFFD800;
	(pc) =	sbr.rel @!p0 .LBB2_16-.Ltmp8, $4  }
0x147: {  	[hbm4b:s12+s2] =	stream.linear.scatter [tilespmem:s17], [sflag:$0x7], $0x2800, $0x38;
	[tilespmem:$0x1DC80] =	vst v63  }
0x148: {  	_ =	swait.ge [sflag:s18], $0x2800  }
0x149: {  	s15 =	rddreg [dreg:$0x3]  }
0x14a: {  	s14 =	smov.u32 s16;
	[sflag:s18] =	ssyncset.done $0x0;
	s7 =	sadd.s32 $0xFFFFFFFF, s15  }
.LBB2_15:
0x14b: {  	[sflag:s18] =	ssyncadd.s32 $0xFFFFD800;
	s12 =	sadd.s32 $0x5000, s12;
	s14 =	sadd.s32 $0x28000, s14  }
0x14c: {  	[tilespmem:s17], [sflag:$0x7] =	stream.linear.gather [spmem:s14], $0x2800, $0x38;
	[tilespmem:$0x1DC80] =	vst v63  }
0x14d: {  	p0 =	sne.s32 s7, $0x1;
	s7 =	sadd.s32 $0xFFFFFFFF, s7;
	_ =	swait.ge [sflag:s18], $0x2800  }
.Ltmp9:
0x14e: {  	[sflag:s18] =	ssyncset.done $0x0;
	(pc) =	sbr.rel @p0 .LBB2_15-.Ltmp9, $4  }
0x14f: {  	[sflag:s18] =	ssyncadd.s32 $0xFFFFD800  }
0x150: {  	[hbm4b:s12+s2] =	stream.linear.scatter [tilespmem:s17], [sflag:$0x7], $0x2800, $0x38;
	[tilespmem:$0x1DC80] =	vst v63  }
0x151: {  	_ =	swait.ge [sflag:s18], $0x2800  }
0x152: {  	[sflag:s18] =	ssyncset.done $0x0  }
.LBB2_16:
0x153: {  	s12 =	rddreg [dreg:$0xb]  }
0x154: {  	s7 =	rddreg [dreg:$0x8];
	s12 =	sadd.s32 $0x1, s12  }
0x155: {  	p0 =	sne.s32 s12, s7  }
.Ltmp10:
0x156: {  	_ = 	snop;
	(pc) =	sbr.rel @p0 .LBB2_1-.Ltmp10, $2  }
0x157: {  	_ =	sdelay $0x2  }
0x158: {  	[sflag:s18] =	ssyncadd.s32 $0xFFFFD800  }
0x159: {  	_ =	sfence.sel $0x180000  }
0x15a: {  	[bflag:$0x0] =	sbarrier.arrive $0xFFFF  }
0x15b: {  	_ =	strace $0x9000004D  }
0x15c: {  	s0 =	stileid.u32;
	[bflag:$0x2] =	sbarrier.arrive $0xFFFF  }
0x15d: {  	p0 =	sne.s32 s0, $0x0;
	s0 =	rddreg [dreg:$0x2]  }
0x15e: {  	s0 =	sadd.s32 @!p0 $0x100000, s0  }
0x15f: {  	[sflag:s0] =	ssyncadd.tile.s32 @!p0 $0x1;
	_ =	shalt  }
.Lfunc_end2:
_tile_overlayer_lowered:
.L_overlay_start_2:
0x160: {  	(tag) =	ssettag $0x2  }
0x161: {  	s0 =	rddreg [dreg:$0x0];
	s2 =	stileid.u32  }
0x162: {  	s1 =	rddreg [dreg:$0x1];
	p0 =	sne.s32 s2, $0x0  }
0x163: {  	s3 =	rddreg [dreg:$0x2];
	[bflag:$0x3] =	sbarrier.arrive $0xFFFF;
	s2 =	simm.s32 @!p0 $0x1C07  }
0x164: {  	[timem:s3], [sflag:s2] =	dma.local @!p0 [hbm:s0], s1  }
0x165: {  	s0 =	simm.s32 @!p0 $0x7  }
0x166: {  	_ =	swait.ge @!p0 [sflag:s0], s1  }
0x167: {  	s1 =	ssub.s32 @!p0 $0x0, s1;
	[sflag:s0] =	ssyncset.done @!p0 $0x0  }
0x168: {  	[sflag:s0] =	ssyncadd.s32 @!p0 s1  }
0x169: {  	[bflag:$0x3] =	sbarrier.arrive $0xFFFF  }
0x16a: {  	_ =	shalt  }

</sc_bundles>
